<compile_context>
chip_gen: v7x
topology: tpu7x:2x2x1
jax: 0.10.2.dev20260603
libtpu: 0.0.44.dev20260713+nightly
codegen_flags: <defaults>
</compile_context>

<pallas_src>
import numpy as np

import jax
import jax.numpy as jnp
from jax import lax
from jax.experimental import pallas as pl
from jax.experimental.pallas import tpu as pltpu
from jax.experimental.pallas import tpu_sc as plsc

H = 512
W = 512
B = 4
NF = 100000
NTAB = B * NF
HWPIX = H * W
NP = B * HWPIX

NC, NS, L = 2, 16, 16
NW = NC * NS
PIX_PER_W = NP // NW
C = 512
NG = C // L
IDXB = 128
NIDX = C // IDXB
NCHUNK = PIX_PER_W // C

_MUL = np.uint32(2654435761)


def _hash_pix(pvec_u32):
    hsh = pvec_u32 * _MUL
    tri = (hsh % np.uint32(NTAB)).astype(jnp.int32)
    valid = (hsh % np.uint32(7)) != np.uint32(0)
    validf = jnp.where(valid, np.float32(1.0), np.float32(0.0))
    b0 = ((hsh >> 3) % np.uint32(1024)).astype(jnp.float32) + 1.0
    b1 = ((hsh >> 13) % np.uint32(1024)).astype(jnp.float32) + 1.0
    b2 = ((hsh >> 23) % np.uint32(512)).astype(jnp.float32) + 1.0
    scale = validf / (b0 + b1 + b2)
    return tri, b0 * scale, b1 * scale, b2 * scale


def _body(table, out, idxA, idxB_, wA, wB, gA, gB, tA, tB, gsA, gsB, osA, osB):
    wid = lax.axis_index("s") * NC + lax.axis_index("c")
    pix0 = wid * PIX_PER_W
    b = pix0 // HWPIX
    y0 = (pix0 % HWPIX) // W
    lane = lax.broadcasted_iota(jnp.int32, (16,), 0)
    lane_u = lane.astype(jnp.uint32)

    def gen(c, idxbuf, wbuf):
        pbase = pix0 + c * C

        def one(g, _):
            pvec = (pbase + g * L).astype(jnp.uint32) + lane_u
            tri, w0, w1, w2 = _hash_pix(pvec)
            idxbuf[g // (IDXB // L), pl.ds((g % (IDXB // L)) * L, L)] = tri
            wbuf[0, pl.ds(g * L, L)] = w0
            wbuf[1, pl.ds(g * L, L)] = w1
            wbuf[2, pl.ds(g * L, L)] = w2
            return 0

        lax.fori_loop(0, NG, one, 0, unroll=4)

    def fire_gather(idxbuf, gbuf, gsem):
        for j in range(NIDX):
            pltpu.async_copy(
                table.at[idxbuf.at[j]], gbuf.at[pl.ds(j * IDXB, IDXB)], gsem
            )

    def wsum(idxbuf, gbuf, gsem, wbuf, tbuf):
        def one(g, _):
            rowv = g * L + lane
            w0 = wbuf[0, pl.ds(g * L, L)]
            w1 = wbuf[1, pl.ds(g * L, L)]
            w2 = wbuf[2, pl.ds(g * L, L)]
            accs = []
            for d in range(16):
                r0 = plsc.load_gather(gbuf, [rowv, lane * 0 + d])
                r1 = plsc.load_gather(gbuf, [rowv, lane * 0 + (16 + d)])
                r2 = plsc.load_gather(gbuf, [rowv, lane * 0 + (32 + d)])
                accs.append(w0 * r0 + w1 * r1 + w2 * r2)
            for d in range(16):
                tbuf[d, g // 8, pl.ds((g % 8) * L, L)] = accs[d]
            tbuf[16, g // 8, pl.ds((g % 8) * L, L)] = (w0 + w1) + w2
            return 0

        for j in range(NIDX):
            pltpu.make_async_copy(
                table.at[idxbuf.at[j]], gbuf.at[pl.ds(j * IDXB, IDXB)], gsem
            ).wait()
        lax.fori_loop(0, NG, one, 0)

    def out_slice(c):
        y = y0 + c
        return out.at[b, :, y // 8, :, y % 8, :]

    def fire_out(c, tbuf, osem):
        pltpu.async_copy(tbuf, out_slice(c), osem)

    def drain_out(tbuf, osem):
        pltpu.make_async_copy(tbuf, out_slice(0), osem).wait()

    gen(0, idxA, wA)
    fire_gather(idxA, gA, gsA)

    def step(t, _):
        c0 = 2 * t
        c1 = c0 + 1
        gen(c1, idxB_, wB)
        fire_gather(idxB_, gB, gsB)

        @pl.when(t > 0)
        def _():
            drain_out(tA, osA)

        wsum(idxA, gA, gsA, wA, tA)
        fire_out(c0, tA, osA)

        @pl.when(c0 + 2 < NCHUNK)
        def _():
            gen(c0 + 2, idxA, wA)
            fire_gather(idxA, gA, gsA)

        @pl.when(t > 0)
        def _():
            drain_out(tB, osB)

        wsum(idxB_, gB, gsB, wB, tB)
        fire_out(c1, tB, osB)
        return 0

    lax.fori_loop(0, NCHUNK // 2, step, 0)
    drain_out(tA, osA)
    drain_out(tB, osB)


@jax.jit
def _sc_render(table):
    mesh = plsc.VectorSubcoreMesh(core_axis_name="c", subcore_axis_name="s")
    return pl.kernel(
        _body,
        out_type=jax.ShapeDtypeStruct(
            (B, 17, H // 8, W // 128, 8, 128), jnp.float32
        ),
        mesh=mesh,
        scratch_types=(
            [pltpu.VMEM((NIDX, IDXB), jnp.int32)] * 2
            + [pltpu.VMEM((3, C), jnp.float32)] * 2
            + [pltpu.VMEM((C, 48), jnp.float32)] * 2
            + [pltpu.VMEM((17, W // 128, 128), jnp.float32)] * 2
            + [pltpu.SemaphoreType.DMA] * 4
        ),
        compiler_params=pltpu.CompilerParams(
            use_tc_tiling_on_sc=False, needs_layout_passes=False
        ),
    )(table)


def kernel(v, f, attrs):
    del v, f
    table = attrs.reshape(NTAB, 48)
    o6 = _sc_render(table)
    return o6.transpose(0, 1, 2, 4, 3, 5).reshape(B, 17, H, W)

# --- scband reference (transcript-rebuilt; emitter-appended) ---
"""Pipeline reference for scband-cuda-renderer-18519898980597 (READ-ONLY COPY).

The authoritative reference and input builder live on the scoring server;
editing this copy changes nothing except your own understanding.
"""

import jax, jax.numpy as jnp
import numpy as np

H, W = 512, 512

def _rasterize_surrogate(B, Nf, h, w):
    # Deterministic stand-in for the rasterize_cuda kernel (unavailable outside CUDA).
    # Produces a triangle index buffer in [-1, B*Nf) and normalized barycentric weights,
    # matching the buffer shapes/dtypes/semantics the CUDA kernel writes.
    pidx = jnp.arange(B * h * w, dtype=jnp.uint32).reshape(B, h, w)
    hsh = pidx * jnp.uint32(2654435761)
    tri = (hsh % jnp.uint32(B * Nf)).astype(jnp.int32)
    valid = (hsh % jnp.uint32(7)) != jnp.uint32(0)
    triangle_buffer = jnp.where(valid, tri, jnp.int32(-1))
    b0 = ((hsh >> 3) % jnp.uint32(1024)).astype(jnp.float32) + 1.0
    b1 = ((hsh >> 13) % jnp.uint32(1024)).astype(jnp.float32) + 1.0
    b2 = ((hsh >> 23) % jnp.uint32(512)).astype(jnp.float32) + 1.0
    bary = jnp.stack([b0, b1, b2], axis=-1)
    bary = bary / bary.sum(axis=-1, keepdims=True)
    baryw_buffer = bary * valid[..., None].astype(jnp.float32)
    return triangle_buffer, baryw_buffer

def face_vertices(vertices, faces):
    # vertices: [B, Nv, 3], faces: [Nf, 3] -> [B, Nf, 3, 3]
    return vertices[:, faces]

def setup_inputs(seed: int = 0):
    key = jax.random.key(seed)
    k1, k2, k3 = jax.random.split(key, 3)
    v = jax.random.normal(k1, (4, 50000, 3), dtype=jnp.float32)
    f = jax.random.randint(k2, (100000, 3), 0, 50000, dtype=jnp.int32)
    attrs = jax.random.normal(k3, (4, 100000, 3, 16), dtype=jnp.float32)
    return {"v": v, "f": f, "attrs": attrs}

def reference(v, f, attrs):
    h, w = H, W
    B = v.shape[0]
    v = v.astype(jnp.float32)
    x, y, z = v[..., 0], v[..., 1], v[..., 2]
    x = -x
    y = -y
    x = x * w / 2 + w / 2
    y = y * h / 2 + h / 2
    x = w - 1 - x
    y = h - 1 - y
    x = -1 + (2 * x + 1) / w
    y = -1 + (2 * y + 1) / h
    x = x * w / 2 + w / 2
    y = y * h / 2 + h / 2
    z = z * w / 2
    v2 = jnp.stack([x, y, z], axis=-1)
    f_vs = face_vertices(v2, f)  # gather consumed by rasterizer (surrogate ignores values)
    Nf = f.shape[0]
    triangle_buffer, baryw_buffer = _rasterize_surrogate(B, Nf, h, w)
    pix_to_face = triangle_buffer[:, :, :, None].astype(jnp.int32)
    bary_coords = baryw_buffer[:, :, :, None, :]
    vismask = (pix_to_face > -1).astype(jnp.float32)
    D = attrs.shape[-1]
    attrs2 = attrs.reshape(attrs.shape[0] * attrs.shape[1], 3, D)
    N, Hh, Ww, K, _ = bary_coords.shape
    mask = pix_to_face == -1
    p2f = jnp.where(mask, 0, pix_to_face)
    idx = p2f.reshape(N * Hh * Ww * K)
    pixel_face_vals = jnp.take(attrs2, idx, axis=0).reshape(N, Hh, Ww, K, 3, D)
    pixel_vals = (bary_coords[..., None] * pixel_face_vals).sum(axis=-2)
    pixel_vals = jnp.where(mask[..., None], 0.0, pixel_vals)
    pixel_vals = pixel_vals[:, :, :, 0].transpose(0, 3, 1, 2)
    out = jnp.concatenate([pixel_vals, vismask[:, :, :, 0][:, None, :, :]], axis=1)
    return out

if __name__ == "__main__":
    import jax
    _d = setup_inputs()
    print(jax.jit(kernel)(*tuple(_d.values())))

</pallas_src>

<mosaic_0001>
#map = affine_map<(d0, d1) -> (0, 0)>
#map1 = affine_map<(d0, d1) -> (0, 0, 0, 0, 0, 0)>
module attributes {stable_mosaic.version = 14 : i64} {
  func.func @_body(%arg0: i32, %arg1: i32, %arg2: memref<400000x48xf32, #tpu.memory_space<hbm>>, %arg3: memref<4x17x64x4x8x128xf32, #tpu.memory_space<hbm>>, %arg4: memref<4x128xi32, #tpu.memory_space<vmem>>, %arg5: memref<4x128xi32, #tpu.memory_space<vmem>>, %arg6: memref<3x512xf32, #tpu.memory_space<vmem>>, %arg7: memref<3x512xf32, #tpu.memory_space<vmem>>, %arg8: memref<512x48xf32, #tpu.memory_space<vmem>>, %arg9: memref<512x48xf32, #tpu.memory_space<vmem>>, %arg10: memref<17x4x128xf32, #tpu.memory_space<vmem>>, %arg11: memref<17x4x128xf32, #tpu.memory_space<vmem>>, %arg12: memref<!tpu.dma_semaphore, #tpu.memory_space<semaphore_mem>>, %arg13: memref<!tpu.dma_semaphore, #tpu.memory_space<semaphore_mem>>, %arg14: memref<!tpu.dma_semaphore, #tpu.memory_space<semaphore_mem>>, %arg15: memref<!tpu.dma_semaphore, #tpu.memory_space<semaphore_mem>>) attributes {dimension_semantics = [#tpu.dimension_semantics<core_parallel>, #tpu.dimension_semantics<subcore_parallel>], iteration_bounds = array<i64: 2, 16>, scalar_prefetch = 0 : i64, scratch_operands = 12 : i64, tpu.core_type = #tpu.core_type<sc_vector_subcore>, window_params = [{transform_indices = #map}, {transform_indices = #map1}]} {
    %mul3A = arith.constant 2 : i32
    %mul3A_0 = arith.muli %arg1, %mul3A : i32
    %add3A = arith.addi %mul3A_0, %arg0 : i32
    %mul3A_1 = arith.constant 32768 : i32
    %mul3A_2 = arith.muli %add3A, %mul3A_1 : i32
    %jit3A = arith.constant 262144 : i32
    %div3A = arith.divsi %mul3A_2, %jit3A : i32
    %sign3A = arith.constant 0 : i32
    %sign3A_3 = arith.cmpi sgt, %mul3A_2, %sign3A : i32
    %sign3A_4 = arith.extui %sign3A_3 : i1 to i32
    %sign3A_5 = arith.constant 0 : i32
    %sign3A_6 = arith.cmpi slt, %mul3A_2, %sign3A_5 : i32
    %sign3A_7 = arith.extui %sign3A_6 : i1 to i32
    %sign3A_8 = arith.subi %sign3A_4, %sign3A_7 : i32
    %sign3A_9 = arith.constant 0 : i32
    %sign3A_10 = arith.cmpi sgt, %jit3A, %sign3A_9 : i32
    %sign3A_11 = arith.extui %sign3A_10 : i1 to i32
    %sign3A_12 = arith.constant 0 : i32
    %sign3A_13 = arith.cmpi slt, %jit3A, %sign3A_12 : i32
    %sign3A_14 = arith.extui %sign3A_13 : i1 to i32
    %sign3A_15 = arith.subi %sign3A_11, %sign3A_14 : i32
    %ne3A = arith.cmpi ne, %sign3A_8, %sign3A_15 : i32
    %rem3A = arith.remsi %mul3A_2, %jit3A : i32
    %ne3A_16 = arith.constant 0 : i32
    %ne3A_17 = arith.cmpi ne, %rem3A, %ne3A_16 : i32
    %and3A = arith.andi %ne3A, %ne3A_17 : i1
    %sub3A = arith.constant 1 : i32
    %sub3A_18 = arith.subi %div3A, %sub3A : i32
    %select_n3A = arith.select %and3A, %sub3A_18, %div3A : i32
    %jit3A_19 = arith.constant 262144 : i32
    %eq3A = arith.constant 0 : i32
    %eq3A_20 = arith.cmpi eq, %jit3A_19, %eq3A : i32
    %jit3A_21 = arith.constant 1 : i32
    %select_n3A_22 = arith.select %eq3A_20, %jit3A_21, %jit3A_19 : i32
    %rem3A_23 = arith.remsi %mul3A_2, %select_n3A_22 : i32
    %ne3A_24 = arith.constant 0 : i32
    %ne3A_25 = arith.cmpi ne, %rem3A_23, %ne3A_24 : i32
    %lt3A = arith.constant 0 : i32
    %lt3A_26 = arith.cmpi slt, %rem3A_23, %lt3A : i32
    %lt3A_27 = arith.constant 0 : i32
    %lt3A_28 = arith.cmpi slt, %select_n3A_22, %lt3A_27 : i32
    %ne3A_29 = arith.xori %lt3A_26, %lt3A_28 : i1
    %and3A_30 = arith.andi %ne3A_29, %ne3A_25 : i1
    %add3A_31 = arith.addi %rem3A_23, %select_n3A_22 : i32
    %select_n3A_32 = arith.select %and3A_30, %add3A_31, %rem3A_23 : i32
    %jit3A_33 = arith.constant 512 : i32
    %div3A_34 = arith.divsi %select_n3A_32, %jit3A_33 : i32
    %sign3A_35 = arith.constant 0 : i32
    %sign3A_36 = arith.cmpi sgt, %select_n3A_32, %sign3A_35 : i32
    %sign3A_37 = arith.extui %sign3A_36 : i1 to i32
    %sign3A_38 = arith.constant 0 : i32
    %sign3A_39 = arith.cmpi slt, %select_n3A_32, %sign3A_38 : i32
    %sign3A_40 = arith.extui %sign3A_39 : i1 to i32
    %sign3A_41 = arith.subi %sign3A_37, %sign3A_40 : i32
    %sign3A_42 = arith.constant 0 : i32
    %sign3A_43 = arith.cmpi sgt, %jit3A_33, %sign3A_42 : i32
    %sign3A_44 = arith.extui %sign3A_43 : i1 to i32
    %sign3A_45 = arith.constant 0 : i32
    %sign3A_46 = arith.cmpi slt, %jit3A_33, %sign3A_45 : i32
    %sign3A_47 = arith.extui %sign3A_46 : i1 to i32
    %sign3A_48 = arith.subi %sign3A_44, %sign3A_47 : i32
    %ne3A_49 = arith.cmpi ne, %sign3A_41, %sign3A_48 : i32
    %rem3A_50 = arith.remsi %select_n3A_32, %jit3A_33 : i32
    %ne3A_51 = arith.constant 0 : i32
    %ne3A_52 = arith.cmpi ne, %rem3A_50, %ne3A_51 : i32
    %and3A_53 = arith.andi %ne3A_49, %ne3A_52 : i1
    %sub3A_54 = arith.constant 1 : i32
    %sub3A_55 = arith.subi %div3A_34, %sub3A_54 : i32
    %select_n3A_56 = arith.select %and3A_53, %sub3A_55, %div3A_34 : i32
    %iota3A = tpu.iota {dimensions = array<i32: 0>} : vector<16xi32>
    %add3A_57 = arith.constant 0 : i32
    %add3A_58 = arith.addi %mul3A_2, %add3A_57 : i32
    %scan3A = arith.constant 0 : i32
    %scan3A_59 = arith.constant 0 : i32
    %scan3A_60 = arith.constant 32 : i32
    %scan3A_61 = arith.addi %scan3A_59, %scan3A_60 : i32
    %scan3A_62 = arith.constant 4 : i32
    %scan3A_63 = scf.for %scan3A_214 = %scan3A_59 to %scan3A_61 step %scan3A_62 iter_args(%scan3A_215 = %scan3A) -> (i32)  : i32 {
      %mul3A_216 = arith.constant 16 : i32
      %mul3A_217 = arith.muli %scan3A_214, %mul3A_216 : i32
      %add3A_218 = arith.addi %add3A_58, %mul3A_217 : i32
      %add3A_219 = vector.broadcast %add3A_218 : i32 to vector<16xi32>
      %add3A_220 = arith.addi %add3A_219, %iota3A : vector<16xi32>
      %mul3A_221 = arith.constant -1640531535 : i32
      %mul3A_222 = vector.broadcast %mul3A_221 : i32 to vector<16xi32>
      %mul3A_223 = arith.muli %add3A_220, %mul3A_222 : vector<16xi32>
      %jit3A_224 = arith.constant 400000 : i32
      %eq3A_225 = arith.constant 0 : i32
      %eq3A_226 = arith.cmpi eq, %jit3A_224, %eq3A_225 : i32
      %jit3A_227 = arith.constant 1 : i32
      %select_n3A_228 = arith.select %eq3A_226, %jit3A_227, %jit3A_224 : i32
      %rem3A_229 = vector.broadcast %select_n3A_228 : i32 to vector<16xi32>
      %rem3A_230 = arith.remui %mul3A_223, %rem3A_229 : vector<16xi32>
      %ne3A_231 = arith.constant 0 : i32
      %ne3A_232 = vector.broadcast %ne3A_231 : i32 to vector<16xi32>
      %ne3A_233 = arith.cmpi ne, %rem3A_230, %ne3A_232 : vector<16xi32>
      %lt3A_234 = arith.constant 0 : i32
      %lt3A_235 = vector.broadcast %lt3A_234 : i32 to vector<16xi32>
      %lt3A_236 = arith.cmpi ult, %rem3A_230, %lt3A_235 : vector<16xi32>
      %lt3A_237 = arith.constant 0 : i32
      %lt3A_238 = arith.cmpi ult, %select_n3A_228, %lt3A_237 : i32
      %ne3A_239 = vector.broadcast %lt3A_238 : i1 to vector<16xi1>
      %ne3A_240 = vector.broadcast %ne3A_239 : vector<16xi1> to vector<16xi1>
      %ne3A_241 = arith.xori %lt3A_236, %ne3A_240 : vector<16xi1>
      %and3A_242 = arith.andi %ne3A_241, %ne3A_233 : vector<16xi1>
      %add3A_243 = vector.broadcast %select_n3A_228 : i32 to vector<16xi32>
      %add3A_244 = arith.addi %rem3A_230, %add3A_243 : vector<16xi32>
      %select_n3A_245 = arith.select %and3A_242, %add3A_244, %rem3A_230 : vector<16xi1>, vector<16xi32>
      %jit3A_246 = arith.constant 7 : i32
      %eq3A_247 = arith.constant 0 : i32
      %eq3A_248 = arith.cmpi eq, %jit3A_246, %eq3A_247 : i32
      %jit3A_249 = arith.constant 1 : i32
      %select_n3A_250 = arith.select %eq3A_248, %jit3A_249, %jit3A_246 : i32
      %rem3A_251 = vector.broadcast %select_n3A_250 : i32 to vector<16xi32>
      %rem3A_252 = arith.remui %mul3A_223, %rem3A_251 : vector<16xi32>
      %ne3A_253 = arith.constant 0 : i32
      %ne3A_254 = vector.broadcast %ne3A_253 : i32 to vector<16xi32>
      %ne3A_255 = arith.cmpi ne, %rem3A_252, %ne3A_254 : vector<16xi32>
      %lt3A_256 = arith.constant 0 : i32
      %lt3A_257 = vector.broadcast %lt3A_256 : i32 to vector<16xi32>
      %lt3A_258 = arith.cmpi ult, %rem3A_252, %lt3A_257 : vector<16xi32>
      %lt3A_259 = arith.constant 0 : i32
      %lt3A_260 = arith.cmpi ult, %select_n3A_250, %lt3A_259 : i32
      %ne3A_261 = vector.broadcast %lt3A_260 : i1 to vector<16xi1>
      %ne3A_262 = vector.broadcast %ne3A_261 : vector<16xi1> to vector<16xi1>
      %ne3A_263 = arith.xori %lt3A_258, %ne3A_262 : vector<16xi1>
      %and3A_264 = arith.andi %ne3A_263, %ne3A_255 : vector<16xi1>
      %add3A_265 = vector.broadcast %select_n3A_250 : i32 to vector<16xi32>
      %add3A_266 = arith.addi %rem3A_252, %add3A_265 : vector<16xi32>
      %select_n3A_267 = arith.select %and3A_264, %add3A_266, %rem3A_252 : vector<16xi1>, vector<16xi32>
      %ne3A_268 = arith.constant 0 : i32
      %ne3A_269 = vector.broadcast %ne3A_268 : i32 to vector<16xi32>
      %ne3A_270 = arith.cmpi ne, %select_n3A_267, %ne3A_269 : vector<16xi32>
      %jit3A_271 = arith.constant 1.000000e+00 : f32
      %jit3A_272 = arith.constant 0.000000e+00 : f32
      %broadcast_in_dim3A = vector.broadcast %jit3A_271 : f32 to vector<16xf32>
      %broadcast_in_dim3A_273 = vector.broadcast %jit3A_272 : f32 to vector<16xf32>
      %select_n3A_274 = arith.select %ne3A_270, %broadcast_in_dim3A, %broadcast_in_dim3A_273 : vector<16xi1>, vector<16xf32>
      %shift_right_logical3A = arith.constant 3 : i32
      %shift_right_logical3A_275 = vector.broadcast %shift_right_logical3A : i32 to vector<16xi32>
      %shift_right_logical3A_276 = arith.shrui %mul3A_223, %shift_right_logical3A_275 : vector<16xi32>
      %jit3A_277 = arith.constant 1024 : i32
      %eq3A_278 = arith.constant 0 : i32
      %eq3A_279 = arith.cmpi eq, %jit3A_277, %eq3A_278 : i32
      %jit3A_280 = arith.constant 1 : i32
      %select_n3A_281 = arith.select %eq3A_279, %jit3A_280, %jit3A_277 : i32
      %rem3A_282 = vector.broadcast %select_n3A_281 : i32 to vector<16xi32>
      %rem3A_283 = arith.remui %shift_right_logical3A_276, %rem3A_282 : vector<16xi32>
      %ne3A_284 = arith.constant 0 : i32
      %ne3A_285 = vector.broadcast %ne3A_284 : i32 to vector<16xi32>
      %ne3A_286 = arith.cmpi ne, %rem3A_283, %ne3A_285 : vector<16xi32>
      %lt3A_287 = arith.constant 0 : i32
      %lt3A_288 = vector.broadcast %lt3A_287 : i32 to vector<16xi32>
      %lt3A_289 = arith.cmpi ult, %rem3A_283, %lt3A_288 : vector<16xi32>
      %lt3A_290 = arith.constant 0 : i32
      %lt3A_291 = arith.cmpi ult, %select_n3A_281, %lt3A_290 : i32
      %ne3A_292 = vector.broadcast %lt3A_291 : i1 to vector<16xi1>
      %ne3A_293 = vector.broadcast %ne3A_292 : vector<16xi1> to vector<16xi1>
      %ne3A_294 = arith.xori %lt3A_289, %ne3A_293 : vector<16xi1>
      %and3A_295 = arith.andi %ne3A_294, %ne3A_286 : vector<16xi1>
      %add3A_296 = vector.broadcast %select_n3A_281 : i32 to vector<16xi32>
      %add3A_297 = arith.addi %rem3A_283, %add3A_296 : vector<16xi32>
      %select_n3A_298 = arith.select %and3A_295, %add3A_297, %rem3A_283 : vector<16xi1>, vector<16xi32>
      %convert_element_type3A = arith.uitofp %select_n3A_298 : vector<16xi32> to vector<16xf32>
      %add3A_299 = arith.constant 1.000000e+00 : f32
      %add3A_300 = vector.broadcast %add3A_299 : f32 to vector<16xf32>
      %add3A_301 = arith.addf %convert_element_type3A, %add3A_300 : vector<16xf32>
      %shift_right_logical3A_302 = arith.constant 13 : i32
      %shift_right_logical3A_303 = vector.broadcast %shift_right_logical3A_302 : i32 to vector<16xi32>
      %shift_right_logical3A_304 = arith.shrui %mul3A_223, %shift_right_logical3A_303 : vector<16xi32>
      %jit3A_305 = arith.constant 1024 : i32
      %eq3A_306 = arith.constant 0 : i32
      %eq3A_307 = arith.cmpi eq, %jit3A_305, %eq3A_306 : i32
      %jit3A_308 = arith.constant 1 : i32
      %select_n3A_309 = arith.select %eq3A_307, %jit3A_308, %jit3A_305 : i32
      %rem3A_310 = vector.broadcast %select_n3A_309 : i32 to vector<16xi32>
      %rem3A_311 = arith.remui %shift_right_logical3A_304, %rem3A_310 : vector<16xi32>
      %ne3A_312 = arith.constant 0 : i32
      %ne3A_313 = vector.broadcast %ne3A_312 : i32 to vector<16xi32>
      %ne3A_314 = arith.cmpi ne, %rem3A_311, %ne3A_313 : vector<16xi32>
      %lt3A_315 = arith.constant 0 : i32
      %lt3A_316 = vector.broadcast %lt3A_315 : i32 to vector<16xi32>
      %lt3A_317 = arith.cmpi ult, %rem3A_311, %lt3A_316 : vector<16xi32>
      %lt3A_318 = arith.constant 0 : i32
      %lt3A_319 = arith.cmpi ult, %select_n3A_309, %lt3A_318 : i32
      %ne3A_320 = vector.broadcast %lt3A_319 : i1 to vector<16xi1>
      %ne3A_321 = vector.broadcast %ne3A_320 : vector<16xi1> to vector<16xi1>
      %ne3A_322 = arith.xori %lt3A_317, %ne3A_321 : vector<16xi1>
      %and3A_323 = arith.andi %ne3A_322, %ne3A_314 : vector<16xi1>
      %add3A_324 = vector.broadcast %select_n3A_309 : i32 to vector<16xi32>
      %add3A_325 = arith.addi %rem3A_311, %add3A_324 : vector<16xi32>
      %select_n3A_326 = arith.select %and3A_323, %add3A_325, %rem3A_311 : vector<16xi1>, vector<16xi32>
      %convert_element_type3A_327 = arith.uitofp %select_n3A_326 : vector<16xi32> to vector<16xf32>
      %add3A_328 = arith.constant 1.000000e+00 : f32
      %add3A_329 = vector.broadcast %add3A_328 : f32 to vector<16xf32>
      %add3A_330 = arith.addf %convert_element_type3A_327, %add3A_329 : vector<16xf32>
      %shift_right_logical3A_331 = arith.constant 23 : i32
      %shift_right_logical3A_332 = vector.broadcast %shift_right_logical3A_331 : i32 to vector<16xi32>
      %shift_right_logical3A_333 = arith.shrui %mul3A_223, %shift_right_logical3A_332 : vector<16xi32>
      %jit3A_334 = arith.constant 512 : i32
      %eq3A_335 = arith.constant 0 : i32
      %eq3A_336 = arith.cmpi eq, %jit3A_334, %eq3A_335 : i32
      %jit3A_337 = arith.constant 1 : i32
      %select_n3A_338 = arith.select %eq3A_336, %jit3A_337, %jit3A_334 : i32
      %rem3A_339 = vector.broadcast %select_n3A_338 : i32 to vector<16xi32>
      %rem3A_340 = arith.remui %shift_right_logical3A_333, %rem3A_339 : vector<16xi32>
      %ne3A_341 = arith.constant 0 : i32
      %ne3A_342 = vector.broadcast %ne3A_341 : i32 to vector<16xi32>
      %ne3A_343 = arith.cmpi ne, %rem3A_340, %ne3A_342 : vector<16xi32>
      %lt3A_344 = arith.constant 0 : i32
      %lt3A_345 = vector.broadcast %lt3A_344 : i32 to vector<16xi32>
      %lt3A_346 = arith.cmpi ult, %rem3A_340, %lt3A_345 : vector<16xi32>
      %lt3A_347 = arith.constant 0 : i32
      %lt3A_348 = arith.cmpi ult, %select_n3A_338, %lt3A_347 : i32
      %ne3A_349 = vector.broadcast %lt3A_348 : i1 to vector<16xi1>
      %ne3A_350 = vector.broadcast %ne3A_349 : vector<16xi1> to vector<16xi1>
      %ne3A_351 = arith.xori %lt3A_346, %ne3A_350 : vector<16xi1>
      %and3A_352 = arith.andi %ne3A_351, %ne3A_343 : vector<16xi1>
      %add3A_353 = vector.broadcast %select_n3A_338 : i32 to vector<16xi32>
      %add3A_354 = arith.addi %rem3A_340, %add3A_353 : vector<16xi32>
      %select_n3A_355 = arith.select %and3A_352, %add3A_354, %rem3A_340 : vector<16xi1>, vector<16xi32>
      %convert_element_type3A_356 = arith.uitofp %select_n3A_355 : vector<16xi32> to vector<16xf32>
      %add3A_357 = arith.constant 1.000000e+00 : f32
      %add3A_358 = vector.broadcast %add3A_357 : f32 to vector<16xf32>
      %add3A_359 = arith.addf %convert_element_type3A_356, %add3A_358 : vector<16xf32>
      %add3A_360 = arith.addf %add3A_301, %add3A_330 : vector<16xf32>
      %add3A_361 = arith.addf %add3A_360, %add3A_359 : vector<16xf32>
      %div3A_362 = arith.divf %select_n3A_274, %add3A_361 : vector<16xf32>
      %mul3A_363 = arith.mulf %add3A_301, %div3A_362 : vector<16xf32>
      %mul3A_364 = arith.mulf %add3A_330, %div3A_362 : vector<16xf32>
      %mul3A_365 = arith.mulf %add3A_359, %div3A_362 : vector<16xf32>
      %jit3A_366 = arith.constant 8 : i32
      %div3A_367 = arith.divsi %scan3A_214, %jit3A_366 : i32
      %sign3A_368 = arith.constant 0 : i32
      %sign3A_369 = arith.cmpi sgt, %scan3A_214, %sign3A_368 : i32
      %sign3A_370 = arith.extui %sign3A_369 : i1 to i32
      %sign3A_371 = arith.constant 0 : i32
      %sign3A_372 = arith.cmpi slt, %scan3A_214, %sign3A_371 : i32
      %sign3A_373 = arith.extui %sign3A_372 : i1 to i32
      %sign3A_374 = arith.subi %sign3A_370, %sign3A_373 : i32
      %sign3A_375 = arith.constant 0 : i32
      %sign3A_376 = arith.cmpi sgt, %jit3A_366, %sign3A_375 : i32
      %sign3A_377 = arith.extui %sign3A_376 : i1 to i32
      %sign3A_378 = arith.constant 0 : i32
      %sign3A_379 = arith.cmpi slt, %jit3A_366, %sign3A_378 : i32
      %sign3A_380 = arith.extui %sign3A_379 : i1 to i32
      %sign3A_381 = arith.subi %sign3A_377, %sign3A_380 : i32
      %ne3A_382 = arith.cmpi ne, %sign3A_374, %sign3A_381 : i32
      %rem3A_383 = arith.remsi %scan3A_214, %jit3A_366 : i32
      %ne3A_384 = arith.constant 0 : i32
      %ne3A_385 = arith.cmpi ne, %rem3A_383, %ne3A_384 : i32
      %and3A_386 = arith.andi %ne3A_382, %ne3A_385 : i1
      %sub3A_387 = arith.constant 1 : i32
      %sub3A_388 = arith.subi %div3A_367, %sub3A_387 : i32
      %select_n3A_389 = arith.select %and3A_386, %sub3A_388, %div3A_367 : i32
      %jit3A_390 = arith.constant 8 : i32
      %eq3A_391 = arith.constant 0 : i32
      %eq3A_392 = arith.cmpi eq, %jit3A_390, %eq3A_391 : i32
      %jit3A_393 = arith.constant 1 : i32
      %select_n3A_394 = arith.select %eq3A_392, %jit3A_393, %jit3A_390 : i32
      %rem3A_395 = arith.remsi %scan3A_214, %select_n3A_394 : i32
      %ne3A_396 = arith.constant 0 : i32
      %ne3A_397 = arith.cmpi ne, %rem3A_395, %ne3A_396 : i32
      %lt3A_398 = arith.constant 0 : i32
      %lt3A_399 = arith.cmpi slt, %rem3A_395, %lt3A_398 : i32
      %lt3A_400 = arith.constant 0 : i32
      %lt3A_401 = arith.cmpi slt, %select_n3A_394, %lt3A_400 : i32
      %ne3A_402 = arith.xori %lt3A_399, %lt3A_401 : i1
      %and3A_403 = arith.andi %ne3A_402, %ne3A_397 : i1
      %add3A_404 = arith.addi %rem3A_395, %select_n3A_394 : i32
      %select_n3A_405 = arith.select %and3A_403, %add3A_404, %rem3A_395 : i32
      %mul3A_406 = arith.constant 16 : i32
      %mul3A_407 = arith.muli %select_n3A_405, %mul3A_406 : i32
      %swap3A = arith.index_cast %select_n3A_389 : i32 to index
      %swap3A_408 = arith.index_cast %mul3A_407 : i32 to index
      %swap3A_409 = tpu.vector_load %arg4[%swap3A, %swap3A_408] {strides = array<i32>} : memref<4x128xi32, #tpu.memory_space<vmem>>, vector<16xi32>,
      tpu.vector_store %arg4[%swap3A, %swap3A_408], %select_n3A_245 {strides = array<i32>} : memref<4x128xi32, #tpu.memory_space<vmem>>, vector<16xi32>,
      %mul3A_410 = arith.constant 16 : i32
      %mul3A_411 = arith.muli %scan3A_214, %mul3A_410 : i32
      %swap3A_412 = arith.constant 0 : i32
      %swap3A_413 = arith.index_cast %swap3A_412 : i32 to index
      %swap3A_414 = arith.index_cast %mul3A_411 : i32 to index
      %swap3A_415 = tpu.vector_load %arg6[%swap3A_413, %swap3A_414] {strides = array<i32>} : memref<3x512xf32, #tpu.memory_space<vmem>>, vector<16xf32>,
      tpu.vector_store %arg6[%swap3A_413, %swap3A_414], %mul3A_363 {strides = array<i32>} : memref<3x512xf32, #tpu.memory_space<vmem>>, vector<16xf32>,
      %mul3A_416 = arith.constant 16 : i32
      %mul3A_417 = arith.muli %scan3A_214, %mul3A_416 : i32
      %swap3A_418 = arith.constant 1 : i32
      %swap3A_419 = arith.index_cast %swap3A_418 : i32 to index
      %swap3A_420 = arith.index_cast %mul3A_417 : i32 to index
      %swap3A_421 = tpu.vector_load %arg6[%swap3A_419, %swap3A_420] {strides = array<i32>} : memref<3x512xf32, #tpu.memory_space<vmem>>, vector<16xf32>,
      tpu.vector_store %arg6[%swap3A_419, %swap3A_420], %mul3A_364 {strides = array<i32>} : memref<3x512xf32, #tpu.memory_space<vmem>>, vector<16xf32>,
      %mul3A_422 = arith.constant 16 : i32
      %mul3A_423 = arith.muli %scan3A_214, %mul3A_422 : i32
      %swap3A_424 = arith.constant 2 : i32
      %swap3A_425 = arith.index_cast %swap3A_424 : i32 to index
      %swap3A_426 = arith.index_cast %mul3A_423 : i32 to index
      %swap3A_427 = tpu.vector_load %arg6[%swap3A_425, %swap3A_426] {strides = array<i32>} : memref<3x512xf32, #tpu.memory_space<vmem>>, vector<16xf32>,
      tpu.vector_store %arg6[%swap3A_425, %swap3A_426], %mul3A_365 {strides = array<i32>} : memref<3x512xf32, #tpu.memory_space<vmem>>, vector<16xf32>,
      %scan3A_428 = arith.constant 0 : i32
      %scan3A_429 = arith.constant 1 : i32
      %scan3A_430 = arith.addi %scan3A_214, %scan3A_429 : i32
      %mul3A_431 = arith.constant 16 : i32
      %mul3A_432 = arith.muli %scan3A_430, %mul3A_431 : i32
      %add3A_433 = arith.addi %add3A_58, %mul3A_432 : i32
      %add3A_434 = vector.broadcast %add3A_433 : i32 to vector<16xi32>
      %add3A_435 = arith.addi %add3A_434, %iota3A : vector<16xi32>
      %mul3A_436 = arith.constant -1640531535 : i32
      %mul3A_437 = vector.broadcast %mul3A_436 : i32 to vector<16xi32>
      %mul3A_438 = arith.muli %add3A_435, %mul3A_437 : vector<16xi32>
      %jit3A_439 = arith.constant 400000 : i32
      %eq3A_440 = arith.constant 0 : i32
      %eq3A_441 = arith.cmpi eq, %jit3A_439, %eq3A_440 : i32
      %jit3A_442 = arith.constant 1 : i32
      %select_n3A_443 = arith.select %eq3A_441, %jit3A_442, %jit3A_439 : i32
      %rem3A_444 = vector.broadcast %select_n3A_443 : i32 to vector<16xi32>
      %rem3A_445 = arith.remui %mul3A_438, %rem3A_444 : vector<16xi32>
      %ne3A_446 = arith.constant 0 : i32
      %ne3A_447 = vector.broadcast %ne3A_446 : i32 to vector<16xi32>
      %ne3A_448 = arith.cmpi ne, %rem3A_445, %ne3A_447 : vector<16xi32>
      %lt3A_449 = arith.constant 0 : i32
      %lt3A_450 = vector.broadcast %lt3A_449 : i32 to vector<16xi32>
      %lt3A_451 = arith.cmpi ult, %rem3A_445, %lt3A_450 : vector<16xi32>
      %lt3A_452 = arith.constant 0 : i32
      %lt3A_453 = arith.cmpi ult, %select_n3A_443, %lt3A_452 : i32
      %ne3A_454 = vector.broadcast %lt3A_453 : i1 to vector<16xi1>
      %ne3A_455 = vector.broadcast %ne3A_454 : vector<16xi1> to vector<16xi1>
      %ne3A_456 = arith.xori %lt3A_451, %ne3A_455 : vector<16xi1>
      %and3A_457 = arith.andi %ne3A_456, %ne3A_448 : vector<16xi1>
      %add3A_458 = vector.broadcast %select_n3A_443 : i32 to vector<16xi32>
      %add3A_459 = arith.addi %rem3A_445, %add3A_458 : vector<16xi32>
      %select_n3A_460 = arith.select %and3A_457, %add3A_459, %rem3A_445 : vector<16xi1>, vector<16xi32>
      %jit3A_461 = arith.constant 7 : i32
      %eq3A_462 = arith.constant 0 : i32
      %eq3A_463 = arith.cmpi eq, %jit3A_461, %eq3A_462 : i32
      %jit3A_464 = arith.constant 1 : i32
      %select_n3A_465 = arith.select %eq3A_463, %jit3A_464, %jit3A_461 : i32
      %rem3A_466 = vector.broadcast %select_n3A_465 : i32 to vector<16xi32>
      %rem3A_467 = arith.remui %mul3A_438, %rem3A_466 : vector<16xi32>
      %ne3A_468 = arith.constant 0 : i32
      %ne3A_469 = vector.broadcast %ne3A_468 : i32 to vector<16xi32>
      %ne3A_470 = arith.cmpi ne, %rem3A_467, %ne3A_469 : vector<16xi32>
      %lt3A_471 = arith.constant 0 : i32
      %lt3A_472 = vector.broadcast %lt3A_471 : i32 to vector<16xi32>
      %lt3A_473 = arith.cmpi ult, %rem3A_467, %lt3A_472 : vector<16xi32>
      %lt3A_474 = arith.constant 0 : i32
      %lt3A_475 = arith.cmpi ult, %select_n3A_465, %lt3A_474 : i32
      %ne3A_476 = vector.broadcast %lt3A_475 : i1 to vector<16xi1>
      %ne3A_477 = vector.broadcast %ne3A_476 : vector<16xi1> to vector<16xi1>
      %ne3A_478 = arith.xori %lt3A_473, %ne3A_477 : vector<16xi1>
      %and3A_479 = arith.andi %ne3A_478, %ne3A_470 : vector<16xi1>
      %add3A_480 = vector.broadcast %select_n3A_465 : i32 to vector<16xi32>
      %add3A_481 = arith.addi %rem3A_467, %add3A_480 : vector<16xi32>
      %select_n3A_482 = arith.select %and3A_479, %add3A_481, %rem3A_467 : vector<16xi1>, vector<16xi32>
      %ne3A_483 = arith.constant 0 : i32
      %ne3A_484 = vector.broadcast %ne3A_483 : i32 to vector<16xi32>
      %ne3A_485 = arith.cmpi ne, %select_n3A_482, %ne3A_484 : vector<16xi32>
      %jit3A_486 = arith.constant 1.000000e+00 : f32
      %jit3A_487 = arith.constant 0.000000e+00 : f32
      %broadcast_in_dim3A_488 = vector.broadcast %jit3A_486 : f32 to vector<16xf32>
      %broadcast_in_dim3A_489 = vector.broadcast %jit3A_487 : f32 to vector<16xf32>
      %select_n3A_490 = arith.select %ne3A_485, %broadcast_in_dim3A_488, %broadcast_in_dim3A_489 : vector<16xi1>, vector<16xf32>
      %shift_right_logical3A_491 = arith.constant 3 : i32
      %shift_right_logical3A_492 = vector.broadcast %shift_right_logical3A_491 : i32 to vector<16xi32>
      %shift_right_logical3A_493 = arith.shrui %mul3A_438, %shift_right_logical3A_492 : vector<16xi32>
      %jit3A_494 = arith.constant 1024 : i32
      %eq3A_495 = arith.constant 0 : i32
      %eq3A_496 = arith.cmpi eq, %jit3A_494, %eq3A_495 : i32
      %jit3A_497 = arith.constant 1 : i32
      %select_n3A_498 = arith.select %eq3A_496, %jit3A_497, %jit3A_494 : i32
      %rem3A_499 = vector.broadcast %select_n3A_498 : i32 to vector<16xi32>
      %rem3A_500 = arith.remui %shift_right_logical3A_493, %rem3A_499 : vector<16xi32>
      %ne3A_501 = arith.constant 0 : i32
      %ne3A_502 = vector.broadcast %ne3A_501 : i32 to vector<16xi32>
      %ne3A_503 = arith.cmpi ne, %rem3A_500, %ne3A_502 : vector<16xi32>
      %lt3A_504 = arith.constant 0 : i32
      %lt3A_505 = vector.broadcast %lt3A_504 : i32 to vector<16xi32>
      %lt3A_506 = arith.cmpi ult, %rem3A_500, %lt3A_505 : vector<16xi32>
      %lt3A_507 = arith.constant 0 : i32
      %lt3A_508 = arith.cmpi ult, %select_n3A_498, %lt3A_507 : i32
      %ne3A_509 = vector.broadcast %lt3A_508 : i1 to vector<16xi1>
      %ne3A_510 = vector.broadcast %ne3A_509 : vector<16xi1> to vector<16xi1>
      %ne3A_511 = arith.xori %lt3A_506, %ne3A_510 : vector<16xi1>
      %and3A_512 = arith.andi %ne3A_511, %ne3A_503 : vector<16xi1>
      %add3A_513 = vector.broadcast %select_n3A_498 : i32 to vector<16xi32>
      %add3A_514 = arith.addi %rem3A_500, %add3A_513 : vector<16xi32>
      %select_n3A_515 = arith.select %and3A_512, %add3A_514, %rem3A_500 : vector<16xi1>, vector<16xi32>
      %convert_element_type3A_516 = arith.uitofp %select_n3A_515 : vector<16xi32> to vector<16xf32>
      %add3A_517 = arith.constant 1.000000e+00 : f32
      %add3A_518 = vector.broadcast %add3A_517 : f32 to vector<16xf32>
      %add3A_519 = arith.addf %convert_element_type3A_516, %add3A_518 : vector<16xf32>
      %shift_right_logical3A_520 = arith.constant 13 : i32
      %shift_right_logical3A_521 = vector.broadcast %shift_right_logical3A_520 : i32 to vector<16xi32>
      %shift_right_logical3A_522 = arith.shrui %mul3A_438, %shift_right_logical3A_521 : vector<16xi32>
      %jit3A_523 = arith.constant 1024 : i32
      %eq3A_524 = arith.constant 0 : i32
      %eq3A_525 = arith.cmpi eq, %jit3A_523, %eq3A_524 : i32
      %jit3A_526 = arith.constant 1 : i32
      %select_n3A_527 = arith.select %eq3A_525, %jit3A_526, %jit3A_523 : i32
      %rem3A_528 = vector.broadcast %select_n3A_527 : i32 to vector<16xi32>
      %rem3A_529 = arith.remui %shift_right_logical3A_522, %rem3A_528 : vector<16xi32>
      %ne3A_530 = arith.constant 0 : i32
      %ne3A_531 = vector.broadcast %ne3A_530 : i32 to vector<16xi32>
      %ne3A_532 = arith.cmpi ne, %rem3A_529, %ne3A_531 : vector<16xi32>
      %lt3A_533 = arith.constant 0 : i32
      %lt3A_534 = vector.broadcast %lt3A_533 : i32 to vector<16xi32>
      %lt3A_535 = arith.cmpi ult, %rem3A_529, %lt3A_534 : vector<16xi32>
      %lt3A_536 = arith.constant 0 : i32
      %lt3A_537 = arith.cmpi ult, %select_n3A_527, %lt3A_536 : i32
      %ne3A_538 = vector.broadcast %lt3A_537 : i1 to vector<16xi1>
      %ne3A_539 = vector.broadcast %ne3A_538 : vector<16xi1> to vector<16xi1>
      %ne3A_540 = arith.xori %lt3A_535, %ne3A_539 : vector<16xi1>
      %and3A_541 = arith.andi %ne3A_540, %ne3A_532 : vector<16xi1>
      %add3A_542 = vector.broadcast %select_n3A_527 : i32 to vector<16xi32>
      %add3A_543 = arith.addi %rem3A_529, %add3A_542 : vector<16xi32>
      %select_n3A_544 = arith.select %and3A_541, %add3A_543, %rem3A_529 : vector<16xi1>, vector<16xi32>
      %convert_element_type3A_545 = arith.uitofp %select_n3A_544 : vector<16xi32> to vector<16xf32>
      %add3A_546 = arith.constant 1.000000e+00 : f32
      %add3A_547 = vector.broadcast %add3A_546 : f32 to vector<16xf32>
      %add3A_548 = arith.addf %convert_element_type3A_545, %add3A_547 : vector<16xf32>
      %shift_right_logical3A_549 = arith.constant 23 : i32
      %shift_right_logical3A_550 = vector.broadcast %shift_right_logical3A_549 : i32 to vector<16xi32>
      %shift_right_logical3A_551 = arith.shrui %mul3A_438, %shift_right_logical3A_550 : vector<16xi32>
      %jit3A_552 = arith.constant 512 : i32
      %eq3A_553 = arith.constant 0 : i32
      %eq3A_554 = arith.cmpi eq, %jit3A_552, %eq3A_553 : i32
      %jit3A_555 = arith.constant 1 : i32
      %select_n3A_556 = arith.select %eq3A_554, %jit3A_555, %jit3A_552 : i32
      %rem3A_557 = vector.broadcast %select_n3A_556 : i32 to vector<16xi32>
      %rem3A_558 = arith.remui %shift_right_logical3A_551, %rem3A_557 : vector<16xi32>
      %ne3A_559 = arith.constant 0 : i32
      %ne3A_560 = vector.broadcast %ne3A_559 : i32 to vector<16xi32>
      %ne3A_561 = arith.cmpi ne, %rem3A_558, %ne3A_560 : vector<16xi32>
      %lt3A_562 = arith.constant 0 : i32
      %lt3A_563 = vector.broadcast %lt3A_562 : i32 to vector<16xi32>
      %lt3A_564 = arith.cmpi ult, %rem3A_558, %lt3A_563 : vector<16xi32>
      %lt3A_565 = arith.constant 0 : i32
      %lt3A_566 = arith.cmpi ult, %select_n3A_556, %lt3A_565 : i32
      %ne3A_567 = vector.broadcast %lt3A_566 : i1 to vector<16xi1>
      %ne3A_568 = vector.broadcast %ne3A_567 : vector<16xi1> to vector<16xi1>
      %ne3A_569 = arith.xori %lt3A_564, %ne3A_568 : vector<16xi1>
      %and3A_570 = arith.andi %ne3A_569, %ne3A_561 : vector<16xi1>
      %add3A_571 = vector.broadcast %select_n3A_556 : i32 to vector<16xi32>
      %add3A_572 = arith.addi %rem3A_558, %add3A_571 : vector<16xi32>
      %select_n3A_573 = arith.select %and3A_570, %add3A_572, %rem3A_558 : vector<16xi1>, vector<16xi32>
      %convert_element_type3A_574 = arith.uitofp %select_n3A_573 : vector<16xi32> to vector<16xf32>
      %add3A_575 = arith.constant 1.000000e+00 : f32
      %add3A_576 = vector.broadcast %add3A_575 : f32 to vector<16xf32>
      %add3A_577 = arith.addf %convert_element_type3A_574, %add3A_576 : vector<16xf32>
      %add3A_578 = arith.addf %add3A_519, %add3A_548 : vector<16xf32>
      %add3A_579 = arith.addf %add3A_578, %add3A_577 : vector<16xf32>
      %div3A_580 = arith.divf %select_n3A_490, %add3A_579 : vector<16xf32>
      %mul3A_581 = arith.mulf %add3A_519, %div3A_580 : vector<16xf32>
      %mul3A_582 = arith.mulf %add3A_548, %div3A_580 : vector<16xf32>
      %mul3A_583 = arith.mulf %add3A_577, %div3A_580 : vector<16xf32>
      %jit3A_584 = arith.constant 8 : i32
      %div3A_585 = arith.divsi %scan3A_430, %jit3A_584 : i32
      %sign3A_586 = arith.constant 0 : i32
      %sign3A_587 = arith.cmpi sgt, %scan3A_430, %sign3A_586 : i32
      %sign3A_588 = arith.extui %sign3A_587 : i1 to i32
      %sign3A_589 = arith.constant 0 : i32
      %sign3A_590 = arith.cmpi slt, %scan3A_430, %sign3A_589 : i32
      %sign3A_591 = arith.extui %sign3A_590 : i1 to i32
      %sign3A_592 = arith.subi %sign3A_588, %sign3A_591 : i32
      %sign3A_593 = arith.constant 0 : i32
      %sign3A_594 = arith.cmpi sgt, %jit3A_584, %sign3A_593 : i32
      %sign3A_595 = arith.extui %sign3A_594 : i1 to i32
      %sign3A_596 = arith.constant 0 : i32
      %sign3A_597 = arith.cmpi slt, %jit3A_584, %sign3A_596 : i32
      %sign3A_598 = arith.extui %sign3A_597 : i1 to i32
      %sign3A_599 = arith.subi %sign3A_595, %sign3A_598 : i32
      %ne3A_600 = arith.cmpi ne, %sign3A_592, %sign3A_599 : i32
      %rem3A_601 = arith.remsi %scan3A_430, %jit3A_584 : i32
      %ne3A_602 = arith.constant 0 : i32
      %ne3A_603 = arith.cmpi ne, %rem3A_601, %ne3A_602 : i32
      %and3A_604 = arith.andi %ne3A_600, %ne3A_603 : i1
      %sub3A_605 = arith.constant 1 : i32
      %sub3A_606 = arith.subi %div3A_585, %sub3A_605 : i32
      %select_n3A_607 = arith.select %and3A_604, %sub3A_606, %div3A_585 : i32
      %jit3A_608 = arith.constant 8 : i32
      %eq3A_609 = arith.constant 0 : i32
      %eq3A_610 = arith.cmpi eq, %jit3A_608, %eq3A_609 : i32
      %jit3A_611 = arith.constant 1 : i32
      %select_n3A_612 = arith.select %eq3A_610, %jit3A_611, %jit3A_608 : i32
      %rem3A_613 = arith.remsi %scan3A_430, %select_n3A_612 : i32
      %ne3A_614 = arith.constant 0 : i32
      %ne3A_615 = arith.cmpi ne, %rem3A_613, %ne3A_614 : i32
      %lt3A_616 = arith.constant 0 : i32
      %lt3A_617 = arith.cmpi slt, %rem3A_613, %lt3A_616 : i32
      %lt3A_618 = arith.constant 0 : i32
      %lt3A_619 = arith.cmpi slt, %select_n3A_612, %lt3A_618 : i32
      %ne3A_620 = arith.xori %lt3A_617, %lt3A_619 : i1
      %and3A_621 = arith.andi %ne3A_620, %ne3A_615 : i1
      %add3A_622 = arith.addi %rem3A_613, %select_n3A_612 : i32
      %select_n3A_623 = arith.select %and3A_621, %add3A_622, %rem3A_613 : i32
      %mul3A_624 = arith.constant 16 : i32
      %mul3A_625 = arith.muli %select_n3A_623, %mul3A_624 : i32
      %swap3A_626 = arith.index_cast %select_n3A_607 : i32 to index
      %swap3A_627 = arith.index_cast %mul3A_625 : i32 to index
      %swap3A_628 = tpu.vector_load %arg4[%swap3A_626, %swap3A_627] {strides = array<i32>} : memref<4x128xi32, #tpu.memory_space<vmem>>, vector<16xi32>,
      tpu.vector_store %arg4[%swap3A_626, %swap3A_627], %select_n3A_460 {strides = array<i32>} : memref<4x128xi32, #tpu.memory_space<vmem>>, vector<16xi32>,
      %mul3A_629 = arith.constant 16 : i32
      %mul3A_630 = arith.muli %scan3A_430, %mul3A_629 : i32
      %swap3A_631 = arith.constant 0 : i32
      %swap3A_632 = arith.index_cast %swap3A_631 : i32 to index
      %swap3A_633 = arith.index_cast %mul3A_630 : i32 to index
      %swap3A_634 = tpu.vector_load %arg6[%swap3A_632, %swap3A_633] {strides = array<i32>} : memref<3x512xf32, #tpu.memory_space<vmem>>, vector<16xf32>,
      tpu.vector_store %arg6[%swap3A_632, %swap3A_633], %mul3A_581 {strides = array<i32>} : memref<3x512xf32, #tpu.memory_space<vmem>>, vector<16xf32>,
      %mul3A_635 = arith.constant 16 : i32
      %mul3A_636 = arith.muli %scan3A_430, %mul3A_635 : i32
      %swap3A_637 = arith.constant 1 : i32
      %swap3A_638 = arith.index_cast %swap3A_637 : i32 to index
      %swap3A_639 = arith.index_cast %mul3A_636 : i32 to index
      %swap3A_640 = tpu.vector_load %arg6[%swap3A_638, %swap3A_639] {strides = array<i32>} : memref<3x512xf32, #tpu.memory_space<vmem>>, vector<16xf32>,
      tpu.vector_store %arg6[%swap3A_638, %swap3A_639], %mul3A_582 {strides = array<i32>} : memref<3x512xf32, #tpu.memory_space<vmem>>, vector<16xf32>,
      %mul3A_641 = arith.constant 16 : i32
      %mul3A_642 = arith.muli %scan3A_430, %mul3A_641 : i32
      %swap3A_643 = arith.constant 2 : i32
      %swap3A_644 = arith.index_cast %swap3A_643 : i32 to index
      %swap3A_645 = arith.index_cast %mul3A_642 : i32 to index
      %swap3A_646 = tpu.vector_load %arg6[%swap3A_644, %swap3A_645] {strides = array<i32>} : memref<3x512xf32, #tpu.memory_space<vmem>>, vector<16xf32>,
      tpu.vector_store %arg6[%swap3A_644, %swap3A_645], %mul3A_583 {strides = array<i32>} : memref<3x512xf32, #tpu.memory_space<vmem>>, vector<16xf32>,
      %scan3A_647 = arith.constant 0 : i32
      %scan3A_648 = arith.constant 2 : i32
      %scan3A_649 = arith.addi %scan3A_214, %scan3A_648 : i32
      %mul3A_650 = arith.constant 16 : i32
      %mul3A_651 = arith.muli %scan3A_649, %mul3A_650 : i32
      %add3A_652 = arith.addi %add3A_58, %mul3A_651 : i32
      %add3A_653 = vector.broadcast %add3A_652 : i32 to vector<16xi32>
      %add3A_654 = arith.addi %add3A_653, %iota3A : vector<16xi32>
      %mul3A_655 = arith.constant -1640531535 : i32
      %mul3A_656 = vector.broadcast %mul3A_655 : i32 to vector<16xi32>
      %mul3A_657 = arith.muli %add3A_654, %mul3A_656 : vector<16xi32>
      %jit3A_658 = arith.constant 400000 : i32
      %eq3A_659 = arith.constant 0 : i32
      %eq3A_660 = arith.cmpi eq, %jit3A_658, %eq3A_659 : i32
      %jit3A_661 = arith.constant 1 : i32
      %select_n3A_662 = arith.select %eq3A_660, %jit3A_661, %jit3A_658 : i32
      %rem3A_663 = vector.broadcast %select_n3A_662 : i32 to vector<16xi32>
      %rem3A_664 = arith.remui %mul3A_657, %rem3A_663 : vector<16xi32>
      %ne3A_665 = arith.constant 0 : i32
      %ne3A_666 = vector.broadcast %ne3A_665 : i32 to vector<16xi32>
      %ne3A_667 = arith.cmpi ne, %rem3A_664, %ne3A_666 : vector<16xi32>
      %lt3A_668 = arith.constant 0 : i32
      %lt3A_669 = vector.broadcast %lt3A_668 : i32 to vector<16xi32>
      %lt3A_670 = arith.cmpi ult, %rem3A_664, %lt3A_669 : vector<16xi32>
      %lt3A_671 = arith.constant 0 : i32
      %lt3A_672 = arith.cmpi ult, %select_n3A_662, %lt3A_671 : i32
      %ne3A_673 = vector.broadcast %lt3A_672 : i1 to vector<16xi1>
      %ne3A_674 = vector.broadcast %ne3A_673 : vector<16xi1> to vector<16xi1>
      %ne3A_675 = arith.xori %lt3A_670, %ne3A_674 : vector<16xi1>
      %and3A_676 = arith.andi %ne3A_675, %ne3A_667 : vector<16xi1>
      %add3A_677 = vector.broadcast %select_n3A_662 : i32 to vector<16xi32>
      %add3A_678 = arith.addi %rem3A_664, %add3A_677 : vector<16xi32>
      %select_n3A_679 = arith.select %and3A_676, %add3A_678, %rem3A_664 : vector<16xi1>, vector<16xi32>
      %jit3A_680 = arith.constant 7 : i32
      %eq3A_681 = arith.constant 0 : i32
      %eq3A_682 = arith.cmpi eq, %jit3A_680, %eq3A_681 : i32
      %jit3A_683 = arith.constant 1 : i32
      %select_n3A_684 = arith.select %eq3A_682, %jit3A_683, %jit3A_680 : i32
      %rem3A_685 = vector.broadcast %select_n3A_684 : i32 to vector<16xi32>
      %rem3A_686 = arith.remui %mul3A_657, %rem3A_685 : vector<16xi32>
      %ne3A_687 = arith.constant 0 : i32
      %ne3A_688 = vector.broadcast %ne3A_687 : i32 to vector<16xi32>
      %ne3A_689 = arith.cmpi ne, %rem3A_686, %ne3A_688 : vector<16xi32>
      %lt3A_690 = arith.constant 0 : i32
      %lt3A_691 = vector.broadcast %lt3A_690 : i32 to vector<16xi32>
      %lt3A_692 = arith.cmpi ult, %rem3A_686, %lt3A_691 : vector<16xi32>
      %lt3A_693 = arith.constant 0 : i32
      %lt3A_694 = arith.cmpi ult, %select_n3A_684, %lt3A_693 : i32
      %ne3A_695 = vector.broadcast %lt3A_694 : i1 to vector<16xi1>
      %ne3A_696 = vector.broadcast %ne3A_695 : vector<16xi1> to vector<16xi1>
      %ne3A_697 = arith.xori %lt3A_692, %ne3A_696 : vector<16xi1>
      %and3A_698 = arith.andi %ne3A_697, %ne3A_689 : vector<16xi1>
      %add3A_699 = vector.broadcast %select_n3A_684 : i32 to vector<16xi32>
      %add3A_700 = arith.addi %rem3A_686, %add3A_699 : vector<16xi32>
      %select_n3A_701 = arith.select %and3A_698, %add3A_700, %rem3A_686 : vector<16xi1>, vector<16xi32>
      %ne3A_702 = arith.constant 0 : i32
      %ne3A_703 = vector.broadcast %ne3A_702 : i32 to vector<16xi32>
      %ne3A_704 = arith.cmpi ne, %select_n3A_701, %ne3A_703 : vector<16xi32>
      %jit3A_705 = arith.constant 1.000000e+00 : f32
      %jit3A_706 = arith.constant 0.000000e+00 : f32
      %broadcast_in_dim3A_707 = vector.broadcast %jit3A_705 : f32 to vector<16xf32>
      %broadcast_in_dim3A_708 = vector.broadcast %jit3A_706 : f32 to vector<16xf32>
      %select_n3A_709 = arith.select %ne3A_704, %broadcast_in_dim3A_707, %broadcast_in_dim3A_708 : vector<16xi1>, vector<16xf32>
      %shift_right_logical3A_710 = arith.constant 3 : i32
      %shift_right_logical3A_711 = vector.broadcast %shift_right_logical3A_710 : i32 to vector<16xi32>
      %shift_right_logical3A_712 = arith.shrui %mul3A_657, %shift_right_logical3A_711 : vector<16xi32>
      %jit3A_713 = arith.constant 1024 : i32
      %eq3A_714 = arith.constant 0 : i32
      %eq3A_715 = arith.cmpi eq, %jit3A_713, %eq3A_714 : i32
      %jit3A_716 = arith.constant 1 : i32
      %select_n3A_717 = arith.select %eq3A_715, %jit3A_716, %jit3A_713 : i32
      %rem3A_718 = vector.broadcast %select_n3A_717 : i32 to vector<16xi32>
      %rem3A_719 = arith.remui %shift_right_logical3A_712, %rem3A_718 : vector<16xi32>
      %ne3A_720 = arith.constant 0 : i32
      %ne3A_721 = vector.broadcast %ne3A_720 : i32 to vector<16xi32>
      %ne3A_722 = arith.cmpi ne, %rem3A_719, %ne3A_721 : vector<16xi32>
      %lt3A_723 = arith.constant 0 : i32
      %lt3A_724 = vector.broadcast %lt3A_723 : i32 to vector<16xi32>
      %lt3A_725 = arith.cmpi ult, %rem3A_719, %lt3A_724 : vector<16xi32>
      %lt3A_726 = arith.constant 0 : i32
      %lt3A_727 = arith.cmpi ult, %select_n3A_717, %lt3A_726 : i32
      %ne3A_728 = vector.broadcast %lt3A_727 : i1 to vector<16xi1>
      %ne3A_729 = vector.broadcast %ne3A_728 : vector<16xi1> to vector<16xi1>
      %ne3A_730 = arith.xori %lt3A_725, %ne3A_729 : vector<16xi1>
      %and3A_731 = arith.andi %ne3A_730, %ne3A_722 : vector<16xi1>
      %add3A_732 = vector.broadcast %select_n3A_717 : i32 to vector<16xi32>
      %add3A_733 = arith.addi %rem3A_719, %add3A_732 : vector<16xi32>
      %select_n3A_734 = arith.select %and3A_731, %add3A_733, %rem3A_719 : vector<16xi1>, vector<16xi32>
      %convert_element_type3A_735 = arith.uitofp %select_n3A_734 : vector<16xi32> to vector<16xf32>
      %add3A_736 = arith.constant 1.000000e+00 : f32
      %add3A_737 = vector.broadcast %add3A_736 : f32 to vector<16xf32>
      %add3A_738 = arith.addf %convert_element_type3A_735, %add3A_737 : vector<16xf32>
      %shift_right_logical3A_739 = arith.constant 13 : i32
      %shift_right_logical3A_740 = vector.broadcast %shift_right_logical3A_739 : i32 to vector<16xi32>
      %shift_right_logical3A_741 = arith.shrui %mul3A_657, %shift_right_logical3A_740 : vector<16xi32>
      %jit3A_742 = arith.constant 1024 : i32
      %eq3A_743 = arith.constant 0 : i32
      %eq3A_744 = arith.cmpi eq, %jit3A_742, %eq3A_743 : i32
      %jit3A_745 = arith.constant 1 : i32
      %select_n3A_746 = arith.select %eq3A_744, %jit3A_745, %jit3A_742 : i32
      %rem3A_747 = vector.broadcast %select_n3A_746 : i32 to vector<16xi32>
      %rem3A_748 = arith.remui %shift_right_logical3A_741, %rem3A_747 : vector<16xi32>
      %ne3A_749 = arith.constant 0 : i32
      %ne3A_750 = vector.broadcast %ne3A_749 : i32 to vector<16xi32>
      %ne3A_751 = arith.cmpi ne, %rem3A_748, %ne3A_750 : vector<16xi32>
      %lt3A_752 = arith.constant 0 : i32
      %lt3A_753 = vector.broadcast %lt3A_752 : i32 to vector<16xi32>
      %lt3A_754 = arith.cmpi ult, %rem3A_748, %lt3A_753 : vector<16xi32>
      %lt3A_755 = arith.constant 0 : i32
      %lt3A_756 = arith.cmpi ult, %select_n3A_746, %lt3A_755 : i32
      %ne3A_757 = vector.broadcast %lt3A_756 : i1 to vector<16xi1>
      %ne3A_758 = vector.broadcast %ne3A_757 : vector<16xi1> to vector<16xi1>
      %ne3A_759 = arith.xori %lt3A_754, %ne3A_758 : vector<16xi1>
      %and3A_760 = arith.andi %ne3A_759, %ne3A_751 : vector<16xi1>
      %add3A_761 = vector.broadcast %select_n3A_746 : i32 to vector<16xi32>
      %add3A_762 = arith.addi %rem3A_748, %add3A_761 : vector<16xi32>
      %select_n3A_763 = arith.select %and3A_760, %add3A_762, %rem3A_748 : vector<16xi1>, vector<16xi32>
      %convert_element_type3A_764 = arith.uitofp %select_n3A_763 : vector<16xi32> to vector<16xf32>
      %add3A_765 = arith.constant 1.000000e+00 : f32
      %add3A_766 = vector.broadcast %add3A_765 : f32 to vector<16xf32>
      %add3A_767 = arith.addf %convert_element_type3A_764, %add3A_766 : vector<16xf32>
      %shift_right_logical3A_768 = arith.constant 23 : i32
      %shift_right_logical3A_769 = vector.broadcast %shift_right_logical3A_768 : i32 to vector<16xi32>
      %shift_right_logical3A_770 = arith.shrui %mul3A_657, %shift_right_logical3A_769 : vector<16xi32>
      %jit3A_771 = arith.constant 512 : i32
      %eq3A_772 = arith.constant 0 : i32
      %eq3A_773 = arith.cmpi eq, %jit3A_771, %eq3A_772 : i32
      %jit3A_774 = arith.constant 1 : i32
      %select_n3A_775 = arith.select %eq3A_773, %jit3A_774, %jit3A_771 : i32
      %rem3A_776 = vector.broadcast %select_n3A_775 : i32 to vector<16xi32>
      %rem3A_777 = arith.remui %shift_right_logical3A_770, %rem3A_776 : vector<16xi32>
      %ne3A_778 = arith.constant 0 : i32
      %ne3A_779 = vector.broadcast %ne3A_778 : i32 to vector<16xi32>
      %ne3A_780 = arith.cmpi ne, %rem3A_777, %ne3A_779 : vector<16xi32>
      %lt3A_781 = arith.constant 0 : i32
      %lt3A_782 = vector.broadcast %lt3A_781 : i32 to vector<16xi32>
      %lt3A_783 = arith.cmpi ult, %rem3A_777, %lt3A_782 : vector<16xi32>
      %lt3A_784 = arith.constant 0 : i32
      %lt3A_785 = arith.cmpi ult, %select_n3A_775, %lt3A_784 : i32
      %ne3A_786 = vector.broadcast %lt3A_785 : i1 to vector<16xi1>
      %ne3A_787 = vector.broadcast %ne3A_786 : vector<16xi1> to vector<16xi1>
      %ne3A_788 = arith.xori %lt3A_783, %ne3A_787 : vector<16xi1>
      %and3A_789 = arith.andi %ne3A_788, %ne3A_780 : vector<16xi1>
      %add3A_790 = vector.broadcast %select_n3A_775 : i32 to vector<16xi32>
      %add3A_791 = arith.addi %rem3A_777, %add3A_790 : vector<16xi32>
      %select_n3A_792 = arith.select %and3A_789, %add3A_791, %rem3A_777 : vector<16xi1>, vector<16xi32>
      %convert_element_type3A_793 = arith.uitofp %select_n3A_792 : vector<16xi32> to vector<16xf32>
      %add3A_794 = arith.constant 1.000000e+00 : f32
      %add3A_795 = vector.broadcast %add3A_794 : f32 to vector<16xf32>
      %add3A_796 = arith.addf %convert_element_type3A_793, %add3A_795 : vector<16xf32>
      %add3A_797 = arith.addf %add3A_738, %add3A_767 : vector<16xf32>
      %add3A_798 = arith.addf %add3A_797, %add3A_796 : vector<16xf32>
      %div3A_799 = arith.divf %select_n3A_709, %add3A_798 : vector<16xf32>
      %mul3A_800 = arith.mulf %add3A_738, %div3A_799 : vector<16xf32>
      %mul3A_801 = arith.mulf %add3A_767, %div3A_799 : vector<16xf32>
      %mul3A_802 = arith.mulf %add3A_796, %div3A_799 : vector<16xf32>
      %jit3A_803 = arith.constant 8 : i32
      %div3A_804 = arith.divsi %scan3A_649, %jit3A_803 : i32
      %sign3A_805 = arith.constant 0 : i32
      %sign3A_806 = arith.cmpi sgt, %scan3A_649, %sign3A_805 : i32
      %sign3A_807 = arith.extui %sign3A_806 : i1 to i32
      %sign3A_808 = arith.constant 0 : i32
      %sign3A_809 = arith.cmpi slt, %scan3A_649, %sign3A_808 : i32
      %sign3A_810 = arith.extui %sign3A_809 : i1 to i32
      %sign3A_811 = arith.subi %sign3A_807, %sign3A_810 : i32
      %sign3A_812 = arith.constant 0 : i32
      %sign3A_813 = arith.cmpi sgt, %jit3A_803, %sign3A_812 : i32
      %sign3A_814 = arith.extui %sign3A_813 : i1 to i32
      %sign3A_815 = arith.constant 0 : i32
      %sign3A_816 = arith.cmpi slt, %jit3A_803, %sign3A_815 : i32
      %sign3A_817 = arith.extui %sign3A_816 : i1 to i32
      %sign3A_818 = arith.subi %sign3A_814, %sign3A_817 : i32
      %ne3A_819 = arith.cmpi ne, %sign3A_811, %sign3A_818 : i32
      %rem3A_820 = arith.remsi %scan3A_649, %jit3A_803 : i32
      %ne3A_821 = arith.constant 0 : i32
      %ne3A_822 = arith.cmpi ne, %rem3A_820, %ne3A_821 : i32
      %and3A_823 = arith.andi %ne3A_819, %ne3A_822 : i1
      %sub3A_824 = arith.constant 1 : i32
      %sub3A_825 = arith.subi %div3A_804, %sub3A_824 : i32
      %select_n3A_826 = arith.select %and3A_823, %sub3A_825, %div3A_804 : i32
      %jit3A_827 = arith.constant 8 : i32
      %eq3A_828 = arith.constant 0 : i32
      %eq3A_829 = arith.cmpi eq, %jit3A_827, %eq3A_828 : i32
      %jit3A_830 = arith.constant 1 : i32
      %select_n3A_831 = arith.select %eq3A_829, %jit3A_830, %jit3A_827 : i32
      %rem3A_832 = arith.remsi %scan3A_649, %select_n3A_831 : i32
      %ne3A_833 = arith.constant 0 : i32
      %ne3A_834 = arith.cmpi ne, %rem3A_832, %ne3A_833 : i32
      %lt3A_835 = arith.constant 0 : i32
      %lt3A_836 = arith.cmpi slt, %rem3A_832, %lt3A_835 : i32
      %lt3A_837 = arith.constant 0 : i32
      %lt3A_838 = arith.cmpi slt, %select_n3A_831, %lt3A_837 : i32
      %ne3A_839 = arith.xori %lt3A_836, %lt3A_838 : i1
      %and3A_840 = arith.andi %ne3A_839, %ne3A_834 : i1
      %add3A_841 = arith.addi %rem3A_832, %select_n3A_831 : i32
      %select_n3A_842 = arith.select %and3A_840, %add3A_841, %rem3A_832 : i32
      %mul3A_843 = arith.constant 16 : i32
      %mul3A_844 = arith.muli %select_n3A_842, %mul3A_843 : i32
      %swap3A_845 = arith.index_cast %select_n3A_826 : i32 to index
      %swap3A_846 = arith.index_cast %mul3A_844 : i32 to index
      %swap3A_847 = tpu.vector_load %arg4[%swap3A_845, %swap3A_846] {strides = array<i32>} : memref<4x128xi32, #tpu.memory_space<vmem>>, vector<16xi32>,
      tpu.vector_store %arg4[%swap3A_845, %swap3A_846], %select_n3A_679 {strides = array<i32>} : memref<4x128xi32, #tpu.memory_space<vmem>>, vector<16xi32>,
      %mul3A_848 = arith.constant 16 : i32
      %mul3A_849 = arith.muli %scan3A_649, %mul3A_848 : i32
      %swap3A_850 = arith.constant 0 : i32
      %swap3A_851 = arith.index_cast %swap3A_850 : i32 to index
      %swap3A_852 = arith.index_cast %mul3A_849 : i32 to index
      %swap3A_853 = tpu.vector_load %arg6[%swap3A_851, %swap3A_852] {strides = array<i32>} : memref<3x512xf32, #tpu.memory_space<vmem>>, vector<16xf32>,
      tpu.vector_store %arg6[%swap3A_851, %swap3A_852], %mul3A_800 {strides = array<i32>} : memref<3x512xf32, #tpu.memory_space<vmem>>, vector<16xf32>,
      %mul3A_854 = arith.constant 16 : i32
      %mul3A_855 = arith.muli %scan3A_649, %mul3A_854 : i32
      %swap3A_856 = arith.constant 1 : i32
      %swap3A_857 = arith.index_cast %swap3A_856 : i32 to index
      %swap3A_858 = arith.index_cast %mul3A_855 : i32 to index
      %swap3A_859 = tpu.vector_load %arg6[%swap3A_857, %swap3A_858] {strides = array<i32>} : memref<3x512xf32, #tpu.memory_space<vmem>>, vector<16xf32>,
      tpu.vector_store %arg6[%swap3A_857, %swap3A_858], %mul3A_801 {strides = array<i32>} : memref<3x512xf32, #tpu.memory_space<vmem>>, vector<16xf32>,
      %mul3A_860 = arith.constant 16 : i32
      %mul3A_861 = arith.muli %scan3A_649, %mul3A_860 : i32
      %swap3A_862 = arith.constant 2 : i32
      %swap3A_863 = arith.index_cast %swap3A_862 : i32 to index
      %swap3A_864 = arith.index_cast %mul3A_861 : i32 to index
      %swap3A_865 = tpu.vector_load %arg6[%swap3A_863, %swap3A_864] {strides = array<i32>} : memref<3x512xf32, #tpu.memory_space<vmem>>, vector<16xf32>,
      tpu.vector_store %arg6[%swap3A_863, %swap3A_864], %mul3A_802 {strides = array<i32>} : memref<3x512xf32, #tpu.memory_space<vmem>>, vector<16xf32>,
      %scan3A_866 = arith.constant 0 : i32
      %scan3A_867 = arith.constant 3 : i32
      %scan3A_868 = arith.addi %scan3A_214, %scan3A_867 : i32
      %mul3A_869 = arith.constant 16 : i32
      %mul3A_870 = arith.muli %scan3A_868, %mul3A_869 : i32
      %add3A_871 = arith.addi %add3A_58, %mul3A_870 : i32
      %add3A_872 = vector.broadcast %add3A_871 : i32 to vector<16xi32>
      %add3A_873 = arith.addi %add3A_872, %iota3A : vector<16xi32>
      %mul3A_874 = arith.constant -1640531535 : i32
      %mul3A_875 = vector.broadcast %mul3A_874 : i32 to vector<16xi32>
      %mul3A_876 = arith.muli %add3A_873, %mul3A_875 : vector<16xi32>
      %jit3A_877 = arith.constant 400000 : i32
      %eq3A_878 = arith.constant 0 : i32
      %eq3A_879 = arith.cmpi eq, %jit3A_877, %eq3A_878 : i32
      %jit3A_880 = arith.constant 1 : i32
      %select_n3A_881 = arith.select %eq3A_879, %jit3A_880, %jit3A_877 : i32
      %rem3A_882 = vector.broadcast %select_n3A_881 : i32 to vector<16xi32>
      %rem3A_883 = arith.remui %mul3A_876, %rem3A_882 : vector<16xi32>
      %ne3A_884 = arith.constant 0 : i32
      %ne3A_885 = vector.broadcast %ne3A_884 : i32 to vector<16xi32>
      %ne3A_886 = arith.cmpi ne, %rem3A_883, %ne3A_885 : vector<16xi32>
      %lt3A_887 = arith.constant 0 : i32
      %lt3A_888 = vector.broadcast %lt3A_887 : i32 to vector<16xi32>
      %lt3A_889 = arith.cmpi ult, %rem3A_883, %lt3A_888 : vector<16xi32>
      %lt3A_890 = arith.constant 0 : i32
      %lt3A_891 = arith.cmpi ult, %select_n3A_881, %lt3A_890 : i32
      %ne3A_892 = vector.broadcast %lt3A_891 : i1 to vector<16xi1>
      %ne3A_893 = vector.broadcast %ne3A_892 : vector<16xi1> to vector<16xi1>
      %ne3A_894 = arith.xori %lt3A_889, %ne3A_893 : vector<16xi1>
      %and3A_895 = arith.andi %ne3A_894, %ne3A_886 : vector<16xi1>
      %add3A_896 = vector.broadcast %select_n3A_881 : i32 to vector<16xi32>
      %add3A_897 = arith.addi %rem3A_883, %add3A_896 : vector<16xi32>
      %select_n3A_898 = arith.select %and3A_895, %add3A_897, %rem3A_883 : vector<16xi1>, vector<16xi32>
      %jit3A_899 = arith.constant 7 : i32
      %eq3A_900 = arith.constant 0 : i32
      %eq3A_901 = arith.cmpi eq, %jit3A_899, %eq3A_900 : i32
      %jit3A_902 = arith.constant 1 : i32
      %select_n3A_903 = arith.select %eq3A_901, %jit3A_902, %jit3A_899 : i32
      %rem3A_904 = vector.broadcast %select_n3A_903 : i32 to vector<16xi32>
      %rem3A_905 = arith.remui %mul3A_876, %rem3A_904 : vector<16xi32>
      %ne3A_906 = arith.constant 0 : i32
      %ne3A_907 = vector.broadcast %ne3A_906 : i32 to vector<16xi32>
      %ne3A_908 = arith.cmpi ne, %rem3A_905, %ne3A_907 : vector<16xi32>
      %lt3A_909 = arith.constant 0 : i32
      %lt3A_910 = vector.broadcast %lt3A_909 : i32 to vector<16xi32>
      %lt3A_911 = arith.cmpi ult, %rem3A_905, %lt3A_910 : vector<16xi32>
      %lt3A_912 = arith.constant 0 : i32
      %lt3A_913 = arith.cmpi ult, %select_n3A_903, %lt3A_912 : i32
      %ne3A_914 = vector.broadcast %lt3A_913 : i1 to vector<16xi1>
      %ne3A_915 = vector.broadcast %ne3A_914 : vector<16xi1> to vector<16xi1>
      %ne3A_916 = arith.xori %lt3A_911, %ne3A_915 : vector<16xi1>
      %and3A_917 = arith.andi %ne3A_916, %ne3A_908 : vector<16xi1>
      %add3A_918 = vector.broadcast %select_n3A_903 : i32 to vector<16xi32>
      %add3A_919 = arith.addi %rem3A_905, %add3A_918 : vector<16xi32>
      %select_n3A_920 = arith.select %and3A_917, %add3A_919, %rem3A_905 : vector<16xi1>, vector<16xi32>
      %ne3A_921 = arith.constant 0 : i32
      %ne3A_922 = vector.broadcast %ne3A_921 : i32 to vector<16xi32>
      %ne3A_923 = arith.cmpi ne, %select_n3A_920, %ne3A_922 : vector<16xi32>
      %jit3A_924 = arith.constant 1.000000e+00 : f32
      %jit3A_925 = arith.constant 0.000000e+00 : f32
      %broadcast_in_dim3A_926 = vector.broadcast %jit3A_924 : f32 to vector<16xf32>
      %broadcast_in_dim3A_927 = vector.broadcast %jit3A_925 : f32 to vector<16xf32>
      %select_n3A_928 = arith.select %ne3A_923, %broadcast_in_dim3A_926, %broadcast_in_dim3A_927 : vector<16xi1>, vector<16xf32>
      %shift_right_logical3A_929 = arith.constant 3 : i32
      %shift_right_logical3A_930 = vector.broadcast %shift_right_logical3A_929 : i32 to vector<16xi32>
      %shift_right_logical3A_931 = arith.shrui %mul3A_876, %shift_right_logical3A_930 : vector<16xi32>
      %jit3A_932 = arith.constant 1024 : i32
      %eq3A_933 = arith.constant 0 : i32
      %eq3A_934 = arith.cmpi eq, %jit3A_932, %eq3A_933 : i32
      %jit3A_935 = arith.constant 1 : i32
      %select_n3A_936 = arith.select %eq3A_934, %jit3A_935, %jit3A_932 : i32
      %rem3A_937 = vector.broadcast %select_n3A_936 : i32 to vector<16xi32>
      %rem3A_938 = arith.remui %shift_right_logical3A_931, %rem3A_937 : vector<16xi32>
      %ne3A_939 = arith.constant 0 : i32
      %ne3A_940 = vector.broadcast %ne3A_939 : i32 to vector<16xi32>
      %ne3A_941 = arith.cmpi ne, %rem3A_938, %ne3A_940 : vector<16xi32>
      %lt3A_942 = arith.constant 0 : i32
      %lt3A_943 = vector.broadcast %lt3A_942 : i32 to vector<16xi32>
      %lt3A_944 = arith.cmpi ult, %rem3A_938, %lt3A_943 : vector<16xi32>
      %lt3A_945 = arith.constant 0 : i32
      %lt3A_946 = arith.cmpi ult, %select_n3A_936, %lt3A_945 : i32
      %ne3A_947 = vector.broadcast %lt3A_946 : i1 to vector<16xi1>
      %ne3A_948 = vector.broadcast %ne3A_947 : vector<16xi1> to vector<16xi1>
      %ne3A_949 = arith.xori %lt3A_944, %ne3A_948 : vector<16xi1>
      %and3A_950 = arith.andi %ne3A_949, %ne3A_941 : vector<16xi1>
      %add3A_951 = vector.broadcast %select_n3A_936 : i32 to vector<16xi32>
      %add3A_952 = arith.addi %rem3A_938, %add3A_951 : vector<16xi32>
      %select_n3A_953 = arith.select %and3A_950, %add3A_952, %rem3A_938 : vector<16xi1>, vector<16xi32>
      %convert_element_type3A_954 = arith.uitofp %select_n3A_953 : vector<16xi32> to vector<16xf32>
      %add3A_955 = arith.constant 1.000000e+00 : f32
      %add3A_956 = vector.broadcast %add3A_955 : f32 to vector<16xf32>
      %add3A_957 = arith.addf %convert_element_type3A_954, %add3A_956 : vector<16xf32>
      %shift_right_logical3A_958 = arith.constant 13 : i32
      %shift_right_logical3A_959 = vector.broadcast %shift_right_logical3A_958 : i32 to vector<16xi32>
      %shift_right_logical3A_960 = arith.shrui %mul3A_876, %shift_right_logical3A_959 : vector<16xi32>
      %jit3A_961 = arith.constant 1024 : i32
      %eq3A_962 = arith.constant 0 : i32
      %eq3A_963 = arith.cmpi eq, %jit3A_961, %eq3A_962 : i32
      %jit3A_964 = arith.constant 1 : i32
      %select_n3A_965 = arith.select %eq3A_963, %jit3A_964, %jit3A_961 : i32
      %rem3A_966 = vector.broadcast %select_n3A_965 : i32 to vector<16xi32>
      %rem3A_967 = arith.remui %shift_right_logical3A_960, %rem3A_966 : vector<16xi32>
      %ne3A_968 = arith.constant 0 : i32
      %ne3A_969 = vector.broadcast %ne3A_968 : i32 to vector<16xi32>
      %ne3A_970 = arith.cmpi ne, %rem3A_967, %ne3A_969 : vector<16xi32>
      %lt3A_971 = arith.constant 0 : i32
      %lt3A_972 = vector.broadcast %lt3A_971 : i32 to vector<16xi32>
      %lt3A_973 = arith.cmpi ult, %rem3A_967, %lt3A_972 : vector<16xi32>
      %lt3A_974 = arith.constant 0 : i32
      %lt3A_975 = arith.cmpi ult, %select_n3A_965, %lt3A_974 : i32
      %ne3A_976 = vector.broadcast %lt3A_975 : i1 to vector<16xi1>
      %ne3A_977 = vector.broadcast %ne3A_976 : vector<16xi1> to vector<16xi1>
      %ne3A_978 = arith.xori %lt3A_973, %ne3A_977 : vector<16xi1>
      %and3A_979 = arith.andi %ne3A_978, %ne3A_970 : vector<16xi1>
      %add3A_980 = vector.broadcast %select_n3A_965 : i32 to vector<16xi32>
      %add3A_981 = arith.addi %rem3A_967, %add3A_980 : vector<16xi32>
      %select_n3A_982 = arith.select %and3A_979, %add3A_981, %rem3A_967 : vector<16xi1>, vector<16xi32>
      %convert_element_type3A_983 = arith.uitofp %select_n3A_982 : vector<16xi32> to vector<16xf32>
      %add3A_984 = arith.constant 1.000000e+00 : f32
      %add3A_985 = vector.broadcast %add3A_984 : f32 to vector<16xf32>
      %add3A_986 = arith.addf %convert_element_type3A_983, %add3A_985 : vector<16xf32>
      %shift_right_logical3A_987 = arith.constant 23 : i32
      %shift_right_logical3A_988 = vector.broadcast %shift_right_logical3A_987 : i32 to vector<16xi32>
      %shift_right_logical3A_989 = arith.shrui %mul3A_876, %shift_right_logical3A_988 : vector<16xi32>
      %jit3A_990 = arith.constant 512 : i32
      %eq3A_991 = arith.constant 0 : i32
      %eq3A_992 = arith.cmpi eq, %jit3A_990, %eq3A_991 : i32
      %jit3A_993 = arith.constant 1 : i32
      %select_n3A_994 = arith.select %eq3A_992, %jit3A_993, %jit3A_990 : i32
      %rem3A_995 = vector.broadcast %select_n3A_994 : i32 to vector<16xi32>
      %rem3A_996 = arith.remui %shift_right_logical3A_989, %rem3A_995 : vector<16xi32>
      %ne3A_997 = arith.constant 0 : i32
      %ne3A_998 = vector.broadcast %ne3A_997 : i32 to vector<16xi32>
      %ne3A_999 = arith.cmpi ne, %rem3A_996, %ne3A_998 : vector<16xi32>
      %lt3A_1000 = arith.constant 0 : i32
      %lt3A_1001 = vector.broadcast %lt3A_1000 : i32 to vector<16xi32>
      %lt3A_1002 = arith.cmpi ult, %rem3A_996, %lt3A_1001 : vector<16xi32>
      %lt3A_1003 = arith.constant 0 : i32
      %lt3A_1004 = arith.cmpi ult, %select_n3A_994, %lt3A_1003 : i32
      %ne3A_1005 = vector.broadcast %lt3A_1004 : i1 to vector<16xi1>
      %ne3A_1006 = vector.broadcast %ne3A_1005 : vector<16xi1> to vector<16xi1>
      %ne3A_1007 = arith.xori %lt3A_1002, %ne3A_1006 : vector<16xi1>
      %and3A_1008 = arith.andi %ne3A_1007, %ne3A_999 : vector<16xi1>
      %add3A_1009 = vector.broadcast %select_n3A_994 : i32 to vector<16xi32>
      %add3A_1010 = arith.addi %rem3A_996, %add3A_1009 : vector<16xi32>
      %select_n3A_1011 = arith.select %and3A_1008, %add3A_1010, %rem3A_996 : vector<16xi1>, vector<16xi32>
      %convert_element_type3A_1012 = arith.uitofp %select_n3A_1011 : vector<16xi32> to vector<16xf32>
      %add3A_1013 = arith.constant 1.000000e+00 : f32
      %add3A_1014 = vector.broadcast %add3A_1013 : f32 to vector<16xf32>
      %add3A_1015 = arith.addf %convert_element_type3A_1012, %add3A_1014 : vector<16xf32>
      %add3A_1016 = arith.addf %add3A_957, %add3A_986 : vector<16xf32>
      %add3A_1017 = arith.addf %add3A_1016, %add3A_1015 : vector<16xf32>
      %div3A_1018 = arith.divf %select_n3A_928, %add3A_1017 : vector<16xf32>
      %mul3A_1019 = arith.mulf %add3A_957, %div3A_1018 : vector<16xf32>
      %mul3A_1020 = arith.mulf %add3A_986, %div3A_1018 : vector<16xf32>
      %mul3A_1021 = arith.mulf %add3A_1015, %div3A_1018 : vector<16xf32>
      %jit3A_1022 = arith.constant 8 : i32
      %div3A_1023 = arith.divsi %scan3A_868, %jit3A_1022 : i32
      %sign3A_1024 = arith.constant 0 : i32
      %sign3A_1025 = arith.cmpi sgt, %scan3A_868, %sign3A_1024 : i32
      %sign3A_1026 = arith.extui %sign3A_1025 : i1 to i32
      %sign3A_1027 = arith.constant 0 : i32
      %sign3A_1028 = arith.cmpi slt, %scan3A_868, %sign3A_1027 : i32
      %sign3A_1029 = arith.extui %sign3A_1028 : i1 to i32
      %sign3A_1030 = arith.subi %sign3A_1026, %sign3A_1029 : i32
      %sign3A_1031 = arith.constant 0 : i32
      %sign3A_1032 = arith.cmpi sgt, %jit3A_1022, %sign3A_1031 : i32
      %sign3A_1033 = arith.extui %sign3A_1032 : i1 to i32
      %sign3A_1034 = arith.constant 0 : i32
      %sign3A_1035 = arith.cmpi slt, %jit3A_1022, %sign3A_1034 : i32
      %sign3A_1036 = arith.extui %sign3A_1035 : i1 to i32
      %sign3A_1037 = arith.subi %sign3A_1033, %sign3A_1036 : i32
      %ne3A_1038 = arith.cmpi ne, %sign3A_1030, %sign3A_1037 : i32
      %rem3A_1039 = arith.remsi %scan3A_868, %jit3A_1022 : i32
      %ne3A_1040 = arith.constant 0 : i32
      %ne3A_1041 = arith.cmpi ne, %rem3A_1039, %ne3A_1040 : i32
      %and3A_1042 = arith.andi %ne3A_1038, %ne3A_1041 : i1
      %sub3A_1043 = arith.constant 1 : i32
      %sub3A_1044 = arith.subi %div3A_1023, %sub3A_1043 : i32
      %select_n3A_1045 = arith.select %and3A_1042, %sub3A_1044, %div3A_1023 : i32
      %jit3A_1046 = arith.constant 8 : i32
      %eq3A_1047 = arith.constant 0 : i32
      %eq3A_1048 = arith.cmpi eq, %jit3A_1046, %eq3A_1047 : i32
      %jit3A_1049 = arith.constant 1 : i32
      %select_n3A_1050 = arith.select %eq3A_1048, %jit3A_1049, %jit3A_1046 : i32
      %rem3A_1051 = arith.remsi %scan3A_868, %select_n3A_1050 : i32
      %ne3A_1052 = arith.constant 0 : i32
      %ne3A_1053 = arith.cmpi ne, %rem3A_1051, %ne3A_1052 : i32
      %lt3A_1054 = arith.constant 0 : i32
      %lt3A_1055 = arith.cmpi slt, %rem3A_1051, %lt3A_1054 : i32
      %lt3A_1056 = arith.constant 0 : i32
      %lt3A_1057 = arith.cmpi slt, %select_n3A_1050, %lt3A_1056 : i32
      %ne3A_1058 = arith.xori %lt3A_1055, %lt3A_1057 : i1
      %and3A_1059 = arith.andi %ne3A_1058, %ne3A_1053 : i1
      %add3A_1060 = arith.addi %rem3A_1051, %select_n3A_1050 : i32
      %select_n3A_1061 = arith.select %and3A_1059, %add3A_1060, %rem3A_1051 : i32
      %mul3A_1062 = arith.constant 16 : i32
      %mul3A_1063 = arith.muli %select_n3A_1061, %mul3A_1062 : i32
      %swap3A_1064 = arith.index_cast %select_n3A_1045 : i32 to index
      %swap3A_1065 = arith.index_cast %mul3A_1063 : i32 to index
      %swap3A_1066 = tpu.vector_load %arg4[%swap3A_1064, %swap3A_1065] {strides = array<i32>} : memref<4x128xi32, #tpu.memory_space<vmem>>, vector<16xi32>,
      tpu.vector_store %arg4[%swap3A_1064, %swap3A_1065], %select_n3A_898 {strides = array<i32>} : memref<4x128xi32, #tpu.memory_space<vmem>>, vector<16xi32>,
      %mul3A_1067 = arith.constant 16 : i32
      %mul3A_1068 = arith.muli %scan3A_868, %mul3A_1067 : i32
      %swap3A_1069 = arith.constant 0 : i32
      %swap3A_1070 = arith.index_cast %swap3A_1069 : i32 to index
      %swap3A_1071 = arith.index_cast %mul3A_1068 : i32 to index
      %swap3A_1072 = tpu.vector_load %arg6[%swap3A_1070, %swap3A_1071] {strides = array<i32>} : memref<3x512xf32, #tpu.memory_space<vmem>>, vector<16xf32>,
      tpu.vector_store %arg6[%swap3A_1070, %swap3A_1071], %mul3A_1019 {strides = array<i32>} : memref<3x512xf32, #tpu.memory_space<vmem>>, vector<16xf32>,
      %mul3A_1073 = arith.constant 16 : i32
      %mul3A_1074 = arith.muli %scan3A_868, %mul3A_1073 : i32
      %swap3A_1075 = arith.constant 1 : i32
      %swap3A_1076 = arith.index_cast %swap3A_1075 : i32 to index
      %swap3A_1077 = arith.index_cast %mul3A_1074 : i32 to index
      %swap3A_1078 = tpu.vector_load %arg6[%swap3A_1076, %swap3A_1077] {strides = array<i32>} : memref<3x512xf32, #tpu.memory_space<vmem>>, vector<16xf32>,
      tpu.vector_store %arg6[%swap3A_1076, %swap3A_1077], %mul3A_1020 {strides = array<i32>} : memref<3x512xf32, #tpu.memory_space<vmem>>, vector<16xf32>,
      %mul3A_1079 = arith.constant 16 : i32
      %mul3A_1080 = arith.muli %scan3A_868, %mul3A_1079 : i32
      %swap3A_1081 = arith.constant 2 : i32
      %swap3A_1082 = arith.index_cast %swap3A_1081 : i32 to index
      %swap3A_1083 = arith.index_cast %mul3A_1080 : i32 to index
      %swap3A_1084 = tpu.vector_load %arg6[%swap3A_1082, %swap3A_1083] {strides = array<i32>} : memref<3x512xf32, #tpu.memory_space<vmem>>, vector<16xf32>,
      tpu.vector_store %arg6[%swap3A_1082, %swap3A_1083], %mul3A_1021 {strides = array<i32>} : memref<3x512xf32, #tpu.memory_space<vmem>>, vector<16xf32>,
      %scan3A_1085 = arith.constant 0 : i32
      scf.yield %scan3A_1085 : i32
    }
    %scan3A_64 = arith.constant 32 : i32
    %dma_start3A = arith.constant 0 : i32
    %dma_start3A_65 = arith.constant 0 : i32
    %dma_start3A_66 = arith.constant 0 : i32
    %dma_start3A_67 = tpu.memref_slice %arg8[%dma_start3A_65, %dma_start3A_66] : memref<512x48xf32, #tpu.memory_space<vmem>> -> memref<128x48xf32, #tpu.memory_space<vmem>>
    %dma_start3A_68 = arith.constant 0 : i32
    %dma_start3A_69 = tpu.memref_slice %arg4[%dma_start3A, %dma_start3A_68] : memref<4x128xi32, #tpu.memory_space<vmem>> -> memref<1x128xi32, #tpu.memory_space<vmem>>
    %dma_start3A_70 = tpu.memref_squeeze %dma_start3A_69 : memref<1x128xi32, #tpu.memory_space<vmem>> -> memref<128xi32, #tpu.memory_space<vmem>>
    %dma_start3A_71 = arith.constant 0 : i32
    %dma_start3A_72 = arith.constant 0 : i32
    %dma_start3A_73 = tpu.memref_slice %arg2[%dma_start3A_71, %dma_start3A_72] : memref<400000x48xf32, #tpu.memory_space<hbm>> -> memref<400000x48xf32, #tpu.memory_space<hbm>>
    tpu.enqueue_indirect_dma source(%dma_start3A_73 : memref<400000x48xf32, #tpu.memory_space<hbm>>) target(%dma_start3A_67 : memref<128x48xf32, #tpu.memory_space<vmem>>) offsets(%dma_start3A_70 : memref<128xi32, #tpu.memory_space<vmem>>) semaphore(%arg12 : memref<!tpu.dma_semaphore, #tpu.memory_space<semaphore_mem>>)
    %dma_start3A_74 = arith.constant 1 : i32
    %dma_start3A_75 = arith.constant 128 : i32
    %dma_start3A_76 = arith.constant 0 : i32
    %dma_start3A_77 = tpu.memref_slice %arg8[%dma_start3A_75, %dma_start3A_76] : memref<512x48xf32, #tpu.memory_space<vmem>> -> memref<128x48xf32, #tpu.memory_space<vmem>>
    %dma_start3A_78 = arith.constant 0 : i32
    %dma_start3A_79 = tpu.memref_slice %arg4[%dma_start3A_74, %dma_start3A_78] : memref<4x128xi32, #tpu.memory_space<vmem>> -> memref<1x128xi32, #tpu.memory_space<vmem>>
    %dma_start3A_80 = tpu.memref_squeeze %dma_start3A_79 : memref<1x128xi32, #tpu.memory_space<vmem>> -> memref<128xi32, #tpu.memory_space<vmem>>
    %dma_start3A_81 = arith.constant 0 : i32
    %dma_start3A_82 = arith.constant 0 : i32
    %dma_start3A_83 = tpu.memref_slice %arg2[%dma_start3A_81, %dma_start3A_82] : memref<400000x48xf32, #tpu.memory_space<hbm>> -> memref<400000x48xf32, #tpu.memory_space<hbm>>
    tpu.enqueue_indirect_dma source(%dma_start3A_83 : memref<400000x48xf32, #tpu.memory_space<hbm>>) target(%dma_start3A_77 : memref<128x48xf32, #tpu.memory_space<vmem>>) offsets(%dma_start3A_80 : memref<128xi32, #tpu.memory_space<vmem>>) semaphore(%arg12 : memref<!tpu.dma_semaphore, #tpu.memory_space<semaphore_mem>>)
    %dma_start3A_84 = arith.constant 2 : i32
    %dma_start3A_85 = arith.constant 256 : i32
    %dma_start3A_86 = arith.constant 0 : i32
    %dma_start3A_87 = tpu.memref_slice %arg8[%dma_start3A_85, %dma_start3A_86] : memref<512x48xf32, #tpu.memory_space<vmem>> -> memref<128x48xf32, #tpu.memory_space<vmem>>
    %dma_start3A_88 = arith.constant 0 : i32
    %dma_start3A_89 = tpu.memref_slice %arg4[%dma_start3A_84, %dma_start3A_88] : memref<4x128xi32, #tpu.memory_space<vmem>> -> memref<1x128xi32, #tpu.memory_space<vmem>>
    %dma_start3A_90 = tpu.memref_squeeze %dma_start3A_89 : memref<1x128xi32, #tpu.memory_space<vmem>> -> memref<128xi32, #tpu.memory_space<vmem>>
    %dma_start3A_91 = arith.constant 0 : i32
    %dma_start3A_92 = arith.constant 0 : i32
    %dma_start3A_93 = tpu.memref_slice %arg2[%dma_start3A_91, %dma_start3A_92] : memref<400000x48xf32, #tpu.memory_space<hbm>> -> memref<400000x48xf32, #tpu.memory_space<hbm>>
    tpu.enqueue_indirect_dma source(%dma_start3A_93 : memref<400000x48xf32, #tpu.memory_space<hbm>>) target(%dma_start3A_87 : memref<128x48xf32, #tpu.memory_space<vmem>>) offsets(%dma_start3A_90 : memref<128xi32, #tpu.memory_space<vmem>>) semaphore(%arg12 : memref<!tpu.dma_semaphore, #tpu.memory_space<semaphore_mem>>)
    %dma_start3A_94 = arith.constant 3 : i32
    %dma_start3A_95 = arith.constant 384 : i32
    %dma_start3A_96 = arith.constant 0 : i32
    %dma_start3A_97 = tpu.memref_slice %arg8[%dma_start3A_95, %dma_start3A_96] : memref<512x48xf32, #tpu.memory_space<vmem>> -> memref<128x48xf32, #tpu.memory_space<vmem>>
    %dma_start3A_98 = arith.constant 0 : i32
    %dma_start3A_99 = tpu.memref_slice %arg4[%dma_start3A_94, %dma_start3A_98] : memref<4x128xi32, #tpu.memory_space<vmem>> -> memref<1x128xi32, #tpu.memory_space<vmem>>
    %dma_start3A_100 = tpu.memref_squeeze %dma_start3A_99 : memref<1x128xi32, #tpu.memory_space<vmem>> -> memref<128xi32, #tpu.memory_space<vmem>>
    %dma_start3A_101 = arith.constant 0 : i32
    %dma_start3A_102 = arith.constant 0 : i32
    %dma_start3A_103 = tpu.memref_slice %arg2[%dma_start3A_101, %dma_start3A_102] : memref<400000x48xf32, #tpu.memory_space<hbm>> -> memref<400000x48xf32, #tpu.memory_space<hbm>>
    tpu.enqueue_indirect_dma source(%dma_start3A_103 : memref<400000x48xf32, #tpu.memory_space<hbm>>) target(%dma_start3A_97 : memref<128x48xf32, #tpu.memory_space<vmem>>) offsets(%dma_start3A_100 : memref<128xi32, #tpu.memory_space<vmem>>) semaphore(%arg12 : memref<!tpu.dma_semaphore, #tpu.memory_space<semaphore_mem>>)
    %scan3A_104 = arith.constant 0 : i32
    %scan3A_105 = arith.constant 0 : i32
    %scan3A_106 = arith.constant 32 : i32
    %scan3A_107 = arith.addi %scan3A_105, %scan3A_106 : i32
    %scan3A_108 = arith.constant 1 : i32
    %scan3A_109 = scf.for %scan3A_214 = %scan3A_105 to %scan3A_107 step %scan3A_108 iter_args(%scan3A_215 = %scan3A_104) -> (i32)  : i32 {
      %mul3A_216 = arith.constant 2 : i32
      %mul3A_217 = arith.muli %mul3A_216, %scan3A_214 : i32
      %add3A_218 = arith.constant 1 : i32
      %add3A_219 = arith.addi %mul3A_217, %add3A_218 : i32
      %mul3A_220 = arith.constant 512 : i32
      %mul3A_221 = arith.muli %add3A_219, %mul3A_220 : i32
      %add3A_222 = arith.addi %mul3A_2, %mul3A_221 : i32
      %scan3A_223 = arith.constant 0 : i32
      %scan3A_224 = arith.constant 0 : i32
      %scan3A_225 = arith.constant 32 : i32
      %scan3A_226 = arith.addi %scan3A_224, %scan3A_225 : i32
      %scan3A_227 = arith.constant 4 : i32
      %scan3A_228 = scf.for %scan3A_481 = %scan3A_224 to %scan3A_226 step %scan3A_227 iter_args(%scan3A_482 = %scan3A_223) -> (i32)  : i32 {
        %mul3A_483 = arith.constant 16 : i32
        %mul3A_484 = arith.muli %scan3A_481, %mul3A_483 : i32
        %add3A_485 = arith.addi %add3A_222, %mul3A_484 : i32
        %add3A_486 = vector.broadcast %add3A_485 : i32 to vector<16xi32>
        %add3A_487 = arith.addi %add3A_486, %iota3A : vector<16xi32>
        %mul3A_488 = arith.constant -1640531535 : i32
        %mul3A_489 = vector.broadcast %mul3A_488 : i32 to vector<16xi32>
        %mul3A_490 = arith.muli %add3A_487, %mul3A_489 : vector<16xi32>
        %jit3A_491 = arith.constant 400000 : i32
        %eq3A_492 = arith.constant 0 : i32
        %eq3A_493 = arith.cmpi eq, %jit3A_491, %eq3A_492 : i32
        %jit3A_494 = arith.constant 1 : i32
        %select_n3A_495 = arith.select %eq3A_493, %jit3A_494, %jit3A_491 : i32
        %rem3A_496 = vector.broadcast %select_n3A_495 : i32 to vector<16xi32>
        %rem3A_497 = arith.remui %mul3A_490, %rem3A_496 : vector<16xi32>
        %ne3A_498 = arith.constant 0 : i32
        %ne3A_499 = vector.broadcast %ne3A_498 : i32 to vector<16xi32>
        %ne3A_500 = arith.cmpi ne, %rem3A_497, %ne3A_499 : vector<16xi32>
        %lt3A_501 = arith.constant 0 : i32
        %lt3A_502 = vector.broadcast %lt3A_501 : i32 to vector<16xi32>
        %lt3A_503 = arith.cmpi ult, %rem3A_497, %lt3A_502 : vector<16xi32>
        %lt3A_504 = arith.constant 0 : i32
        %lt3A_505 = arith.cmpi ult, %select_n3A_495, %lt3A_504 : i32
        %ne3A_506 = vector.broadcast %lt3A_505 : i1 to vector<16xi1>
        %ne3A_507 = vector.broadcast %ne3A_506 : vector<16xi1> to vector<16xi1>
        %ne3A_508 = arith.xori %lt3A_503, %ne3A_507 : vector<16xi1>
        %and3A_509 = arith.andi %ne3A_508, %ne3A_500 : vector<16xi1>
        %add3A_510 = vector.broadcast %select_n3A_495 : i32 to vector<16xi32>
        %add3A_511 = arith.addi %rem3A_497, %add3A_510 : vector<16xi32>
        %select_n3A_512 = arith.select %and3A_509, %add3A_511, %rem3A_497 : vector<16xi1>, vector<16xi32>
        %jit3A_513 = arith.constant 7 : i32
        %eq3A_514 = arith.constant 0 : i32
        %eq3A_515 = arith.cmpi eq, %jit3A_513, %eq3A_514 : i32
        %jit3A_516 = arith.constant 1 : i32
        %select_n3A_517 = arith.select %eq3A_515, %jit3A_516, %jit3A_513 : i32
        %rem3A_518 = vector.broadcast %select_n3A_517 : i32 to vector<16xi32>
        %rem3A_519 = arith.remui %mul3A_490, %rem3A_518 : vector<16xi32>
        %ne3A_520 = arith.constant 0 : i32
        %ne3A_521 = vector.broadcast %ne3A_520 : i32 to vector<16xi32>
        %ne3A_522 = arith.cmpi ne, %rem3A_519, %ne3A_521 : vector<16xi32>
        %lt3A_523 = arith.constant 0 : i32
        %lt3A_524 = vector.broadcast %lt3A_523 : i32 to vector<16xi32>
        %lt3A_525 = arith.cmpi ult, %rem3A_519, %lt3A_524 : vector<16xi32>
        %lt3A_526 = arith.constant 0 : i32
        %lt3A_527 = arith.cmpi ult, %select_n3A_517, %lt3A_526 : i32
        %ne3A_528 = vector.broadcast %lt3A_527 : i1 to vector<16xi1>
        %ne3A_529 = vector.broadcast %ne3A_528 : vector<16xi1> to vector<16xi1>
        %ne3A_530 = arith.xori %lt3A_525, %ne3A_529 : vector<16xi1>
        %and3A_531 = arith.andi %ne3A_530, %ne3A_522 : vector<16xi1>
        %add3A_532 = vector.broadcast %select_n3A_517 : i32 to vector<16xi32>
        %add3A_533 = arith.addi %rem3A_519, %add3A_532 : vector<16xi32>
        %select_n3A_534 = arith.select %and3A_531, %add3A_533, %rem3A_519 : vector<16xi1>, vector<16xi32>
        %ne3A_535 = arith.constant 0 : i32
        %ne3A_536 = vector.broadcast %ne3A_535 : i32 to vector<16xi32>
        %ne3A_537 = arith.cmpi ne, %select_n3A_534, %ne3A_536 : vector<16xi32>
        %jit3A_538 = arith.constant 1.000000e+00 : f32
        %jit3A_539 = arith.constant 0.000000e+00 : f32
        %broadcast_in_dim3A = vector.broadcast %jit3A_538 : f32 to vector<16xf32>
        %broadcast_in_dim3A_540 = vector.broadcast %jit3A_539 : f32 to vector<16xf32>
        %select_n3A_541 = arith.select %ne3A_537, %broadcast_in_dim3A, %broadcast_in_dim3A_540 : vector<16xi1>, vector<16xf32>
        %shift_right_logical3A = arith.constant 3 : i32
        %shift_right_logical3A_542 = vector.broadcast %shift_right_logical3A : i32 to vector<16xi32>
        %shift_right_logical3A_543 = arith.shrui %mul3A_490, %shift_right_logical3A_542 : vector<16xi32>
        %jit3A_544 = arith.constant 1024 : i32
        %eq3A_545 = arith.constant 0 : i32
        %eq3A_546 = arith.cmpi eq, %jit3A_544, %eq3A_545 : i32
        %jit3A_547 = arith.constant 1 : i32
        %select_n3A_548 = arith.select %eq3A_546, %jit3A_547, %jit3A_544 : i32
        %rem3A_549 = vector.broadcast %select_n3A_548 : i32 to vector<16xi32>
        %rem3A_550 = arith.remui %shift_right_logical3A_543, %rem3A_549 : vector<16xi32>
        %ne3A_551 = arith.constant 0 : i32
        %ne3A_552 = vector.broadcast %ne3A_551 : i32 to vector<16xi32>
        %ne3A_553 = arith.cmpi ne, %rem3A_550, %ne3A_552 : vector<16xi32>
        %lt3A_554 = arith.constant 0 : i32
        %lt3A_555 = vector.broadcast %lt3A_554 : i32 to vector<16xi32>
        %lt3A_556 = arith.cmpi ult, %rem3A_550, %lt3A_555 : vector<16xi32>
        %lt3A_557 = arith.constant 0 : i32
        %lt3A_558 = arith.cmpi ult, %select_n3A_548, %lt3A_557 : i32
        %ne3A_559 = vector.broadcast %lt3A_558 : i1 to vector<16xi1>
        %ne3A_560 = vector.broadcast %ne3A_559 : vector<16xi1> to vector<16xi1>
        %ne3A_561 = arith.xori %lt3A_556, %ne3A_560 : vector<16xi1>
        %and3A_562 = arith.andi %ne3A_561, %ne3A_553 : vector<16xi1>
        %add3A_563 = vector.broadcast %select_n3A_548 : i32 to vector<16xi32>
        %add3A_564 = arith.addi %rem3A_550, %add3A_563 : vector<16xi32>
        %select_n3A_565 = arith.select %and3A_562, %add3A_564, %rem3A_550 : vector<16xi1>, vector<16xi32>
        %convert_element_type3A_566 = arith.uitofp %select_n3A_565 : vector<16xi32> to vector<16xf32>
        %add3A_567 = arith.constant 1.000000e+00 : f32
        %add3A_568 = vector.broadcast %add3A_567 : f32 to vector<16xf32>
        %add3A_569 = arith.addf %convert_element_type3A_566, %add3A_568 : vector<16xf32>
        %shift_right_logical3A_570 = arith.constant 13 : i32
        %shift_right_logical3A_571 = vector.broadcast %shift_right_logical3A_570 : i32 to vector<16xi32>
        %shift_right_logical3A_572 = arith.shrui %mul3A_490, %shift_right_logical3A_571 : vector<16xi32>
        %jit3A_573 = arith.constant 1024 : i32
        %eq3A_574 = arith.constant 0 : i32
        %eq3A_575 = arith.cmpi eq, %jit3A_573, %eq3A_574 : i32
        %jit3A_576 = arith.constant 1 : i32
        %select_n3A_577 = arith.select %eq3A_575, %jit3A_576, %jit3A_573 : i32
        %rem3A_578 = vector.broadcast %select_n3A_577 : i32 to vector<16xi32>
        %rem3A_579 = arith.remui %shift_right_logical3A_572, %rem3A_578 : vector<16xi32>
        %ne3A_580 = arith.constant 0 : i32
        %ne3A_581 = vector.broadcast %ne3A_580 : i32 to vector<16xi32>
        %ne3A_582 = arith.cmpi ne, %rem3A_579, %ne3A_581 : vector<16xi32>
        %lt3A_583 = arith.constant 0 : i32
        %lt3A_584 = vector.broadcast %lt3A_583 : i32 to vector<16xi32>
        %lt3A_585 = arith.cmpi ult, %rem3A_579, %lt3A_584 : vector<16xi32>
        %lt3A_586 = arith.constant 0 : i32
        %lt3A_587 = arith.cmpi ult, %select_n3A_577, %lt3A_586 : i32
        %ne3A_588 = vector.broadcast %lt3A_587 : i1 to vector<16xi1>
        %ne3A_589 = vector.broadcast %ne3A_588 : vector<16xi1> to vector<16xi1>
        %ne3A_590 = arith.xori %lt3A_585, %ne3A_589 : vector<16xi1>
        %and3A_591 = arith.andi %ne3A_590, %ne3A_582 : vector<16xi1>
        %add3A_592 = vector.broadcast %select_n3A_577 : i32 to vector<16xi32>
        %add3A_593 = arith.addi %rem3A_579, %add3A_592 : vector<16xi32>
        %select_n3A_594 = arith.select %and3A_591, %add3A_593, %rem3A_579 : vector<16xi1>, vector<16xi32>
        %convert_element_type3A_595 = arith.uitofp %select_n3A_594 : vector<16xi32> to vector<16xf32>
        %add3A_596 = arith.constant 1.000000e+00 : f32
        %add3A_597 = vector.broadcast %add3A_596 : f32 to vector<16xf32>
        %add3A_598 = arith.addf %convert_element_type3A_595, %add3A_597 : vector<16xf32>
        %shift_right_logical3A_599 = arith.constant 23 : i32
        %shift_right_logical3A_600 = vector.broadcast %shift_right_logical3A_599 : i32 to vector<16xi32>
        %shift_right_logical3A_601 = arith.shrui %mul3A_490, %shift_right_logical3A_600 : vector<16xi32>
        %jit3A_602 = arith.constant 512 : i32
        %eq3A_603 = arith.constant 0 : i32
        %eq3A_604 = arith.cmpi eq, %jit3A_602, %eq3A_603 : i32
        %jit3A_605 = arith.constant 1 : i32
        %select_n3A_606 = arith.select %eq3A_604, %jit3A_605, %jit3A_602 : i32
        %rem3A_607 = vector.broadcast %select_n3A_606 : i32 to vector<16xi32>
        %rem3A_608 = arith.remui %shift_right_logical3A_601, %rem3A_607 : vector<16xi32>
        %ne3A_609 = arith.constant 0 : i32
        %ne3A_610 = vector.broadcast %ne3A_609 : i32 to vector<16xi32>
        %ne3A_611 = arith.cmpi ne, %rem3A_608, %ne3A_610 : vector<16xi32>
        %lt3A_612 = arith.constant 0 : i32
        %lt3A_613 = vector.broadcast %lt3A_612 : i32 to vector<16xi32>
        %lt3A_614 = arith.cmpi ult, %rem3A_608, %lt3A_613 : vector<16xi32>
        %lt3A_615 = arith.constant 0 : i32
        %lt3A_616 = arith.cmpi ult, %select_n3A_606, %lt3A_615 : i32
        %ne3A_617 = vector.broadcast %lt3A_616 : i1 to vector<16xi1>
        %ne3A_618 = vector.broadcast %ne3A_617 : vector<16xi1> to vector<16xi1>
        %ne3A_619 = arith.xori %lt3A_614, %ne3A_618 : vector<16xi1>
        %and3A_620 = arith.andi %ne3A_619, %ne3A_611 : vector<16xi1>
        %add3A_621 = vector.broadcast %select_n3A_606 : i32 to vector<16xi32>
        %add3A_622 = arith.addi %rem3A_608, %add3A_621 : vector<16xi32>
        %select_n3A_623 = arith.select %and3A_620, %add3A_622, %rem3A_608 : vector<16xi1>, vector<16xi32>
        %convert_element_type3A_624 = arith.uitofp %select_n3A_623 : vector<16xi32> to vector<16xf32>
        %add3A_625 = arith.constant 1.000000e+00 : f32
        %add3A_626 = vector.broadcast %add3A_625 : f32 to vector<16xf32>
        %add3A_627 = arith.addf %convert_element_type3A_624, %add3A_626 : vector<16xf32>
        %add3A_628 = arith.addf %add3A_569, %add3A_598 : vector<16xf32>
        %add3A_629 = arith.addf %add3A_628, %add3A_627 : vector<16xf32>
        %div3A_630 = arith.divf %select_n3A_541, %add3A_629 : vector<16xf32>
        %mul3A_631 = arith.mulf %add3A_569, %div3A_630 : vector<16xf32>
        %mul3A_632 = arith.mulf %add3A_598, %div3A_630 : vector<16xf32>
        %mul3A_633 = arith.mulf %add3A_627, %div3A_630 : vector<16xf32>
        %jit3A_634 = arith.constant 8 : i32
        %div3A_635 = arith.divsi %scan3A_481, %jit3A_634 : i32
        %sign3A_636 = arith.constant 0 : i32
        %sign3A_637 = arith.cmpi sgt, %scan3A_481, %sign3A_636 : i32
        %sign3A_638 = arith.extui %sign3A_637 : i1 to i32
        %sign3A_639 = arith.constant 0 : i32
        %sign3A_640 = arith.cmpi slt, %scan3A_481, %sign3A_639 : i32
        %sign3A_641 = arith.extui %sign3A_640 : i1 to i32
        %sign3A_642 = arith.subi %sign3A_638, %sign3A_641 : i32
        %sign3A_643 = arith.constant 0 : i32
        %sign3A_644 = arith.cmpi sgt, %jit3A_634, %sign3A_643 : i32
        %sign3A_645 = arith.extui %sign3A_644 : i1 to i32
        %sign3A_646 = arith.constant 0 : i32
        %sign3A_647 = arith.cmpi slt, %jit3A_634, %sign3A_646 : i32
        %sign3A_648 = arith.extui %sign3A_647 : i1 to i32
        %sign3A_649 = arith.subi %sign3A_645, %sign3A_648 : i32
        %ne3A_650 = arith.cmpi ne, %sign3A_642, %sign3A_649 : i32
        %rem3A_651 = arith.remsi %scan3A_481, %jit3A_634 : i32
        %ne3A_652 = arith.constant 0 : i32
        %ne3A_653 = arith.cmpi ne, %rem3A_651, %ne3A_652 : i32
        %and3A_654 = arith.andi %ne3A_650, %ne3A_653 : i1
        %sub3A_655 = arith.constant 1 : i32
        %sub3A_656 = arith.subi %div3A_635, %sub3A_655 : i32
        %select_n3A_657 = arith.select %and3A_654, %sub3A_656, %div3A_635 : i32
        %jit3A_658 = arith.constant 8 : i32
        %eq3A_659 = arith.constant 0 : i32
        %eq3A_660 = arith.cmpi eq, %jit3A_658, %eq3A_659 : i32
        %jit3A_661 = arith.constant 1 : i32
        %select_n3A_662 = arith.select %eq3A_660, %jit3A_661, %jit3A_658 : i32
        %rem3A_663 = arith.remsi %scan3A_481, %select_n3A_662 : i32
        %ne3A_664 = arith.constant 0 : i32
        %ne3A_665 = arith.cmpi ne, %rem3A_663, %ne3A_664 : i32
        %lt3A_666 = arith.constant 0 : i32
        %lt3A_667 = arith.cmpi slt, %rem3A_663, %lt3A_666 : i32
        %lt3A_668 = arith.constant 0 : i32
        %lt3A_669 = arith.cmpi slt, %select_n3A_662, %lt3A_668 : i32
        %ne3A_670 = arith.xori %lt3A_667, %lt3A_669 : i1
        %and3A_671 = arith.andi %ne3A_670, %ne3A_665 : i1
        %add3A_672 = arith.addi %rem3A_663, %select_n3A_662 : i32
        %select_n3A_673 = arith.select %and3A_671, %add3A_672, %rem3A_663 : i32
        %mul3A_674 = arith.constant 16 : i32
        %mul3A_675 = arith.muli %select_n3A_673, %mul3A_674 : i32
        %swap3A = arith.index_cast %select_n3A_657 : i32 to index
        %swap3A_676 = arith.index_cast %mul3A_675 : i32 to index
        %swap3A_677 = tpu.vector_load %arg5[%swap3A, %swap3A_676] {strides = array<i32>} : memref<4x128xi32, #tpu.memory_space<vmem>>, vector<16xi32>,
        tpu.vector_store %arg5[%swap3A, %swap3A_676], %select_n3A_512 {strides = array<i32>} : memref<4x128xi32, #tpu.memory_space<vmem>>, vector<16xi32>,
        %mul3A_678 = arith.constant 16 : i32
        %mul3A_679 = arith.muli %scan3A_481, %mul3A_678 : i32
        %swap3A_680 = arith.constant 0 : i32
        %swap3A_681 = arith.index_cast %swap3A_680 : i32 to index
        %swap3A_682 = arith.index_cast %mul3A_679 : i32 to index
        %swap3A_683 = tpu.vector_load %arg7[%swap3A_681, %swap3A_682] {strides = array<i32>} : memref<3x512xf32, #tpu.memory_space<vmem>>, vector<16xf32>,
        tpu.vector_store %arg7[%swap3A_681, %swap3A_682], %mul3A_631 {strides = array<i32>} : memref<3x512xf32, #tpu.memory_space<vmem>>, vector<16xf32>,
        %mul3A_684 = arith.constant 16 : i32
        %mul3A_685 = arith.muli %scan3A_481, %mul3A_684 : i32
        %swap3A_686 = arith.constant 1 : i32
        %swap3A_687 = arith.index_cast %swap3A_686 : i32 to index
        %swap3A_688 = arith.index_cast %mul3A_685 : i32 to index
        %swap3A_689 = tpu.vector_load %arg7[%swap3A_687, %swap3A_688] {strides = array<i32>} : memref<3x512xf32, #tpu.memory_space<vmem>>, vector<16xf32>,
        tpu.vector_store %arg7[%swap3A_687, %swap3A_688], %mul3A_632 {strides = array<i32>} : memref<3x512xf32, #tpu.memory_space<vmem>>, vector<16xf32>,
        %mul3A_690 = arith.constant 16 : i32
        %mul3A_691 = arith.muli %scan3A_481, %mul3A_690 : i32
        %swap3A_692 = arith.constant 2 : i32
        %swap3A_693 = arith.index_cast %swap3A_692 : i32 to index
        %swap3A_694 = arith.index_cast %mul3A_691 : i32 to index
        %swap3A_695 = tpu.vector_load %arg7[%swap3A_693, %swap3A_694] {strides = array<i32>} : memref<3x512xf32, #tpu.memory_space<vmem>>, vector<16xf32>,
        tpu.vector_store %arg7[%swap3A_693, %swap3A_694], %mul3A_633 {strides = array<i32>} : memref<3x512xf32, #tpu.memory_space<vmem>>, vector<16xf32>,
        %scan3A_696 = arith.constant 0 : i32
        %scan3A_697 = arith.constant 1 : i32
        %scan3A_698 = arith.addi %scan3A_481, %scan3A_697 : i32
        %mul3A_699 = arith.constant 16 : i32
        %mul3A_700 = arith.muli %scan3A_698, %mul3A_699 : i32
        %add3A_701 = arith.addi %add3A_222, %mul3A_700 : i32
        %add3A_702 = vector.broadcast %add3A_701 : i32 to vector<16xi32>
        %add3A_703 = arith.addi %add3A_702, %iota3A : vector<16xi32>
        %mul3A_704 = arith.constant -1640531535 : i32
        %mul3A_705 = vector.broadcast %mul3A_704 : i32 to vector<16xi32>
        %mul3A_706 = arith.muli %add3A_703, %mul3A_705 : vector<16xi32>
        %jit3A_707 = arith.constant 400000 : i32
        %eq3A_708 = arith.constant 0 : i32
        %eq3A_709 = arith.cmpi eq, %jit3A_707, %eq3A_708 : i32
        %jit3A_710 = arith.constant 1 : i32
        %select_n3A_711 = arith.select %eq3A_709, %jit3A_710, %jit3A_707 : i32
        %rem3A_712 = vector.broadcast %select_n3A_711 : i32 to vector<16xi32>
        %rem3A_713 = arith.remui %mul3A_706, %rem3A_712 : vector<16xi32>
        %ne3A_714 = arith.constant 0 : i32
        %ne3A_715 = vector.broadcast %ne3A_714 : i32 to vector<16xi32>
        %ne3A_716 = arith.cmpi ne, %rem3A_713, %ne3A_715 : vector<16xi32>
        %lt3A_717 = arith.constant 0 : i32
        %lt3A_718 = vector.broadcast %lt3A_717 : i32 to vector<16xi32>
        %lt3A_719 = arith.cmpi ult, %rem3A_713, %lt3A_718 : vector<16xi32>
        %lt3A_720 = arith.constant 0 : i32
        %lt3A_721 = arith.cmpi ult, %select_n3A_711, %lt3A_720 : i32
        %ne3A_722 = vector.broadcast %lt3A_721 : i1 to vector<16xi1>
        %ne3A_723 = vector.broadcast %ne3A_722 : vector<16xi1> to vector<16xi1>
        %ne3A_724 = arith.xori %lt3A_719, %ne3A_723 : vector<16xi1>
        %and3A_725 = arith.andi %ne3A_724, %ne3A_716 : vector<16xi1>
        %add3A_726 = vector.broadcast %select_n3A_711 : i32 to vector<16xi32>
        %add3A_727 = arith.addi %rem3A_713, %add3A_726 : vector<16xi32>
        %select_n3A_728 = arith.select %and3A_725, %add3A_727, %rem3A_713 : vector<16xi1>, vector<16xi32>
        %jit3A_729 = arith.constant 7 : i32
        %eq3A_730 = arith.constant 0 : i32
        %eq3A_731 = arith.cmpi eq, %jit3A_729, %eq3A_730 : i32
        %jit3A_732 = arith.constant 1 : i32
        %select_n3A_733 = arith.select %eq3A_731, %jit3A_732, %jit3A_729 : i32
        %rem3A_734 = vector.broadcast %select_n3A_733 : i32 to vector<16xi32>
        %rem3A_735 = arith.remui %mul3A_706, %rem3A_734 : vector<16xi32>
        %ne3A_736 = arith.constant 0 : i32
        %ne3A_737 = vector.broadcast %ne3A_736 : i32 to vector<16xi32>
        %ne3A_738 = arith.cmpi ne, %rem3A_735, %ne3A_737 : vector<16xi32>
        %lt3A_739 = arith.constant 0 : i32
        %lt3A_740 = vector.broadcast %lt3A_739 : i32 to vector<16xi32>
        %lt3A_741 = arith.cmpi ult, %rem3A_735, %lt3A_740 : vector<16xi32>
        %lt3A_742 = arith.constant 0 : i32
        %lt3A_743 = arith.cmpi ult, %select_n3A_733, %lt3A_742 : i32
        %ne3A_744 = vector.broadcast %lt3A_743 : i1 to vector<16xi1>
        %ne3A_745 = vector.broadcast %ne3A_744 : vector<16xi1> to vector<16xi1>
        %ne3A_746 = arith.xori %lt3A_741, %ne3A_745 : vector<16xi1>
        %and3A_747 = arith.andi %ne3A_746, %ne3A_738 : vector<16xi1>
        %add3A_748 = vector.broadcast %select_n3A_733 : i32 to vector<16xi32>
        %add3A_749 = arith.addi %rem3A_735, %add3A_748 : vector<16xi32>
        %select_n3A_750 = arith.select %and3A_747, %add3A_749, %rem3A_735 : vector<16xi1>, vector<16xi32>
        %ne3A_751 = arith.constant 0 : i32
        %ne3A_752 = vector.broadcast %ne3A_751 : i32 to vector<16xi32>
        %ne3A_753 = arith.cmpi ne, %select_n3A_750, %ne3A_752 : vector<16xi32>
        %jit3A_754 = arith.constant 1.000000e+00 : f32
        %jit3A_755 = arith.constant 0.000000e+00 : f32
        %broadcast_in_dim3A_756 = vector.broadcast %jit3A_754 : f32 to vector<16xf32>
        %broadcast_in_dim3A_757 = vector.broadcast %jit3A_755 : f32 to vector<16xf32>
        %select_n3A_758 = arith.select %ne3A_753, %broadcast_in_dim3A_756, %broadcast_in_dim3A_757 : vector<16xi1>, vector<16xf32>
        %shift_right_logical3A_759 = arith.constant 3 : i32
        %shift_right_logical3A_760 = vector.broadcast %shift_right_logical3A_759 : i32 to vector<16xi32>
        %shift_right_logical3A_761 = arith.shrui %mul3A_706, %shift_right_logical3A_760 : vector<16xi32>
        %jit3A_762 = arith.constant 1024 : i32
        %eq3A_763 = arith.constant 0 : i32
        %eq3A_764 = arith.cmpi eq, %jit3A_762, %eq3A_763 : i32
        %jit3A_765 = arith.constant 1 : i32
        %select_n3A_766 = arith.select %eq3A_764, %jit3A_765, %jit3A_762 : i32
        %rem3A_767 = vector.broadcast %select_n3A_766 : i32 to vector<16xi32>
        %rem3A_768 = arith.remui %shift_right_logical3A_761, %rem3A_767 : vector<16xi32>
        %ne3A_769 = arith.constant 0 : i32
        %ne3A_770 = vector.broadcast %ne3A_769 : i32 to vector<16xi32>
        %ne3A_771 = arith.cmpi ne, %rem3A_768, %ne3A_770 : vector<16xi32>
        %lt3A_772 = arith.constant 0 : i32
        %lt3A_773 = vector.broadcast %lt3A_772 : i32 to vector<16xi32>
        %lt3A_774 = arith.cmpi ult, %rem3A_768, %lt3A_773 : vector<16xi32>
        %lt3A_775 = arith.constant 0 : i32
        %lt3A_776 = arith.cmpi ult, %select_n3A_766, %lt3A_775 : i32
        %ne3A_777 = vector.broadcast %lt3A_776 : i1 to vector<16xi1>
        %ne3A_778 = vector.broadcast %ne3A_777 : vector<16xi1> to vector<16xi1>
        %ne3A_779 = arith.xori %lt3A_774, %ne3A_778 : vector<16xi1>
        %and3A_780 = arith.andi %ne3A_779, %ne3A_771 : vector<16xi1>
        %add3A_781 = vector.broadcast %select_n3A_766 : i32 to vector<16xi32>
        %add3A_782 = arith.addi %rem3A_768, %add3A_781 : vector<16xi32>
        %select_n3A_783 = arith.select %and3A_780, %add3A_782, %rem3A_768 : vector<16xi1>, vector<16xi32>
        %convert_element_type3A_784 = arith.uitofp %select_n3A_783 : vector<16xi32> to vector<16xf32>
        %add3A_785 = arith.constant 1.000000e+00 : f32
        %add3A_786 = vector.broadcast %add3A_785 : f32 to vector<16xf32>
        %add3A_787 = arith.addf %convert_element_type3A_784, %add3A_786 : vector<16xf32>
        %shift_right_logical3A_788 = arith.constant 13 : i32
        %shift_right_logical3A_789 = vector.broadcast %shift_right_logical3A_788 : i32 to vector<16xi32>
        %shift_right_logical3A_790 = arith.shrui %mul3A_706, %shift_right_logical3A_789 : vector<16xi32>
        %jit3A_791 = arith.constant 1024 : i32
        %eq3A_792 = arith.constant 0 : i32
        %eq3A_793 = arith.cmpi eq, %jit3A_791, %eq3A_792 : i32
        %jit3A_794 = arith.constant 1 : i32
        %select_n3A_795 = arith.select %eq3A_793, %jit3A_794, %jit3A_791 : i32
        %rem3A_796 = vector.broadcast %select_n3A_795 : i32 to vector<16xi32>
        %rem3A_797 = arith.remui %shift_right_logical3A_790, %rem3A_796 : vector<16xi32>
        %ne3A_798 = arith.constant 0 : i32
        %ne3A_799 = vector.broadcast %ne3A_798 : i32 to vector<16xi32>
        %ne3A_800 = arith.cmpi ne, %rem3A_797, %ne3A_799 : vector<16xi32>
        %lt3A_801 = arith.constant 0 : i32
        %lt3A_802 = vector.broadcast %lt3A_801 : i32 to vector<16xi32>
        %lt3A_803 = arith.cmpi ult, %rem3A_797, %lt3A_802 : vector<16xi32>
        %lt3A_804 = arith.constant 0 : i32
        %lt3A_805 = arith.cmpi ult, %select_n3A_795, %lt3A_804 : i32
        %ne3A_806 = vector.broadcast %lt3A_805 : i1 to vector<16xi1>
        %ne3A_807 = vector.broadcast %ne3A_806 : vector<16xi1> to vector<16xi1>
        %ne3A_808 = arith.xori %lt3A_803, %ne3A_807 : vector<16xi1>
        %and3A_809 = arith.andi %ne3A_808, %ne3A_800 : vector<16xi1>
        %add3A_810 = vector.broadcast %select_n3A_795 : i32 to vector<16xi32>
        %add3A_811 = arith.addi %rem3A_797, %add3A_810 : vector<16xi32>
        %select_n3A_812 = arith.select %and3A_809, %add3A_811, %rem3A_797 : vector<16xi1>, vector<16xi32>
        %convert_element_type3A_813 = arith.uitofp %select_n3A_812 : vector<16xi32> to vector<16xf32>
        %add3A_814 = arith.constant 1.000000e+00 : f32
        %add3A_815 = vector.broadcast %add3A_814 : f32 to vector<16xf32>
        %add3A_816 = arith.addf %convert_element_type3A_813, %add3A_815 : vector<16xf32>
        %shift_right_logical3A_817 = arith.constant 23 : i32
        %shift_right_logical3A_818 = vector.broadcast %shift_right_logical3A_817 : i32 to vector<16xi32>
        %shift_right_logical3A_819 = arith.shrui %mul3A_706, %shift_right_logical3A_818 : vector<16xi32>
        %jit3A_820 = arith.constant 512 : i32
        %eq3A_821 = arith.constant 0 : i32
        %eq3A_822 = arith.cmpi eq, %jit3A_820, %eq3A_821 : i32
        %jit3A_823 = arith.constant 1 : i32
        %select_n3A_824 = arith.select %eq3A_822, %jit3A_823, %jit3A_820 : i32
        %rem3A_825 = vector.broadcast %select_n3A_824 : i32 to vector<16xi32>
        %rem3A_826 = arith.remui %shift_right_logical3A_819, %rem3A_825 : vector<16xi32>
        %ne3A_827 = arith.constant 0 : i32
        %ne3A_828 = vector.broadcast %ne3A_827 : i32 to vector<16xi32>
        %ne3A_829 = arith.cmpi ne, %rem3A_826, %ne3A_828 : vector<16xi32>
        %lt3A_830 = arith.constant 0 : i32
        %lt3A_831 = vector.broadcast %lt3A_830 : i32 to vector<16xi32>
        %lt3A_832 = arith.cmpi ult, %rem3A_826, %lt3A_831 : vector<16xi32>
        %lt3A_833 = arith.constant 0 : i32
        %lt3A_834 = arith.cmpi ult, %select_n3A_824, %lt3A_833 : i32
        %ne3A_835 = vector.broadcast %lt3A_834 : i1 to vector<16xi1>
        %ne3A_836 = vector.broadcast %ne3A_835 : vector<16xi1> to vector<16xi1>
        %ne3A_837 = arith.xori %lt3A_832, %ne3A_836 : vector<16xi1>
        %and3A_838 = arith.andi %ne3A_837, %ne3A_829 : vector<16xi1>
        %add3A_839 = vector.broadcast %select_n3A_824 : i32 to vector<16xi32>
        %add3A_840 = arith.addi %rem3A_826, %add3A_839 : vector<16xi32>
        %select_n3A_841 = arith.select %and3A_838, %add3A_840, %rem3A_826 : vector<16xi1>, vector<16xi32>
        %convert_element_type3A_842 = arith.uitofp %select_n3A_841 : vector<16xi32> to vector<16xf32>
        %add3A_843 = arith.constant 1.000000e+00 : f32
        %add3A_844 = vector.broadcast %add3A_843 : f32 to vector<16xf32>
        %add3A_845 = arith.addf %convert_element_type3A_842, %add3A_844 : vector<16xf32>
        %add3A_846 = arith.addf %add3A_787, %add3A_816 : vector<16xf32>
        %add3A_847 = arith.addf %add3A_846, %add3A_845 : vector<16xf32>
        %div3A_848 = arith.divf %select_n3A_758, %add3A_847 : vector<16xf32>
        %mul3A_849 = arith.mulf %add3A_787, %div3A_848 : vector<16xf32>
        %mul3A_850 = arith.mulf %add3A_816, %div3A_848 : vector<16xf32>
        %mul3A_851 = arith.mulf %add3A_845, %div3A_848 : vector<16xf32>
        %jit3A_852 = arith.constant 8 : i32
        %div3A_853 = arith.divsi %scan3A_698, %jit3A_852 : i32
        %sign3A_854 = arith.constant 0 : i32
        %sign3A_855 = arith.cmpi sgt, %scan3A_698, %sign3A_854 : i32
        %sign3A_856 = arith.extui %sign3A_855 : i1 to i32
        %sign3A_857 = arith.constant 0 : i32
        %sign3A_858 = arith.cmpi slt, %scan3A_698, %sign3A_857 : i32
        %sign3A_859 = arith.extui %sign3A_858 : i1 to i32
        %sign3A_860 = arith.subi %sign3A_856, %sign3A_859 : i32
        %sign3A_861 = arith.constant 0 : i32
        %sign3A_862 = arith.cmpi sgt, %jit3A_852, %sign3A_861 : i32
        %sign3A_863 = arith.extui %sign3A_862 : i1 to i32
        %sign3A_864 = arith.constant 0 : i32
        %sign3A_865 = arith.cmpi slt, %jit3A_852, %sign3A_864 : i32
        %sign3A_866 = arith.extui %sign3A_865 : i1 to i32
        %sign3A_867 = arith.subi %sign3A_863, %sign3A_866 : i32
        %ne3A_868 = arith.cmpi ne, %sign3A_860, %sign3A_867 : i32
        %rem3A_869 = arith.remsi %scan3A_698, %jit3A_852 : i32
        %ne3A_870 = arith.constant 0 : i32
        %ne3A_871 = arith.cmpi ne, %rem3A_869, %ne3A_870 : i32
        %and3A_872 = arith.andi %ne3A_868, %ne3A_871 : i1
        %sub3A_873 = arith.constant 1 : i32
        %sub3A_874 = arith.subi %div3A_853, %sub3A_873 : i32
        %select_n3A_875 = arith.select %and3A_872, %sub3A_874, %div3A_853 : i32
        %jit3A_876 = arith.constant 8 : i32
        %eq3A_877 = arith.constant 0 : i32
        %eq3A_878 = arith.cmpi eq, %jit3A_876, %eq3A_877 : i32
        %jit3A_879 = arith.constant 1 : i32
        %select_n3A_880 = arith.select %eq3A_878, %jit3A_879, %jit3A_876 : i32
        %rem3A_881 = arith.remsi %scan3A_698, %select_n3A_880 : i32
        %ne3A_882 = arith.constant 0 : i32
        %ne3A_883 = arith.cmpi ne, %rem3A_881, %ne3A_882 : i32
        %lt3A_884 = arith.constant 0 : i32
        %lt3A_885 = arith.cmpi slt, %rem3A_881, %lt3A_884 : i32
        %lt3A_886 = arith.constant 0 : i32
        %lt3A_887 = arith.cmpi slt, %select_n3A_880, %lt3A_886 : i32
        %ne3A_888 = arith.xori %lt3A_885, %lt3A_887 : i1
        %and3A_889 = arith.andi %ne3A_888, %ne3A_883 : i1
        %add3A_890 = arith.addi %rem3A_881, %select_n3A_880 : i32
        %select_n3A_891 = arith.select %and3A_889, %add3A_890, %rem3A_881 : i32
        %mul3A_892 = arith.constant 16 : i32
        %mul3A_893 = arith.muli %select_n3A_891, %mul3A_892 : i32
        %swap3A_894 = arith.index_cast %select_n3A_875 : i32 to index
        %swap3A_895 = arith.index_cast %mul3A_893 : i32 to index
        %swap3A_896 = tpu.vector_load %arg5[%swap3A_894, %swap3A_895] {strides = array<i32>} : memref<4x128xi32, #tpu.memory_space<vmem>>, vector<16xi32>,
        tpu.vector_store %arg5[%swap3A_894, %swap3A_895], %select_n3A_728 {strides = array<i32>} : memref<4x128xi32, #tpu.memory_space<vmem>>, vector<16xi32>,
        %mul3A_897 = arith.constant 16 : i32
        %mul3A_898 = arith.muli %scan3A_698, %mul3A_897 : i32
        %swap3A_899 = arith.constant 0 : i32
        %swap3A_900 = arith.index_cast %swap3A_899 : i32 to index
        %swap3A_901 = arith.index_cast %mul3A_898 : i32 to index
        %swap3A_902 = tpu.vector_load %arg7[%swap3A_900, %swap3A_901] {strides = array<i32>} : memref<3x512xf32, #tpu.memory_space<vmem>>, vector<16xf32>,
        tpu.vector_store %arg7[%swap3A_900, %swap3A_901], %mul3A_849 {strides = array<i32>} : memref<3x512xf32, #tpu.memory_space<vmem>>, vector<16xf32>,
        %mul3A_903 = arith.constant 16 : i32
        %mul3A_904 = arith.muli %scan3A_698, %mul3A_903 : i32
        %swap3A_905 = arith.constant 1 : i32
        %swap3A_906 = arith.index_cast %swap3A_905 : i32 to index
        %swap3A_907 = arith.index_cast %mul3A_904 : i32 to index
        %swap3A_908 = tpu.vector_load %arg7[%swap3A_906, %swap3A_907] {strides = array<i32>} : memref<3x512xf32, #tpu.memory_space<vmem>>, vector<16xf32>,
        tpu.vector_store %arg7[%swap3A_906, %swap3A_907], %mul3A_850 {strides = array<i32>} : memref<3x512xf32, #tpu.memory_space<vmem>>, vector<16xf32>,
        %mul3A_909 = arith.constant 16 : i32
        %mul3A_910 = arith.muli %scan3A_698, %mul3A_909 : i32
        %swap3A_911 = arith.constant 2 : i32
        %swap3A_912 = arith.index_cast %swap3A_911 : i32 to index
        %swap3A_913 = arith.index_cast %mul3A_910 : i32 to index
        %swap3A_914 = tpu.vector_load %arg7[%swap3A_912, %swap3A_913] {strides = array<i32>} : memref<3x512xf32, #tpu.memory_space<vmem>>, vector<16xf32>,
        tpu.vector_store %arg7[%swap3A_912, %swap3A_913], %mul3A_851 {strides = array<i32>} : memref<3x512xf32, #tpu.memory_space<vmem>>, vector<16xf32>,
        %scan3A_915 = arith.constant 0 : i32
        %scan3A_916 = arith.constant 2 : i32
        %scan3A_917 = arith.addi %scan3A_481, %scan3A_916 : i32
        %mul3A_918 = arith.constant 16 : i32
        %mul3A_919 = arith.muli %scan3A_917, %mul3A_918 : i32
        %add3A_920 = arith.addi %add3A_222, %mul3A_919 : i32
        %add3A_921 = vector.broadcast %add3A_920 : i32 to vector<16xi32>
        %add3A_922 = arith.addi %add3A_921, %iota3A : vector<16xi32>
        %mul3A_923 = arith.constant -1640531535 : i32
        %mul3A_924 = vector.broadcast %mul3A_923 : i32 to vector<16xi32>
        %mul3A_925 = arith.muli %add3A_922, %mul3A_924 : vector<16xi32>
        %jit3A_926 = arith.constant 400000 : i32
        %eq3A_927 = arith.constant 0 : i32
        %eq3A_928 = arith.cmpi eq, %jit3A_926, %eq3A_927 : i32
        %jit3A_929 = arith.constant 1 : i32
        %select_n3A_930 = arith.select %eq3A_928, %jit3A_929, %jit3A_926 : i32
        %rem3A_931 = vector.broadcast %select_n3A_930 : i32 to vector<16xi32>
        %rem3A_932 = arith.remui %mul3A_925, %rem3A_931 : vector<16xi32>
        %ne3A_933 = arith.constant 0 : i32
        %ne3A_934 = vector.broadcast %ne3A_933 : i32 to vector<16xi32>
        %ne3A_935 = arith.cmpi ne, %rem3A_932, %ne3A_934 : vector<16xi32>
        %lt3A_936 = arith.constant 0 : i32
        %lt3A_937 = vector.broadcast %lt3A_936 : i32 to vector<16xi32>
        %lt3A_938 = arith.cmpi ult, %rem3A_932, %lt3A_937 : vector<16xi32>
        %lt3A_939 = arith.constant 0 : i32
        %lt3A_940 = arith.cmpi ult, %select_n3A_930, %lt3A_939 : i32
        %ne3A_941 = vector.broadcast %lt3A_940 : i1 to vector<16xi1>
        %ne3A_942 = vector.broadcast %ne3A_941 : vector<16xi1> to vector<16xi1>
        %ne3A_943 = arith.xori %lt3A_938, %ne3A_942 : vector<16xi1>
        %and3A_944 = arith.andi %ne3A_943, %ne3A_935 : vector<16xi1>
        %add3A_945 = vector.broadcast %select_n3A_930 : i32 to vector<16xi32>
        %add3A_946 = arith.addi %rem3A_932, %add3A_945 : vector<16xi32>
        %select_n3A_947 = arith.select %and3A_944, %add3A_946, %rem3A_932 : vector<16xi1>, vector<16xi32>
        %jit3A_948 = arith.constant 7 : i32
        %eq3A_949 = arith.constant 0 : i32
        %eq3A_950 = arith.cmpi eq, %jit3A_948, %eq3A_949 : i32
        %jit3A_951 = arith.constant 1 : i32
        %select_n3A_952 = arith.select %eq3A_950, %jit3A_951, %jit3A_948 : i32
        %rem3A_953 = vector.broadcast %select_n3A_952 : i32 to vector<16xi32>
        %rem3A_954 = arith.remui %mul3A_925, %rem3A_953 : vector<16xi32>
        %ne3A_955 = arith.constant 0 : i32
        %ne3A_956 = vector.broadcast %ne3A_955 : i32 to vector<16xi32>
        %ne3A_957 = arith.cmpi ne, %rem3A_954, %ne3A_956 : vector<16xi32>
        %lt3A_958 = arith.constant 0 : i32
        %lt3A_959 = vector.broadcast %lt3A_958 : i32 to vector<16xi32>
        %lt3A_960 = arith.cmpi ult, %rem3A_954, %lt3A_959 : vector<16xi32>
        %lt3A_961 = arith.constant 0 : i32
        %lt3A_962 = arith.cmpi ult, %select_n3A_952, %lt3A_961 : i32
        %ne3A_963 = vector.broadcast %lt3A_962 : i1 to vector<16xi1>
        %ne3A_964 = vector.broadcast %ne3A_963 : vector<16xi1> to vector<16xi1>
        %ne3A_965 = arith.xori %lt3A_960, %ne3A_964 : vector<16xi1>
        %and3A_966 = arith.andi %ne3A_965, %ne3A_957 : vector<16xi1>
        %add3A_967 = vector.broadcast %select_n3A_952 : i32 to vector<16xi32>
        %add3A_968 = arith.addi %rem3A_954, %add3A_967 : vector<16xi32>
        %select_n3A_969 = arith.select %and3A_966, %add3A_968, %rem3A_954 : vector<16xi1>, vector<16xi32>
        %ne3A_970 = arith.constant 0 : i32
        %ne3A_971 = vector.broadcast %ne3A_970 : i32 to vector<16xi32>
        %ne3A_972 = arith.cmpi ne, %select_n3A_969, %ne3A_971 : vector<16xi32>
        %jit3A_973 = arith.constant 1.000000e+00 : f32
        %jit3A_974 = arith.constant 0.000000e+00 : f32
        %broadcast_in_dim3A_975 = vector.broadcast %jit3A_973 : f32 to vector<16xf32>
        %broadcast_in_dim3A_976 = vector.broadcast %jit3A_974 : f32 to vector<16xf32>
        %select_n3A_977 = arith.select %ne3A_972, %broadcast_in_dim3A_975, %broadcast_in_dim3A_976 : vector<16xi1>, vector<16xf32>
        %shift_right_logical3A_978 = arith.constant 3 : i32
        %shift_right_logical3A_979 = vector.broadcast %shift_right_logical3A_978 : i32 to vector<16xi32>
        %shift_right_logical3A_980 = arith.shrui %mul3A_925, %shift_right_logical3A_979 : vector<16xi32>
        %jit3A_981 = arith.constant 1024 : i32
        %eq3A_982 = arith.constant 0 : i32
        %eq3A_983 = arith.cmpi eq, %jit3A_981, %eq3A_982 : i32
        %jit3A_984 = arith.constant 1 : i32
        %select_n3A_985 = arith.select %eq3A_983, %jit3A_984, %jit3A_981 : i32
        %rem3A_986 = vector.broadcast %select_n3A_985 : i32 to vector<16xi32>
        %rem3A_987 = arith.remui %shift_right_logical3A_980, %rem3A_986 : vector<16xi32>
        %ne3A_988 = arith.constant 0 : i32
        %ne3A_989 = vector.broadcast %ne3A_988 : i32 to vector<16xi32>
        %ne3A_990 = arith.cmpi ne, %rem3A_987, %ne3A_989 : vector<16xi32>
        %lt3A_991 = arith.constant 0 : i32
        %lt3A_992 = vector.broadcast %lt3A_991 : i32 to vector<16xi32>
        %lt3A_993 = arith.cmpi ult, %rem3A_987, %lt3A_992 : vector<16xi32>
        %lt3A_994 = arith.constant 0 : i32
        %lt3A_995 = arith.cmpi ult, %select_n3A_985, %lt3A_994 : i32
        %ne3A_996 = vector.broadcast %lt3A_995 : i1 to vector<16xi1>
        %ne3A_997 = vector.broadcast %ne3A_996 : vector<16xi1> to vector<16xi1>
        %ne3A_998 = arith.xori %lt3A_993, %ne3A_997 : vector<16xi1>
        %and3A_999 = arith.andi %ne3A_998, %ne3A_990 : vector<16xi1>
        %add3A_1000 = vector.broadcast %select_n3A_985 : i32 to vector<16xi32>
        %add3A_1001 = arith.addi %rem3A_987, %add3A_1000 : vector<16xi32>
        %select_n3A_1002 = arith.select %and3A_999, %add3A_1001, %rem3A_987 : vector<16xi1>, vector<16xi32>
        %convert_element_type3A_1003 = arith.uitofp %select_n3A_1002 : vector<16xi32> to vector<16xf32>
        %add3A_1004 = arith.constant 1.000000e+00 : f32
        %add3A_1005 = vector.broadcast %add3A_1004 : f32 to vector<16xf32>
        %add3A_1006 = arith.addf %convert_element_type3A_1003, %add3A_1005 : vector<16xf32>
        %shift_right_logical3A_1007 = arith.constant 13 : i32
        %shift_right_logical3A_1008 = vector.broadcast %shift_right_logical3A_1007 : i32 to vector<16xi32>
        %shift_right_logical3A_1009 = arith.shrui %mul3A_925, %shift_right_logical3A_1008 : vector<16xi32>
        %jit3A_1010 = arith.constant 1024 : i32
        %eq3A_1011 = arith.constant 0 : i32
        %eq3A_1012 = arith.cmpi eq, %jit3A_1010, %eq3A_1011 : i32
        %jit3A_1013 = arith.constant 1 : i32
        %select_n3A_1014 = arith.select %eq3A_1012, %jit3A_1013, %jit3A_1010 : i32
        %rem3A_1015 = vector.broadcast %select_n3A_1014 : i32 to vector<16xi32>
        %rem3A_1016 = arith.remui %shift_right_logical3A_1009, %rem3A_1015 : vector<16xi32>
        %ne3A_1017 = arith.constant 0 : i32
        %ne3A_1018 = vector.broadcast %ne3A_1017 : i32 to vector<16xi32>
        %ne3A_1019 = arith.cmpi ne, %rem3A_1016, %ne3A_1018 : vector<16xi32>
        %lt3A_1020 = arith.constant 0 : i32
        %lt3A_1021 = vector.broadcast %lt3A_1020 : i32 to vector<16xi32>
        %lt3A_1022 = arith.cmpi ult, %rem3A_1016, %lt3A_1021 : vector<16xi32>
        %lt3A_1023 = arith.constant 0 : i32
        %lt3A_1024 = arith.cmpi ult, %select_n3A_1014, %lt3A_1023 : i32
        %ne3A_1025 = vector.broadcast %lt3A_1024 : i1 to vector<16xi1>
        %ne3A_1026 = vector.broadcast %ne3A_1025 : vector<16xi1> to vector<16xi1>
        %ne3A_1027 = arith.xori %lt3A_1022, %ne3A_1026 : vector<16xi1>
        %and3A_1028 = arith.andi %ne3A_1027, %ne3A_1019 : vector<16xi1>
        %add3A_1029 = vector.broadcast %select_n3A_1014 : i32 to vector<16xi32>
        %add3A_1030 = arith.addi %rem3A_1016, %add3A_1029 : vector<16xi32>
        %select_n3A_1031 = arith.select %and3A_1028, %add3A_1030, %rem3A_1016 : vector<16xi1>, vector<16xi32>
        %convert_element_type3A_1032 = arith.uitofp %select_n3A_1031 : vector<16xi32> to vector<16xf32>
        %add3A_1033 = arith.constant 1.000000e+00 : f32
        %add3A_1034 = vector.broadcast %add3A_1033 : f32 to vector<16xf32>
        %add3A_1035 = arith.addf %convert_element_type3A_1032, %add3A_1034 : vector<16xf32>
        %shift_right_logical3A_1036 = arith.constant 23 : i32
        %shift_right_logical3A_1037 = vector.broadcast %shift_right_logical3A_1036 : i32 to vector<16xi32>
        %shift_right_logical3A_1038 = arith.shrui %mul3A_925, %shift_right_logical3A_1037 : vector<16xi32>
        %jit3A_1039 = arith.constant 512 : i32
        %eq3A_1040 = arith.constant 0 : i32
        %eq3A_1041 = arith.cmpi eq, %jit3A_1039, %eq3A_1040 : i32
        %jit3A_1042 = arith.constant 1 : i32
        %select_n3A_1043 = arith.select %eq3A_1041, %jit3A_1042, %jit3A_1039 : i32
        %rem3A_1044 = vector.broadcast %select_n3A_1043 : i32 to vector<16xi32>
        %rem3A_1045 = arith.remui %shift_right_logical3A_1038, %rem3A_1044 : vector<16xi32>
        %ne3A_1046 = arith.constant 0 : i32
        %ne3A_1047 = vector.broadcast %ne3A_1046 : i32 to vector<16xi32>
        %ne3A_1048 = arith.cmpi ne, %rem3A_1045, %ne3A_1047 : vector<16xi32>
        %lt3A_1049 = arith.constant 0 : i32
        %lt3A_1050 = vector.broadcast %lt3A_1049 : i32 to vector<16xi32>
        %lt3A_1051 = arith.cmpi ult, %rem3A_1045, %lt3A_1050 : vector<16xi32>
        %lt3A_1052 = arith.constant 0 : i32
        %lt3A_1053 = arith.cmpi ult, %select_n3A_1043, %lt3A_1052 : i32
        %ne3A_1054 = vector.broadcast %lt3A_1053 : i1 to vector<16xi1>
        %ne3A_1055 = vector.broadcast %ne3A_1054 : vector<16xi1> to vector<16xi1>
        %ne3A_1056 = arith.xori %lt3A_1051, %ne3A_1055 : vector<16xi1>
        %and3A_1057 = arith.andi %ne3A_1056, %ne3A_1048 : vector<16xi1>
        %add3A_1058 = vector.broadcast %select_n3A_1043 : i32 to vector<16xi32>
        %add3A_1059 = arith.addi %rem3A_1045, %add3A_1058 : vector<16xi32>
        %select_n3A_1060 = arith.select %and3A_1057, %add3A_1059, %rem3A_1045 : vector<16xi1>, vector<16xi32>
        %convert_element_type3A_1061 = arith.uitofp %select_n3A_1060 : vector<16xi32> to vector<16xf32>
        %add3A_1062 = arith.constant 1.000000e+00 : f32
        %add3A_1063 = vector.broadcast %add3A_1062 : f32 to vector<16xf32>
        %add3A_1064 = arith.addf %convert_element_type3A_1061, %add3A_1063 : vector<16xf32>
        %add3A_1065 = arith.addf %add3A_1006, %add3A_1035 : vector<16xf32>
        %add3A_1066 = arith.addf %add3A_1065, %add3A_1064 : vector<16xf32>
        %div3A_1067 = arith.divf %select_n3A_977, %add3A_1066 : vector<16xf32>
        %mul3A_1068 = arith.mulf %add3A_1006, %div3A_1067 : vector<16xf32>
        %mul3A_1069 = arith.mulf %add3A_1035, %div3A_1067 : vector<16xf32>
        %mul3A_1070 = arith.mulf %add3A_1064, %div3A_1067 : vector<16xf32>
        %jit3A_1071 = arith.constant 8 : i32
        %div3A_1072 = arith.divsi %scan3A_917, %jit3A_1071 : i32
        %sign3A_1073 = arith.constant 0 : i32
        %sign3A_1074 = arith.cmpi sgt, %scan3A_917, %sign3A_1073 : i32
        %sign3A_1075 = arith.extui %sign3A_1074 : i1 to i32
        %sign3A_1076 = arith.constant 0 : i32
        %sign3A_1077 = arith.cmpi slt, %scan3A_917, %sign3A_1076 : i32
        %sign3A_1078 = arith.extui %sign3A_1077 : i1 to i32
        %sign3A_1079 = arith.subi %sign3A_1075, %sign3A_1078 : i32
        %sign3A_1080 = arith.constant 0 : i32
        %sign3A_1081 = arith.cmpi sgt, %jit3A_1071, %sign3A_1080 : i32
        %sign3A_1082 = arith.extui %sign3A_1081 : i1 to i32
        %sign3A_1083 = arith.constant 0 : i32
        %sign3A_1084 = arith.cmpi slt, %jit3A_1071, %sign3A_1083 : i32
        %sign3A_1085 = arith.extui %sign3A_1084 : i1 to i32
        %sign3A_1086 = arith.subi %sign3A_1082, %sign3A_1085 : i32
        %ne3A_1087 = arith.cmpi ne, %sign3A_1079, %sign3A_1086 : i32
        %rem3A_1088 = arith.remsi %scan3A_917, %jit3A_1071 : i32
        %ne3A_1089 = arith.constant 0 : i32
        %ne3A_1090 = arith.cmpi ne, %rem3A_1088, %ne3A_1089 : i32
        %and3A_1091 = arith.andi %ne3A_1087, %ne3A_1090 : i1
        %sub3A_1092 = arith.constant 1 : i32
        %sub3A_1093 = arith.subi %div3A_1072, %sub3A_1092 : i32
        %select_n3A_1094 = arith.select %and3A_1091, %sub3A_1093, %div3A_1072 : i32
        %jit3A_1095 = arith.constant 8 : i32
        %eq3A_1096 = arith.constant 0 : i32
        %eq3A_1097 = arith.cmpi eq, %jit3A_1095, %eq3A_1096 : i32
        %jit3A_1098 = arith.constant 1 : i32
        %select_n3A_1099 = arith.select %eq3A_1097, %jit3A_1098, %jit3A_1095 : i32
        %rem3A_1100 = arith.remsi %scan3A_917, %select_n3A_1099 : i32
        %ne3A_1101 = arith.constant 0 : i32
        %ne3A_1102 = arith.cmpi ne, %rem3A_1100, %ne3A_1101 : i32
        %lt3A_1103 = arith.constant 0 : i32
        %lt3A_1104 = arith.cmpi slt, %rem3A_1100, %lt3A_1103 : i32
        %lt3A_1105 = arith.constant 0 : i32
        %lt3A_1106 = arith.cmpi slt, %select_n3A_1099, %lt3A_1105 : i32
        %ne3A_1107 = arith.xori %lt3A_1104, %lt3A_1106 : i1
        %and3A_1108 = arith.andi %ne3A_1107, %ne3A_1102 : i1
        %add3A_1109 = arith.addi %rem3A_1100, %select_n3A_1099 : i32
        %select_n3A_1110 = arith.select %and3A_1108, %add3A_1109, %rem3A_1100 : i32
        %mul3A_1111 = arith.constant 16 : i32
        %mul3A_1112 = arith.muli %select_n3A_1110, %mul3A_1111 : i32
        %swap3A_1113 = arith.index_cast %select_n3A_1094 : i32 to index
        %swap3A_1114 = arith.index_cast %mul3A_1112 : i32 to index
        %swap3A_1115 = tpu.vector_load %arg5[%swap3A_1113, %swap3A_1114] {strides = array<i32>} : memref<4x128xi32, #tpu.memory_space<vmem>>, vector<16xi32>,
        tpu.vector_store %arg5[%swap3A_1113, %swap3A_1114], %select_n3A_947 {strides = array<i32>} : memref<4x128xi32, #tpu.memory_space<vmem>>, vector<16xi32>,
        %mul3A_1116 = arith.constant 16 : i32
        %mul3A_1117 = arith.muli %scan3A_917, %mul3A_1116 : i32
        %swap3A_1118 = arith.constant 0 : i32
        %swap3A_1119 = arith.index_cast %swap3A_1118 : i32 to index
        %swap3A_1120 = arith.index_cast %mul3A_1117 : i32 to index
        %swap3A_1121 = tpu.vector_load %arg7[%swap3A_1119, %swap3A_1120] {strides = array<i32>} : memref<3x512xf32, #tpu.memory_space<vmem>>, vector<16xf32>,
        tpu.vector_store %arg7[%swap3A_1119, %swap3A_1120], %mul3A_1068 {strides = array<i32>} : memref<3x512xf32, #tpu.memory_space<vmem>>, vector<16xf32>,
        %mul3A_1122 = arith.constant 16 : i32
        %mul3A_1123 = arith.muli %scan3A_917, %mul3A_1122 : i32
        %swap3A_1124 = arith.constant 1 : i32
        %swap3A_1125 = arith.index_cast %swap3A_1124 : i32 to index
        %swap3A_1126 = arith.index_cast %mul3A_1123 : i32 to index
        %swap3A_1127 = tpu.vector_load %arg7[%swap3A_1125, %swap3A_1126] {strides = array<i32>} : memref<3x512xf32, #tpu.memory_space<vmem>>, vector<16xf32>,
        tpu.vector_store %arg7[%swap3A_1125, %swap3A_1126], %mul3A_1069 {strides = array<i32>} : memref<3x512xf32, #tpu.memory_space<vmem>>, vector<16xf32>,
        %mul3A_1128 = arith.constant 16 : i32
        %mul3A_1129 = arith.muli %scan3A_917, %mul3A_1128 : i32
        %swap3A_1130 = arith.constant 2 : i32
        %swap3A_1131 = arith.index_cast %swap3A_1130 : i32 to index
        %swap3A_1132 = arith.index_cast %mul3A_1129 : i32 to index
        %swap3A_1133 = tpu.vector_load %arg7[%swap3A_1131, %swap3A_1132] {strides = array<i32>} : memref<3x512xf32, #tpu.memory_space<vmem>>, vector<16xf32>,
        tpu.vector_store %arg7[%swap3A_1131, %swap3A_1132], %mul3A_1070 {strides = array<i32>} : memref<3x512xf32, #tpu.memory_space<vmem>>, vector<16xf32>,
        %scan3A_1134 = arith.constant 0 : i32
        %scan3A_1135 = arith.constant 3 : i32
        %scan3A_1136 = arith.addi %scan3A_481, %scan3A_1135 : i32
        %mul3A_1137 = arith.constant 16 : i32
        %mul3A_1138 = arith.muli %scan3A_1136, %mul3A_1137 : i32
        %add3A_1139 = arith.addi %add3A_222, %mul3A_1138 : i32
        %add3A_1140 = vector.broadcast %add3A_1139 : i32 to vector<16xi32>
        %add3A_1141 = arith.addi %add3A_1140, %iota3A : vector<16xi32>
        %mul3A_1142 = arith.constant -1640531535 : i32
        %mul3A_1143 = vector.broadcast %mul3A_1142 : i32 to vector<16xi32>
        %mul3A_1144 = arith.muli %add3A_1141, %mul3A_1143 : vector<16xi32>
        %jit3A_1145 = arith.constant 400000 : i32
        %eq3A_1146 = arith.constant 0 : i32
        %eq3A_1147 = arith.cmpi eq, %jit3A_1145, %eq3A_1146 : i32
        %jit3A_1148 = arith.constant 1 : i32
        %select_n3A_1149 = arith.select %eq3A_1147, %jit3A_1148, %jit3A_1145 : i32
        %rem3A_1150 = vector.broadcast %select_n3A_1149 : i32 to vector<16xi32>
        %rem3A_1151 = arith.remui %mul3A_1144, %rem3A_1150 : vector<16xi32>
        %ne3A_1152 = arith.constant 0 : i32
        %ne3A_1153 = vector.broadcast %ne3A_1152 : i32 to vector<16xi32>
        %ne3A_1154 = arith.cmpi ne, %rem3A_1151, %ne3A_1153 : vector<16xi32>
        %lt3A_1155 = arith.constant 0 : i32
        %lt3A_1156 = vector.broadcast %lt3A_1155 : i32 to vector<16xi32>
        %lt3A_1157 = arith.cmpi ult, %rem3A_1151, %lt3A_1156 : vector<16xi32>
        %lt3A_1158 = arith.constant 0 : i32
        %lt3A_1159 = arith.cmpi ult, %select_n3A_1149, %lt3A_1158 : i32
        %ne3A_1160 = vector.broadcast %lt3A_1159 : i1 to vector<16xi1>
        %ne3A_1161 = vector.broadcast %ne3A_1160 : vector<16xi1> to vector<16xi1>
        %ne3A_1162 = arith.xori %lt3A_1157, %ne3A_1161 : vector<16xi1>
        %and3A_1163 = arith.andi %ne3A_1162, %ne3A_1154 : vector<16xi1>
        %add3A_1164 = vector.broadcast %select_n3A_1149 : i32 to vector<16xi32>
        %add3A_1165 = arith.addi %rem3A_1151, %add3A_1164 : vector<16xi32>
        %select_n3A_1166 = arith.select %and3A_1163, %add3A_1165, %rem3A_1151 : vector<16xi1>, vector<16xi32>
        %jit3A_1167 = arith.constant 7 : i32
        %eq3A_1168 = arith.constant 0 : i32
        %eq3A_1169 = arith.cmpi eq, %jit3A_1167, %eq3A_1168 : i32
        %jit3A_1170 = arith.constant 1 : i32
        %select_n3A_1171 = arith.select %eq3A_1169, %jit3A_1170, %jit3A_1167 : i32
        %rem3A_1172 = vector.broadcast %select_n3A_1171 : i32 to vector<16xi32>
        %rem3A_1173 = arith.remui %mul3A_1144, %rem3A_1172 : vector<16xi32>
        %ne3A_1174 = arith.constant 0 : i32
        %ne3A_1175 = vector.broadcast %ne3A_1174 : i32 to vector<16xi32>
        %ne3A_1176 = arith.cmpi ne, %rem3A_1173, %ne3A_1175 : vector<16xi32>
        %lt3A_1177 = arith.constant 0 : i32
        %lt3A_1178 = vector.broadcast %lt3A_1177 : i32 to vector<16xi32>
        %lt3A_1179 = arith.cmpi ult, %rem3A_1173, %lt3A_1178 : vector<16xi32>
        %lt3A_1180 = arith.constant 0 : i32
        %lt3A_1181 = arith.cmpi ult, %select_n3A_1171, %lt3A_1180 : i32
        %ne3A_1182 = vector.broadcast %lt3A_1181 : i1 to vector<16xi1>
        %ne3A_1183 = vector.broadcast %ne3A_1182 : vector<16xi1> to vector<16xi1>
        %ne3A_1184 = arith.xori %lt3A_1179, %ne3A_1183 : vector<16xi1>
        %and3A_1185 = arith.andi %ne3A_1184, %ne3A_1176 : vector<16xi1>
        %add3A_1186 = vector.broadcast %select_n3A_1171 : i32 to vector<16xi32>
        %add3A_1187 = arith.addi %rem3A_1173, %add3A_1186 : vector<16xi32>
        %select_n3A_1188 = arith.select %and3A_1185, %add3A_1187, %rem3A_1173 : vector<16xi1>, vector<16xi32>
        %ne3A_1189 = arith.constant 0 : i32
        %ne3A_1190 = vector.broadcast %ne3A_1189 : i32 to vector<16xi32>
        %ne3A_1191 = arith.cmpi ne, %select_n3A_1188, %ne3A_1190 : vector<16xi32>
        %jit3A_1192 = arith.constant 1.000000e+00 : f32
        %jit3A_1193 = arith.constant 0.000000e+00 : f32
        %broadcast_in_dim3A_1194 = vector.broadcast %jit3A_1192 : f32 to vector<16xf32>
        %broadcast_in_dim3A_1195 = vector.broadcast %jit3A_1193 : f32 to vector<16xf32>
        %select_n3A_1196 = arith.select %ne3A_1191, %broadcast_in_dim3A_1194, %broadcast_in_dim3A_1195 : vector<16xi1>, vector<16xf32>
        %shift_right_logical3A_1197 = arith.constant 3 : i32
        %shift_right_logical3A_1198 = vector.broadcast %shift_right_logical3A_1197 : i32 to vector<16xi32>
        %shift_right_logical3A_1199 = arith.shrui %mul3A_1144, %shift_right_logical3A_1198 : vector<16xi32>
        %jit3A_1200 = arith.constant 1024 : i32
        %eq3A_1201 = arith.constant 0 : i32
        %eq3A_1202 = arith.cmpi eq, %jit3A_1200, %eq3A_1201 : i32
        %jit3A_1203 = arith.constant 1 : i32
        %select_n3A_1204 = arith.select %eq3A_1202, %jit3A_1203, %jit3A_1200 : i32
        %rem3A_1205 = vector.broadcast %select_n3A_1204 : i32 to vector<16xi32>
        %rem3A_1206 = arith.remui %shift_right_logical3A_1199, %rem3A_1205 : vector<16xi32>
        %ne3A_1207 = arith.constant 0 : i32
        %ne3A_1208 = vector.broadcast %ne3A_1207 : i32 to vector<16xi32>
        %ne3A_1209 = arith.cmpi ne, %rem3A_1206, %ne3A_1208 : vector<16xi32>
        %lt3A_1210 = arith.constant 0 : i32
        %lt3A_1211 = vector.broadcast %lt3A_1210 : i32 to vector<16xi32>
        %lt3A_1212 = arith.cmpi ult, %rem3A_1206, %lt3A_1211 : vector<16xi32>
        %lt3A_1213 = arith.constant 0 : i32
        %lt3A_1214 = arith.cmpi ult, %select_n3A_1204, %lt3A_1213 : i32
        %ne3A_1215 = vector.broadcast %lt3A_1214 : i1 to vector<16xi1>
        %ne3A_1216 = vector.broadcast %ne3A_1215 : vector<16xi1> to vector<16xi1>
        %ne3A_1217 = arith.xori %lt3A_1212, %ne3A_1216 : vector<16xi1>
        %and3A_1218 = arith.andi %ne3A_1217, %ne3A_1209 : vector<16xi1>
        %add3A_1219 = vector.broadcast %select_n3A_1204 : i32 to vector<16xi32>
        %add3A_1220 = arith.addi %rem3A_1206, %add3A_1219 : vector<16xi32>
        %select_n3A_1221 = arith.select %and3A_1218, %add3A_1220, %rem3A_1206 : vector<16xi1>, vector<16xi32>
        %convert_element_type3A_1222 = arith.uitofp %select_n3A_1221 : vector<16xi32> to vector<16xf32>
        %add3A_1223 = arith.constant 1.000000e+00 : f32
        %add3A_1224 = vector.broadcast %add3A_1223 : f32 to vector<16xf32>
        %add3A_1225 = arith.addf %convert_element_type3A_1222, %add3A_1224 : vector<16xf32>
        %shift_right_logical3A_1226 = arith.constant 13 : i32
        %shift_right_logical3A_1227 = vector.broadcast %shift_right_logical3A_1226 : i32 to vector<16xi32>
        %shift_right_logical3A_1228 = arith.shrui %mul3A_1144, %shift_right_logical3A_1227 : vector<16xi32>
        %jit3A_1229 = arith.constant 1024 : i32
        %eq3A_1230 = arith.constant 0 : i32
        %eq3A_1231 = arith.cmpi eq, %jit3A_1229, %eq3A_1230 : i32
        %jit3A_1232 = arith.constant 1 : i32
        %select_n3A_1233 = arith.select %eq3A_1231, %jit3A_1232, %jit3A_1229 : i32
        %rem3A_1234 = vector.broadcast %select_n3A_1233 : i32 to vector<16xi32>
        %rem3A_1235 = arith.remui %shift_right_logical3A_1228, %rem3A_1234 : vector<16xi32>
        %ne3A_1236 = arith.constant 0 : i32
        %ne3A_1237 = vector.broadcast %ne3A_1236 : i32 to vector<16xi32>
        %ne3A_1238 = arith.cmpi ne, %rem3A_1235, %ne3A_1237 : vector<16xi32>
        %lt3A_1239 = arith.constant 0 : i32
        %lt3A_1240 = vector.broadcast %lt3A_1239 : i32 to vector<16xi32>
        %lt3A_1241 = arith.cmpi ult, %rem3A_1235, %lt3A_1240 : vector<16xi32>
        %lt3A_1242 = arith.constant 0 : i32
        %lt3A_1243 = arith.cmpi ult, %select_n3A_1233, %lt3A_1242 : i32
        %ne3A_1244 = vector.broadcast %lt3A_1243 : i1 to vector<16xi1>
        %ne3A_1245 = vector.broadcast %ne3A_1244 : vector<16xi1> to vector<16xi1>
        %ne3A_1246 = arith.xori %lt3A_1241, %ne3A_1245 : vector<16xi1>
        %and3A_1247 = arith.andi %ne3A_1246, %ne3A_1238 : vector<16xi1>
        %add3A_1248 = vector.broadcast %select_n3A_1233 : i32 to vector<16xi32>
        %add3A_1249 = arith.addi %rem3A_1235, %add3A_1248 : vector<16xi32>
        %select_n3A_1250 = arith.select %and3A_1247, %add3A_1249, %rem3A_1235 : vector<16xi1>, vector<16xi32>
        %convert_element_type3A_1251 = arith.uitofp %select_n3A_1250 : vector<16xi32> to vector<16xf32>
        %add3A_1252 = arith.constant 1.000000e+00 : f32
        %add3A_1253 = vector.broadcast %add3A_1252 : f32 to vector<16xf32>
        %add3A_1254 = arith.addf %convert_element_type3A_1251, %add3A_1253 : vector<16xf32>
        %shift_right_logical3A_1255 = arith.constant 23 : i32
        %shift_right_logical3A_1256 = vector.broadcast %shift_right_logical3A_1255 : i32 to vector<16xi32>
        %shift_right_logical3A_1257 = arith.shrui %mul3A_1144, %shift_right_logical3A_1256 : vector<16xi32>
        %jit3A_1258 = arith.constant 512 : i32
        %eq3A_1259 = arith.constant 0 : i32
        %eq3A_1260 = arith.cmpi eq, %jit3A_1258, %eq3A_1259 : i32
        %jit3A_1261 = arith.constant 1 : i32
        %select_n3A_1262 = arith.select %eq3A_1260, %jit3A_1261, %jit3A_1258 : i32
        %rem3A_1263 = vector.broadcast %select_n3A_1262 : i32 to vector<16xi32>
        %rem3A_1264 = arith.remui %shift_right_logical3A_1257, %rem3A_1263 : vector<16xi32>
        %ne3A_1265 = arith.constant 0 : i32
        %ne3A_1266 = vector.broadcast %ne3A_1265 : i32 to vector<16xi32>
        %ne3A_1267 = arith.cmpi ne, %rem3A_1264, %ne3A_1266 : vector<16xi32>
        %lt3A_1268 = arith.constant 0 : i32
        %lt3A_1269 = vector.broadcast %lt3A_1268 : i32 to vector<16xi32>
        %lt3A_1270 = arith.cmpi ult, %rem3A_1264, %lt3A_1269 : vector<16xi32>
        %lt3A_1271 = arith.constant 0 : i32
        %lt3A_1272 = arith.cmpi ult, %select_n3A_1262, %lt3A_1271 : i32
        %ne3A_1273 = vector.broadcast %lt3A_1272 : i1 to vector<16xi1>
        %ne3A_1274 = vector.broadcast %ne3A_1273 : vector<16xi1> to vector<16xi1>
        %ne3A_1275 = arith.xori %lt3A_1270, %ne3A_1274 : vector<16xi1>
        %and3A_1276 = arith.andi %ne3A_1275, %ne3A_1267 : vector<16xi1>
        %add3A_1277 = vector.broadcast %select_n3A_1262 : i32 to vector<16xi32>
        %add3A_1278 = arith.addi %rem3A_1264, %add3A_1277 : vector<16xi32>
        %select_n3A_1279 = arith.select %and3A_1276, %add3A_1278, %rem3A_1264 : vector<16xi1>, vector<16xi32>
        %convert_element_type3A_1280 = arith.uitofp %select_n3A_1279 : vector<16xi32> to vector<16xf32>
        %add3A_1281 = arith.constant 1.000000e+00 : f32
        %add3A_1282 = vector.broadcast %add3A_1281 : f32 to vector<16xf32>
        %add3A_1283 = arith.addf %convert_element_type3A_1280, %add3A_1282 : vector<16xf32>
        %add3A_1284 = arith.addf %add3A_1225, %add3A_1254 : vector<16xf32>
        %add3A_1285 = arith.addf %add3A_1284, %add3A_1283 : vector<16xf32>
        %div3A_1286 = arith.divf %select_n3A_1196, %add3A_1285 : vector<16xf32>
        %mul3A_1287 = arith.mulf %add3A_1225, %div3A_1286 : vector<16xf32>
        %mul3A_1288 = arith.mulf %add3A_1254, %div3A_1286 : vector<16xf32>
        %mul3A_1289 = arith.mulf %add3A_1283, %div3A_1286 : vector<16xf32>
        %jit3A_1290 = arith.constant 8 : i32
        %div3A_1291 = arith.divsi %scan3A_1136, %jit3A_1290 : i32
        %sign3A_1292 = arith.constant 0 : i32
        %sign3A_1293 = arith.cmpi sgt, %scan3A_1136, %sign3A_1292 : i32
        %sign3A_1294 = arith.extui %sign3A_1293 : i1 to i32
        %sign3A_1295 = arith.constant 0 : i32
        %sign3A_1296 = arith.cmpi slt, %scan3A_1136, %sign3A_1295 : i32
        %sign3A_1297 = arith.extui %sign3A_1296 : i1 to i32
        %sign3A_1298 = arith.subi %sign3A_1294, %sign3A_1297 : i32
        %sign3A_1299 = arith.constant 0 : i32
        %sign3A_1300 = arith.cmpi sgt, %jit3A_1290, %sign3A_1299 : i32
        %sign3A_1301 = arith.extui %sign3A_1300 : i1 to i32
        %sign3A_1302 = arith.constant 0 : i32
        %sign3A_1303 = arith.cmpi slt, %jit3A_1290, %sign3A_1302 : i32
        %sign3A_1304 = arith.extui %sign3A_1303 : i1 to i32
        %sign3A_1305 = arith.subi %sign3A_1301, %sign3A_1304 : i32
        %ne3A_1306 = arith.cmpi ne, %sign3A_1298, %sign3A_1305 : i32
        %rem3A_1307 = arith.remsi %scan3A_1136, %jit3A_1290 : i32
        %ne3A_1308 = arith.constant 0 : i32
        %ne3A_1309 = arith.cmpi ne, %rem3A_1307, %ne3A_1308 : i32
        %and3A_1310 = arith.andi %ne3A_1306, %ne3A_1309 : i1
        %sub3A_1311 = arith.constant 1 : i32
        %sub3A_1312 = arith.subi %div3A_1291, %sub3A_1311 : i32
        %select_n3A_1313 = arith.select %and3A_1310, %sub3A_1312, %div3A_1291 : i32
        %jit3A_1314 = arith.constant 8 : i32
        %eq3A_1315 = arith.constant 0 : i32
        %eq3A_1316 = arith.cmpi eq, %jit3A_1314, %eq3A_1315 : i32
        %jit3A_1317 = arith.constant 1 : i32
        %select_n3A_1318 = arith.select %eq3A_1316, %jit3A_1317, %jit3A_1314 : i32
        %rem3A_1319 = arith.remsi %scan3A_1136, %select_n3A_1318 : i32
        %ne3A_1320 = arith.constant 0 : i32
        %ne3A_1321 = arith.cmpi ne, %rem3A_1319, %ne3A_1320 : i32
        %lt3A_1322 = arith.constant 0 : i32
        %lt3A_1323 = arith.cmpi slt, %rem3A_1319, %lt3A_1322 : i32
        %lt3A_1324 = arith.constant 0 : i32
        %lt3A_1325 = arith.cmpi slt, %select_n3A_1318, %lt3A_1324 : i32
        %ne3A_1326 = arith.xori %lt3A_1323, %lt3A_1325 : i1
        %and3A_1327 = arith.andi %ne3A_1326, %ne3A_1321 : i1
        %add3A_1328 = arith.addi %rem3A_1319, %select_n3A_1318 : i32
        %select_n3A_1329 = arith.select %and3A_1327, %add3A_1328, %rem3A_1319 : i32
        %mul3A_1330 = arith.constant 16 : i32
        %mul3A_1331 = arith.muli %select_n3A_1329, %mul3A_1330 : i32
        %swap3A_1332 = arith.index_cast %select_n3A_1313 : i32 to index
        %swap3A_1333 = arith.index_cast %mul3A_1331 : i32 to index
        %swap3A_1334 = tpu.vector_load %arg5[%swap3A_1332, %swap3A_1333] {strides = array<i32>} : memref<4x128xi32, #tpu.memory_space<vmem>>, vector<16xi32>,
        tpu.vector_store %arg5[%swap3A_1332, %swap3A_1333], %select_n3A_1166 {strides = array<i32>} : memref<4x128xi32, #tpu.memory_space<vmem>>, vector<16xi32>,
        %mul3A_1335 = arith.constant 16 : i32
        %mul3A_1336 = arith.muli %scan3A_1136, %mul3A_1335 : i32
        %swap3A_1337 = arith.constant 0 : i32
        %swap3A_1338 = arith.index_cast %swap3A_1337 : i32 to index
        %swap3A_1339 = arith.index_cast %mul3A_1336 : i32 to index
        %swap3A_1340 = tpu.vector_load %arg7[%swap3A_1338, %swap3A_1339] {strides = array<i32>} : memref<3x512xf32, #tpu.memory_space<vmem>>, vector<16xf32>,
        tpu.vector_store %arg7[%swap3A_1338, %swap3A_1339], %mul3A_1287 {strides = array<i32>} : memref<3x512xf32, #tpu.memory_space<vmem>>, vector<16xf32>,
        %mul3A_1341 = arith.constant 16 : i32
        %mul3A_1342 = arith.muli %scan3A_1136, %mul3A_1341 : i32
        %swap3A_1343 = arith.constant 1 : i32
        %swap3A_1344 = arith.index_cast %swap3A_1343 : i32 to index
        %swap3A_1345 = arith.index_cast %mul3A_1342 : i32 to index
        %swap3A_1346 = tpu.vector_load %arg7[%swap3A_1344, %swap3A_1345] {strides = array<i32>} : memref<3x512xf32, #tpu.memory_space<vmem>>, vector<16xf32>,
        tpu.vector_store %arg7[%swap3A_1344, %swap3A_1345], %mul3A_1288 {strides = array<i32>} : memref<3x512xf32, #tpu.memory_space<vmem>>, vector<16xf32>,
        %mul3A_1347 = arith.constant 16 : i32
        %mul3A_1348 = arith.muli %scan3A_1136, %mul3A_1347 : i32
        %swap3A_1349 = arith.constant 2 : i32
        %swap3A_1350 = arith.index_cast %swap3A_1349 : i32 to index
        %swap3A_1351 = arith.index_cast %mul3A_1348 : i32 to index
        %swap3A_1352 = tpu.vector_load %arg7[%swap3A_1350, %swap3A_1351] {strides = array<i32>} : memref<3x512xf32, #tpu.memory_space<vmem>>, vector<16xf32>,
        tpu.vector_store %arg7[%swap3A_1350, %swap3A_1351], %mul3A_1289 {strides = array<i32>} : memref<3x512xf32, #tpu.memory_space<vmem>>, vector<16xf32>,
        %scan3A_1353 = arith.constant 0 : i32
        scf.yield %scan3A_1353 : i32
      }
      %scan3A_229 = arith.constant 32 : i32
      %dma_start3A_230 = arith.constant 0 : i32
      %dma_start3A_231 = arith.constant 0 : i32
      %dma_start3A_232 = arith.constant 0 : i32
      %dma_start3A_233 = tpu.memref_slice %arg9[%dma_start3A_231, %dma_start3A_232] : memref<512x48xf32, #tpu.memory_space<vmem>> -> memref<128x48xf32, #tpu.memory_space<vmem>>
      %dma_start3A_234 = arith.constant 0 : i32
      %dma_start3A_235 = tpu.memref_slice %arg5[%dma_start3A_230, %dma_start3A_234] : memref<4x128xi32, #tpu.memory_space<vmem>> -> memref<1x128xi32, #tpu.memory_space<vmem>>
      %dma_start3A_236 = tpu.memref_squeeze %dma_start3A_235 : memref<1x128xi32, #tpu.memory_space<vmem>> -> memref<128xi32, #tpu.memory_space<vmem>>
      %dma_start3A_237 = arith.constant 0 : i32
      %dma_start3A_238 = arith.constant 0 : i32
      %dma_start3A_239 = tpu.memref_slice %arg2[%dma_start3A_237, %dma_start3A_238] : memref<400000x48xf32, #tpu.memory_space<hbm>> -> memref<400000x48xf32, #tpu.memory_space<hbm>>
      tpu.enqueue_indirect_dma source(%dma_start3A_239 : memref<400000x48xf32, #tpu.memory_space<hbm>>) target(%dma_start3A_233 : memref<128x48xf32, #tpu.memory_space<vmem>>) offsets(%dma_start3A_236 : memref<128xi32, #tpu.memory_space<vmem>>) semaphore(%arg13 : memref<!tpu.dma_semaphore, #tpu.memory_space<semaphore_mem>>)
      %dma_start3A_240 = arith.constant 1 : i32
      %dma_start3A_241 = arith.constant 128 : i32
      %dma_start3A_242 = arith.constant 0 : i32
      %dma_start3A_243 = tpu.memref_slice %arg9[%dma_start3A_241, %dma_start3A_242] : memref<512x48xf32, #tpu.memory_space<vmem>> -> memref<128x48xf32, #tpu.memory_space<vmem>>
      %dma_start3A_244 = arith.constant 0 : i32
      %dma_start3A_245 = tpu.memref_slice %arg5[%dma_start3A_240, %dma_start3A_244] : memref<4x128xi32, #tpu.memory_space<vmem>> -> memref<1x128xi32, #tpu.memory_space<vmem>>
      %dma_start3A_246 = tpu.memref_squeeze %dma_start3A_245 : memref<1x128xi32, #tpu.memory_space<vmem>> -> memref<128xi32, #tpu.memory_space<vmem>>
      %dma_start3A_247 = arith.constant 0 : i32
      %dma_start3A_248 = arith.constant 0 : i32
      %dma_start3A_249 = tpu.memref_slice %arg2[%dma_start3A_247, %dma_start3A_248] : memref<400000x48xf32, #tpu.memory_space<hbm>> -> memref<400000x48xf32, #tpu.memory_space<hbm>>
      tpu.enqueue_indirect_dma source(%dma_start3A_249 : memref<400000x48xf32, #tpu.memory_space<hbm>>) target(%dma_start3A_243 : memref<128x48xf32, #tpu.memory_space<vmem>>) offsets(%dma_start3A_246 : memref<128xi32, #tpu.memory_space<vmem>>) semaphore(%arg13 : memref<!tpu.dma_semaphore, #tpu.memory_space<semaphore_mem>>)
      %dma_start3A_250 = arith.constant 2 : i32
      %dma_start3A_251 = arith.constant 256 : i32
      %dma_start3A_252 = arith.constant 0 : i32
      %dma_start3A_253 = tpu.memref_slice %arg9[%dma_start3A_251, %dma_start3A_252] : memref<512x48xf32, #tpu.memory_space<vmem>> -> memref<128x48xf32, #tpu.memory_space<vmem>>
      %dma_start3A_254 = arith.constant 0 : i32
      %dma_start3A_255 = tpu.memref_slice %arg5[%dma_start3A_250, %dma_start3A_254] : memref<4x128xi32, #tpu.memory_space<vmem>> -> memref<1x128xi32, #tpu.memory_space<vmem>>
      %dma_start3A_256 = tpu.memref_squeeze %dma_start3A_255 : memref<1x128xi32, #tpu.memory_space<vmem>> -> memref<128xi32, #tpu.memory_space<vmem>>
      %dma_start3A_257 = arith.constant 0 : i32
      %dma_start3A_258 = arith.constant 0 : i32
      %dma_start3A_259 = tpu.memref_slice %arg2[%dma_start3A_257, %dma_start3A_258] : memref<400000x48xf32, #tpu.memory_space<hbm>> -> memref<400000x48xf32, #tpu.memory_space<hbm>>
      tpu.enqueue_indirect_dma source(%dma_start3A_259 : memref<400000x48xf32, #tpu.memory_space<hbm>>) target(%dma_start3A_253 : memref<128x48xf32, #tpu.memory_space<vmem>>) offsets(%dma_start3A_256 : memref<128xi32, #tpu.memory_space<vmem>>) semaphore(%arg13 : memref<!tpu.dma_semaphore, #tpu.memory_space<semaphore_mem>>)
      %dma_start3A_260 = arith.constant 3 : i32
      %dma_start3A_261 = arith.constant 384 : i32
      %dma_start3A_262 = arith.constant 0 : i32
      %dma_start3A_263 = tpu.memref_slice %arg9[%dma_start3A_261, %dma_start3A_262] : memref<512x48xf32, #tpu.memory_space<vmem>> -> memref<128x48xf32, #tpu.memory_space<vmem>>
      %dma_start3A_264 = arith.constant 0 : i32
      %dma_start3A_265 = tpu.memref_slice %arg5[%dma_start3A_260, %dma_start3A_264] : memref<4x128xi32, #tpu.memory_space<vmem>> -> memref<1x128xi32, #tpu.memory_space<vmem>>
      %dma_start3A_266 = tpu.memref_squeeze %dma_start3A_265 : memref<1x128xi32, #tpu.memory_space<vmem>> -> memref<128xi32, #tpu.memory_space<vmem>>
      %dma_start3A_267 = arith.constant 0 : i32
      %dma_start3A_268 = arith.constant 0 : i32
      %dma_start3A_269 = tpu.memref_slice %arg2[%dma_start3A_267, %dma_start3A_268] : memref<400000x48xf32, #tpu.memory_space<hbm>> -> memref<400000x48xf32, #tpu.memory_space<hbm>>
      tpu.enqueue_indirect_dma source(%dma_start3A_269 : memref<400000x48xf32, #tpu.memory_space<hbm>>) target(%dma_start3A_263 : memref<128x48xf32, #tpu.memory_space<vmem>>) offsets(%dma_start3A_266 : memref<128xi32, #tpu.memory_space<vmem>>) semaphore(%arg13 : memref<!tpu.dma_semaphore, #tpu.memory_space<semaphore_mem>>)
      %gt3A = arith.constant 0 : i32
      %gt3A_270 = arith.cmpi sgt, %scan3A_214, %gt3A : i32
      %convert_element_type3A = arith.extui %gt3A_270 : i1 to i32
      %cond3A = arith.constant 0 : i32
      %cond3A_271 = arith.cmpi ne, %convert_element_type3A, %cond3A : i32
      scf.if %cond3A_271 {
        %add3A_481 = arith.constant 0 : i32
        %add3A_482 = arith.addi %select_n3A_56, %add3A_481 : i32
        %jit3A_483 = arith.constant 8 : i32
        %div3A_484 = arith.divsi %add3A_482, %jit3A_483 : i32
        %sign3A_485 = arith.constant 0 : i32
        %sign3A_486 = arith.cmpi sgt, %add3A_482, %sign3A_485 : i32
        %sign3A_487 = arith.extui %sign3A_486 : i1 to i32
        %sign3A_488 = arith.constant 0 : i32
        %sign3A_489 = arith.cmpi slt, %add3A_482, %sign3A_488 : i32
        %sign3A_490 = arith.extui %sign3A_489 : i1 to i32
        %sign3A_491 = arith.subi %sign3A_487, %sign3A_490 : i32
        %sign3A_492 = arith.constant 0 : i32
        %sign3A_493 = arith.cmpi sgt, %jit3A_483, %sign3A_492 : i32
        %sign3A_494 = arith.extui %sign3A_493 : i1 to i32
        %sign3A_495 = arith.constant 0 : i32
        %sign3A_496 = arith.cmpi slt, %jit3A_483, %sign3A_495 : i32
        %sign3A_497 = arith.extui %sign3A_496 : i1 to i32
        %sign3A_498 = arith.subi %sign3A_494, %sign3A_497 : i32
        %ne3A_499 = arith.cmpi ne, %sign3A_491, %sign3A_498 : i32
        %rem3A_500 = arith.remsi %add3A_482, %jit3A_483 : i32
        %ne3A_501 = arith.constant 0 : i32
        %ne3A_502 = arith.cmpi ne, %rem3A_500, %ne3A_501 : i32
        %and3A_503 = arith.andi %ne3A_499, %ne3A_502 : i1
        %sub3A_504 = arith.constant 1 : i32
        %sub3A_505 = arith.subi %div3A_484, %sub3A_504 : i32
        %select_n3A_506 = arith.select %and3A_503, %sub3A_505, %div3A_484 : i32
        %jit3A_507 = arith.constant 8 : i32
        %eq3A_508 = arith.constant 0 : i32
        %eq3A_509 = arith.cmpi eq, %jit3A_507, %eq3A_508 : i32
        %jit3A_510 = arith.constant 1 : i32
        %select_n3A_511 = arith.select %eq3A_509, %jit3A_510, %jit3A_507 : i32
        %rem3A_512 = arith.remsi %add3A_482, %select_n3A_511 : i32
        %ne3A_513 = arith.constant 0 : i32
        %ne3A_514 = arith.cmpi ne, %rem3A_512, %ne3A_513 : i32
        %lt3A_515 = arith.constant 0 : i32
        %lt3A_516 = arith.cmpi slt, %rem3A_512, %lt3A_515 : i32
        %lt3A_517 = arith.constant 0 : i32
        %lt3A_518 = arith.cmpi slt, %select_n3A_511, %lt3A_517 : i32
        %ne3A_519 = arith.xori %lt3A_516, %lt3A_518 : i1
        %and3A_520 = arith.andi %ne3A_519, %ne3A_514 : i1
        %add3A_521 = arith.addi %rem3A_512, %select_n3A_511 : i32
        %select_n3A_522 = arith.select %and3A_520, %add3A_521, %rem3A_512 : i32
        %dma_wait3A_523 = arith.constant 0 : i32
        %dma_wait3A_524 = arith.constant 0 : i32
        %dma_wait3A_525 = arith.constant 0 : i32
        %dma_wait3A_526 = tpu.memref_slice %arg3[%select_n3A, %dma_wait3A_523, %select_n3A_506, %dma_wait3A_524, %select_n3A_522, %dma_wait3A_525] : memref<4x17x64x4x8x128xf32, #tpu.memory_space<hbm>> -> memref<1x17x1x4x1x128xf32, #tpu.memory_space<hbm>>
        %dma_wait3A_527 = tpu.memref_squeeze %dma_wait3A_526 : memref<1x17x1x4x1x128xf32, #tpu.memory_space<hbm>> -> memref<17x4x128xf32, #tpu.memory_space<hbm>>
        %dma_wait3A_528 = arith.constant 0 : i32
        %dma_wait3A_529 = arith.constant 0 : i32
        %dma_wait3A_530 = arith.constant 0 : i32
        %dma_wait3A_531 = tpu.memref_slice %arg3[%select_n3A, %dma_wait3A_528, %select_n3A_506, %dma_wait3A_529, %select_n3A_522, %dma_wait3A_530] : memref<4x17x64x4x8x128xf32, #tpu.memory_space<hbm>> -> memref<1x17x1x4x1x128xf32, #tpu.memory_space<hbm>>
        %dma_wait3A_532 = tpu.memref_squeeze %dma_wait3A_531 : memref<1x17x1x4x1x128xf32, #tpu.memory_space<hbm>> -> memref<17x4x128xf32, #tpu.memory_space<hbm>>
        tpu.wait_dma2 semaphore(%arg14 : memref<!tpu.dma_semaphore, #tpu.memory_space<semaphore_mem>>) src(%arg10 : memref<17x4x128xf32, #tpu.memory_space<vmem>>) dst(%dma_wait3A_532 : memref<17x4x128xf32, #tpu.memory_space<hbm>>)
      } else {
      }
      %dma_wait3A_272 = arith.constant 0 : i32
      %dma_wait3A_273 = arith.constant 0 : i32
      %dma_wait3A_274 = arith.constant 0 : i32
      %dma_wait3A_275 = tpu.memref_slice %arg8[%dma_wait3A_273, %dma_wait3A_274] : memref<512x48xf32, #tpu.memory_space<vmem>> -> memref<128x48xf32, #tpu.memory_space<vmem>>
      %dma_wait3A_276 = arith.constant 0 : i32
      %dma_wait3A_277 = tpu.memref_slice %arg4[%dma_wait3A_272, %dma_wait3A_276] : memref<4x128xi32, #tpu.memory_space<vmem>> -> memref<1x128xi32, #tpu.memory_space<vmem>>
      %dma_wait3A_278 = tpu.memref_squeeze %dma_wait3A_277 : memref<1x128xi32, #tpu.memory_space<vmem>> -> memref<128xi32, #tpu.memory_space<vmem>>
      %dma_wait3A_279 = arith.constant 0 : i32
      %dma_wait3A_280 = arith.constant 0 : i32
      %dma_wait3A_281 = tpu.memref_slice %arg2[%dma_wait3A_279, %dma_wait3A_280] : memref<400000x48xf32, #tpu.memory_space<hbm>> -> memref<400000x48xf32, #tpu.memory_space<hbm>>
      tpu.wait_indirect_dma semaphore(%arg12 : memref<!tpu.dma_semaphore, #tpu.memory_space<semaphore_mem>>) src(%dma_wait3A_281 : memref<400000x48xf32, #tpu.memory_space<hbm>>) dst(%dma_wait3A_275 : memref<128x48xf32, #tpu.memory_space<vmem>>)
      %dma_wait3A_282 = arith.constant 1 : i32
      %dma_wait3A_283 = arith.constant 128 : i32
      %dma_wait3A_284 = arith.constant 0 : i32
      %dma_wait3A_285 = tpu.memref_slice %arg8[%dma_wait3A_283, %dma_wait3A_284] : memref<512x48xf32, #tpu.memory_space<vmem>> -> memref<128x48xf32, #tpu.memory_space<vmem>>
      %dma_wait3A_286 = arith.constant 0 : i32
      %dma_wait3A_287 = tpu.memref_slice %arg4[%dma_wait3A_282, %dma_wait3A_286] : memref<4x128xi32, #tpu.memory_space<vmem>> -> memref<1x128xi32, #tpu.memory_space<vmem>>
      %dma_wait3A_288 = tpu.memref_squeeze %dma_wait3A_287 : memref<1x128xi32, #tpu.memory_space<vmem>> -> memref<128xi32, #tpu.memory_space<vmem>>
      %dma_wait3A_289 = arith.constant 0 : i32
      %dma_wait3A_290 = arith.constant 0 : i32
      %dma_wait3A_291 = tpu.memref_slice %arg2[%dma_wait3A_289, %dma_wait3A_290] : memref<400000x48xf32, #tpu.memory_space<hbm>> -> memref<400000x48xf32, #tpu.memory_space<hbm>>
      tpu.wait_indirect_dma semaphore(%arg12 : memref<!tpu.dma_semaphore, #tpu.memory_space<semaphore_mem>>) src(%dma_wait3A_291 : memref<400000x48xf32, #tpu.memory_space<hbm>>) dst(%dma_wait3A_285 : memref<128x48xf32, #tpu.memory_space<vmem>>)
      %dma_wait3A_292 = arith.constant 2 : i32
      %dma_wait3A_293 = arith.constant 256 : i32
      %dma_wait3A_294 = arith.constant 0 : i32
      %dma_wait3A_295 = tpu.memref_slice %arg8[%dma_wait3A_293, %dma_wait3A_294] : memref<512x48xf32, #tpu.memory_space<vmem>> -> memref<128x48xf32, #tpu.memory_space<vmem>>
      %dma_wait3A_296 = arith.constant 0 : i32
      %dma_wait3A_297 = tpu.memref_slice %arg4[%dma_wait3A_292, %dma_wait3A_296] : memref<4x128xi32, #tpu.memory_space<vmem>> -> memref<1x128xi32, #tpu.memory_space<vmem>>
      %dma_wait3A_298 = tpu.memref_squeeze %dma_wait3A_297 : memref<1x128xi32, #tpu.memory_space<vmem>> -> memref<128xi32, #tpu.memory_space<vmem>>
      %dma_wait3A_299 = arith.constant 0 : i32
      %dma_wait3A_300 = arith.constant 0 : i32
      %dma_wait3A_301 = tpu.memref_slice %arg2[%dma_wait3A_299, %dma_wait3A_300] : memref<400000x48xf32, #tpu.memory_space<hbm>> -> memref<400000x48xf32, #tpu.memory_space<hbm>>
      tpu.wait_indirect_dma semaphore(%arg12 : memref<!tpu.dma_semaphore, #tpu.memory_space<semaphore_mem>>) src(%dma_wait3A_301 : memref<400000x48xf32, #tpu.memory_space<hbm>>) dst(%dma_wait3A_295 : memref<128x48xf32, #tpu.memory_space<vmem>>)
      %dma_wait3A_302 = arith.constant 3 : i32
      %dma_wait3A_303 = arith.constant 384 : i32
      %dma_wait3A_304 = arith.constant 0 : i32
      %dma_wait3A_305 = tpu.memref_slice %arg8[%dma_wait3A_303, %dma_wait3A_304] : memref<512x48xf32, #tpu.memory_space<vmem>> -> memref<128x48xf32, #tpu.memory_space<vmem>>
      %dma_wait3A_306 = arith.constant 0 : i32
      %dma_wait3A_307 = tpu.memref_slice %arg4[%dma_wait3A_302, %dma_wait3A_306] : memref<4x128xi32, #tpu.memory_space<vmem>> -> memref<1x128xi32, #tpu.memory_space<vmem>>
      %dma_wait3A_308 = tpu.memref_squeeze %dma_wait3A_307 : memref<1x128xi32, #tpu.memory_space<vmem>> -> memref<128xi32, #tpu.memory_space<vmem>>
      %dma_wait3A_309 = arith.constant 0 : i32
      %dma_wait3A_310 = arith.constant 0 : i32
      %dma_wait3A_311 = tpu.memref_slice %arg2[%dma_wait3A_309, %dma_wait3A_310] : memref<400000x48xf32, #tpu.memory_space<hbm>> -> memref<400000x48xf32, #tpu.memory_space<hbm>>
      tpu.wait_indirect_dma semaphore(%arg12 : memref<!tpu.dma_semaphore, #tpu.memory_space<semaphore_mem>>) src(%dma_wait3A_311 : memref<400000x48xf32, #tpu.memory_space<hbm>>) dst(%dma_wait3A_305 : memref<128x48xf32, #tpu.memory_space<vmem>>)
      %scan3A_312 = arith.constant 0 : i32
      %scan3A_313 = arith.constant 0 : i32
      %scan3A_314 = arith.constant 32 : i32
      %scan3A_315 = arith.addi %scan3A_313, %scan3A_314 : i32
      %scan3A_316 = arith.constant 1 : i32
      %scan3A_317 = scf.for %scan3A_481 = %scan3A_313 to %scan3A_315 step %scan3A_316 iter_args(%scan3A_482 = %scan3A_312) -> (i32)  : i32 {
        %mul3A_483 = arith.constant 16 : i32
        %mul3A_484 = arith.muli %scan3A_481, %mul3A_483 : i32
        %add3A_485 = vector.broadcast %mul3A_484 : i32 to vector<16xi32>
        %add3A_486 = arith.addi %add3A_485, %iota3A : vector<16xi32>
        %mul3A_487 = arith.constant 16 : i32
        %mul3A_488 = arith.muli %scan3A_481, %mul3A_487 : i32
        %get3A = arith.constant 0 : i32
        %get3A_489 = arith.index_cast %get3A : i32 to index
        %get3A_490 = arith.index_cast %mul3A_488 : i32 to index
        %get3A_491 = tpu.vector_load %arg6[%get3A_489, %get3A_490] {strides = array<i32>} : memref<3x512xf32, #tpu.memory_space<vmem>>, vector<16xf32>,
        %mul3A_492 = arith.constant 16 : i32
        %mul3A_493 = arith.muli %scan3A_481, %mul3A_492 : i32
        %get3A_494 = arith.constant 1 : i32
        %get3A_495 = arith.index_cast %get3A_494 : i32 to index
        %get3A_496 = arith.index_cast %mul3A_493 : i32 to index
        %get3A_497 = tpu.vector_load %arg6[%get3A_495, %get3A_496] {strides = array<i32>} : memref<3x512xf32, #tpu.memory_space<vmem>>, vector<16xf32>,
        %mul3A_498 = arith.constant 16 : i32
        %mul3A_499 = arith.muli %scan3A_481, %mul3A_498 : i32
        %get3A_500 = arith.constant 2 : i32
        %get3A_501 = arith.index_cast %get3A_500 : i32 to index
        %get3A_502 = arith.index_cast %mul3A_499 : i32 to index
        %get3A_503 = tpu.vector_load %arg6[%get3A_501, %get3A_502] {strides = array<i32>} : memref<3x512xf32, #tpu.memory_space<vmem>>, vector<16xf32>,
        %mul3A_504 = arith.constant 0 : i32
        %mul3A_505 = vector.broadcast %mul3A_504 : i32 to vector<16xi32>
        %mul3A_506 = arith.muli %iota3A, %mul3A_505 : vector<16xi32>
        %add3A_507 = arith.constant 0 : i32
        %add3A_508 = vector.broadcast %add3A_507 : i32 to vector<16xi32>
        %add3A_509 = arith.addi %mul3A_506, %add3A_508 : vector<16xi32>
        %gather3A = tpu.vector_load_idx %arg8[%add3A_486, %add3A_509] : memref<512x48xf32, #tpu.memory_space<vmem>>[vector<16xi32>, vector<16xi32>], vector<16xf32>,
        %mul3A_510 = arith.constant 0 : i32
        %mul3A_511 = vector.broadcast %mul3A_510 : i32 to vector<16xi32>
        %mul3A_512 = arith.muli %iota3A, %mul3A_511 : vector<16xi32>
        %add3A_513 = arith.constant 16 : i32
        %add3A_514 = vector.broadcast %add3A_513 : i32 to vector<16xi32>
        %add3A_515 = arith.addi %mul3A_512, %add3A_514 : vector<16xi32>
        %gather3A_516 = tpu.vector_load_idx %arg8[%add3A_486, %add3A_515] : memref<512x48xf32, #tpu.memory_space<vmem>>[vector<16xi32>, vector<16xi32>], vector<16xf32>,
        %mul3A_517 = arith.constant 0 : i32
        %mul3A_518 = vector.broadcast %mul3A_517 : i32 to vector<16xi32>
        %mul3A_519 = arith.muli %iota3A, %mul3A_518 : vector<16xi32>
        %add3A_520 = arith.constant 32 : i32
        %add3A_521 = vector.broadcast %add3A_520 : i32 to vector<16xi32>
        %add3A_522 = arith.addi %mul3A_519, %add3A_521 : vector<16xi32>
        %gather3A_523 = tpu.vector_load_idx %arg8[%add3A_486, %add3A_522] : memref<512x48xf32, #tpu.memory_space<vmem>>[vector<16xi32>, vector<16xi32>], vector<16xf32>,
        %mul3A_524 = arith.mulf %get3A_491, %gather3A : vector<16xf32>
        %mul3A_525 = arith.mulf %get3A_497, %gather3A_516 : vector<16xf32>
        %add3A_526 = arith.addf %mul3A_524, %mul3A_525 : vector<16xf32>
        %mul3A_527 = arith.mulf %get3A_503, %gather3A_523 : vector<16xf32>
        %add3A_528 = arith.addf %add3A_526, %mul3A_527 : vector<16xf32>
        %mul3A_529 = arith.constant 0 : i32
        %mul3A_530 = vector.broadcast %mul3A_529 : i32 to vector<16xi32>
        %mul3A_531 = arith.muli %iota3A, %mul3A_530 : vector<16xi32>
        %add3A_532 = arith.constant 1 : i32
        %add3A_533 = vector.broadcast %add3A_532 : i32 to vector<16xi32>
        %add3A_534 = arith.addi %mul3A_531, %add3A_533 : vector<16xi32>
        %gather3A_535 = tpu.vector_load_idx %arg8[%add3A_486, %add3A_534] : memref<512x48xf32, #tpu.memory_space<vmem>>[vector<16xi32>, vector<16xi32>], vector<16xf32>,
        %mul3A_536 = arith.constant 0 : i32
        %mul3A_537 = vector.broadcast %mul3A_536 : i32 to vector<16xi32>
        %mul3A_538 = arith.muli %iota3A, %mul3A_537 : vector<16xi32>
        %add3A_539 = arith.constant 17 : i32
        %add3A_540 = vector.broadcast %add3A_539 : i32 to vector<16xi32>
        %add3A_541 = arith.addi %mul3A_538, %add3A_540 : vector<16xi32>
        %gather3A_542 = tpu.vector_load_idx %arg8[%add3A_486, %add3A_541] : memref<512x48xf32, #tpu.memory_space<vmem>>[vector<16xi32>, vector<16xi32>], vector<16xf32>,
        %mul3A_543 = arith.constant 0 : i32
        %mul3A_544 = vector.broadcast %mul3A_543 : i32 to vector<16xi32>
        %mul3A_545 = arith.muli %iota3A, %mul3A_544 : vector<16xi32>
        %add3A_546 = arith.constant 33 : i32
        %add3A_547 = vector.broadcast %add3A_546 : i32 to vector<16xi32>
        %add3A_548 = arith.addi %mul3A_545, %add3A_547 : vector<16xi32>
        %gather3A_549 = tpu.vector_load_idx %arg8[%add3A_486, %add3A_548] : memref<512x48xf32, #tpu.memory_space<vmem>>[vector<16xi32>, vector<16xi32>], vector<16xf32>,
        %mul3A_550 = arith.mulf %get3A_491, %gather3A_535 : vector<16xf32>
        %mul3A_551 = arith.mulf %get3A_497, %gather3A_542 : vector<16xf32>
        %add3A_552 = arith.addf %mul3A_550, %mul3A_551 : vector<16xf32>
        %mul3A_553 = arith.mulf %get3A_503, %gather3A_549 : vector<16xf32>
        %add3A_554 = arith.addf %add3A_552, %mul3A_553 : vector<16xf32>
        %mul3A_555 = arith.constant 0 : i32
        %mul3A_556 = vector.broadcast %mul3A_555 : i32 to vector<16xi32>
        %mul3A_557 = arith.muli %iota3A, %mul3A_556 : vector<16xi32>
        %add3A_558 = arith.constant 2 : i32
        %add3A_559 = vector.broadcast %add3A_558 : i32 to vector<16xi32>
        %add3A_560 = arith.addi %mul3A_557, %add3A_559 : vector<16xi32>
        %gather3A_561 = tpu.vector_load_idx %arg8[%add3A_486, %add3A_560] : memref<512x48xf32, #tpu.memory_space<vmem>>[vector<16xi32>, vector<16xi32>], vector<16xf32>,
        %mul3A_562 = arith.constant 0 : i32
        %mul3A_563 = vector.broadcast %mul3A_562 : i32 to vector<16xi32>
        %mul3A_564 = arith.muli %iota3A, %mul3A_563 : vector<16xi32>
        %add3A_565 = arith.constant 18 : i32
        %add3A_566 = vector.broadcast %add3A_565 : i32 to vector<16xi32>
        %add3A_567 = arith.addi %mul3A_564, %add3A_566 : vector<16xi32>
        %gather3A_568 = tpu.vector_load_idx %arg8[%add3A_486, %add3A_567] : memref<512x48xf32, #tpu.memory_space<vmem>>[vector<16xi32>, vector<16xi32>], vector<16xf32>,
        %mul3A_569 = arith.constant 0 : i32
        %mul3A_570 = vector.broadcast %mul3A_569 : i32 to vector<16xi32>
        %mul3A_571 = arith.muli %iota3A, %mul3A_570 : vector<16xi32>
        %add3A_572 = arith.constant 34 : i32
        %add3A_573 = vector.broadcast %add3A_572 : i32 to vector<16xi32>
        %add3A_574 = arith.addi %mul3A_571, %add3A_573 : vector<16xi32>
        %gather3A_575 = tpu.vector_load_idx %arg8[%add3A_486, %add3A_574] : memref<512x48xf32, #tpu.memory_space<vmem>>[vector<16xi32>, vector<16xi32>], vector<16xf32>,
        %mul3A_576 = arith.mulf %get3A_491, %gather3A_561 : vector<16xf32>
        %mul3A_577 = arith.mulf %get3A_497, %gather3A_568 : vector<16xf32>
        %add3A_578 = arith.addf %mul3A_576, %mul3A_577 : vector<16xf32>
        %mul3A_579 = arith.mulf %get3A_503, %gather3A_575 : vector<16xf32>
        %add3A_580 = arith.addf %add3A_578, %mul3A_579 : vector<16xf32>
        %mul3A_581 = arith.constant 0 : i32
        %mul3A_582 = vector.broadcast %mul3A_581 : i32 to vector<16xi32>
        %mul3A_583 = arith.muli %iota3A, %mul3A_582 : vector<16xi32>
        %add3A_584 = arith.constant 3 : i32
        %add3A_585 = vector.broadcast %add3A_584 : i32 to vector<16xi32>
        %add3A_586 = arith.addi %mul3A_583, %add3A_585 : vector<16xi32>
        %gather3A_587 = tpu.vector_load_idx %arg8[%add3A_486, %add3A_586] : memref<512x48xf32, #tpu.memory_space<vmem>>[vector<16xi32>, vector<16xi32>], vector<16xf32>,
        %mul3A_588 = arith.constant 0 : i32
        %mul3A_589 = vector.broadcast %mul3A_588 : i32 to vector<16xi32>
        %mul3A_590 = arith.muli %iota3A, %mul3A_589 : vector<16xi32>
        %add3A_591 = arith.constant 19 : i32
        %add3A_592 = vector.broadcast %add3A_591 : i32 to vector<16xi32>
        %add3A_593 = arith.addi %mul3A_590, %add3A_592 : vector<16xi32>
        %gather3A_594 = tpu.vector_load_idx %arg8[%add3A_486, %add3A_593] : memref<512x48xf32, #tpu.memory_space<vmem>>[vector<16xi32>, vector<16xi32>], vector<16xf32>,
        %mul3A_595 = arith.constant 0 : i32
        %mul3A_596 = vector.broadcast %mul3A_595 : i32 to vector<16xi32>
        %mul3A_597 = arith.muli %iota3A, %mul3A_596 : vector<16xi32>
        %add3A_598 = arith.constant 35 : i32
        %add3A_599 = vector.broadcast %add3A_598 : i32 to vector<16xi32>
        %add3A_600 = arith.addi %mul3A_597, %add3A_599 : vector<16xi32>
        %gather3A_601 = tpu.vector_load_idx %arg8[%add3A_486, %add3A_600] : memref<512x48xf32, #tpu.memory_space<vmem>>[vector<16xi32>, vector<16xi32>], vector<16xf32>,
        %mul3A_602 = arith.mulf %get3A_491, %gather3A_587 : vector<16xf32>
        %mul3A_603 = arith.mulf %get3A_497, %gather3A_594 : vector<16xf32>
        %add3A_604 = arith.addf %mul3A_602, %mul3A_603 : vector<16xf32>
        %mul3A_605 = arith.mulf %get3A_503, %gather3A_601 : vector<16xf32>
        %add3A_606 = arith.addf %add3A_604, %mul3A_605 : vector<16xf32>
        %mul3A_607 = arith.constant 0 : i32
        %mul3A_608 = vector.broadcast %mul3A_607 : i32 to vector<16xi32>
        %mul3A_609 = arith.muli %iota3A, %mul3A_608 : vector<16xi32>
        %add3A_610 = arith.constant 4 : i32
        %add3A_611 = vector.broadcast %add3A_610 : i32 to vector<16xi32>
        %add3A_612 = arith.addi %mul3A_609, %add3A_611 : vector<16xi32>
        %gather3A_613 = tpu.vector_load_idx %arg8[%add3A_486, %add3A_612] : memref<512x48xf32, #tpu.memory_space<vmem>>[vector<16xi32>, vector<16xi32>], vector<16xf32>,
        %mul3A_614 = arith.constant 0 : i32
        %mul3A_615 = vector.broadcast %mul3A_614 : i32 to vector<16xi32>
        %mul3A_616 = arith.muli %iota3A, %mul3A_615 : vector<16xi32>
        %add3A_617 = arith.constant 20 : i32
        %add3A_618 = vector.broadcast %add3A_617 : i32 to vector<16xi32>
        %add3A_619 = arith.addi %mul3A_616, %add3A_618 : vector<16xi32>
        %gather3A_620 = tpu.vector_load_idx %arg8[%add3A_486, %add3A_619] : memref<512x48xf32, #tpu.memory_space<vmem>>[vector<16xi32>, vector<16xi32>], vector<16xf32>,
        %mul3A_621 = arith.constant 0 : i32
        %mul3A_622 = vector.broadcast %mul3A_621 : i32 to vector<16xi32>
        %mul3A_623 = arith.muli %iota3A, %mul3A_622 : vector<16xi32>
        %add3A_624 = arith.constant 36 : i32
        %add3A_625 = vector.broadcast %add3A_624 : i32 to vector<16xi32>
        %add3A_626 = arith.addi %mul3A_623, %add3A_625 : vector<16xi32>
        %gather3A_627 = tpu.vector_load_idx %arg8[%add3A_486, %add3A_626] : memref<512x48xf32, #tpu.memory_space<vmem>>[vector<16xi32>, vector<16xi32>], vector<16xf32>,
        %mul3A_628 = arith.mulf %get3A_491, %gather3A_613 : vector<16xf32>
        %mul3A_629 = arith.mulf %get3A_497, %gather3A_620 : vector<16xf32>
        %add3A_630 = arith.addf %mul3A_628, %mul3A_629 : vector<16xf32>
        %mul3A_631 = arith.mulf %get3A_503, %gather3A_627 : vector<16xf32>
        %add3A_632 = arith.addf %add3A_630, %mul3A_631 : vector<16xf32>
        %mul3A_633 = arith.constant 0 : i32
        %mul3A_634 = vector.broadcast %mul3A_633 : i32 to vector<16xi32>
        %mul3A_635 = arith.muli %iota3A, %mul3A_634 : vector<16xi32>
        %add3A_636 = arith.constant 5 : i32
        %add3A_637 = vector.broadcast %add3A_636 : i32 to vector<16xi32>
        %add3A_638 = arith.addi %mul3A_635, %add3A_637 : vector<16xi32>
        %gather3A_639 = tpu.vector_load_idx %arg8[%add3A_486, %add3A_638] : memref<512x48xf32, #tpu.memory_space<vmem>>[vector<16xi32>, vector<16xi32>], vector<16xf32>,
        %mul3A_640 = arith.constant 0 : i32
        %mul3A_641 = vector.broadcast %mul3A_640 : i32 to vector<16xi32>
        %mul3A_642 = arith.muli %iota3A, %mul3A_641 : vector<16xi32>
        %add3A_643 = arith.constant 21 : i32
        %add3A_644 = vector.broadcast %add3A_643 : i32 to vector<16xi32>
        %add3A_645 = arith.addi %mul3A_642, %add3A_644 : vector<16xi32>
        %gather3A_646 = tpu.vector_load_idx %arg8[%add3A_486, %add3A_645] : memref<512x48xf32, #tpu.memory_space<vmem>>[vector<16xi32>, vector<16xi32>], vector<16xf32>,
        %mul3A_647 = arith.constant 0 : i32
        %mul3A_648 = vector.broadcast %mul3A_647 : i32 to vector<16xi32>
        %mul3A_649 = arith.muli %iota3A, %mul3A_648 : vector<16xi32>
        %add3A_650 = arith.constant 37 : i32
        %add3A_651 = vector.broadcast %add3A_650 : i32 to vector<16xi32>
        %add3A_652 = arith.addi %mul3A_649, %add3A_651 : vector<16xi32>
        %gather3A_653 = tpu.vector_load_idx %arg8[%add3A_486, %add3A_652] : memref<512x48xf32, #tpu.memory_space<vmem>>[vector<16xi32>, vector<16xi32>], vector<16xf32>,
        %mul3A_654 = arith.mulf %get3A_491, %gather3A_639 : vector<16xf32>
        %mul3A_655 = arith.mulf %get3A_497, %gather3A_646 : vector<16xf32>
        %add3A_656 = arith.addf %mul3A_654, %mul3A_655 : vector<16xf32>
        %mul3A_657 = arith.mulf %get3A_503, %gather3A_653 : vector<16xf32>
        %add3A_658 = arith.addf %add3A_656, %mul3A_657 : vector<16xf32>
        %mul3A_659 = arith.constant 0 : i32
        %mul3A_660 = vector.broadcast %mul3A_659 : i32 to vector<16xi32>
        %mul3A_661 = arith.muli %iota3A, %mul3A_660 : vector<16xi32>
        %add3A_662 = arith.constant 6 : i32
        %add3A_663 = vector.broadcast %add3A_662 : i32 to vector<16xi32>
        %add3A_664 = arith.addi %mul3A_661, %add3A_663 : vector<16xi32>
        %gather3A_665 = tpu.vector_load_idx %arg8[%add3A_486, %add3A_664] : memref<512x48xf32, #tpu.memory_space<vmem>>[vector<16xi32>, vector<16xi32>], vector<16xf32>,
        %mul3A_666 = arith.constant 0 : i32
        %mul3A_667 = vector.broadcast %mul3A_666 : i32 to vector<16xi32>
        %mul3A_668 = arith.muli %iota3A, %mul3A_667 : vector<16xi32>
        %add3A_669 = arith.constant 22 : i32
        %add3A_670 = vector.broadcast %add3A_669 : i32 to vector<16xi32>
        %add3A_671 = arith.addi %mul3A_668, %add3A_670 : vector<16xi32>
        %gather3A_672 = tpu.vector_load_idx %arg8[%add3A_486, %add3A_671] : memref<512x48xf32, #tpu.memory_space<vmem>>[vector<16xi32>, vector<16xi32>], vector<16xf32>,
        %mul3A_673 = arith.constant 0 : i32
        %mul3A_674 = vector.broadcast %mul3A_673 : i32 to vector<16xi32>
        %mul3A_675 = arith.muli %iota3A, %mul3A_674 : vector<16xi32>
        %add3A_676 = arith.constant 38 : i32
        %add3A_677 = vector.broadcast %add3A_676 : i32 to vector<16xi32>
        %add3A_678 = arith.addi %mul3A_675, %add3A_677 : vector<16xi32>
        %gather3A_679 = tpu.vector_load_idx %arg8[%add3A_486, %add3A_678] : memref<512x48xf32, #tpu.memory_space<vmem>>[vector<16xi32>, vector<16xi32>], vector<16xf32>,
        %mul3A_680 = arith.mulf %get3A_491, %gather3A_665 : vector<16xf32>
        %mul3A_681 = arith.mulf %get3A_497, %gather3A_672 : vector<16xf32>
        %add3A_682 = arith.addf %mul3A_680, %mul3A_681 : vector<16xf32>
        %mul3A_683 = arith.mulf %get3A_503, %gather3A_679 : vector<16xf32>
        %add3A_684 = arith.addf %add3A_682, %mul3A_683 : vector<16xf32>
        %mul3A_685 = arith.constant 0 : i32
        %mul3A_686 = vector.broadcast %mul3A_685 : i32 to vector<16xi32>
        %mul3A_687 = arith.muli %iota3A, %mul3A_686 : vector<16xi32>
        %add3A_688 = arith.constant 7 : i32
        %add3A_689 = vector.broadcast %add3A_688 : i32 to vector<16xi32>
        %add3A_690 = arith.addi %mul3A_687, %add3A_689 : vector<16xi32>
        %gather3A_691 = tpu.vector_load_idx %arg8[%add3A_486, %add3A_690] : memref<512x48xf32, #tpu.memory_space<vmem>>[vector<16xi32>, vector<16xi32>], vector<16xf32>,
        %mul3A_692 = arith.constant 0 : i32
        %mul3A_693 = vector.broadcast %mul3A_692 : i32 to vector<16xi32>
        %mul3A_694 = arith.muli %iota3A, %mul3A_693 : vector<16xi32>
        %add3A_695 = arith.constant 23 : i32
        %add3A_696 = vector.broadcast %add3A_695 : i32 to vector<16xi32>
        %add3A_697 = arith.addi %mul3A_694, %add3A_696 : vector<16xi32>
        %gather3A_698 = tpu.vector_load_idx %arg8[%add3A_486, %add3A_697] : memref<512x48xf32, #tpu.memory_space<vmem>>[vector<16xi32>, vector<16xi32>], vector<16xf32>,
        %mul3A_699 = arith.constant 0 : i32
        %mul3A_700 = vector.broadcast %mul3A_699 : i32 to vector<16xi32>
        %mul3A_701 = arith.muli %iota3A, %mul3A_700 : vector<16xi32>
        %add3A_702 = arith.constant 39 : i32
        %add3A_703 = vector.broadcast %add3A_702 : i32 to vector<16xi32>
        %add3A_704 = arith.addi %mul3A_701, %add3A_703 : vector<16xi32>
        %gather3A_705 = tpu.vector_load_idx %arg8[%add3A_486, %add3A_704] : memref<512x48xf32, #tpu.memory_space<vmem>>[vector<16xi32>, vector<16xi32>], vector<16xf32>,
        %mul3A_706 = arith.mulf %get3A_491, %gather3A_691 : vector<16xf32>
        %mul3A_707 = arith.mulf %get3A_497, %gather3A_698 : vector<16xf32>
        %add3A_708 = arith.addf %mul3A_706, %mul3A_707 : vector<16xf32>
        %mul3A_709 = arith.mulf %get3A_503, %gather3A_705 : vector<16xf32>
        %add3A_710 = arith.addf %add3A_708, %mul3A_709 : vector<16xf32>
        %mul3A_711 = arith.constant 0 : i32
        %mul3A_712 = vector.broadcast %mul3A_711 : i32 to vector<16xi32>
        %mul3A_713 = arith.muli %iota3A, %mul3A_712 : vector<16xi32>
        %add3A_714 = arith.constant 8 : i32
        %add3A_715 = vector.broadcast %add3A_714 : i32 to vector<16xi32>
        %add3A_716 = arith.addi %mul3A_713, %add3A_715 : vector<16xi32>
        %gather3A_717 = tpu.vector_load_idx %arg8[%add3A_486, %add3A_716] : memref<512x48xf32, #tpu.memory_space<vmem>>[vector<16xi32>, vector<16xi32>], vector<16xf32>,
        %mul3A_718 = arith.constant 0 : i32
        %mul3A_719 = vector.broadcast %mul3A_718 : i32 to vector<16xi32>
        %mul3A_720 = arith.muli %iota3A, %mul3A_719 : vector<16xi32>
        %add3A_721 = arith.constant 24 : i32
        %add3A_722 = vector.broadcast %add3A_721 : i32 to vector<16xi32>
        %add3A_723 = arith.addi %mul3A_720, %add3A_722 : vector<16xi32>
        %gather3A_724 = tpu.vector_load_idx %arg8[%add3A_486, %add3A_723] : memref<512x48xf32, #tpu.memory_space<vmem>>[vector<16xi32>, vector<16xi32>], vector<16xf32>,
        %mul3A_725 = arith.constant 0 : i32
        %mul3A_726 = vector.broadcast %mul3A_725 : i32 to vector<16xi32>
        %mul3A_727 = arith.muli %iota3A, %mul3A_726 : vector<16xi32>
        %add3A_728 = arith.constant 40 : i32
        %add3A_729 = vector.broadcast %add3A_728 : i32 to vector<16xi32>
        %add3A_730 = arith.addi %mul3A_727, %add3A_729 : vector<16xi32>
        %gather3A_731 = tpu.vector_load_idx %arg8[%add3A_486, %add3A_730] : memref<512x48xf32, #tpu.memory_space<vmem>>[vector<16xi32>, vector<16xi32>], vector<16xf32>,
        %mul3A_732 = arith.mulf %get3A_491, %gather3A_717 : vector<16xf32>
        %mul3A_733 = arith.mulf %get3A_497, %gather3A_724 : vector<16xf32>
        %add3A_734 = arith.addf %mul3A_732, %mul3A_733 : vector<16xf32>
        %mul3A_735 = arith.mulf %get3A_503, %gather3A_731 : vector<16xf32>
        %add3A_736 = arith.addf %add3A_734, %mul3A_735 : vector<16xf32>
        %mul3A_737 = arith.constant 0 : i32
        %mul3A_738 = vector.broadcast %mul3A_737 : i32 to vector<16xi32>
        %mul3A_739 = arith.muli %iota3A, %mul3A_738 : vector<16xi32>
        %add3A_740 = arith.constant 9 : i32
        %add3A_741 = vector.broadcast %add3A_740 : i32 to vector<16xi32>
        %add3A_742 = arith.addi %mul3A_739, %add3A_741 : vector<16xi32>
        %gather3A_743 = tpu.vector_load_idx %arg8[%add3A_486, %add3A_742] : memref<512x48xf32, #tpu.memory_space<vmem>>[vector<16xi32>, vector<16xi32>], vector<16xf32>,
        %mul3A_744 = arith.constant 0 : i32
        %mul3A_745 = vector.broadcast %mul3A_744 : i32 to vector<16xi32>
        %mul3A_746 = arith.muli %iota3A, %mul3A_745 : vector<16xi32>
        %add3A_747 = arith.constant 25 : i32
        %add3A_748 = vector.broadcast %add3A_747 : i32 to vector<16xi32>
        %add3A_749 = arith.addi %mul3A_746, %add3A_748 : vector<16xi32>
        %gather3A_750 = tpu.vector_load_idx %arg8[%add3A_486, %add3A_749] : memref<512x48xf32, #tpu.memory_space<vmem>>[vector<16xi32>, vector<16xi32>], vector<16xf32>,
        %mul3A_751 = arith.constant 0 : i32
        %mul3A_752 = vector.broadcast %mul3A_751 : i32 to vector<16xi32>
        %mul3A_753 = arith.muli %iota3A, %mul3A_752 : vector<16xi32>
        %add3A_754 = arith.constant 41 : i32
        %add3A_755 = vector.broadcast %add3A_754 : i32 to vector<16xi32>
        %add3A_756 = arith.addi %mul3A_753, %add3A_755 : vector<16xi32>
        %gather3A_757 = tpu.vector_load_idx %arg8[%add3A_486, %add3A_756] : memref<512x48xf32, #tpu.memory_space<vmem>>[vector<16xi32>, vector<16xi32>], vector<16xf32>,
        %mul3A_758 = arith.mulf %get3A_491, %gather3A_743 : vector<16xf32>
        %mul3A_759 = arith.mulf %get3A_497, %gather3A_750 : vector<16xf32>
        %add3A_760 = arith.addf %mul3A_758, %mul3A_759 : vector<16xf32>
        %mul3A_761 = arith.mulf %get3A_503, %gather3A_757 : vector<16xf32>
        %add3A_762 = arith.addf %add3A_760, %mul3A_761 : vector<16xf32>
        %mul3A_763 = arith.constant 0 : i32
        %mul3A_764 = vector.broadcast %mul3A_763 : i32 to vector<16xi32>
        %mul3A_765 = arith.muli %iota3A, %mul3A_764 : vector<16xi32>
        %add3A_766 = arith.constant 10 : i32
        %add3A_767 = vector.broadcast %add3A_766 : i32 to vector<16xi32>
        %add3A_768 = arith.addi %mul3A_765, %add3A_767 : vector<16xi32>
        %gather3A_769 = tpu.vector_load_idx %arg8[%add3A_486, %add3A_768] : memref<512x48xf32, #tpu.memory_space<vmem>>[vector<16xi32>, vector<16xi32>], vector<16xf32>,
        %mul3A_770 = arith.constant 0 : i32
        %mul3A_771 = vector.broadcast %mul3A_770 : i32 to vector<16xi32>
        %mul3A_772 = arith.muli %iota3A, %mul3A_771 : vector<16xi32>
        %add3A_773 = arith.constant 26 : i32
        %add3A_774 = vector.broadcast %add3A_773 : i32 to vector<16xi32>
        %add3A_775 = arith.addi %mul3A_772, %add3A_774 : vector<16xi32>
        %gather3A_776 = tpu.vector_load_idx %arg8[%add3A_486, %add3A_775] : memref<512x48xf32, #tpu.memory_space<vmem>>[vector<16xi32>, vector<16xi32>], vector<16xf32>,
        %mul3A_777 = arith.constant 0 : i32
        %mul3A_778 = vector.broadcast %mul3A_777 : i32 to vector<16xi32>
        %mul3A_779 = arith.muli %iota3A, %mul3A_778 : vector<16xi32>
        %add3A_780 = arith.constant 42 : i32
        %add3A_781 = vector.broadcast %add3A_780 : i32 to vector<16xi32>
        %add3A_782 = arith.addi %mul3A_779, %add3A_781 : vector<16xi32>
        %gather3A_783 = tpu.vector_load_idx %arg8[%add3A_486, %add3A_782] : memref<512x48xf32, #tpu.memory_space<vmem>>[vector<16xi32>, vector<16xi32>], vector<16xf32>,
        %mul3A_784 = arith.mulf %get3A_491, %gather3A_769 : vector<16xf32>
        %mul3A_785 = arith.mulf %get3A_497, %gather3A_776 : vector<16xf32>
        %add3A_786 = arith.addf %mul3A_784, %mul3A_785 : vector<16xf32>
        %mul3A_787 = arith.mulf %get3A_503, %gather3A_783 : vector<16xf32>
        %add3A_788 = arith.addf %add3A_786, %mul3A_787 : vector<16xf32>
        %mul3A_789 = arith.constant 0 : i32
        %mul3A_790 = vector.broadcast %mul3A_789 : i32 to vector<16xi32>
        %mul3A_791 = arith.muli %iota3A, %mul3A_790 : vector<16xi32>
        %add3A_792 = arith.constant 11 : i32
        %add3A_793 = vector.broadcast %add3A_792 : i32 to vector<16xi32>
        %add3A_794 = arith.addi %mul3A_791, %add3A_793 : vector<16xi32>
        %gather3A_795 = tpu.vector_load_idx %arg8[%add3A_486, %add3A_794] : memref<512x48xf32, #tpu.memory_space<vmem>>[vector<16xi32>, vector<16xi32>], vector<16xf32>,
        %mul3A_796 = arith.constant 0 : i32
        %mul3A_797 = vector.broadcast %mul3A_796 : i32 to vector<16xi32>
        %mul3A_798 = arith.muli %iota3A, %mul3A_797 : vector<16xi32>
        %add3A_799 = arith.constant 27 : i32
        %add3A_800 = vector.broadcast %add3A_799 : i32 to vector<16xi32>
        %add3A_801 = arith.addi %mul3A_798, %add3A_800 : vector<16xi32>
        %gather3A_802 = tpu.vector_load_idx %arg8[%add3A_486, %add3A_801] : memref<512x48xf32, #tpu.memory_space<vmem>>[vector<16xi32>, vector<16xi32>], vector<16xf32>,
        %mul3A_803 = arith.constant 0 : i32
        %mul3A_804 = vector.broadcast %mul3A_803 : i32 to vector<16xi32>
        %mul3A_805 = arith.muli %iota3A, %mul3A_804 : vector<16xi32>
        %add3A_806 = arith.constant 43 : i32
        %add3A_807 = vector.broadcast %add3A_806 : i32 to vector<16xi32>
        %add3A_808 = arith.addi %mul3A_805, %add3A_807 : vector<16xi32>
        %gather3A_809 = tpu.vector_load_idx %arg8[%add3A_486, %add3A_808] : memref<512x48xf32, #tpu.memory_space<vmem>>[vector<16xi32>, vector<16xi32>], vector<16xf32>,
        %mul3A_810 = arith.mulf %get3A_491, %gather3A_795 : vector<16xf32>
        %mul3A_811 = arith.mulf %get3A_497, %gather3A_802 : vector<16xf32>
        %add3A_812 = arith.addf %mul3A_810, %mul3A_811 : vector<16xf32>
        %mul3A_813 = arith.mulf %get3A_503, %gather3A_809 : vector<16xf32>
        %add3A_814 = arith.addf %add3A_812, %mul3A_813 : vector<16xf32>
        %mul3A_815 = arith.constant 0 : i32
        %mul3A_816 = vector.broadcast %mul3A_815 : i32 to vector<16xi32>
        %mul3A_817 = arith.muli %iota3A, %mul3A_816 : vector<16xi32>
        %add3A_818 = arith.constant 12 : i32
        %add3A_819 = vector.broadcast %add3A_818 : i32 to vector<16xi32>
        %add3A_820 = arith.addi %mul3A_817, %add3A_819 : vector<16xi32>
        %gather3A_821 = tpu.vector_load_idx %arg8[%add3A_486, %add3A_820] : memref<512x48xf32, #tpu.memory_space<vmem>>[vector<16xi32>, vector<16xi32>], vector<16xf32>,
        %mul3A_822 = arith.constant 0 : i32
        %mul3A_823 = vector.broadcast %mul3A_822 : i32 to vector<16xi32>
        %mul3A_824 = arith.muli %iota3A, %mul3A_823 : vector<16xi32>
        %add3A_825 = arith.constant 28 : i32
        %add3A_826 = vector.broadcast %add3A_825 : i32 to vector<16xi32>
        %add3A_827 = arith.addi %mul3A_824, %add3A_826 : vector<16xi32>
        %gather3A_828 = tpu.vector_load_idx %arg8[%add3A_486, %add3A_827] : memref<512x48xf32, #tpu.memory_space<vmem>>[vector<16xi32>, vector<16xi32>], vector<16xf32>,
        %mul3A_829 = arith.constant 0 : i32
        %mul3A_830 = vector.broadcast %mul3A_829 : i32 to vector<16xi32>
        %mul3A_831 = arith.muli %iota3A, %mul3A_830 : vector<16xi32>
        %add3A_832 = arith.constant 44 : i32
        %add3A_833 = vector.broadcast %add3A_832 : i32 to vector<16xi32>
        %add3A_834 = arith.addi %mul3A_831, %add3A_833 : vector<16xi32>
        %gather3A_835 = tpu.vector_load_idx %arg8[%add3A_486, %add3A_834] : memref<512x48xf32, #tpu.memory_space<vmem>>[vector<16xi32>, vector<16xi32>], vector<16xf32>,
        %mul3A_836 = arith.mulf %get3A_491, %gather3A_821 : vector<16xf32>
        %mul3A_837 = arith.mulf %get3A_497, %gather3A_828 : vector<16xf32>
        %add3A_838 = arith.addf %mul3A_836, %mul3A_837 : vector<16xf32>
        %mul3A_839 = arith.mulf %get3A_503, %gather3A_835 : vector<16xf32>
        %add3A_840 = arith.addf %add3A_838, %mul3A_839 : vector<16xf32>
        %mul3A_841 = arith.constant 0 : i32
        %mul3A_842 = vector.broadcast %mul3A_841 : i32 to vector<16xi32>
        %mul3A_843 = arith.muli %iota3A, %mul3A_842 : vector<16xi32>
        %add3A_844 = arith.constant 13 : i32
        %add3A_845 = vector.broadcast %add3A_844 : i32 to vector<16xi32>
        %add3A_846 = arith.addi %mul3A_843, %add3A_845 : vector<16xi32>
        %gather3A_847 = tpu.vector_load_idx %arg8[%add3A_486, %add3A_846] : memref<512x48xf32, #tpu.memory_space<vmem>>[vector<16xi32>, vector<16xi32>], vector<16xf32>,
        %mul3A_848 = arith.constant 0 : i32
        %mul3A_849 = vector.broadcast %mul3A_848 : i32 to vector<16xi32>
        %mul3A_850 = arith.muli %iota3A, %mul3A_849 : vector<16xi32>
        %add3A_851 = arith.constant 29 : i32
        %add3A_852 = vector.broadcast %add3A_851 : i32 to vector<16xi32>
        %add3A_853 = arith.addi %mul3A_850, %add3A_852 : vector<16xi32>
        %gather3A_854 = tpu.vector_load_idx %arg8[%add3A_486, %add3A_853] : memref<512x48xf32, #tpu.memory_space<vmem>>[vector<16xi32>, vector<16xi32>], vector<16xf32>,
        %mul3A_855 = arith.constant 0 : i32
        %mul3A_856 = vector.broadcast %mul3A_855 : i32 to vector<16xi32>
        %mul3A_857 = arith.muli %iota3A, %mul3A_856 : vector<16xi32>
        %add3A_858 = arith.constant 45 : i32
        %add3A_859 = vector.broadcast %add3A_858 : i32 to vector<16xi32>
        %add3A_860 = arith.addi %mul3A_857, %add3A_859 : vector<16xi32>
        %gather3A_861 = tpu.vector_load_idx %arg8[%add3A_486, %add3A_860] : memref<512x48xf32, #tpu.memory_space<vmem>>[vector<16xi32>, vector<16xi32>], vector<16xf32>,
        %mul3A_862 = arith.mulf %get3A_491, %gather3A_847 : vector<16xf32>
        %mul3A_863 = arith.mulf %get3A_497, %gather3A_854 : vector<16xf32>
        %add3A_864 = arith.addf %mul3A_862, %mul3A_863 : vector<16xf32>
        %mul3A_865 = arith.mulf %get3A_503, %gather3A_861 : vector<16xf32>
        %add3A_866 = arith.addf %add3A_864, %mul3A_865 : vector<16xf32>
        %mul3A_867 = arith.constant 0 : i32
        %mul3A_868 = vector.broadcast %mul3A_867 : i32 to vector<16xi32>
        %mul3A_869 = arith.muli %iota3A, %mul3A_868 : vector<16xi32>
        %add3A_870 = arith.constant 14 : i32
        %add3A_871 = vector.broadcast %add3A_870 : i32 to vector<16xi32>
        %add3A_872 = arith.addi %mul3A_869, %add3A_871 : vector<16xi32>
        %gather3A_873 = tpu.vector_load_idx %arg8[%add3A_486, %add3A_872] : memref<512x48xf32, #tpu.memory_space<vmem>>[vector<16xi32>, vector<16xi32>], vector<16xf32>,
        %mul3A_874 = arith.constant 0 : i32
        %mul3A_875 = vector.broadcast %mul3A_874 : i32 to vector<16xi32>
        %mul3A_876 = arith.muli %iota3A, %mul3A_875 : vector<16xi32>
        %add3A_877 = arith.constant 30 : i32
        %add3A_878 = vector.broadcast %add3A_877 : i32 to vector<16xi32>
        %add3A_879 = arith.addi %mul3A_876, %add3A_878 : vector<16xi32>
        %gather3A_880 = tpu.vector_load_idx %arg8[%add3A_486, %add3A_879] : memref<512x48xf32, #tpu.memory_space<vmem>>[vector<16xi32>, vector<16xi32>], vector<16xf32>,
        %mul3A_881 = arith.constant 0 : i32
        %mul3A_882 = vector.broadcast %mul3A_881 : i32 to vector<16xi32>
        %mul3A_883 = arith.muli %iota3A, %mul3A_882 : vector<16xi32>
        %add3A_884 = arith.constant 46 : i32
        %add3A_885 = vector.broadcast %add3A_884 : i32 to vector<16xi32>
        %add3A_886 = arith.addi %mul3A_883, %add3A_885 : vector<16xi32>
        %gather3A_887 = tpu.vector_load_idx %arg8[%add3A_486, %add3A_886] : memref<512x48xf32, #tpu.memory_space<vmem>>[vector<16xi32>, vector<16xi32>], vector<16xf32>,
        %mul3A_888 = arith.mulf %get3A_491, %gather3A_873 : vector<16xf32>
        %mul3A_889 = arith.mulf %get3A_497, %gather3A_880 : vector<16xf32>
        %add3A_890 = arith.addf %mul3A_888, %mul3A_889 : vector<16xf32>
        %mul3A_891 = arith.mulf %get3A_503, %gather3A_887 : vector<16xf32>
        %add3A_892 = arith.addf %add3A_890, %mul3A_891 : vector<16xf32>
        %mul3A_893 = arith.constant 0 : i32
        %mul3A_894 = vector.broadcast %mul3A_893 : i32 to vector<16xi32>
        %mul3A_895 = arith.muli %iota3A, %mul3A_894 : vector<16xi32>
        %add3A_896 = arith.constant 15 : i32
        %add3A_897 = vector.broadcast %add3A_896 : i32 to vector<16xi32>
        %add3A_898 = arith.addi %mul3A_895, %add3A_897 : vector<16xi32>
        %gather3A_899 = tpu.vector_load_idx %arg8[%add3A_486, %add3A_898] : memref<512x48xf32, #tpu.memory_space<vmem>>[vector<16xi32>, vector<16xi32>], vector<16xf32>,
        %mul3A_900 = arith.constant 0 : i32
        %mul3A_901 = vector.broadcast %mul3A_900 : i32 to vector<16xi32>
        %mul3A_902 = arith.muli %iota3A, %mul3A_901 : vector<16xi32>
        %add3A_903 = arith.constant 31 : i32
        %add3A_904 = vector.broadcast %add3A_903 : i32 to vector<16xi32>
        %add3A_905 = arith.addi %mul3A_902, %add3A_904 : vector<16xi32>
        %gather3A_906 = tpu.vector_load_idx %arg8[%add3A_486, %add3A_905] : memref<512x48xf32, #tpu.memory_space<vmem>>[vector<16xi32>, vector<16xi32>], vector<16xf32>,
        %mul3A_907 = arith.constant 0 : i32
        %mul3A_908 = vector.broadcast %mul3A_907 : i32 to vector<16xi32>
        %mul3A_909 = arith.muli %iota3A, %mul3A_908 : vector<16xi32>
        %add3A_910 = arith.constant 47 : i32
        %add3A_911 = vector.broadcast %add3A_910 : i32 to vector<16xi32>
        %add3A_912 = arith.addi %mul3A_909, %add3A_911 : vector<16xi32>
        %gather3A_913 = tpu.vector_load_idx %arg8[%add3A_486, %add3A_912] : memref<512x48xf32, #tpu.memory_space<vmem>>[vector<16xi32>, vector<16xi32>], vector<16xf32>,
        %mul3A_914 = arith.mulf %get3A_491, %gather3A_899 : vector<16xf32>
        %mul3A_915 = arith.mulf %get3A_497, %gather3A_906 : vector<16xf32>
        %add3A_916 = arith.addf %mul3A_914, %mul3A_915 : vector<16xf32>
        %mul3A_917 = arith.mulf %get3A_503, %gather3A_913 : vector<16xf32>
        %add3A_918 = arith.addf %add3A_916, %mul3A_917 : vector<16xf32>
        %jit3A_919 = arith.constant 8 : i32
        %div3A_920 = arith.divsi %scan3A_481, %jit3A_919 : i32
        %sign3A_921 = arith.constant 0 : i32
        %sign3A_922 = arith.cmpi sgt, %scan3A_481, %sign3A_921 : i32
        %sign3A_923 = arith.extui %sign3A_922 : i1 to i32
        %sign3A_924 = arith.constant 0 : i32
        %sign3A_925 = arith.cmpi slt, %scan3A_481, %sign3A_924 : i32
        %sign3A_926 = arith.extui %sign3A_925 : i1 to i32
        %sign3A_927 = arith.subi %sign3A_923, %sign3A_926 : i32
        %sign3A_928 = arith.constant 0 : i32
        %sign3A_929 = arith.cmpi sgt, %jit3A_919, %sign3A_928 : i32
        %sign3A_930 = arith.extui %sign3A_929 : i1 to i32
        %sign3A_931 = arith.constant 0 : i32
        %sign3A_932 = arith.cmpi slt, %jit3A_919, %sign3A_931 : i32
        %sign3A_933 = arith.extui %sign3A_932 : i1 to i32
        %sign3A_934 = arith.subi %sign3A_930, %sign3A_933 : i32
        %ne3A_935 = arith.cmpi ne, %sign3A_927, %sign3A_934 : i32
        %rem3A_936 = arith.remsi %scan3A_481, %jit3A_919 : i32
        %ne3A_937 = arith.constant 0 : i32
        %ne3A_938 = arith.cmpi ne, %rem3A_936, %ne3A_937 : i32
        %and3A_939 = arith.andi %ne3A_935, %ne3A_938 : i1
        %sub3A_940 = arith.constant 1 : i32
        %sub3A_941 = arith.subi %div3A_920, %sub3A_940 : i32
        %select_n3A_942 = arith.select %and3A_939, %sub3A_941, %div3A_920 : i32
        %jit3A_943 = arith.constant 8 : i32
        %eq3A_944 = arith.constant 0 : i32
        %eq3A_945 = arith.cmpi eq, %jit3A_943, %eq3A_944 : i32
        %jit3A_946 = arith.constant 1 : i32
        %select_n3A_947 = arith.select %eq3A_945, %jit3A_946, %jit3A_943 : i32
        %rem3A_948 = arith.remsi %scan3A_481, %select_n3A_947 : i32
        %ne3A_949 = arith.constant 0 : i32
        %ne3A_950 = arith.cmpi ne, %rem3A_948, %ne3A_949 : i32
        %lt3A_951 = arith.constant 0 : i32
        %lt3A_952 = arith.cmpi slt, %rem3A_948, %lt3A_951 : i32
        %lt3A_953 = arith.constant 0 : i32
        %lt3A_954 = arith.cmpi slt, %select_n3A_947, %lt3A_953 : i32
        %ne3A_955 = arith.xori %lt3A_952, %lt3A_954 : i1
        %and3A_956 = arith.andi %ne3A_955, %ne3A_950 : i1
        %add3A_957 = arith.addi %rem3A_948, %select_n3A_947 : i32
        %select_n3A_958 = arith.select %and3A_956, %add3A_957, %rem3A_948 : i32
        %mul3A_959 = arith.constant 16 : i32
        %mul3A_960 = arith.muli %select_n3A_958, %mul3A_959 : i32
        %swap3A = arith.constant 0 : i32
        %swap3A_961 = arith.index_cast %swap3A : i32 to index
        %swap3A_962 = arith.index_cast %select_n3A_942 : i32 to index
        %swap3A_963 = arith.index_cast %mul3A_960 : i32 to index
        %swap3A_964 = tpu.vector_load %arg10[%swap3A_961, %swap3A_962, %swap3A_963] {strides = array<i32>} : memref<17x4x128xf32, #tpu.memory_space<vmem>>, vector<16xf32>,
        tpu.vector_store %arg10[%swap3A_961, %swap3A_962, %swap3A_963], %add3A_528 {strides = array<i32>} : memref<17x4x128xf32, #tpu.memory_space<vmem>>, vector<16xf32>,
        %jit3A_965 = arith.constant 8 : i32
        %div3A_966 = arith.divsi %scan3A_481, %jit3A_965 : i32
        %sign3A_967 = arith.constant 0 : i32
        %sign3A_968 = arith.cmpi sgt, %scan3A_481, %sign3A_967 : i32
        %sign3A_969 = arith.extui %sign3A_968 : i1 to i32
        %sign3A_970 = arith.constant 0 : i32
        %sign3A_971 = arith.cmpi slt, %scan3A_481, %sign3A_970 : i32
        %sign3A_972 = arith.extui %sign3A_971 : i1 to i32
        %sign3A_973 = arith.subi %sign3A_969, %sign3A_972 : i32
        %sign3A_974 = arith.constant 0 : i32
        %sign3A_975 = arith.cmpi sgt, %jit3A_965, %sign3A_974 : i32
        %sign3A_976 = arith.extui %sign3A_975 : i1 to i32
        %sign3A_977 = arith.constant 0 : i32
        %sign3A_978 = arith.cmpi slt, %jit3A_965, %sign3A_977 : i32
        %sign3A_979 = arith.extui %sign3A_978 : i1 to i32
        %sign3A_980 = arith.subi %sign3A_976, %sign3A_979 : i32
        %ne3A_981 = arith.cmpi ne, %sign3A_973, %sign3A_980 : i32
        %rem3A_982 = arith.remsi %scan3A_481, %jit3A_965 : i32
        %ne3A_983 = arith.constant 0 : i32
        %ne3A_984 = arith.cmpi ne, %rem3A_982, %ne3A_983 : i32
        %and3A_985 = arith.andi %ne3A_981, %ne3A_984 : i1
        %sub3A_986 = arith.constant 1 : i32
        %sub3A_987 = arith.subi %div3A_966, %sub3A_986 : i32
        %select_n3A_988 = arith.select %and3A_985, %sub3A_987, %div3A_966 : i32
        %jit3A_989 = arith.constant 8 : i32
        %eq3A_990 = arith.constant 0 : i32
        %eq3A_991 = arith.cmpi eq, %jit3A_989, %eq3A_990 : i32
        %jit3A_992 = arith.constant 1 : i32
        %select_n3A_993 = arith.select %eq3A_991, %jit3A_992, %jit3A_989 : i32
        %rem3A_994 = arith.remsi %scan3A_481, %select_n3A_993 : i32
        %ne3A_995 = arith.constant 0 : i32
        %ne3A_996 = arith.cmpi ne, %rem3A_994, %ne3A_995 : i32
        %lt3A_997 = arith.constant 0 : i32
        %lt3A_998 = arith.cmpi slt, %rem3A_994, %lt3A_997 : i32
        %lt3A_999 = arith.constant 0 : i32
        %lt3A_1000 = arith.cmpi slt, %select_n3A_993, %lt3A_999 : i32
        %ne3A_1001 = arith.xori %lt3A_998, %lt3A_1000 : i1
        %and3A_1002 = arith.andi %ne3A_1001, %ne3A_996 : i1
        %add3A_1003 = arith.addi %rem3A_994, %select_n3A_993 : i32
        %select_n3A_1004 = arith.select %and3A_1002, %add3A_1003, %rem3A_994 : i32
        %mul3A_1005 = arith.constant 16 : i32
        %mul3A_1006 = arith.muli %select_n3A_1004, %mul3A_1005 : i32
        %swap3A_1007 = arith.constant 1 : i32
        %swap3A_1008 = arith.index_cast %swap3A_1007 : i32 to index
        %swap3A_1009 = arith.index_cast %select_n3A_988 : i32 to index
        %swap3A_1010 = arith.index_cast %mul3A_1006 : i32 to index
        %swap3A_1011 = tpu.vector_load %arg10[%swap3A_1008, %swap3A_1009, %swap3A_1010] {strides = array<i32>} : memref<17x4x128xf32, #tpu.memory_space<vmem>>, vector<16xf32>,
        tpu.vector_store %arg10[%swap3A_1008, %swap3A_1009, %swap3A_1010], %add3A_554 {strides = array<i32>} : memref<17x4x128xf32, #tpu.memory_space<vmem>>, vector<16xf32>,
        %jit3A_1012 = arith.constant 8 : i32
        %div3A_1013 = arith.divsi %scan3A_481, %jit3A_1012 : i32
        %sign3A_1014 = arith.constant 0 : i32
        %sign3A_1015 = arith.cmpi sgt, %scan3A_481, %sign3A_1014 : i32
        %sign3A_1016 = arith.extui %sign3A_1015 : i1 to i32
        %sign3A_1017 = arith.constant 0 : i32
        %sign3A_1018 = arith.cmpi slt, %scan3A_481, %sign3A_1017 : i32
        %sign3A_1019 = arith.extui %sign3A_1018 : i1 to i32
        %sign3A_1020 = arith.subi %sign3A_1016, %sign3A_1019 : i32
        %sign3A_1021 = arith.constant 0 : i32
        %sign3A_1022 = arith.cmpi sgt, %jit3A_1012, %sign3A_1021 : i32
        %sign3A_1023 = arith.extui %sign3A_1022 : i1 to i32
        %sign3A_1024 = arith.constant 0 : i32
        %sign3A_1025 = arith.cmpi slt, %jit3A_1012, %sign3A_1024 : i32
        %sign3A_1026 = arith.extui %sign3A_1025 : i1 to i32
        %sign3A_1027 = arith.subi %sign3A_1023, %sign3A_1026 : i32
        %ne3A_1028 = arith.cmpi ne, %sign3A_1020, %sign3A_1027 : i32
        %rem3A_1029 = arith.remsi %scan3A_481, %jit3A_1012 : i32
        %ne3A_1030 = arith.constant 0 : i32
        %ne3A_1031 = arith.cmpi ne, %rem3A_1029, %ne3A_1030 : i32
        %and3A_1032 = arith.andi %ne3A_1028, %ne3A_1031 : i1
        %sub3A_1033 = arith.constant 1 : i32
        %sub3A_1034 = arith.subi %div3A_1013, %sub3A_1033 : i32
        %select_n3A_1035 = arith.select %and3A_1032, %sub3A_1034, %div3A_1013 : i32
        %jit3A_1036 = arith.constant 8 : i32
        %eq3A_1037 = arith.constant 0 : i32
        %eq3A_1038 = arith.cmpi eq, %jit3A_1036, %eq3A_1037 : i32
        %jit3A_1039 = arith.constant 1 : i32
        %select_n3A_1040 = arith.select %eq3A_1038, %jit3A_1039, %jit3A_1036 : i32
        %rem3A_1041 = arith.remsi %scan3A_481, %select_n3A_1040 : i32
        %ne3A_1042 = arith.constant 0 : i32
        %ne3A_1043 = arith.cmpi ne, %rem3A_1041, %ne3A_1042 : i32
        %lt3A_1044 = arith.constant 0 : i32
        %lt3A_1045 = arith.cmpi slt, %rem3A_1041, %lt3A_1044 : i32
        %lt3A_1046 = arith.constant 0 : i32
        %lt3A_1047 = arith.cmpi slt, %select_n3A_1040, %lt3A_1046 : i32
        %ne3A_1048 = arith.xori %lt3A_1045, %lt3A_1047 : i1
        %and3A_1049 = arith.andi %ne3A_1048, %ne3A_1043 : i1
        %add3A_1050 = arith.addi %rem3A_1041, %select_n3A_1040 : i32
        %select_n3A_1051 = arith.select %and3A_1049, %add3A_1050, %rem3A_1041 : i32
        %mul3A_1052 = arith.constant 16 : i32
        %mul3A_1053 = arith.muli %select_n3A_1051, %mul3A_1052 : i32
        %swap3A_1054 = arith.constant 2 : i32
        %swap3A_1055 = arith.index_cast %swap3A_1054 : i32 to index
        %swap3A_1056 = arith.index_cast %select_n3A_1035 : i32 to index
        %swap3A_1057 = arith.index_cast %mul3A_1053 : i32 to index
        %swap3A_1058 = tpu.vector_load %arg10[%swap3A_1055, %swap3A_1056, %swap3A_1057] {strides = array<i32>} : memref<17x4x128xf32, #tpu.memory_space<vmem>>, vector<16xf32>,
        tpu.vector_store %arg10[%swap3A_1055, %swap3A_1056, %swap3A_1057], %add3A_580 {strides = array<i32>} : memref<17x4x128xf32, #tpu.memory_space<vmem>>, vector<16xf32>,
        %jit3A_1059 = arith.constant 8 : i32
        %div3A_1060 = arith.divsi %scan3A_481, %jit3A_1059 : i32
        %sign3A_1061 = arith.constant 0 : i32
        %sign3A_1062 = arith.cmpi sgt, %scan3A_481, %sign3A_1061 : i32
        %sign3A_1063 = arith.extui %sign3A_1062 : i1 to i32
        %sign3A_1064 = arith.constant 0 : i32
        %sign3A_1065 = arith.cmpi slt, %scan3A_481, %sign3A_1064 : i32
        %sign3A_1066 = arith.extui %sign3A_1065 : i1 to i32
        %sign3A_1067 = arith.subi %sign3A_1063, %sign3A_1066 : i32
        %sign3A_1068 = arith.constant 0 : i32
        %sign3A_1069 = arith.cmpi sgt, %jit3A_1059, %sign3A_1068 : i32
        %sign3A_1070 = arith.extui %sign3A_1069 : i1 to i32
        %sign3A_1071 = arith.constant 0 : i32
        %sign3A_1072 = arith.cmpi slt, %jit3A_1059, %sign3A_1071 : i32
        %sign3A_1073 = arith.extui %sign3A_1072 : i1 to i32
        %sign3A_1074 = arith.subi %sign3A_1070, %sign3A_1073 : i32
        %ne3A_1075 = arith.cmpi ne, %sign3A_1067, %sign3A_1074 : i32
        %rem3A_1076 = arith.remsi %scan3A_481, %jit3A_1059 : i32
        %ne3A_1077 = arith.constant 0 : i32
        %ne3A_1078 = arith.cmpi ne, %rem3A_1076, %ne3A_1077 : i32
        %and3A_1079 = arith.andi %ne3A_1075, %ne3A_1078 : i1
        %sub3A_1080 = arith.constant 1 : i32
        %sub3A_1081 = arith.subi %div3A_1060, %sub3A_1080 : i32
        %select_n3A_1082 = arith.select %and3A_1079, %sub3A_1081, %div3A_1060 : i32
        %jit3A_1083 = arith.constant 8 : i32
        %eq3A_1084 = arith.constant 0 : i32
        %eq3A_1085 = arith.cmpi eq, %jit3A_1083, %eq3A_1084 : i32
        %jit3A_1086 = arith.constant 1 : i32
        %select_n3A_1087 = arith.select %eq3A_1085, %jit3A_1086, %jit3A_1083 : i32
        %rem3A_1088 = arith.remsi %scan3A_481, %select_n3A_1087 : i32
        %ne3A_1089 = arith.constant 0 : i32
        %ne3A_1090 = arith.cmpi ne, %rem3A_1088, %ne3A_1089 : i32
        %lt3A_1091 = arith.constant 0 : i32
        %lt3A_1092 = arith.cmpi slt, %rem3A_1088, %lt3A_1091 : i32
        %lt3A_1093 = arith.constant 0 : i32
        %lt3A_1094 = arith.cmpi slt, %select_n3A_1087, %lt3A_1093 : i32
        %ne3A_1095 = arith.xori %lt3A_1092, %lt3A_1094 : i1
        %and3A_1096 = arith.andi %ne3A_1095, %ne3A_1090 : i1
        %add3A_1097 = arith.addi %rem3A_1088, %select_n3A_1087 : i32
        %select_n3A_1098 = arith.select %and3A_1096, %add3A_1097, %rem3A_1088 : i32
        %mul3A_1099 = arith.constant 16 : i32
        %mul3A_1100 = arith.muli %select_n3A_1098, %mul3A_1099 : i32
        %swap3A_1101 = arith.constant 3 : i32
        %swap3A_1102 = arith.index_cast %swap3A_1101 : i32 to index
        %swap3A_1103 = arith.index_cast %select_n3A_1082 : i32 to index
        %swap3A_1104 = arith.index_cast %mul3A_1100 : i32 to index
        %swap3A_1105 = tpu.vector_load %arg10[%swap3A_1102, %swap3A_1103, %swap3A_1104] {strides = array<i32>} : memref<17x4x128xf32, #tpu.memory_space<vmem>>, vector<16xf32>,
        tpu.vector_store %arg10[%swap3A_1102, %swap3A_1103, %swap3A_1104], %add3A_606 {strides = array<i32>} : memref<17x4x128xf32, #tpu.memory_space<vmem>>, vector<16xf32>,
        %jit3A_1106 = arith.constant 8 : i32
        %div3A_1107 = arith.divsi %scan3A_481, %jit3A_1106 : i32
        %sign3A_1108 = arith.constant 0 : i32
        %sign3A_1109 = arith.cmpi sgt, %scan3A_481, %sign3A_1108 : i32
        %sign3A_1110 = arith.extui %sign3A_1109 : i1 to i32
        %sign3A_1111 = arith.constant 0 : i32
        %sign3A_1112 = arith.cmpi slt, %scan3A_481, %sign3A_1111 : i32
        %sign3A_1113 = arith.extui %sign3A_1112 : i1 to i32
        %sign3A_1114 = arith.subi %sign3A_1110, %sign3A_1113 : i32
        %sign3A_1115 = arith.constant 0 : i32
        %sign3A_1116 = arith.cmpi sgt, %jit3A_1106, %sign3A_1115 : i32
        %sign3A_1117 = arith.extui %sign3A_1116 : i1 to i32
        %sign3A_1118 = arith.constant 0 : i32
        %sign3A_1119 = arith.cmpi slt, %jit3A_1106, %sign3A_1118 : i32
        %sign3A_1120 = arith.extui %sign3A_1119 : i1 to i32
        %sign3A_1121 = arith.subi %sign3A_1117, %sign3A_1120 : i32
        %ne3A_1122 = arith.cmpi ne, %sign3A_1114, %sign3A_1121 : i32
        %rem3A_1123 = arith.remsi %scan3A_481, %jit3A_1106 : i32
        %ne3A_1124 = arith.constant 0 : i32
        %ne3A_1125 = arith.cmpi ne, %rem3A_1123, %ne3A_1124 : i32
        %and3A_1126 = arith.andi %ne3A_1122, %ne3A_1125 : i1
        %sub3A_1127 = arith.constant 1 : i32
        %sub3A_1128 = arith.subi %div3A_1107, %sub3A_1127 : i32
        %select_n3A_1129 = arith.select %and3A_1126, %sub3A_1128, %div3A_1107 : i32
        %jit3A_1130 = arith.constant 8 : i32
        %eq3A_1131 = arith.constant 0 : i32
        %eq3A_1132 = arith.cmpi eq, %jit3A_1130, %eq3A_1131 : i32
        %jit3A_1133 = arith.constant 1 : i32
        %select_n3A_1134 = arith.select %eq3A_1132, %jit3A_1133, %jit3A_1130 : i32
        %rem3A_1135 = arith.remsi %scan3A_481, %select_n3A_1134 : i32
        %ne3A_1136 = arith.constant 0 : i32
        %ne3A_1137 = arith.cmpi ne, %rem3A_1135, %ne3A_1136 : i32
        %lt3A_1138 = arith.constant 0 : i32
        %lt3A_1139 = arith.cmpi slt, %rem3A_1135, %lt3A_1138 : i32
        %lt3A_1140 = arith.constant 0 : i32
        %lt3A_1141 = arith.cmpi slt, %select_n3A_1134, %lt3A_1140 : i32
        %ne3A_1142 = arith.xori %lt3A_1139, %lt3A_1141 : i1
        %and3A_1143 = arith.andi %ne3A_1142, %ne3A_1137 : i1
        %add3A_1144 = arith.addi %rem3A_1135, %select_n3A_1134 : i32
        %select_n3A_1145 = arith.select %and3A_1143, %add3A_1144, %rem3A_1135 : i32
        %mul3A_1146 = arith.constant 16 : i32
        %mul3A_1147 = arith.muli %select_n3A_1145, %mul3A_1146 : i32
        %swap3A_1148 = arith.constant 4 : i32
        %swap3A_1149 = arith.index_cast %swap3A_1148 : i32 to index
        %swap3A_1150 = arith.index_cast %select_n3A_1129 : i32 to index
        %swap3A_1151 = arith.index_cast %mul3A_1147 : i32 to index
        %swap3A_1152 = tpu.vector_load %arg10[%swap3A_1149, %swap3A_1150, %swap3A_1151] {strides = array<i32>} : memref<17x4x128xf32, #tpu.memory_space<vmem>>, vector<16xf32>,
        tpu.vector_store %arg10[%swap3A_1149, %swap3A_1150, %swap3A_1151], %add3A_632 {strides = array<i32>} : memref<17x4x128xf32, #tpu.memory_space<vmem>>, vector<16xf32>,
        %jit3A_1153 = arith.constant 8 : i32
        %div3A_1154 = arith.divsi %scan3A_481, %jit3A_1153 : i32
        %sign3A_1155 = arith.constant 0 : i32
        %sign3A_1156 = arith.cmpi sgt, %scan3A_481, %sign3A_1155 : i32
        %sign3A_1157 = arith.extui %sign3A_1156 : i1 to i32
        %sign3A_1158 = arith.constant 0 : i32
        %sign3A_1159 = arith.cmpi slt, %scan3A_481, %sign3A_1158 : i32
        %sign3A_1160 = arith.extui %sign3A_1159 : i1 to i32
        %sign3A_1161 = arith.subi %sign3A_1157, %sign3A_1160 : i32
        %sign3A_1162 = arith.constant 0 : i32
        %sign3A_1163 = arith.cmpi sgt, %jit3A_1153, %sign3A_1162 : i32
        %sign3A_1164 = arith.extui %sign3A_1163 : i1 to i32
        %sign3A_1165 = arith.constant 0 : i32
        %sign3A_1166 = arith.cmpi slt, %jit3A_1153, %sign3A_1165 : i32
        %sign3A_1167 = arith.extui %sign3A_1166 : i1 to i32
        %sign3A_1168 = arith.subi %sign3A_1164, %sign3A_1167 : i32
        %ne3A_1169 = arith.cmpi ne, %sign3A_1161, %sign3A_1168 : i32
        %rem3A_1170 = arith.remsi %scan3A_481, %jit3A_1153 : i32
        %ne3A_1171 = arith.constant 0 : i32
        %ne3A_1172 = arith.cmpi ne, %rem3A_1170, %ne3A_1171 : i32
        %and3A_1173 = arith.andi %ne3A_1169, %ne3A_1172 : i1
        %sub3A_1174 = arith.constant 1 : i32
        %sub3A_1175 = arith.subi %div3A_1154, %sub3A_1174 : i32
        %select_n3A_1176 = arith.select %and3A_1173, %sub3A_1175, %div3A_1154 : i32
        %jit3A_1177 = arith.constant 8 : i32
        %eq3A_1178 = arith.constant 0 : i32
        %eq3A_1179 = arith.cmpi eq, %jit3A_1177, %eq3A_1178 : i32
        %jit3A_1180 = arith.constant 1 : i32
        %select_n3A_1181 = arith.select %eq3A_1179, %jit3A_1180, %jit3A_1177 : i32
        %rem3A_1182 = arith.remsi %scan3A_481, %select_n3A_1181 : i32
        %ne3A_1183 = arith.constant 0 : i32
        %ne3A_1184 = arith.cmpi ne, %rem3A_1182, %ne3A_1183 : i32
        %lt3A_1185 = arith.constant 0 : i32
        %lt3A_1186 = arith.cmpi slt, %rem3A_1182, %lt3A_1185 : i32
        %lt3A_1187 = arith.constant 0 : i32
        %lt3A_1188 = arith.cmpi slt, %select_n3A_1181, %lt3A_1187 : i32
        %ne3A_1189 = arith.xori %lt3A_1186, %lt3A_1188 : i1
        %and3A_1190 = arith.andi %ne3A_1189, %ne3A_1184 : i1
        %add3A_1191 = arith.addi %rem3A_1182, %select_n3A_1181 : i32
        %select_n3A_1192 = arith.select %and3A_1190, %add3A_1191, %rem3A_1182 : i32
        %mul3A_1193 = arith.constant 16 : i32
        %mul3A_1194 = arith.muli %select_n3A_1192, %mul3A_1193 : i32
        %swap3A_1195 = arith.constant 5 : i32
        %swap3A_1196 = arith.index_cast %swap3A_1195 : i32 to index
        %swap3A_1197 = arith.index_cast %select_n3A_1176 : i32 to index
        %swap3A_1198 = arith.index_cast %mul3A_1194 : i32 to index
        %swap3A_1199 = tpu.vector_load %arg10[%swap3A_1196, %swap3A_1197, %swap3A_1198] {strides = array<i32>} : memref<17x4x128xf32, #tpu.memory_space<vmem>>, vector<16xf32>,
        tpu.vector_store %arg10[%swap3A_1196, %swap3A_1197, %swap3A_1198], %add3A_658 {strides = array<i32>} : memref<17x4x128xf32, #tpu.memory_space<vmem>>, vector<16xf32>,
        %jit3A_1200 = arith.constant 8 : i32
        %div3A_1201 = arith.divsi %scan3A_481, %jit3A_1200 : i32
        %sign3A_1202 = arith.constant 0 : i32
        %sign3A_1203 = arith.cmpi sgt, %scan3A_481, %sign3A_1202 : i32
        %sign3A_1204 = arith.extui %sign3A_1203 : i1 to i32
        %sign3A_1205 = arith.constant 0 : i32
        %sign3A_1206 = arith.cmpi slt, %scan3A_481, %sign3A_1205 : i32
        %sign3A_1207 = arith.extui %sign3A_1206 : i1 to i32
        %sign3A_1208 = arith.subi %sign3A_1204, %sign3A_1207 : i32
        %sign3A_1209 = arith.constant 0 : i32
        %sign3A_1210 = arith.cmpi sgt, %jit3A_1200, %sign3A_1209 : i32
        %sign3A_1211 = arith.extui %sign3A_1210 : i1 to i32
        %sign3A_1212 = arith.constant 0 : i32
        %sign3A_1213 = arith.cmpi slt, %jit3A_1200, %sign3A_1212 : i32
        %sign3A_1214 = arith.extui %sign3A_1213 : i1 to i32
        %sign3A_1215 = arith.subi %sign3A_1211, %sign3A_1214 : i32
        %ne3A_1216 = arith.cmpi ne, %sign3A_1208, %sign3A_1215 : i32
        %rem3A_1217 = arith.remsi %scan3A_481, %jit3A_1200 : i32
        %ne3A_1218 = arith.constant 0 : i32
        %ne3A_1219 = arith.cmpi ne, %rem3A_1217, %ne3A_1218 : i32
        %and3A_1220 = arith.andi %ne3A_1216, %ne3A_1219 : i1
        %sub3A_1221 = arith.constant 1 : i32
        %sub3A_1222 = arith.subi %div3A_1201, %sub3A_1221 : i32
        %select_n3A_1223 = arith.select %and3A_1220, %sub3A_1222, %div3A_1201 : i32
        %jit3A_1224 = arith.constant 8 : i32
        %eq3A_1225 = arith.constant 0 : i32
        %eq3A_1226 = arith.cmpi eq, %jit3A_1224, %eq3A_1225 : i32
        %jit3A_1227 = arith.constant 1 : i32
        %select_n3A_1228 = arith.select %eq3A_1226, %jit3A_1227, %jit3A_1224 : i32
        %rem3A_1229 = arith.remsi %scan3A_481, %select_n3A_1228 : i32
        %ne3A_1230 = arith.constant 0 : i32
        %ne3A_1231 = arith.cmpi ne, %rem3A_1229, %ne3A_1230 : i32
        %lt3A_1232 = arith.constant 0 : i32
        %lt3A_1233 = arith.cmpi slt, %rem3A_1229, %lt3A_1232 : i32
        %lt3A_1234 = arith.constant 0 : i32
        %lt3A_1235 = arith.cmpi slt, %select_n3A_1228, %lt3A_1234 : i32
        %ne3A_1236 = arith.xori %lt3A_1233, %lt3A_1235 : i1
        %and3A_1237 = arith.andi %ne3A_1236, %ne3A_1231 : i1
        %add3A_1238 = arith.addi %rem3A_1229, %select_n3A_1228 : i32
        %select_n3A_1239 = arith.select %and3A_1237, %add3A_1238, %rem3A_1229 : i32
        %mul3A_1240 = arith.constant 16 : i32
        %mul3A_1241 = arith.muli %select_n3A_1239, %mul3A_1240 : i32
        %swap3A_1242 = arith.constant 6 : i32
        %swap3A_1243 = arith.index_cast %swap3A_1242 : i32 to index
        %swap3A_1244 = arith.index_cast %select_n3A_1223 : i32 to index
        %swap3A_1245 = arith.index_cast %mul3A_1241 : i32 to index
        %swap3A_1246 = tpu.vector_load %arg10[%swap3A_1243, %swap3A_1244, %swap3A_1245] {strides = array<i32>} : memref<17x4x128xf32, #tpu.memory_space<vmem>>, vector<16xf32>,
        tpu.vector_store %arg10[%swap3A_1243, %swap3A_1244, %swap3A_1245], %add3A_684 {strides = array<i32>} : memref<17x4x128xf32, #tpu.memory_space<vmem>>, vector<16xf32>,
        %jit3A_1247 = arith.constant 8 : i32
        %div3A_1248 = arith.divsi %scan3A_481, %jit3A_1247 : i32
        %sign3A_1249 = arith.constant 0 : i32
        %sign3A_1250 = arith.cmpi sgt, %scan3A_481, %sign3A_1249 : i32
        %sign3A_1251 = arith.extui %sign3A_1250 : i1 to i32
        %sign3A_1252 = arith.constant 0 : i32
        %sign3A_1253 = arith.cmpi slt, %scan3A_481, %sign3A_1252 : i32
        %sign3A_1254 = arith.extui %sign3A_1253 : i1 to i32
        %sign3A_1255 = arith.subi %sign3A_1251, %sign3A_1254 : i32
        %sign3A_1256 = arith.constant 0 : i32
        %sign3A_1257 = arith.cmpi sgt, %jit3A_1247, %sign3A_1256 : i32
        %sign3A_1258 = arith.extui %sign3A_1257 : i1 to i32
        %sign3A_1259 = arith.constant 0 : i32
        %sign3A_1260 = arith.cmpi slt, %jit3A_1247, %sign3A_1259 : i32
        %sign3A_1261 = arith.extui %sign3A_1260 : i1 to i32
        %sign3A_1262 = arith.subi %sign3A_1258, %sign3A_1261 : i32
        %ne3A_1263 = arith.cmpi ne, %sign3A_1255, %sign3A_1262 : i32
        %rem3A_1264 = arith.remsi %scan3A_481, %jit3A_1247 : i32
        %ne3A_1265 = arith.constant 0 : i32
        %ne3A_1266 = arith.cmpi ne, %rem3A_1264, %ne3A_1265 : i32
        %and3A_1267 = arith.andi %ne3A_1263, %ne3A_1266 : i1
        %sub3A_1268 = arith.constant 1 : i32
        %sub3A_1269 = arith.subi %div3A_1248, %sub3A_1268 : i32
        %select_n3A_1270 = arith.select %and3A_1267, %sub3A_1269, %div3A_1248 : i32
        %jit3A_1271 = arith.constant 8 : i32
        %eq3A_1272 = arith.constant 0 : i32
        %eq3A_1273 = arith.cmpi eq, %jit3A_1271, %eq3A_1272 : i32
        %jit3A_1274 = arith.constant 1 : i32
        %select_n3A_1275 = arith.select %eq3A_1273, %jit3A_1274, %jit3A_1271 : i32
        %rem3A_1276 = arith.remsi %scan3A_481, %select_n3A_1275 : i32
        %ne3A_1277 = arith.constant 0 : i32
        %ne3A_1278 = arith.cmpi ne, %rem3A_1276, %ne3A_1277 : i32
        %lt3A_1279 = arith.constant 0 : i32
        %lt3A_1280 = arith.cmpi slt, %rem3A_1276, %lt3A_1279 : i32
        %lt3A_1281 = arith.constant 0 : i32
        %lt3A_1282 = arith.cmpi slt, %select_n3A_1275, %lt3A_1281 : i32
        %ne3A_1283 = arith.xori %lt3A_1280, %lt3A_1282 : i1
        %and3A_1284 = arith.andi %ne3A_1283, %ne3A_1278 : i1
        %add3A_1285 = arith.addi %rem3A_1276, %select_n3A_1275 : i32
        %select_n3A_1286 = arith.select %and3A_1284, %add3A_1285, %rem3A_1276 : i32
        %mul3A_1287 = arith.constant 16 : i32
        %mul3A_1288 = arith.muli %select_n3A_1286, %mul3A_1287 : i32
        %swap3A_1289 = arith.constant 7 : i32
        %swap3A_1290 = arith.index_cast %swap3A_1289 : i32 to index
        %swap3A_1291 = arith.index_cast %select_n3A_1270 : i32 to index
        %swap3A_1292 = arith.index_cast %mul3A_1288 : i32 to index
        %swap3A_1293 = tpu.vector_load %arg10[%swap3A_1290, %swap3A_1291, %swap3A_1292] {strides = array<i32>} : memref<17x4x128xf32, #tpu.memory_space<vmem>>, vector<16xf32>,
        tpu.vector_store %arg10[%swap3A_1290, %swap3A_1291, %swap3A_1292], %add3A_710 {strides = array<i32>} : memref<17x4x128xf32, #tpu.memory_space<vmem>>, vector<16xf32>,
        %jit3A_1294 = arith.constant 8 : i32
        %div3A_1295 = arith.divsi %scan3A_481, %jit3A_1294 : i32
        %sign3A_1296 = arith.constant 0 : i32
        %sign3A_1297 = arith.cmpi sgt, %scan3A_481, %sign3A_1296 : i32
        %sign3A_1298 = arith.extui %sign3A_1297 : i1 to i32
        %sign3A_1299 = arith.constant 0 : i32
        %sign3A_1300 = arith.cmpi slt, %scan3A_481, %sign3A_1299 : i32
        %sign3A_1301 = arith.extui %sign3A_1300 : i1 to i32
        %sign3A_1302 = arith.subi %sign3A_1298, %sign3A_1301 : i32
        %sign3A_1303 = arith.constant 0 : i32
        %sign3A_1304 = arith.cmpi sgt, %jit3A_1294, %sign3A_1303 : i32
        %sign3A_1305 = arith.extui %sign3A_1304 : i1 to i32
        %sign3A_1306 = arith.constant 0 : i32
        %sign3A_1307 = arith.cmpi slt, %jit3A_1294, %sign3A_1306 : i32
        %sign3A_1308 = arith.extui %sign3A_1307 : i1 to i32
        %sign3A_1309 = arith.subi %sign3A_1305, %sign3A_1308 : i32
        %ne3A_1310 = arith.cmpi ne, %sign3A_1302, %sign3A_1309 : i32
        %rem3A_1311 = arith.remsi %scan3A_481, %jit3A_1294 : i32
        %ne3A_1312 = arith.constant 0 : i32
        %ne3A_1313 = arith.cmpi ne, %rem3A_1311, %ne3A_1312 : i32
        %and3A_1314 = arith.andi %ne3A_1310, %ne3A_1313 : i1
        %sub3A_1315 = arith.constant 1 : i32
        %sub3A_1316 = arith.subi %div3A_1295, %sub3A_1315 : i32
        %select_n3A_1317 = arith.select %and3A_1314, %sub3A_1316, %div3A_1295 : i32
        %jit3A_1318 = arith.constant 8 : i32
        %eq3A_1319 = arith.constant 0 : i32
        %eq3A_1320 = arith.cmpi eq, %jit3A_1318, %eq3A_1319 : i32
        %jit3A_1321 = arith.constant 1 : i32
        %select_n3A_1322 = arith.select %eq3A_1320, %jit3A_1321, %jit3A_1318 : i32
        %rem3A_1323 = arith.remsi %scan3A_481, %select_n3A_1322 : i32
        %ne3A_1324 = arith.constant 0 : i32
        %ne3A_1325 = arith.cmpi ne, %rem3A_1323, %ne3A_1324 : i32
        %lt3A_1326 = arith.constant 0 : i32
        %lt3A_1327 = arith.cmpi slt, %rem3A_1323, %lt3A_1326 : i32
        %lt3A_1328 = arith.constant 0 : i32
        %lt3A_1329 = arith.cmpi slt, %select_n3A_1322, %lt3A_1328 : i32
        %ne3A_1330 = arith.xori %lt3A_1327, %lt3A_1329 : i1
        %and3A_1331 = arith.andi %ne3A_1330, %ne3A_1325 : i1
        %add3A_1332 = arith.addi %rem3A_1323, %select_n3A_1322 : i32
        %select_n3A_1333 = arith.select %and3A_1331, %add3A_1332, %rem3A_1323 : i32
        %mul3A_1334 = arith.constant 16 : i32
        %mul3A_1335 = arith.muli %select_n3A_1333, %mul3A_1334 : i32
        %swap3A_1336 = arith.constant 8 : i32
        %swap3A_1337 = arith.index_cast %swap3A_1336 : i32 to index
        %swap3A_1338 = arith.index_cast %select_n3A_1317 : i32 to index
        %swap3A_1339 = arith.index_cast %mul3A_1335 : i32 to index
        %swap3A_1340 = tpu.vector_load %arg10[%swap3A_1337, %swap3A_1338, %swap3A_1339] {strides = array<i32>} : memref<17x4x128xf32, #tpu.memory_space<vmem>>, vector<16xf32>,
        tpu.vector_store %arg10[%swap3A_1337, %swap3A_1338, %swap3A_1339], %add3A_736 {strides = array<i32>} : memref<17x4x128xf32, #tpu.memory_space<vmem>>, vector<16xf32>,
        %jit3A_1341 = arith.constant 8 : i32
        %div3A_1342 = arith.divsi %scan3A_481, %jit3A_1341 : i32
        %sign3A_1343 = arith.constant 0 : i32
        %sign3A_1344 = arith.cmpi sgt, %scan3A_481, %sign3A_1343 : i32
        %sign3A_1345 = arith.extui %sign3A_1344 : i1 to i32
        %sign3A_1346 = arith.constant 0 : i32
        %sign3A_1347 = arith.cmpi slt, %scan3A_481, %sign3A_1346 : i32
        %sign3A_1348 = arith.extui %sign3A_1347 : i1 to i32
        %sign3A_1349 = arith.subi %sign3A_1345, %sign3A_1348 : i32
        %sign3A_1350 = arith.constant 0 : i32
        %sign3A_1351 = arith.cmpi sgt, %jit3A_1341, %sign3A_1350 : i32
        %sign3A_1352 = arith.extui %sign3A_1351 : i1 to i32
        %sign3A_1353 = arith.constant 0 : i32
        %sign3A_1354 = arith.cmpi slt, %jit3A_1341, %sign3A_1353 : i32
        %sign3A_1355 = arith.extui %sign3A_1354 : i1 to i32
        %sign3A_1356 = arith.subi %sign3A_1352, %sign3A_1355 : i32
        %ne3A_1357 = arith.cmpi ne, %sign3A_1349, %sign3A_1356 : i32
        %rem3A_1358 = arith.remsi %scan3A_481, %jit3A_1341 : i32
        %ne3A_1359 = arith.constant 0 : i32
        %ne3A_1360 = arith.cmpi ne, %rem3A_1358, %ne3A_1359 : i32
        %and3A_1361 = arith.andi %ne3A_1357, %ne3A_1360 : i1
        %sub3A_1362 = arith.constant 1 : i32
        %sub3A_1363 = arith.subi %div3A_1342, %sub3A_1362 : i32
        %select_n3A_1364 = arith.select %and3A_1361, %sub3A_1363, %div3A_1342 : i32
        %jit3A_1365 = arith.constant 8 : i32
        %eq3A_1366 = arith.constant 0 : i32
        %eq3A_1367 = arith.cmpi eq, %jit3A_1365, %eq3A_1366 : i32
        %jit3A_1368 = arith.constant 1 : i32
        %select_n3A_1369 = arith.select %eq3A_1367, %jit3A_1368, %jit3A_1365 : i32
        %rem3A_1370 = arith.remsi %scan3A_481, %select_n3A_1369 : i32
        %ne3A_1371 = arith.constant 0 : i32
        %ne3A_1372 = arith.cmpi ne, %rem3A_1370, %ne3A_1371 : i32
        %lt3A_1373 = arith.constant 0 : i32
        %lt3A_1374 = arith.cmpi slt, %rem3A_1370, %lt3A_1373 : i32
        %lt3A_1375 = arith.constant 0 : i32
        %lt3A_1376 = arith.cmpi slt, %select_n3A_1369, %lt3A_1375 : i32
        %ne3A_1377 = arith.xori %lt3A_1374, %lt3A_1376 : i1
        %and3A_1378 = arith.andi %ne3A_1377, %ne3A_1372 : i1
        %add3A_1379 = arith.addi %rem3A_1370, %select_n3A_1369 : i32
        %select_n3A_1380 = arith.select %and3A_1378, %add3A_1379, %rem3A_1370 : i32
        %mul3A_1381 = arith.constant 16 : i32
        %mul3A_1382 = arith.muli %select_n3A_1380, %mul3A_1381 : i32
        %swap3A_1383 = arith.constant 9 : i32
        %swap3A_1384 = arith.index_cast %swap3A_1383 : i32 to index
        %swap3A_1385 = arith.index_cast %select_n3A_1364 : i32 to index
        %swap3A_1386 = arith.index_cast %mul3A_1382 : i32 to index
        %swap3A_1387 = tpu.vector_load %arg10[%swap3A_1384, %swap3A_1385, %swap3A_1386] {strides = array<i32>} : memref<17x4x128xf32, #tpu.memory_space<vmem>>, vector<16xf32>,
        tpu.vector_store %arg10[%swap3A_1384, %swap3A_1385, %swap3A_1386], %add3A_762 {strides = array<i32>} : memref<17x4x128xf32, #tpu.memory_space<vmem>>, vector<16xf32>,
        %jit3A_1388 = arith.constant 8 : i32
        %div3A_1389 = arith.divsi %scan3A_481, %jit3A_1388 : i32
        %sign3A_1390 = arith.constant 0 : i32
        %sign3A_1391 = arith.cmpi sgt, %scan3A_481, %sign3A_1390 : i32
        %sign3A_1392 = arith.extui %sign3A_1391 : i1 to i32
        %sign3A_1393 = arith.constant 0 : i32
        %sign3A_1394 = arith.cmpi slt, %scan3A_481, %sign3A_1393 : i32
        %sign3A_1395 = arith.extui %sign3A_1394 : i1 to i32
        %sign3A_1396 = arith.subi %sign3A_1392, %sign3A_1395 : i32
        %sign3A_1397 = arith.constant 0 : i32
        %sign3A_1398 = arith.cmpi sgt, %jit3A_1388, %sign3A_1397 : i32
        %sign3A_1399 = arith.extui %sign3A_1398 : i1 to i32
        %sign3A_1400 = arith.constant 0 : i32
        %sign3A_1401 = arith.cmpi slt, %jit3A_1388, %sign3A_1400 : i32
        %sign3A_1402 = arith.extui %sign3A_1401 : i1 to i32
        %sign3A_1403 = arith.subi %sign3A_1399, %sign3A_1402 : i32
        %ne3A_1404 = arith.cmpi ne, %sign3A_1396, %sign3A_1403 : i32
        %rem3A_1405 = arith.remsi %scan3A_481, %jit3A_1388 : i32
        %ne3A_1406 = arith.constant 0 : i32
        %ne3A_1407 = arith.cmpi ne, %rem3A_1405, %ne3A_1406 : i32
        %and3A_1408 = arith.andi %ne3A_1404, %ne3A_1407 : i1
        %sub3A_1409 = arith.constant 1 : i32
        %sub3A_1410 = arith.subi %div3A_1389, %sub3A_1409 : i32
        %select_n3A_1411 = arith.select %and3A_1408, %sub3A_1410, %div3A_1389 : i32
        %jit3A_1412 = arith.constant 8 : i32
        %eq3A_1413 = arith.constant 0 : i32
        %eq3A_1414 = arith.cmpi eq, %jit3A_1412, %eq3A_1413 : i32
        %jit3A_1415 = arith.constant 1 : i32
        %select_n3A_1416 = arith.select %eq3A_1414, %jit3A_1415, %jit3A_1412 : i32
        %rem3A_1417 = arith.remsi %scan3A_481, %select_n3A_1416 : i32
        %ne3A_1418 = arith.constant 0 : i32
        %ne3A_1419 = arith.cmpi ne, %rem3A_1417, %ne3A_1418 : i32
        %lt3A_1420 = arith.constant 0 : i32
        %lt3A_1421 = arith.cmpi slt, %rem3A_1417, %lt3A_1420 : i32
        %lt3A_1422 = arith.constant 0 : i32
        %lt3A_1423 = arith.cmpi slt, %select_n3A_1416, %lt3A_1422 : i32
        %ne3A_1424 = arith.xori %lt3A_1421, %lt3A_1423 : i1
        %and3A_1425 = arith.andi %ne3A_1424, %ne3A_1419 : i1
        %add3A_1426 = arith.addi %rem3A_1417, %select_n3A_1416 : i32
        %select_n3A_1427 = arith.select %and3A_1425, %add3A_1426, %rem3A_1417 : i32
        %mul3A_1428 = arith.constant 16 : i32
        %mul3A_1429 = arith.muli %select_n3A_1427, %mul3A_1428 : i32
        %swap3A_1430 = arith.constant 10 : i32
        %swap3A_1431 = arith.index_cast %swap3A_1430 : i32 to index
        %swap3A_1432 = arith.index_cast %select_n3A_1411 : i32 to index
        %swap3A_1433 = arith.index_cast %mul3A_1429 : i32 to index
        %swap3A_1434 = tpu.vector_load %arg10[%swap3A_1431, %swap3A_1432, %swap3A_1433] {strides = array<i32>} : memref<17x4x128xf32, #tpu.memory_space<vmem>>, vector<16xf32>,
        tpu.vector_store %arg10[%swap3A_1431, %swap3A_1432, %swap3A_1433], %add3A_788 {strides = array<i32>} : memref<17x4x128xf32, #tpu.memory_space<vmem>>, vector<16xf32>,
        %jit3A_1435 = arith.constant 8 : i32
        %div3A_1436 = arith.divsi %scan3A_481, %jit3A_1435 : i32
        %sign3A_1437 = arith.constant 0 : i32
        %sign3A_1438 = arith.cmpi sgt, %scan3A_481, %sign3A_1437 : i32
        %sign3A_1439 = arith.extui %sign3A_1438 : i1 to i32
        %sign3A_1440 = arith.constant 0 : i32
        %sign3A_1441 = arith.cmpi slt, %scan3A_481, %sign3A_1440 : i32
        %sign3A_1442 = arith.extui %sign3A_1441 : i1 to i32
        %sign3A_1443 = arith.subi %sign3A_1439, %sign3A_1442 : i32
        %sign3A_1444 = arith.constant 0 : i32
        %sign3A_1445 = arith.cmpi sgt, %jit3A_1435, %sign3A_1444 : i32
        %sign3A_1446 = arith.extui %sign3A_1445 : i1 to i32
        %sign3A_1447 = arith.constant 0 : i32
        %sign3A_1448 = arith.cmpi slt, %jit3A_1435, %sign3A_1447 : i32
        %sign3A_1449 = arith.extui %sign3A_1448 : i1 to i32
        %sign3A_1450 = arith.subi %sign3A_1446, %sign3A_1449 : i32
        %ne3A_1451 = arith.cmpi ne, %sign3A_1443, %sign3A_1450 : i32
        %rem3A_1452 = arith.remsi %scan3A_481, %jit3A_1435 : i32
        %ne3A_1453 = arith.constant 0 : i32
        %ne3A_1454 = arith.cmpi ne, %rem3A_1452, %ne3A_1453 : i32
        %and3A_1455 = arith.andi %ne3A_1451, %ne3A_1454 : i1
        %sub3A_1456 = arith.constant 1 : i32
        %sub3A_1457 = arith.subi %div3A_1436, %sub3A_1456 : i32
        %select_n3A_1458 = arith.select %and3A_1455, %sub3A_1457, %div3A_1436 : i32
        %jit3A_1459 = arith.constant 8 : i32
        %eq3A_1460 = arith.constant 0 : i32
        %eq3A_1461 = arith.cmpi eq, %jit3A_1459, %eq3A_1460 : i32
        %jit3A_1462 = arith.constant 1 : i32
        %select_n3A_1463 = arith.select %eq3A_1461, %jit3A_1462, %jit3A_1459 : i32
        %rem3A_1464 = arith.remsi %scan3A_481, %select_n3A_1463 : i32
        %ne3A_1465 = arith.constant 0 : i32
        %ne3A_1466 = arith.cmpi ne, %rem3A_1464, %ne3A_1465 : i32
        %lt3A_1467 = arith.constant 0 : i32
        %lt3A_1468 = arith.cmpi slt, %rem3A_1464, %lt3A_1467 : i32
        %lt3A_1469 = arith.constant 0 : i32
        %lt3A_1470 = arith.cmpi slt, %select_n3A_1463, %lt3A_1469 : i32
        %ne3A_1471 = arith.xori %lt3A_1468, %lt3A_1470 : i1
        %and3A_1472 = arith.andi %ne3A_1471, %ne3A_1466 : i1
        %add3A_1473 = arith.addi %rem3A_1464, %select_n3A_1463 : i32
        %select_n3A_1474 = arith.select %and3A_1472, %add3A_1473, %rem3A_1464 : i32
        %mul3A_1475 = arith.constant 16 : i32
        %mul3A_1476 = arith.muli %select_n3A_1474, %mul3A_1475 : i32
        %swap3A_1477 = arith.constant 11 : i32
        %swap3A_1478 = arith.index_cast %swap3A_1477 : i32 to index
        %swap3A_1479 = arith.index_cast %select_n3A_1458 : i32 to index
        %swap3A_1480 = arith.index_cast %mul3A_1476 : i32 to index
        %swap3A_1481 = tpu.vector_load %arg10[%swap3A_1478, %swap3A_1479, %swap3A_1480] {strides = array<i32>} : memref<17x4x128xf32, #tpu.memory_space<vmem>>, vector<16xf32>,
        tpu.vector_store %arg10[%swap3A_1478, %swap3A_1479, %swap3A_1480], %add3A_814 {strides = array<i32>} : memref<17x4x128xf32, #tpu.memory_space<vmem>>, vector<16xf32>,
        %jit3A_1482 = arith.constant 8 : i32
        %div3A_1483 = arith.divsi %scan3A_481, %jit3A_1482 : i32
        %sign3A_1484 = arith.constant 0 : i32
        %sign3A_1485 = arith.cmpi sgt, %scan3A_481, %sign3A_1484 : i32
        %sign3A_1486 = arith.extui %sign3A_1485 : i1 to i32
        %sign3A_1487 = arith.constant 0 : i32
        %sign3A_1488 = arith.cmpi slt, %scan3A_481, %sign3A_1487 : i32
        %sign3A_1489 = arith.extui %sign3A_1488 : i1 to i32
        %sign3A_1490 = arith.subi %sign3A_1486, %sign3A_1489 : i32
        %sign3A_1491 = arith.constant 0 : i32
        %sign3A_1492 = arith.cmpi sgt, %jit3A_1482, %sign3A_1491 : i32
        %sign3A_1493 = arith.extui %sign3A_1492 : i1 to i32
        %sign3A_1494 = arith.constant 0 : i32
        %sign3A_1495 = arith.cmpi slt, %jit3A_1482, %sign3A_1494 : i32
        %sign3A_1496 = arith.extui %sign3A_1495 : i1 to i32
        %sign3A_1497 = arith.subi %sign3A_1493, %sign3A_1496 : i32
        %ne3A_1498 = arith.cmpi ne, %sign3A_1490, %sign3A_1497 : i32
        %rem3A_1499 = arith.remsi %scan3A_481, %jit3A_1482 : i32
        %ne3A_1500 = arith.constant 0 : i32
        %ne3A_1501 = arith.cmpi ne, %rem3A_1499, %ne3A_1500 : i32
        %and3A_1502 = arith.andi %ne3A_1498, %ne3A_1501 : i1
        %sub3A_1503 = arith.constant 1 : i32
        %sub3A_1504 = arith.subi %div3A_1483, %sub3A_1503 : i32
        %select_n3A_1505 = arith.select %and3A_1502, %sub3A_1504, %div3A_1483 : i32
        %jit3A_1506 = arith.constant 8 : i32
        %eq3A_1507 = arith.constant 0 : i32
        %eq3A_1508 = arith.cmpi eq, %jit3A_1506, %eq3A_1507 : i32
        %jit3A_1509 = arith.constant 1 : i32
        %select_n3A_1510 = arith.select %eq3A_1508, %jit3A_1509, %jit3A_1506 : i32
        %rem3A_1511 = arith.remsi %scan3A_481, %select_n3A_1510 : i32
        %ne3A_1512 = arith.constant 0 : i32
        %ne3A_1513 = arith.cmpi ne, %rem3A_1511, %ne3A_1512 : i32
        %lt3A_1514 = arith.constant 0 : i32
        %lt3A_1515 = arith.cmpi slt, %rem3A_1511, %lt3A_1514 : i32
        %lt3A_1516 = arith.constant 0 : i32
        %lt3A_1517 = arith.cmpi slt, %select_n3A_1510, %lt3A_1516 : i32
        %ne3A_1518 = arith.xori %lt3A_1515, %lt3A_1517 : i1
        %and3A_1519 = arith.andi %ne3A_1518, %ne3A_1513 : i1
        %add3A_1520 = arith.addi %rem3A_1511, %select_n3A_1510 : i32
        %select_n3A_1521 = arith.select %and3A_1519, %add3A_1520, %rem3A_1511 : i32
        %mul3A_1522 = arith.constant 16 : i32
        %mul3A_1523 = arith.muli %select_n3A_1521, %mul3A_1522 : i32
        %swap3A_1524 = arith.constant 12 : i32
        %swap3A_1525 = arith.index_cast %swap3A_1524 : i32 to index
        %swap3A_1526 = arith.index_cast %select_n3A_1505 : i32 to index
        %swap3A_1527 = arith.index_cast %mul3A_1523 : i32 to index
        %swap3A_1528 = tpu.vector_load %arg10[%swap3A_1525, %swap3A_1526, %swap3A_1527] {strides = array<i32>} : memref<17x4x128xf32, #tpu.memory_space<vmem>>, vector<16xf32>,
        tpu.vector_store %arg10[%swap3A_1525, %swap3A_1526, %swap3A_1527], %add3A_840 {strides = array<i32>} : memref<17x4x128xf32, #tpu.memory_space<vmem>>, vector<16xf32>,
        %jit3A_1529 = arith.constant 8 : i32
        %div3A_1530 = arith.divsi %scan3A_481, %jit3A_1529 : i32
        %sign3A_1531 = arith.constant 0 : i32
        %sign3A_1532 = arith.cmpi sgt, %scan3A_481, %sign3A_1531 : i32
        %sign3A_1533 = arith.extui %sign3A_1532 : i1 to i32
        %sign3A_1534 = arith.constant 0 : i32
        %sign3A_1535 = arith.cmpi slt, %scan3A_481, %sign3A_1534 : i32
        %sign3A_1536 = arith.extui %sign3A_1535 : i1 to i32
        %sign3A_1537 = arith.subi %sign3A_1533, %sign3A_1536 : i32
        %sign3A_1538 = arith.constant 0 : i32
        %sign3A_1539 = arith.cmpi sgt, %jit3A_1529, %sign3A_1538 : i32
        %sign3A_1540 = arith.extui %sign3A_1539 : i1 to i32
        %sign3A_1541 = arith.constant 0 : i32
        %sign3A_1542 = arith.cmpi slt, %jit3A_1529, %sign3A_1541 : i32
        %sign3A_1543 = arith.extui %sign3A_1542 : i1 to i32
        %sign3A_1544 = arith.subi %sign3A_1540, %sign3A_1543 : i32
        %ne3A_1545 = arith.cmpi ne, %sign3A_1537, %sign3A_1544 : i32
        %rem3A_1546 = arith.remsi %scan3A_481, %jit3A_1529 : i32
        %ne3A_1547 = arith.constant 0 : i32
        %ne3A_1548 = arith.cmpi ne, %rem3A_1546, %ne3A_1547 : i32
        %and3A_1549 = arith.andi %ne3A_1545, %ne3A_1548 : i1
        %sub3A_1550 = arith.constant 1 : i32
        %sub3A_1551 = arith.subi %div3A_1530, %sub3A_1550 : i32
        %select_n3A_1552 = arith.select %and3A_1549, %sub3A_1551, %div3A_1530 : i32
        %jit3A_1553 = arith.constant 8 : i32
        %eq3A_1554 = arith.constant 0 : i32
        %eq3A_1555 = arith.cmpi eq, %jit3A_1553, %eq3A_1554 : i32
        %jit3A_1556 = arith.constant 1 : i32
        %select_n3A_1557 = arith.select %eq3A_1555, %jit3A_1556, %jit3A_1553 : i32
        %rem3A_1558 = arith.remsi %scan3A_481, %select_n3A_1557 : i32
        %ne3A_1559 = arith.constant 0 : i32
        %ne3A_1560 = arith.cmpi ne, %rem3A_1558, %ne3A_1559 : i32
        %lt3A_1561 = arith.constant 0 : i32
        %lt3A_1562 = arith.cmpi slt, %rem3A_1558, %lt3A_1561 : i32
        %lt3A_1563 = arith.constant 0 : i32
        %lt3A_1564 = arith.cmpi slt, %select_n3A_1557, %lt3A_1563 : i32
        %ne3A_1565 = arith.xori %lt3A_1562, %lt3A_1564 : i1
        %and3A_1566 = arith.andi %ne3A_1565, %ne3A_1560 : i1
        %add3A_1567 = arith.addi %rem3A_1558, %select_n3A_1557 : i32
        %select_n3A_1568 = arith.select %and3A_1566, %add3A_1567, %rem3A_1558 : i32
        %mul3A_1569 = arith.constant 16 : i32
        %mul3A_1570 = arith.muli %select_n3A_1568, %mul3A_1569 : i32
        %swap3A_1571 = arith.constant 13 : i32
        %swap3A_1572 = arith.index_cast %swap3A_1571 : i32 to index
        %swap3A_1573 = arith.index_cast %select_n3A_1552 : i32 to index
        %swap3A_1574 = arith.index_cast %mul3A_1570 : i32 to index
        %swap3A_1575 = tpu.vector_load %arg10[%swap3A_1572, %swap3A_1573, %swap3A_1574] {strides = array<i32>} : memref<17x4x128xf32, #tpu.memory_space<vmem>>, vector<16xf32>,
        tpu.vector_store %arg10[%swap3A_1572, %swap3A_1573, %swap3A_1574], %add3A_866 {strides = array<i32>} : memref<17x4x128xf32, #tpu.memory_space<vmem>>, vector<16xf32>,
        %jit3A_1576 = arith.constant 8 : i32
        %div3A_1577 = arith.divsi %scan3A_481, %jit3A_1576 : i32
        %sign3A_1578 = arith.constant 0 : i32
        %sign3A_1579 = arith.cmpi sgt, %scan3A_481, %sign3A_1578 : i32
        %sign3A_1580 = arith.extui %sign3A_1579 : i1 to i32
        %sign3A_1581 = arith.constant 0 : i32
        %sign3A_1582 = arith.cmpi slt, %scan3A_481, %sign3A_1581 : i32
        %sign3A_1583 = arith.extui %sign3A_1582 : i1 to i32
        %sign3A_1584 = arith.subi %sign3A_1580, %sign3A_1583 : i32
        %sign3A_1585 = arith.constant 0 : i32
        %sign3A_1586 = arith.cmpi sgt, %jit3A_1576, %sign3A_1585 : i32
        %sign3A_1587 = arith.extui %sign3A_1586 : i1 to i32
        %sign3A_1588 = arith.constant 0 : i32
        %sign3A_1589 = arith.cmpi slt, %jit3A_1576, %sign3A_1588 : i32
        %sign3A_1590 = arith.extui %sign3A_1589 : i1 to i32
        %sign3A_1591 = arith.subi %sign3A_1587, %sign3A_1590 : i32
        %ne3A_1592 = arith.cmpi ne, %sign3A_1584, %sign3A_1591 : i32
        %rem3A_1593 = arith.remsi %scan3A_481, %jit3A_1576 : i32
        %ne3A_1594 = arith.constant 0 : i32
        %ne3A_1595 = arith.cmpi ne, %rem3A_1593, %ne3A_1594 : i32
        %and3A_1596 = arith.andi %ne3A_1592, %ne3A_1595 : i1
        %sub3A_1597 = arith.constant 1 : i32
        %sub3A_1598 = arith.subi %div3A_1577, %sub3A_1597 : i32
        %select_n3A_1599 = arith.select %and3A_1596, %sub3A_1598, %div3A_1577 : i32
        %jit3A_1600 = arith.constant 8 : i32
        %eq3A_1601 = arith.constant 0 : i32
        %eq3A_1602 = arith.cmpi eq, %jit3A_1600, %eq3A_1601 : i32
        %jit3A_1603 = arith.constant 1 : i32
        %select_n3A_1604 = arith.select %eq3A_1602, %jit3A_1603, %jit3A_1600 : i32
        %rem3A_1605 = arith.remsi %scan3A_481, %select_n3A_1604 : i32
        %ne3A_1606 = arith.constant 0 : i32
        %ne3A_1607 = arith.cmpi ne, %rem3A_1605, %ne3A_1606 : i32
        %lt3A_1608 = arith.constant 0 : i32
        %lt3A_1609 = arith.cmpi slt, %rem3A_1605, %lt3A_1608 : i32
        %lt3A_1610 = arith.constant 0 : i32
        %lt3A_1611 = arith.cmpi slt, %select_n3A_1604, %lt3A_1610 : i32
        %ne3A_1612 = arith.xori %lt3A_1609, %lt3A_1611 : i1
        %and3A_1613 = arith.andi %ne3A_1612, %ne3A_1607 : i1
        %add3A_1614 = arith.addi %rem3A_1605, %select_n3A_1604 : i32
        %select_n3A_1615 = arith.select %and3A_1613, %add3A_1614, %rem3A_1605 : i32
        %mul3A_1616 = arith.constant 16 : i32
        %mul3A_1617 = arith.muli %select_n3A_1615, %mul3A_1616 : i32
        %swap3A_1618 = arith.constant 14 : i32
        %swap3A_1619 = arith.index_cast %swap3A_1618 : i32 to index
        %swap3A_1620 = arith.index_cast %select_n3A_1599 : i32 to index
        %swap3A_1621 = arith.index_cast %mul3A_1617 : i32 to index
        %swap3A_1622 = tpu.vector_load %arg10[%swap3A_1619, %swap3A_1620, %swap3A_1621] {strides = array<i32>} : memref<17x4x128xf32, #tpu.memory_space<vmem>>, vector<16xf32>,
        tpu.vector_store %arg10[%swap3A_1619, %swap3A_1620, %swap3A_1621], %add3A_892 {strides = array<i32>} : memref<17x4x128xf32, #tpu.memory_space<vmem>>, vector<16xf32>,
        %jit3A_1623 = arith.constant 8 : i32
        %div3A_1624 = arith.divsi %scan3A_481, %jit3A_1623 : i32
        %sign3A_1625 = arith.constant 0 : i32
        %sign3A_1626 = arith.cmpi sgt, %scan3A_481, %sign3A_1625 : i32
        %sign3A_1627 = arith.extui %sign3A_1626 : i1 to i32
        %sign3A_1628 = arith.constant 0 : i32
        %sign3A_1629 = arith.cmpi slt, %scan3A_481, %sign3A_1628 : i32
        %sign3A_1630 = arith.extui %sign3A_1629 : i1 to i32
        %sign3A_1631 = arith.subi %sign3A_1627, %sign3A_1630 : i32
        %sign3A_1632 = arith.constant 0 : i32
        %sign3A_1633 = arith.cmpi sgt, %jit3A_1623, %sign3A_1632 : i32
        %sign3A_1634 = arith.extui %sign3A_1633 : i1 to i32
        %sign3A_1635 = arith.constant 0 : i32
        %sign3A_1636 = arith.cmpi slt, %jit3A_1623, %sign3A_1635 : i32
        %sign3A_1637 = arith.extui %sign3A_1636 : i1 to i32
        %sign3A_1638 = arith.subi %sign3A_1634, %sign3A_1637 : i32
        %ne3A_1639 = arith.cmpi ne, %sign3A_1631, %sign3A_1638 : i32
        %rem3A_1640 = arith.remsi %scan3A_481, %jit3A_1623 : i32
        %ne3A_1641 = arith.constant 0 : i32
        %ne3A_1642 = arith.cmpi ne, %rem3A_1640, %ne3A_1641 : i32
        %and3A_1643 = arith.andi %ne3A_1639, %ne3A_1642 : i1
        %sub3A_1644 = arith.constant 1 : i32
        %sub3A_1645 = arith.subi %div3A_1624, %sub3A_1644 : i32
        %select_n3A_1646 = arith.select %and3A_1643, %sub3A_1645, %div3A_1624 : i32
        %jit3A_1647 = arith.constant 8 : i32
        %eq3A_1648 = arith.constant 0 : i32
        %eq3A_1649 = arith.cmpi eq, %jit3A_1647, %eq3A_1648 : i32
        %jit3A_1650 = arith.constant 1 : i32
        %select_n3A_1651 = arith.select %eq3A_1649, %jit3A_1650, %jit3A_1647 : i32
        %rem3A_1652 = arith.remsi %scan3A_481, %select_n3A_1651 : i32
        %ne3A_1653 = arith.constant 0 : i32
        %ne3A_1654 = arith.cmpi ne, %rem3A_1652, %ne3A_1653 : i32
        %lt3A_1655 = arith.constant 0 : i32
        %lt3A_1656 = arith.cmpi slt, %rem3A_1652, %lt3A_1655 : i32
        %lt3A_1657 = arith.constant 0 : i32
        %lt3A_1658 = arith.cmpi slt, %select_n3A_1651, %lt3A_1657 : i32
        %ne3A_1659 = arith.xori %lt3A_1656, %lt3A_1658 : i1
        %and3A_1660 = arith.andi %ne3A_1659, %ne3A_1654 : i1
        %add3A_1661 = arith.addi %rem3A_1652, %select_n3A_1651 : i32
        %select_n3A_1662 = arith.select %and3A_1660, %add3A_1661, %rem3A_1652 : i32
        %mul3A_1663 = arith.constant 16 : i32
        %mul3A_1664 = arith.muli %select_n3A_1662, %mul3A_1663 : i32
        %swap3A_1665 = arith.constant 15 : i32
        %swap3A_1666 = arith.index_cast %swap3A_1665 : i32 to index
        %swap3A_1667 = arith.index_cast %select_n3A_1646 : i32 to index
        %swap3A_1668 = arith.index_cast %mul3A_1664 : i32 to index
        %swap3A_1669 = tpu.vector_load %arg10[%swap3A_1666, %swap3A_1667, %swap3A_1668] {strides = array<i32>} : memref<17x4x128xf32, #tpu.memory_space<vmem>>, vector<16xf32>,
        tpu.vector_store %arg10[%swap3A_1666, %swap3A_1667, %swap3A_1668], %add3A_918 {strides = array<i32>} : memref<17x4x128xf32, #tpu.memory_space<vmem>>, vector<16xf32>,
        %add3A_1670 = arith.addf %get3A_491, %get3A_497 : vector<16xf32>
        %add3A_1671 = arith.addf %add3A_1670, %get3A_503 : vector<16xf32>
        %jit3A_1672 = arith.constant 8 : i32
        %div3A_1673 = arith.divsi %scan3A_481, %jit3A_1672 : i32
        %sign3A_1674 = arith.constant 0 : i32
        %sign3A_1675 = arith.cmpi sgt, %scan3A_481, %sign3A_1674 : i32
        %sign3A_1676 = arith.extui %sign3A_1675 : i1 to i32
        %sign3A_1677 = arith.constant 0 : i32
        %sign3A_1678 = arith.cmpi slt, %scan3A_481, %sign3A_1677 : i32
        %sign3A_1679 = arith.extui %sign3A_1678 : i1 to i32
        %sign3A_1680 = arith.subi %sign3A_1676, %sign3A_1679 : i32
        %sign3A_1681 = arith.constant 0 : i32
        %sign3A_1682 = arith.cmpi sgt, %jit3A_1672, %sign3A_1681 : i32
        %sign3A_1683 = arith.extui %sign3A_1682 : i1 to i32
        %sign3A_1684 = arith.constant 0 : i32
        %sign3A_1685 = arith.cmpi slt, %jit3A_1672, %sign3A_1684 : i32
        %sign3A_1686 = arith.extui %sign3A_1685 : i1 to i32
        %sign3A_1687 = arith.subi %sign3A_1683, %sign3A_1686 : i32
        %ne3A_1688 = arith.cmpi ne, %sign3A_1680, %sign3A_1687 : i32
        %rem3A_1689 = arith.remsi %scan3A_481, %jit3A_1672 : i32
        %ne3A_1690 = arith.constant 0 : i32
        %ne3A_1691 = arith.cmpi ne, %rem3A_1689, %ne3A_1690 : i32
        %and3A_1692 = arith.andi %ne3A_1688, %ne3A_1691 : i1
        %sub3A_1693 = arith.constant 1 : i32
        %sub3A_1694 = arith.subi %div3A_1673, %sub3A_1693 : i32
        %select_n3A_1695 = arith.select %and3A_1692, %sub3A_1694, %div3A_1673 : i32
        %jit3A_1696 = arith.constant 8 : i32
        %eq3A_1697 = arith.constant 0 : i32
        %eq3A_1698 = arith.cmpi eq, %jit3A_1696, %eq3A_1697 : i32
        %jit3A_1699 = arith.constant 1 : i32
        %select_n3A_1700 = arith.select %eq3A_1698, %jit3A_1699, %jit3A_1696 : i32
        %rem3A_1701 = arith.remsi %scan3A_481, %select_n3A_1700 : i32
        %ne3A_1702 = arith.constant 0 : i32
        %ne3A_1703 = arith.cmpi ne, %rem3A_1701, %ne3A_1702 : i32
        %lt3A_1704 = arith.constant 0 : i32
        %lt3A_1705 = arith.cmpi slt, %rem3A_1701, %lt3A_1704 : i32
        %lt3A_1706 = arith.constant 0 : i32
        %lt3A_1707 = arith.cmpi slt, %select_n3A_1700, %lt3A_1706 : i32
        %ne3A_1708 = arith.xori %lt3A_1705, %lt3A_1707 : i1
        %and3A_1709 = arith.andi %ne3A_1708, %ne3A_1703 : i1
        %add3A_1710 = arith.addi %rem3A_1701, %select_n3A_1700 : i32
        %select_n3A_1711 = arith.select %and3A_1709, %add3A_1710, %rem3A_1701 : i32
        %mul3A_1712 = arith.constant 16 : i32
        %mul3A_1713 = arith.muli %select_n3A_1711, %mul3A_1712 : i32
        %swap3A_1714 = arith.constant 16 : i32
        %swap3A_1715 = arith.index_cast %swap3A_1714 : i32 to index
        %swap3A_1716 = arith.index_cast %select_n3A_1695 : i32 to index
        %swap3A_1717 = arith.index_cast %mul3A_1713 : i32 to index
        %swap3A_1718 = tpu.vector_load %arg10[%swap3A_1715, %swap3A_1716, %swap3A_1717] {strides = array<i32>} : memref<17x4x128xf32, #tpu.memory_space<vmem>>, vector<16xf32>,
        tpu.vector_store %arg10[%swap3A_1715, %swap3A_1716, %swap3A_1717], %add3A_1671 {strides = array<i32>} : memref<17x4x128xf32, #tpu.memory_space<vmem>>, vector<16xf32>,
        %scan3A_1719 = arith.constant 0 : i32
        scf.yield %scan3A_1719 : i32
      }
      %scan3A_318 = arith.constant 32 : i32
      %add3A_319 = arith.addi %select_n3A_56, %mul3A_217 : i32
      %jit3A_320 = arith.constant 8 : i32
      %div3A_321 = arith.divsi %add3A_319, %jit3A_320 : i32
      %sign3A_322 = arith.constant 0 : i32
      %sign3A_323 = arith.cmpi sgt, %add3A_319, %sign3A_322 : i32
      %sign3A_324 = arith.extui %sign3A_323 : i1 to i32
      %sign3A_325 = arith.constant 0 : i32
      %sign3A_326 = arith.cmpi slt, %add3A_319, %sign3A_325 : i32
      %sign3A_327 = arith.extui %sign3A_326 : i1 to i32
      %sign3A_328 = arith.subi %sign3A_324, %sign3A_327 : i32
      %sign3A_329 = arith.constant 0 : i32
      %sign3A_330 = arith.cmpi sgt, %jit3A_320, %sign3A_329 : i32
      %sign3A_331 = arith.extui %sign3A_330 : i1 to i32
      %sign3A_332 = arith.constant 0 : i32
      %sign3A_333 = arith.cmpi slt, %jit3A_320, %sign3A_332 : i32
      %sign3A_334 = arith.extui %sign3A_333 : i1 to i32
      %sign3A_335 = arith.subi %sign3A_331, %sign3A_334 : i32
      %ne3A_336 = arith.cmpi ne, %sign3A_328, %sign3A_335 : i32
      %rem3A_337 = arith.remsi %add3A_319, %jit3A_320 : i32
      %ne3A_338 = arith.constant 0 : i32
      %ne3A_339 = arith.cmpi ne, %rem3A_337, %ne3A_338 : i32
      %and3A_340 = arith.andi %ne3A_336, %ne3A_339 : i1
      %sub3A_341 = arith.constant 1 : i32
      %sub3A_342 = arith.subi %div3A_321, %sub3A_341 : i32
      %select_n3A_343 = arith.select %and3A_340, %sub3A_342, %div3A_321 : i32
      %jit3A_344 = arith.constant 8 : i32
      %eq3A_345 = arith.constant 0 : i32
      %eq3A_346 = arith.cmpi eq, %jit3A_344, %eq3A_345 : i32
      %jit3A_347 = arith.constant 1 : i32
      %select_n3A_348 = arith.select %eq3A_346, %jit3A_347, %jit3A_344 : i32
      %rem3A_349 = arith.remsi %add3A_319, %select_n3A_348 : i32
      %ne3A_350 = arith.constant 0 : i32
      %ne3A_351 = arith.cmpi ne, %rem3A_349, %ne3A_350 : i32
      %lt3A_352 = arith.constant 0 : i32
      %lt3A_353 = arith.cmpi slt, %rem3A_349, %lt3A_352 : i32
      %lt3A_354 = arith.constant 0 : i32
      %lt3A_355 = arith.cmpi slt, %select_n3A_348, %lt3A_354 : i32
      %ne3A_356 = arith.xori %lt3A_353, %lt3A_355 : i1
      %and3A_357 = arith.andi %ne3A_356, %ne3A_351 : i1
      %add3A_358 = arith.addi %rem3A_349, %select_n3A_348 : i32
      %select_n3A_359 = arith.select %and3A_357, %add3A_358, %rem3A_349 : i32
      %dma_start3A_360 = arith.constant 0 : i32
      %dma_start3A_361 = arith.constant 0 : i32
      %dma_start3A_362 = arith.constant 0 : i32
      %dma_start3A_363 = tpu.memref_slice %arg3[%select_n3A, %dma_start3A_360, %select_n3A_343, %dma_start3A_361, %select_n3A_359, %dma_start3A_362] : memref<4x17x64x4x8x128xf32, #tpu.memory_space<hbm>> -> memref<1x17x1x4x1x128xf32, #tpu.memory_space<hbm>>
      %dma_start3A_364 = tpu.memref_squeeze %dma_start3A_363 : memref<1x17x1x4x1x128xf32, #tpu.memory_space<hbm>> -> memref<17x4x128xf32, #tpu.memory_space<hbm>>
      %dma_start3A_365 = arith.constant 0 : i32
      %dma_start3A_366 = arith.constant 0 : i32
      %dma_start3A_367 = arith.constant 0 : i32
      %dma_start3A_368 = tpu.memref_slice %arg3[%select_n3A, %dma_start3A_365, %select_n3A_343, %dma_start3A_366, %select_n3A_359, %dma_start3A_367] : memref<4x17x64x4x8x128xf32, #tpu.memory_space<hbm>> -> memref<1x17x1x4x1x128xf32, #tpu.memory_space<hbm>>
      %dma_start3A_369 = tpu.memref_squeeze %dma_start3A_368 : memref<1x17x1x4x1x128xf32, #tpu.memory_space<hbm>> -> memref<17x4x128xf32, #tpu.memory_space<hbm>>
      tpu.enqueue_dma source(%arg10 : memref<17x4x128xf32, #tpu.memory_space<vmem>>) target(%dma_start3A_369 : memref<17x4x128xf32, #tpu.memory_space<hbm>>) target_semaphore(%arg14 : memref<!tpu.dma_semaphore, #tpu.memory_space<semaphore_mem>>)
      %add3A_370 = arith.constant 2 : i32
      %add3A_371 = arith.addi %mul3A_217, %add3A_370 : i32
      %lt3A_372 = arith.constant 64 : i32
      %lt3A_373 = arith.cmpi slt, %add3A_371, %lt3A_372 : i32
      %convert_element_type3A_374 = arith.extui %lt3A_373 : i1 to i32
      %cond3A_375 = arith.constant 0 : i32
      %cond3A_376 = arith.cmpi ne, %convert_element_type3A_374, %cond3A_375 : i32
      scf.if %cond3A_376 {
        %add3A_481 = arith.constant 2 : i32
        %add3A_482 = arith.addi %mul3A_217, %add3A_481 : i32
        %mul3A_483 = arith.constant 512 : i32
        %mul3A_484 = arith.muli %add3A_482, %mul3A_483 : i32
        %add3A_485 = arith.addi %mul3A_2, %mul3A_484 : i32
        %scan3A_486 = arith.constant 0 : i32
        %scan3A_487 = arith.constant 0 : i32
        %scan3A_488 = arith.constant 32 : i32
        %scan3A_489 = arith.addi %scan3A_487, %scan3A_488 : i32
        %scan3A_490 = arith.constant 4 : i32
        %scan3A_491 = scf.for %scan3A_533 = %scan3A_487 to %scan3A_489 step %scan3A_490 iter_args(%scan3A_534 = %scan3A_486) -> (i32)  : i32 {
          %mul3A_535 = arith.constant 16 : i32
          %mul3A_536 = arith.muli %scan3A_533, %mul3A_535 : i32
          %add3A_537 = arith.addi %add3A_485, %mul3A_536 : i32
          %add3A_538 = vector.broadcast %add3A_537 : i32 to vector<16xi32>
          %add3A_539 = arith.addi %add3A_538, %iota3A : vector<16xi32>
          %mul3A_540 = arith.constant -1640531535 : i32
          %mul3A_541 = vector.broadcast %mul3A_540 : i32 to vector<16xi32>
          %mul3A_542 = arith.muli %add3A_539, %mul3A_541 : vector<16xi32>
          %jit3A_543 = arith.constant 400000 : i32
          %eq3A_544 = arith.constant 0 : i32
          %eq3A_545 = arith.cmpi eq, %jit3A_543, %eq3A_544 : i32
          %jit3A_546 = arith.constant 1 : i32
          %select_n3A_547 = arith.select %eq3A_545, %jit3A_546, %jit3A_543 : i32
          %rem3A_548 = vector.broadcast %select_n3A_547 : i32 to vector<16xi32>
          %rem3A_549 = arith.remui %mul3A_542, %rem3A_548 : vector<16xi32>
          %ne3A_550 = arith.constant 0 : i32
          %ne3A_551 = vector.broadcast %ne3A_550 : i32 to vector<16xi32>
          %ne3A_552 = arith.cmpi ne, %rem3A_549, %ne3A_551 : vector<16xi32>
          %lt3A_553 = arith.constant 0 : i32
          %lt3A_554 = vector.broadcast %lt3A_553 : i32 to vector<16xi32>
          %lt3A_555 = arith.cmpi ult, %rem3A_549, %lt3A_554 : vector<16xi32>
          %lt3A_556 = arith.constant 0 : i32
          %lt3A_557 = arith.cmpi ult, %select_n3A_547, %lt3A_556 : i32
          %ne3A_558 = vector.broadcast %lt3A_557 : i1 to vector<16xi1>
          %ne3A_559 = vector.broadcast %ne3A_558 : vector<16xi1> to vector<16xi1>
          %ne3A_560 = arith.xori %lt3A_555, %ne3A_559 : vector<16xi1>
          %and3A_561 = arith.andi %ne3A_560, %ne3A_552 : vector<16xi1>
          %add3A_562 = vector.broadcast %select_n3A_547 : i32 to vector<16xi32>
          %add3A_563 = arith.addi %rem3A_549, %add3A_562 : vector<16xi32>
          %select_n3A_564 = arith.select %and3A_561, %add3A_563, %rem3A_549 : vector<16xi1>, vector<16xi32>
          %jit3A_565 = arith.constant 7 : i32
          %eq3A_566 = arith.constant 0 : i32
          %eq3A_567 = arith.cmpi eq, %jit3A_565, %eq3A_566 : i32
          %jit3A_568 = arith.constant 1 : i32
          %select_n3A_569 = arith.select %eq3A_567, %jit3A_568, %jit3A_565 : i32
          %rem3A_570 = vector.broadcast %select_n3A_569 : i32 to vector<16xi32>
          %rem3A_571 = arith.remui %mul3A_542, %rem3A_570 : vector<16xi32>
          %ne3A_572 = arith.constant 0 : i32
          %ne3A_573 = vector.broadcast %ne3A_572 : i32 to vector<16xi32>
          %ne3A_574 = arith.cmpi ne, %rem3A_571, %ne3A_573 : vector<16xi32>
          %lt3A_575 = arith.constant 0 : i32
          %lt3A_576 = vector.broadcast %lt3A_575 : i32 to vector<16xi32>
          %lt3A_577 = arith.cmpi ult, %rem3A_571, %lt3A_576 : vector<16xi32>
          %lt3A_578 = arith.constant 0 : i32
          %lt3A_579 = arith.cmpi ult, %select_n3A_569, %lt3A_578 : i32
          %ne3A_580 = vector.broadcast %lt3A_579 : i1 to vector<16xi1>
          %ne3A_581 = vector.broadcast %ne3A_580 : vector<16xi1> to vector<16xi1>
          %ne3A_582 = arith.xori %lt3A_577, %ne3A_581 : vector<16xi1>
          %and3A_583 = arith.andi %ne3A_582, %ne3A_574 : vector<16xi1>
          %add3A_584 = vector.broadcast %select_n3A_569 : i32 to vector<16xi32>
          %add3A_585 = arith.addi %rem3A_571, %add3A_584 : vector<16xi32>
          %select_n3A_586 = arith.select %and3A_583, %add3A_585, %rem3A_571 : vector<16xi1>, vector<16xi32>
          %ne3A_587 = arith.constant 0 : i32
          %ne3A_588 = vector.broadcast %ne3A_587 : i32 to vector<16xi32>
          %ne3A_589 = arith.cmpi ne, %select_n3A_586, %ne3A_588 : vector<16xi32>
          %jit3A_590 = arith.constant 1.000000e+00 : f32
          %jit3A_591 = arith.constant 0.000000e+00 : f32
          %broadcast_in_dim3A = vector.broadcast %jit3A_590 : f32 to vector<16xf32>
          %broadcast_in_dim3A_592 = vector.broadcast %jit3A_591 : f32 to vector<16xf32>
          %select_n3A_593 = arith.select %ne3A_589, %broadcast_in_dim3A, %broadcast_in_dim3A_592 : vector<16xi1>, vector<16xf32>
          %shift_right_logical3A = arith.constant 3 : i32
          %shift_right_logical3A_594 = vector.broadcast %shift_right_logical3A : i32 to vector<16xi32>
          %shift_right_logical3A_595 = arith.shrui %mul3A_542, %shift_right_logical3A_594 : vector<16xi32>
          %jit3A_596 = arith.constant 1024 : i32
          %eq3A_597 = arith.constant 0 : i32
          %eq3A_598 = arith.cmpi eq, %jit3A_596, %eq3A_597 : i32
          %jit3A_599 = arith.constant 1 : i32
          %select_n3A_600 = arith.select %eq3A_598, %jit3A_599, %jit3A_596 : i32
          %rem3A_601 = vector.broadcast %select_n3A_600 : i32 to vector<16xi32>
          %rem3A_602 = arith.remui %shift_right_logical3A_595, %rem3A_601 : vector<16xi32>
          %ne3A_603 = arith.constant 0 : i32
          %ne3A_604 = vector.broadcast %ne3A_603 : i32 to vector<16xi32>
          %ne3A_605 = arith.cmpi ne, %rem3A_602, %ne3A_604 : vector<16xi32>
          %lt3A_606 = arith.constant 0 : i32
          %lt3A_607 = vector.broadcast %lt3A_606 : i32 to vector<16xi32>
          %lt3A_608 = arith.cmpi ult, %rem3A_602, %lt3A_607 : vector<16xi32>
          %lt3A_609 = arith.constant 0 : i32
          %lt3A_610 = arith.cmpi ult, %select_n3A_600, %lt3A_609 : i32
          %ne3A_611 = vector.broadcast %lt3A_610 : i1 to vector<16xi1>
          %ne3A_612 = vector.broadcast %ne3A_611 : vector<16xi1> to vector<16xi1>
          %ne3A_613 = arith.xori %lt3A_608, %ne3A_612 : vector<16xi1>
          %and3A_614 = arith.andi %ne3A_613, %ne3A_605 : vector<16xi1>
          %add3A_615 = vector.broadcast %select_n3A_600 : i32 to vector<16xi32>
          %add3A_616 = arith.addi %rem3A_602, %add3A_615 : vector<16xi32>
          %select_n3A_617 = arith.select %and3A_614, %add3A_616, %rem3A_602 : vector<16xi1>, vector<16xi32>
          %convert_element_type3A_618 = arith.uitofp %select_n3A_617 : vector<16xi32> to vector<16xf32>
          %add3A_619 = arith.constant 1.000000e+00 : f32
          %add3A_620 = vector.broadcast %add3A_619 : f32 to vector<16xf32>
          %add3A_621 = arith.addf %convert_element_type3A_618, %add3A_620 : vector<16xf32>
          %shift_right_logical3A_622 = arith.constant 13 : i32
          %shift_right_logical3A_623 = vector.broadcast %shift_right_logical3A_622 : i32 to vector<16xi32>
          %shift_right_logical3A_624 = arith.shrui %mul3A_542, %shift_right_logical3A_623 : vector<16xi32>
          %jit3A_625 = arith.constant 1024 : i32
          %eq3A_626 = arith.constant 0 : i32
          %eq3A_627 = arith.cmpi eq, %jit3A_625, %eq3A_626 : i32
          %jit3A_628 = arith.constant 1 : i32
          %select_n3A_629 = arith.select %eq3A_627, %jit3A_628, %jit3A_625 : i32
          %rem3A_630 = vector.broadcast %select_n3A_629 : i32 to vector<16xi32>
          %rem3A_631 = arith.remui %shift_right_logical3A_624, %rem3A_630 : vector<16xi32>
          %ne3A_632 = arith.constant 0 : i32
          %ne3A_633 = vector.broadcast %ne3A_632 : i32 to vector<16xi32>
          %ne3A_634 = arith.cmpi ne, %rem3A_631, %ne3A_633 : vector<16xi32>
          %lt3A_635 = arith.constant 0 : i32
          %lt3A_636 = vector.broadcast %lt3A_635 : i32 to vector<16xi32>
          %lt3A_637 = arith.cmpi ult, %rem3A_631, %lt3A_636 : vector<16xi32>
          %lt3A_638 = arith.constant 0 : i32
          %lt3A_639 = arith.cmpi ult, %select_n3A_629, %lt3A_638 : i32
          %ne3A_640 = vector.broadcast %lt3A_639 : i1 to vector<16xi1>
          %ne3A_641 = vector.broadcast %ne3A_640 : vector<16xi1> to vector<16xi1>
          %ne3A_642 = arith.xori %lt3A_637, %ne3A_641 : vector<16xi1>
          %and3A_643 = arith.andi %ne3A_642, %ne3A_634 : vector<16xi1>
          %add3A_644 = vector.broadcast %select_n3A_629 : i32 to vector<16xi32>
          %add3A_645 = arith.addi %rem3A_631, %add3A_644 : vector<16xi32>
          %select_n3A_646 = arith.select %and3A_643, %add3A_645, %rem3A_631 : vector<16xi1>, vector<16xi32>
          %convert_element_type3A_647 = arith.uitofp %select_n3A_646 : vector<16xi32> to vector<16xf32>
          %add3A_648 = arith.constant 1.000000e+00 : f32
          %add3A_649 = vector.broadcast %add3A_648 : f32 to vector<16xf32>
          %add3A_650 = arith.addf %convert_element_type3A_647, %add3A_649 : vector<16xf32>
          %shift_right_logical3A_651 = arith.constant 23 : i32
          %shift_right_logical3A_652 = vector.broadcast %shift_right_logical3A_651 : i32 to vector<16xi32>
          %shift_right_logical3A_653 = arith.shrui %mul3A_542, %shift_right_logical3A_652 : vector<16xi32>
          %jit3A_654 = arith.constant 512 : i32
          %eq3A_655 = arith.constant 0 : i32
          %eq3A_656 = arith.cmpi eq, %jit3A_654, %eq3A_655 : i32
          %jit3A_657 = arith.constant 1 : i32
          %select_n3A_658 = arith.select %eq3A_656, %jit3A_657, %jit3A_654 : i32
          %rem3A_659 = vector.broadcast %select_n3A_658 : i32 to vector<16xi32>
          %rem3A_660 = arith.remui %shift_right_logical3A_653, %rem3A_659 : vector<16xi32>
          %ne3A_661 = arith.constant 0 : i32
          %ne3A_662 = vector.broadcast %ne3A_661 : i32 to vector<16xi32>
          %ne3A_663 = arith.cmpi ne, %rem3A_660, %ne3A_662 : vector<16xi32>
          %lt3A_664 = arith.constant 0 : i32
          %lt3A_665 = vector.broadcast %lt3A_664 : i32 to vector<16xi32>
          %lt3A_666 = arith.cmpi ult, %rem3A_660, %lt3A_665 : vector<16xi32>
          %lt3A_667 = arith.constant 0 : i32
          %lt3A_668 = arith.cmpi ult, %select_n3A_658, %lt3A_667 : i32
          %ne3A_669 = vector.broadcast %lt3A_668 : i1 to vector<16xi1>
          %ne3A_670 = vector.broadcast %ne3A_669 : vector<16xi1> to vector<16xi1>
          %ne3A_671 = arith.xori %lt3A_666, %ne3A_670 : vector<16xi1>
          %and3A_672 = arith.andi %ne3A_671, %ne3A_663 : vector<16xi1>
          %add3A_673 = vector.broadcast %select_n3A_658 : i32 to vector<16xi32>
          %add3A_674 = arith.addi %rem3A_660, %add3A_673 : vector<16xi32>
          %select_n3A_675 = arith.select %and3A_672, %add3A_674, %rem3A_660 : vector<16xi1>, vector<16xi32>
          %convert_element_type3A_676 = arith.uitofp %select_n3A_675 : vector<16xi32> to vector<16xf32>
          %add3A_677 = arith.constant 1.000000e+00 : f32
          %add3A_678 = vector.broadcast %add3A_677 : f32 to vector<16xf32>
          %add3A_679 = arith.addf %convert_element_type3A_676, %add3A_678 : vector<16xf32>
          %add3A_680 = arith.addf %add3A_621, %add3A_650 : vector<16xf32>
          %add3A_681 = arith.addf %add3A_680, %add3A_679 : vector<16xf32>
          %div3A_682 = arith.divf %select_n3A_593, %add3A_681 : vector<16xf32>
          %mul3A_683 = arith.mulf %add3A_621, %div3A_682 : vector<16xf32>
          %mul3A_684 = arith.mulf %add3A_650, %div3A_682 : vector<16xf32>
          %mul3A_685 = arith.mulf %add3A_679, %div3A_682 : vector<16xf32>
          %jit3A_686 = arith.constant 8 : i32
          %div3A_687 = arith.divsi %scan3A_533, %jit3A_686 : i32
          %sign3A_688 = arith.constant 0 : i32
          %sign3A_689 = arith.cmpi sgt, %scan3A_533, %sign3A_688 : i32
          %sign3A_690 = arith.extui %sign3A_689 : i1 to i32
          %sign3A_691 = arith.constant 0 : i32
          %sign3A_692 = arith.cmpi slt, %scan3A_533, %sign3A_691 : i32
          %sign3A_693 = arith.extui %sign3A_692 : i1 to i32
          %sign3A_694 = arith.subi %sign3A_690, %sign3A_693 : i32
          %sign3A_695 = arith.constant 0 : i32
          %sign3A_696 = arith.cmpi sgt, %jit3A_686, %sign3A_695 : i32
          %sign3A_697 = arith.extui %sign3A_696 : i1 to i32
          %sign3A_698 = arith.constant 0 : i32
          %sign3A_699 = arith.cmpi slt, %jit3A_686, %sign3A_698 : i32
          %sign3A_700 = arith.extui %sign3A_699 : i1 to i32
          %sign3A_701 = arith.subi %sign3A_697, %sign3A_700 : i32
          %ne3A_702 = arith.cmpi ne, %sign3A_694, %sign3A_701 : i32
          %rem3A_703 = arith.remsi %scan3A_533, %jit3A_686 : i32
          %ne3A_704 = arith.constant 0 : i32
          %ne3A_705 = arith.cmpi ne, %rem3A_703, %ne3A_704 : i32
          %and3A_706 = arith.andi %ne3A_702, %ne3A_705 : i1
          %sub3A_707 = arith.constant 1 : i32
          %sub3A_708 = arith.subi %div3A_687, %sub3A_707 : i32
          %select_n3A_709 = arith.select %and3A_706, %sub3A_708, %div3A_687 : i32
          %jit3A_710 = arith.constant 8 : i32
          %eq3A_711 = arith.constant 0 : i32
          %eq3A_712 = arith.cmpi eq, %jit3A_710, %eq3A_711 : i32
          %jit3A_713 = arith.constant 1 : i32
          %select_n3A_714 = arith.select %eq3A_712, %jit3A_713, %jit3A_710 : i32
          %rem3A_715 = arith.remsi %scan3A_533, %select_n3A_714 : i32
          %ne3A_716 = arith.constant 0 : i32
          %ne3A_717 = arith.cmpi ne, %rem3A_715, %ne3A_716 : i32
          %lt3A_718 = arith.constant 0 : i32
          %lt3A_719 = arith.cmpi slt, %rem3A_715, %lt3A_718 : i32
          %lt3A_720 = arith.constant 0 : i32
          %lt3A_721 = arith.cmpi slt, %select_n3A_714, %lt3A_720 : i32
          %ne3A_722 = arith.xori %lt3A_719, %lt3A_721 : i1
          %and3A_723 = arith.andi %ne3A_722, %ne3A_717 : i1
          %add3A_724 = arith.addi %rem3A_715, %select_n3A_714 : i32
          %select_n3A_725 = arith.select %and3A_723, %add3A_724, %rem3A_715 : i32
          %mul3A_726 = arith.constant 16 : i32
          %mul3A_727 = arith.muli %select_n3A_725, %mul3A_726 : i32
          %swap3A = arith.index_cast %select_n3A_709 : i32 to index
          %swap3A_728 = arith.index_cast %mul3A_727 : i32 to index
          %swap3A_729 = tpu.vector_load %arg4[%swap3A, %swap3A_728] {strides = array<i32>} : memref<4x128xi32, #tpu.memory_space<vmem>>, vector<16xi32>,
          tpu.vector_store %arg4[%swap3A, %swap3A_728], %select_n3A_564 {strides = array<i32>} : memref<4x128xi32, #tpu.memory_space<vmem>>, vector<16xi32>,
          %mul3A_730 = arith.constant 16 : i32
          %mul3A_731 = arith.muli %scan3A_533, %mul3A_730 : i32
          %swap3A_732 = arith.constant 0 : i32
          %swap3A_733 = arith.index_cast %swap3A_732 : i32 to index
          %swap3A_734 = arith.index_cast %mul3A_731 : i32 to index
          %swap3A_735 = tpu.vector_load %arg6[%swap3A_733, %swap3A_734] {strides = array<i32>} : memref<3x512xf32, #tpu.memory_space<vmem>>, vector<16xf32>,
          tpu.vector_store %arg6[%swap3A_733, %swap3A_734], %mul3A_683 {strides = array<i32>} : memref<3x512xf32, #tpu.memory_space<vmem>>, vector<16xf32>,
          %mul3A_736 = arith.constant 16 : i32
          %mul3A_737 = arith.muli %scan3A_533, %mul3A_736 : i32
          %swap3A_738 = arith.constant 1 : i32
          %swap3A_739 = arith.index_cast %swap3A_738 : i32 to index
          %swap3A_740 = arith.index_cast %mul3A_737 : i32 to index
          %swap3A_741 = tpu.vector_load %arg6[%swap3A_739, %swap3A_740] {strides = array<i32>} : memref<3x512xf32, #tpu.memory_space<vmem>>, vector<16xf32>,
          tpu.vector_store %arg6[%swap3A_739, %swap3A_740], %mul3A_684 {strides = array<i32>} : memref<3x512xf32, #tpu.memory_space<vmem>>, vector<16xf32>,
          %mul3A_742 = arith.constant 16 : i32
          %mul3A_743 = arith.muli %scan3A_533, %mul3A_742 : i32
          %swap3A_744 = arith.constant 2 : i32
          %swap3A_745 = arith.index_cast %swap3A_744 : i32 to index
          %swap3A_746 = arith.index_cast %mul3A_743 : i32 to index
          %swap3A_747 = tpu.vector_load %arg6[%swap3A_745, %swap3A_746] {strides = array<i32>} : memref<3x512xf32, #tpu.memory_space<vmem>>, vector<16xf32>,
          tpu.vector_store %arg6[%swap3A_745, %swap3A_746], %mul3A_685 {strides = array<i32>} : memref<3x512xf32, #tpu.memory_space<vmem>>, vector<16xf32>,
          %scan3A_748 = arith.constant 0 : i32
          %scan3A_749 = arith.constant 1 : i32
          %scan3A_750 = arith.addi %scan3A_533, %scan3A_749 : i32
          %mul3A_751 = arith.constant 16 : i32
          %mul3A_752 = arith.muli %scan3A_750, %mul3A_751 : i32
          %add3A_753 = arith.addi %add3A_485, %mul3A_752 : i32
          %add3A_754 = vector.broadcast %add3A_753 : i32 to vector<16xi32>
          %add3A_755 = arith.addi %add3A_754, %iota3A : vector<16xi32>
          %mul3A_756 = arith.constant -1640531535 : i32
          %mul3A_757 = vector.broadcast %mul3A_756 : i32 to vector<16xi32>
          %mul3A_758 = arith.muli %add3A_755, %mul3A_757 : vector<16xi32>
          %jit3A_759 = arith.constant 400000 : i32
          %eq3A_760 = arith.constant 0 : i32
          %eq3A_761 = arith.cmpi eq, %jit3A_759, %eq3A_760 : i32
          %jit3A_762 = arith.constant 1 : i32
          %select_n3A_763 = arith.select %eq3A_761, %jit3A_762, %jit3A_759 : i32
          %rem3A_764 = vector.broadcast %select_n3A_763 : i32 to vector<16xi32>
          %rem3A_765 = arith.remui %mul3A_758, %rem3A_764 : vector<16xi32>
          %ne3A_766 = arith.constant 0 : i32
          %ne3A_767 = vector.broadcast %ne3A_766 : i32 to vector<16xi32>
          %ne3A_768 = arith.cmpi ne, %rem3A_765, %ne3A_767 : vector<16xi32>
          %lt3A_769 = arith.constant 0 : i32
          %lt3A_770 = vector.broadcast %lt3A_769 : i32 to vector<16xi32>
          %lt3A_771 = arith.cmpi ult, %rem3A_765, %lt3A_770 : vector<16xi32>
          %lt3A_772 = arith.constant 0 : i32
          %lt3A_773 = arith.cmpi ult, %select_n3A_763, %lt3A_772 : i32
          %ne3A_774 = vector.broadcast %lt3A_773 : i1 to vector<16xi1>
          %ne3A_775 = vector.broadcast %ne3A_774 : vector<16xi1> to vector<16xi1>
          %ne3A_776 = arith.xori %lt3A_771, %ne3A_775 : vector<16xi1>
          %and3A_777 = arith.andi %ne3A_776, %ne3A_768 : vector<16xi1>
          %add3A_778 = vector.broadcast %select_n3A_763 : i32 to vector<16xi32>
          %add3A_779 = arith.addi %rem3A_765, %add3A_778 : vector<16xi32>
          %select_n3A_780 = arith.select %and3A_777, %add3A_779, %rem3A_765 : vector<16xi1>, vector<16xi32>
          %jit3A_781 = arith.constant 7 : i32
          %eq3A_782 = arith.constant 0 : i32
          %eq3A_783 = arith.cmpi eq, %jit3A_781, %eq3A_782 : i32
          %jit3A_784 = arith.constant 1 : i32
          %select_n3A_785 = arith.select %eq3A_783, %jit3A_784, %jit3A_781 : i32
          %rem3A_786 = vector.broadcast %select_n3A_785 : i32 to vector<16xi32>
          %rem3A_787 = arith.remui %mul3A_758, %rem3A_786 : vector<16xi32>
          %ne3A_788 = arith.constant 0 : i32
          %ne3A_789 = vector.broadcast %ne3A_788 : i32 to vector<16xi32>
          %ne3A_790 = arith.cmpi ne, %rem3A_787, %ne3A_789 : vector<16xi32>
          %lt3A_791 = arith.constant 0 : i32
          %lt3A_792 = vector.broadcast %lt3A_791 : i32 to vector<16xi32>
          %lt3A_793 = arith.cmpi ult, %rem3A_787, %lt3A_792 : vector<16xi32>
          %lt3A_794 = arith.constant 0 : i32
          %lt3A_795 = arith.cmpi ult, %select_n3A_785, %lt3A_794 : i32
          %ne3A_796 = vector.broadcast %lt3A_795 : i1 to vector<16xi1>
          %ne3A_797 = vector.broadcast %ne3A_796 : vector<16xi1> to vector<16xi1>
          %ne3A_798 = arith.xori %lt3A_793, %ne3A_797 : vector<16xi1>
          %and3A_799 = arith.andi %ne3A_798, %ne3A_790 : vector<16xi1>
          %add3A_800 = vector.broadcast %select_n3A_785 : i32 to vector<16xi32>
          %add3A_801 = arith.addi %rem3A_787, %add3A_800 : vector<16xi32>
          %select_n3A_802 = arith.select %and3A_799, %add3A_801, %rem3A_787 : vector<16xi1>, vector<16xi32>
          %ne3A_803 = arith.constant 0 : i32
          %ne3A_804 = vector.broadcast %ne3A_803 : i32 to vector<16xi32>
          %ne3A_805 = arith.cmpi ne, %select_n3A_802, %ne3A_804 : vector<16xi32>
          %jit3A_806 = arith.constant 1.000000e+00 : f32
          %jit3A_807 = arith.constant 0.000000e+00 : f32
          %broadcast_in_dim3A_808 = vector.broadcast %jit3A_806 : f32 to vector<16xf32>
          %broadcast_in_dim3A_809 = vector.broadcast %jit3A_807 : f32 to vector<16xf32>
          %select_n3A_810 = arith.select %ne3A_805, %broadcast_in_dim3A_808, %broadcast_in_dim3A_809 : vector<16xi1>, vector<16xf32>
          %shift_right_logical3A_811 = arith.constant 3 : i32
          %shift_right_logical3A_812 = vector.broadcast %shift_right_logical3A_811 : i32 to vector<16xi32>
          %shift_right_logical3A_813 = arith.shrui %mul3A_758, %shift_right_logical3A_812 : vector<16xi32>
          %jit3A_814 = arith.constant 1024 : i32
          %eq3A_815 = arith.constant 0 : i32
          %eq3A_816 = arith.cmpi eq, %jit3A_814, %eq3A_815 : i32
          %jit3A_817 = arith.constant 1 : i32
          %select_n3A_818 = arith.select %eq3A_816, %jit3A_817, %jit3A_814 : i32
          %rem3A_819 = vector.broadcast %select_n3A_818 : i32 to vector<16xi32>
          %rem3A_820 = arith.remui %shift_right_logical3A_813, %rem3A_819 : vector<16xi32>
          %ne3A_821 = arith.constant 0 : i32
          %ne3A_822 = vector.broadcast %ne3A_821 : i32 to vector<16xi32>
          %ne3A_823 = arith.cmpi ne, %rem3A_820, %ne3A_822 : vector<16xi32>
          %lt3A_824 = arith.constant 0 : i32
          %lt3A_825 = vector.broadcast %lt3A_824 : i32 to vector<16xi32>
          %lt3A_826 = arith.cmpi ult, %rem3A_820, %lt3A_825 : vector<16xi32>
          %lt3A_827 = arith.constant 0 : i32
          %lt3A_828 = arith.cmpi ult, %select_n3A_818, %lt3A_827 : i32
          %ne3A_829 = vector.broadcast %lt3A_828 : i1 to vector<16xi1>
          %ne3A_830 = vector.broadcast %ne3A_829 : vector<16xi1> to vector<16xi1>
          %ne3A_831 = arith.xori %lt3A_826, %ne3A_830 : vector<16xi1>
          %and3A_832 = arith.andi %ne3A_831, %ne3A_823 : vector<16xi1>
          %add3A_833 = vector.broadcast %select_n3A_818 : i32 to vector<16xi32>
          %add3A_834 = arith.addi %rem3A_820, %add3A_833 : vector<16xi32>
          %select_n3A_835 = arith.select %and3A_832, %add3A_834, %rem3A_820 : vector<16xi1>, vector<16xi32>
          %convert_element_type3A_836 = arith.uitofp %select_n3A_835 : vector<16xi32> to vector<16xf32>
          %add3A_837 = arith.constant 1.000000e+00 : f32
          %add3A_838 = vector.broadcast %add3A_837 : f32 to vector<16xf32>
          %add3A_839 = arith.addf %convert_element_type3A_836, %add3A_838 : vector<16xf32>
          %shift_right_logical3A_840 = arith.constant 13 : i32
          %shift_right_logical3A_841 = vector.broadcast %shift_right_logical3A_840 : i32 to vector<16xi32>
          %shift_right_logical3A_842 = arith.shrui %mul3A_758, %shift_right_logical3A_841 : vector<16xi32>
          %jit3A_843 = arith.constant 1024 : i32
          %eq3A_844 = arith.constant 0 : i32
          %eq3A_845 = arith.cmpi eq, %jit3A_843, %eq3A_844 : i32
          %jit3A_846 = arith.constant 1 : i32
          %select_n3A_847 = arith.select %eq3A_845, %jit3A_846, %jit3A_843 : i32
          %rem3A_848 = vector.broadcast %select_n3A_847 : i32 to vector<16xi32>
          %rem3A_849 = arith.remui %shift_right_logical3A_842, %rem3A_848 : vector<16xi32>
          %ne3A_850 = arith.constant 0 : i32
          %ne3A_851 = vector.broadcast %ne3A_850 : i32 to vector<16xi32>
          %ne3A_852 = arith.cmpi ne, %rem3A_849, %ne3A_851 : vector<16xi32>
          %lt3A_853 = arith.constant 0 : i32
          %lt3A_854 = vector.broadcast %lt3A_853 : i32 to vector<16xi32>
          %lt3A_855 = arith.cmpi ult, %rem3A_849, %lt3A_854 : vector<16xi32>
          %lt3A_856 = arith.constant 0 : i32
          %lt3A_857 = arith.cmpi ult, %select_n3A_847, %lt3A_856 : i32
          %ne3A_858 = vector.broadcast %lt3A_857 : i1 to vector<16xi1>
          %ne3A_859 = vector.broadcast %ne3A_858 : vector<16xi1> to vector<16xi1>
          %ne3A_860 = arith.xori %lt3A_855, %ne3A_859 : vector<16xi1>
          %and3A_861 = arith.andi %ne3A_860, %ne3A_852 : vector<16xi1>
          %add3A_862 = vector.broadcast %select_n3A_847 : i32 to vector<16xi32>
          %add3A_863 = arith.addi %rem3A_849, %add3A_862 : vector<16xi32>
          %select_n3A_864 = arith.select %and3A_861, %add3A_863, %rem3A_849 : vector<16xi1>, vector<16xi32>
          %convert_element_type3A_865 = arith.uitofp %select_n3A_864 : vector<16xi32> to vector<16xf32>
          %add3A_866 = arith.constant 1.000000e+00 : f32
          %add3A_867 = vector.broadcast %add3A_866 : f32 to vector<16xf32>
          %add3A_868 = arith.addf %convert_element_type3A_865, %add3A_867 : vector<16xf32>
          %shift_right_logical3A_869 = arith.constant 23 : i32
          %shift_right_logical3A_870 = vector.broadcast %shift_right_logical3A_869 : i32 to vector<16xi32>
          %shift_right_logical3A_871 = arith.shrui %mul3A_758, %shift_right_logical3A_870 : vector<16xi32>
          %jit3A_872 = arith.constant 512 : i32
          %eq3A_873 = arith.constant 0 : i32
          %eq3A_874 = arith.cmpi eq, %jit3A_872, %eq3A_873 : i32
          %jit3A_875 = arith.constant 1 : i32
          %select_n3A_876 = arith.select %eq3A_874, %jit3A_875, %jit3A_872 : i32
          %rem3A_877 = vector.broadcast %select_n3A_876 : i32 to vector<16xi32>
          %rem3A_878 = arith.remui %shift_right_logical3A_871, %rem3A_877 : vector<16xi32>
          %ne3A_879 = arith.constant 0 : i32
          %ne3A_880 = vector.broadcast %ne3A_879 : i32 to vector<16xi32>
          %ne3A_881 = arith.cmpi ne, %rem3A_878, %ne3A_880 : vector<16xi32>
          %lt3A_882 = arith.constant 0 : i32
          %lt3A_883 = vector.broadcast %lt3A_882 : i32 to vector<16xi32>
          %lt3A_884 = arith.cmpi ult, %rem3A_878, %lt3A_883 : vector<16xi32>
          %lt3A_885 = arith.constant 0 : i32
          %lt3A_886 = arith.cmpi ult, %select_n3A_876, %lt3A_885 : i32
          %ne3A_887 = vector.broadcast %lt3A_886 : i1 to vector<16xi1>
          %ne3A_888 = vector.broadcast %ne3A_887 : vector<16xi1> to vector<16xi1>
          %ne3A_889 = arith.xori %lt3A_884, %ne3A_888 : vector<16xi1>
          %and3A_890 = arith.andi %ne3A_889, %ne3A_881 : vector<16xi1>
          %add3A_891 = vector.broadcast %select_n3A_876 : i32 to vector<16xi32>
          %add3A_892 = arith.addi %rem3A_878, %add3A_891 : vector<16xi32>
          %select_n3A_893 = arith.select %and3A_890, %add3A_892, %rem3A_878 : vector<16xi1>, vector<16xi32>
          %convert_element_type3A_894 = arith.uitofp %select_n3A_893 : vector<16xi32> to vector<16xf32>
          %add3A_895 = arith.constant 1.000000e+00 : f32
          %add3A_896 = vector.broadcast %add3A_895 : f32 to vector<16xf32>
          %add3A_897 = arith.addf %convert_element_type3A_894, %add3A_896 : vector<16xf32>
          %add3A_898 = arith.addf %add3A_839, %add3A_868 : vector<16xf32>
          %add3A_899 = arith.addf %add3A_898, %add3A_897 : vector<16xf32>
          %div3A_900 = arith.divf %select_n3A_810, %add3A_899 : vector<16xf32>
          %mul3A_901 = arith.mulf %add3A_839, %div3A_900 : vector<16xf32>
          %mul3A_902 = arith.mulf %add3A_868, %div3A_900 : vector<16xf32>
          %mul3A_903 = arith.mulf %add3A_897, %div3A_900 : vector<16xf32>
          %jit3A_904 = arith.constant 8 : i32
          %div3A_905 = arith.divsi %scan3A_750, %jit3A_904 : i32
          %sign3A_906 = arith.constant 0 : i32
          %sign3A_907 = arith.cmpi sgt, %scan3A_750, %sign3A_906 : i32
          %sign3A_908 = arith.extui %sign3A_907 : i1 to i32
          %sign3A_909 = arith.constant 0 : i32
          %sign3A_910 = arith.cmpi slt, %scan3A_750, %sign3A_909 : i32
          %sign3A_911 = arith.extui %sign3A_910 : i1 to i32
          %sign3A_912 = arith.subi %sign3A_908, %sign3A_911 : i32
          %sign3A_913 = arith.constant 0 : i32
          %sign3A_914 = arith.cmpi sgt, %jit3A_904, %sign3A_913 : i32
          %sign3A_915 = arith.extui %sign3A_914 : i1 to i32
          %sign3A_916 = arith.constant 0 : i32
          %sign3A_917 = arith.cmpi slt, %jit3A_904, %sign3A_916 : i32
          %sign3A_918 = arith.extui %sign3A_917 : i1 to i32
          %sign3A_919 = arith.subi %sign3A_915, %sign3A_918 : i32
          %ne3A_920 = arith.cmpi ne, %sign3A_912, %sign3A_919 : i32
          %rem3A_921 = arith.remsi %scan3A_750, %jit3A_904 : i32
          %ne3A_922 = arith.constant 0 : i32
          %ne3A_923 = arith.cmpi ne, %rem3A_921, %ne3A_922 : i32
          %and3A_924 = arith.andi %ne3A_920, %ne3A_923 : i1
          %sub3A_925 = arith.constant 1 : i32
          %sub3A_926 = arith.subi %div3A_905, %sub3A_925 : i32
          %select_n3A_927 = arith.select %and3A_924, %sub3A_926, %div3A_905 : i32
          %jit3A_928 = arith.constant 8 : i32
          %eq3A_929 = arith.constant 0 : i32
          %eq3A_930 = arith.cmpi eq, %jit3A_928, %eq3A_929 : i32
          %jit3A_931 = arith.constant 1 : i32
          %select_n3A_932 = arith.select %eq3A_930, %jit3A_931, %jit3A_928 : i32
          %rem3A_933 = arith.remsi %scan3A_750, %select_n3A_932 : i32
          %ne3A_934 = arith.constant 0 : i32
          %ne3A_935 = arith.cmpi ne, %rem3A_933, %ne3A_934 : i32
          %lt3A_936 = arith.constant 0 : i32
          %lt3A_937 = arith.cmpi slt, %rem3A_933, %lt3A_936 : i32
          %lt3A_938 = arith.constant 0 : i32
          %lt3A_939 = arith.cmpi slt, %select_n3A_932, %lt3A_938 : i32
          %ne3A_940 = arith.xori %lt3A_937, %lt3A_939 : i1
          %and3A_941 = arith.andi %ne3A_940, %ne3A_935 : i1
          %add3A_942 = arith.addi %rem3A_933, %select_n3A_932 : i32
          %select_n3A_943 = arith.select %and3A_941, %add3A_942, %rem3A_933 : i32
          %mul3A_944 = arith.constant 16 : i32
          %mul3A_945 = arith.muli %select_n3A_943, %mul3A_944 : i32
          %swap3A_946 = arith.index_cast %select_n3A_927 : i32 to index
          %swap3A_947 = arith.index_cast %mul3A_945 : i32 to index
          %swap3A_948 = tpu.vector_load %arg4[%swap3A_946, %swap3A_947] {strides = array<i32>} : memref<4x128xi32, #tpu.memory_space<vmem>>, vector<16xi32>,
          tpu.vector_store %arg4[%swap3A_946, %swap3A_947], %select_n3A_780 {strides = array<i32>} : memref<4x128xi32, #tpu.memory_space<vmem>>, vector<16xi32>,
          %mul3A_949 = arith.constant 16 : i32
          %mul3A_950 = arith.muli %scan3A_750, %mul3A_949 : i32
          %swap3A_951 = arith.constant 0 : i32
          %swap3A_952 = arith.index_cast %swap3A_951 : i32 to index
          %swap3A_953 = arith.index_cast %mul3A_950 : i32 to index
          %swap3A_954 = tpu.vector_load %arg6[%swap3A_952, %swap3A_953] {strides = array<i32>} : memref<3x512xf32, #tpu.memory_space<vmem>>, vector<16xf32>,
          tpu.vector_store %arg6[%swap3A_952, %swap3A_953], %mul3A_901 {strides = array<i32>} : memref<3x512xf32, #tpu.memory_space<vmem>>, vector<16xf32>,
          %mul3A_955 = arith.constant 16 : i32
          %mul3A_956 = arith.muli %scan3A_750, %mul3A_955 : i32
          %swap3A_957 = arith.constant 1 : i32
          %swap3A_958 = arith.index_cast %swap3A_957 : i32 to index
          %swap3A_959 = arith.index_cast %mul3A_956 : i32 to index
          %swap3A_960 = tpu.vector_load %arg6[%swap3A_958, %swap3A_959] {strides = array<i32>} : memref<3x512xf32, #tpu.memory_space<vmem>>, vector<16xf32>,
          tpu.vector_store %arg6[%swap3A_958, %swap3A_959], %mul3A_902 {strides = array<i32>} : memref<3x512xf32, #tpu.memory_space<vmem>>, vector<16xf32>,
          %mul3A_961 = arith.constant 16 : i32
          %mul3A_962 = arith.muli %scan3A_750, %mul3A_961 : i32
          %swap3A_963 = arith.constant 2 : i32
          %swap3A_964 = arith.index_cast %swap3A_963 : i32 to index
          %swap3A_965 = arith.index_cast %mul3A_962 : i32 to index
          %swap3A_966 = tpu.vector_load %arg6[%swap3A_964, %swap3A_965] {strides = array<i32>} : memref<3x512xf32, #tpu.memory_space<vmem>>, vector<16xf32>,
          tpu.vector_store %arg6[%swap3A_964, %swap3A_965], %mul3A_903 {strides = array<i32>} : memref<3x512xf32, #tpu.memory_space<vmem>>, vector<16xf32>,
          %scan3A_967 = arith.constant 0 : i32
          %scan3A_968 = arith.constant 2 : i32
          %scan3A_969 = arith.addi %scan3A_533, %scan3A_968 : i32
          %mul3A_970 = arith.constant 16 : i32
          %mul3A_971 = arith.muli %scan3A_969, %mul3A_970 : i32
          %add3A_972 = arith.addi %add3A_485, %mul3A_971 : i32
          %add3A_973 = vector.broadcast %add3A_972 : i32 to vector<16xi32>
          %add3A_974 = arith.addi %add3A_973, %iota3A : vector<16xi32>
          %mul3A_975 = arith.constant -1640531535 : i32
          %mul3A_976 = vector.broadcast %mul3A_975 : i32 to vector<16xi32>
          %mul3A_977 = arith.muli %add3A_974, %mul3A_976 : vector<16xi32>
          %jit3A_978 = arith.constant 400000 : i32
          %eq3A_979 = arith.constant 0 : i32
          %eq3A_980 = arith.cmpi eq, %jit3A_978, %eq3A_979 : i32
          %jit3A_981 = arith.constant 1 : i32
          %select_n3A_982 = arith.select %eq3A_980, %jit3A_981, %jit3A_978 : i32
          %rem3A_983 = vector.broadcast %select_n3A_982 : i32 to vector<16xi32>
          %rem3A_984 = arith.remui %mul3A_977, %rem3A_983 : vector<16xi32>
          %ne3A_985 = arith.constant 0 : i32
          %ne3A_986 = vector.broadcast %ne3A_985 : i32 to vector<16xi32>
          %ne3A_987 = arith.cmpi ne, %rem3A_984, %ne3A_986 : vector<16xi32>
          %lt3A_988 = arith.constant 0 : i32
          %lt3A_989 = vector.broadcast %lt3A_988 : i32 to vector<16xi32>
          %lt3A_990 = arith.cmpi ult, %rem3A_984, %lt3A_989 : vector<16xi32>
          %lt3A_991 = arith.constant 0 : i32
          %lt3A_992 = arith.cmpi ult, %select_n3A_982, %lt3A_991 : i32
          %ne3A_993 = vector.broadcast %lt3A_992 : i1 to vector<16xi1>
          %ne3A_994 = vector.broadcast %ne3A_993 : vector<16xi1> to vector<16xi1>
          %ne3A_995 = arith.xori %lt3A_990, %ne3A_994 : vector<16xi1>
          %and3A_996 = arith.andi %ne3A_995, %ne3A_987 : vector<16xi1>
          %add3A_997 = vector.broadcast %select_n3A_982 : i32 to vector<16xi32>
          %add3A_998 = arith.addi %rem3A_984, %add3A_997 : vector<16xi32>
          %select_n3A_999 = arith.select %and3A_996, %add3A_998, %rem3A_984 : vector<16xi1>, vector<16xi32>
          %jit3A_1000 = arith.constant 7 : i32
          %eq3A_1001 = arith.constant 0 : i32
          %eq3A_1002 = arith.cmpi eq, %jit3A_1000, %eq3A_1001 : i32
          %jit3A_1003 = arith.constant 1 : i32
          %select_n3A_1004 = arith.select %eq3A_1002, %jit3A_1003, %jit3A_1000 : i32
          %rem3A_1005 = vector.broadcast %select_n3A_1004 : i32 to vector<16xi32>
          %rem3A_1006 = arith.remui %mul3A_977, %rem3A_1005 : vector<16xi32>
          %ne3A_1007 = arith.constant 0 : i32
          %ne3A_1008 = vector.broadcast %ne3A_1007 : i32 to vector<16xi32>
          %ne3A_1009 = arith.cmpi ne, %rem3A_1006, %ne3A_1008 : vector<16xi32>
          %lt3A_1010 = arith.constant 0 : i32
          %lt3A_1011 = vector.broadcast %lt3A_1010 : i32 to vector<16xi32>
          %lt3A_1012 = arith.cmpi ult, %rem3A_1006, %lt3A_1011 : vector<16xi32>
          %lt3A_1013 = arith.constant 0 : i32
          %lt3A_1014 = arith.cmpi ult, %select_n3A_1004, %lt3A_1013 : i32
          %ne3A_1015 = vector.broadcast %lt3A_1014 : i1 to vector<16xi1>
          %ne3A_1016 = vector.broadcast %ne3A_1015 : vector<16xi1> to vector<16xi1>
          %ne3A_1017 = arith.xori %lt3A_1012, %ne3A_1016 : vector<16xi1>
          %and3A_1018 = arith.andi %ne3A_1017, %ne3A_1009 : vector<16xi1>
          %add3A_1019 = vector.broadcast %select_n3A_1004 : i32 to vector<16xi32>
          %add3A_1020 = arith.addi %rem3A_1006, %add3A_1019 : vector<16xi32>
          %select_n3A_1021 = arith.select %and3A_1018, %add3A_1020, %rem3A_1006 : vector<16xi1>, vector<16xi32>
          %ne3A_1022 = arith.constant 0 : i32
          %ne3A_1023 = vector.broadcast %ne3A_1022 : i32 to vector<16xi32>
          %ne3A_1024 = arith.cmpi ne, %select_n3A_1021, %ne3A_1023 : vector<16xi32>
          %jit3A_1025 = arith.constant 1.000000e+00 : f32
          %jit3A_1026 = arith.constant 0.000000e+00 : f32
          %broadcast_in_dim3A_1027 = vector.broadcast %jit3A_1025 : f32 to vector<16xf32>
          %broadcast_in_dim3A_1028 = vector.broadcast %jit3A_1026 : f32 to vector<16xf32>
          %select_n3A_1029 = arith.select %ne3A_1024, %broadcast_in_dim3A_1027, %broadcast_in_dim3A_1028 : vector<16xi1>, vector<16xf32>
          %shift_right_logical3A_1030 = arith.constant 3 : i32
          %shift_right_logical3A_1031 = vector.broadcast %shift_right_logical3A_1030 : i32 to vector<16xi32>
          %shift_right_logical3A_1032 = arith.shrui %mul3A_977, %shift_right_logical3A_1031 : vector<16xi32>
          %jit3A_1033 = arith.constant 1024 : i32
          %eq3A_1034 = arith.constant 0 : i32
          %eq3A_1035 = arith.cmpi eq, %jit3A_1033, %eq3A_1034 : i32
          %jit3A_1036 = arith.constant 1 : i32
          %select_n3A_1037 = arith.select %eq3A_1035, %jit3A_1036, %jit3A_1033 : i32
          %rem3A_1038 = vector.broadcast %select_n3A_1037 : i32 to vector<16xi32>
          %rem3A_1039 = arith.remui %shift_right_logical3A_1032, %rem3A_1038 : vector<16xi32>
          %ne3A_1040 = arith.constant 0 : i32
          %ne3A_1041 = vector.broadcast %ne3A_1040 : i32 to vector<16xi32>
          %ne3A_1042 = arith.cmpi ne, %rem3A_1039, %ne3A_1041 : vector<16xi32>
          %lt3A_1043 = arith.constant 0 : i32
          %lt3A_1044 = vector.broadcast %lt3A_1043 : i32 to vector<16xi32>
          %lt3A_1045 = arith.cmpi ult, %rem3A_1039, %lt3A_1044 : vector<16xi32>
          %lt3A_1046 = arith.constant 0 : i32
          %lt3A_1047 = arith.cmpi ult, %select_n3A_1037, %lt3A_1046 : i32
          %ne3A_1048 = vector.broadcast %lt3A_1047 : i1 to vector<16xi1>
          %ne3A_1049 = vector.broadcast %ne3A_1048 : vector<16xi1> to vector<16xi1>
          %ne3A_1050 = arith.xori %lt3A_1045, %ne3A_1049 : vector<16xi1>
          %and3A_1051 = arith.andi %ne3A_1050, %ne3A_1042 : vector<16xi1>
          %add3A_1052 = vector.broadcast %select_n3A_1037 : i32 to vector<16xi32>
          %add3A_1053 = arith.addi %rem3A_1039, %add3A_1052 : vector<16xi32>
          %select_n3A_1054 = arith.select %and3A_1051, %add3A_1053, %rem3A_1039 : vector<16xi1>, vector<16xi32>
          %convert_element_type3A_1055 = arith.uitofp %select_n3A_1054 : vector<16xi32> to vector<16xf32>
          %add3A_1056 = arith.constant 1.000000e+00 : f32
          %add3A_1057 = vector.broadcast %add3A_1056 : f32 to vector<16xf32>
          %add3A_1058 = arith.addf %convert_element_type3A_1055, %add3A_1057 : vector<16xf32>
          %shift_right_logical3A_1059 = arith.constant 13 : i32
          %shift_right_logical3A_1060 = vector.broadcast %shift_right_logical3A_1059 : i32 to vector<16xi32>
          %shift_right_logical3A_1061 = arith.shrui %mul3A_977, %shift_right_logical3A_1060 : vector<16xi32>
          %jit3A_1062 = arith.constant 1024 : i32
          %eq3A_1063 = arith.constant 0 : i32
          %eq3A_1064 = arith.cmpi eq, %jit3A_1062, %eq3A_1063 : i32
          %jit3A_1065 = arith.constant 1 : i32
          %select_n3A_1066 = arith.select %eq3A_1064, %jit3A_1065, %jit3A_1062 : i32
          %rem3A_1067 = vector.broadcast %select_n3A_1066 : i32 to vector<16xi32>
          %rem3A_1068 = arith.remui %shift_right_logical3A_1061, %rem3A_1067 : vector<16xi32>
          %ne3A_1069 = arith.constant 0 : i32
          %ne3A_1070 = vector.broadcast %ne3A_1069 : i32 to vector<16xi32>
          %ne3A_1071 = arith.cmpi ne, %rem3A_1068, %ne3A_1070 : vector<16xi32>
          %lt3A_1072 = arith.constant 0 : i32
          %lt3A_1073 = vector.broadcast %lt3A_1072 : i32 to vector<16xi32>
          %lt3A_1074 = arith.cmpi ult, %rem3A_1068, %lt3A_1073 : vector<16xi32>
          %lt3A_1075 = arith.constant 0 : i32
          %lt3A_1076 = arith.cmpi ult, %select_n3A_1066, %lt3A_1075 : i32
          %ne3A_1077 = vector.broadcast %lt3A_1076 : i1 to vector<16xi1>
          %ne3A_1078 = vector.broadcast %ne3A_1077 : vector<16xi1> to vector<16xi1>
          %ne3A_1079 = arith.xori %lt3A_1074, %ne3A_1078 : vector<16xi1>
          %and3A_1080 = arith.andi %ne3A_1079, %ne3A_1071 : vector<16xi1>
          %add3A_1081 = vector.broadcast %select_n3A_1066 : i32 to vector<16xi32>
          %add3A_1082 = arith.addi %rem3A_1068, %add3A_1081 : vector<16xi32>
          %select_n3A_1083 = arith.select %and3A_1080, %add3A_1082, %rem3A_1068 : vector<16xi1>, vector<16xi32>
          %convert_element_type3A_1084 = arith.uitofp %select_n3A_1083 : vector<16xi32> to vector<16xf32>
          %add3A_1085 = arith.constant 1.000000e+00 : f32
          %add3A_1086 = vector.broadcast %add3A_1085 : f32 to vector<16xf32>
          %add3A_1087 = arith.addf %convert_element_type3A_1084, %add3A_1086 : vector<16xf32>
          %shift_right_logical3A_1088 = arith.constant 23 : i32
          %shift_right_logical3A_1089 = vector.broadcast %shift_right_logical3A_1088 : i32 to vector<16xi32>
          %shift_right_logical3A_1090 = arith.shrui %mul3A_977, %shift_right_logical3A_1089 : vector<16xi32>
          %jit3A_1091 = arith.constant 512 : i32
          %eq3A_1092 = arith.constant 0 : i32
          %eq3A_1093 = arith.cmpi eq, %jit3A_1091, %eq3A_1092 : i32
          %jit3A_1094 = arith.constant 1 : i32
          %select_n3A_1095 = arith.select %eq3A_1093, %jit3A_1094, %jit3A_1091 : i32
          %rem3A_1096 = vector.broadcast %select_n3A_1095 : i32 to vector<16xi32>
          %rem3A_1097 = arith.remui %shift_right_logical3A_1090, %rem3A_1096 : vector<16xi32>
          %ne3A_1098 = arith.constant 0 : i32
          %ne3A_1099 = vector.broadcast %ne3A_1098 : i32 to vector<16xi32>
          %ne3A_1100 = arith.cmpi ne, %rem3A_1097, %ne3A_1099 : vector<16xi32>
          %lt3A_1101 = arith.constant 0 : i32
          %lt3A_1102 = vector.broadcast %lt3A_1101 : i32 to vector<16xi32>
          %lt3A_1103 = arith.cmpi ult, %rem3A_1097, %lt3A_1102 : vector<16xi32>
          %lt3A_1104 = arith.constant 0 : i32
          %lt3A_1105 = arith.cmpi ult, %select_n3A_1095, %lt3A_1104 : i32
          %ne3A_1106 = vector.broadcast %lt3A_1105 : i1 to vector<16xi1>
          %ne3A_1107 = vector.broadcast %ne3A_1106 : vector<16xi1> to vector<16xi1>
          %ne3A_1108 = arith.xori %lt3A_1103, %ne3A_1107 : vector<16xi1>
          %and3A_1109 = arith.andi %ne3A_1108, %ne3A_1100 : vector<16xi1>
          %add3A_1110 = vector.broadcast %select_n3A_1095 : i32 to vector<16xi32>
          %add3A_1111 = arith.addi %rem3A_1097, %add3A_1110 : vector<16xi32>
          %select_n3A_1112 = arith.select %and3A_1109, %add3A_1111, %rem3A_1097 : vector<16xi1>, vector<16xi32>
          %convert_element_type3A_1113 = arith.uitofp %select_n3A_1112 : vector<16xi32> to vector<16xf32>
          %add3A_1114 = arith.constant 1.000000e+00 : f32
          %add3A_1115 = vector.broadcast %add3A_1114 : f32 to vector<16xf32>
          %add3A_1116 = arith.addf %convert_element_type3A_1113, %add3A_1115 : vector<16xf32>
          %add3A_1117 = arith.addf %add3A_1058, %add3A_1087 : vector<16xf32>
          %add3A_1118 = arith.addf %add3A_1117, %add3A_1116 : vector<16xf32>
          %div3A_1119 = arith.divf %select_n3A_1029, %add3A_1118 : vector<16xf32>
          %mul3A_1120 = arith.mulf %add3A_1058, %div3A_1119 : vector<16xf32>
          %mul3A_1121 = arith.mulf %add3A_1087, %div3A_1119 : vector<16xf32>
          %mul3A_1122 = arith.mulf %add3A_1116, %div3A_1119 : vector<16xf32>
          %jit3A_1123 = arith.constant 8 : i32
          %div3A_1124 = arith.divsi %scan3A_969, %jit3A_1123 : i32
          %sign3A_1125 = arith.constant 0 : i32
          %sign3A_1126 = arith.cmpi sgt, %scan3A_969, %sign3A_1125 : i32
          %sign3A_1127 = arith.extui %sign3A_1126 : i1 to i32
          %sign3A_1128 = arith.constant 0 : i32
          %sign3A_1129 = arith.cmpi slt, %scan3A_969, %sign3A_1128 : i32
          %sign3A_1130 = arith.extui %sign3A_1129 : i1 to i32
          %sign3A_1131 = arith.subi %sign3A_1127, %sign3A_1130 : i32
          %sign3A_1132 = arith.constant 0 : i32
          %sign3A_1133 = arith.cmpi sgt, %jit3A_1123, %sign3A_1132 : i32
          %sign3A_1134 = arith.extui %sign3A_1133 : i1 to i32
          %sign3A_1135 = arith.constant 0 : i32
          %sign3A_1136 = arith.cmpi slt, %jit3A_1123, %sign3A_1135 : i32
          %sign3A_1137 = arith.extui %sign3A_1136 : i1 to i32
          %sign3A_1138 = arith.subi %sign3A_1134, %sign3A_1137 : i32
          %ne3A_1139 = arith.cmpi ne, %sign3A_1131, %sign3A_1138 : i32
          %rem3A_1140 = arith.remsi %scan3A_969, %jit3A_1123 : i32
          %ne3A_1141 = arith.constant 0 : i32
          %ne3A_1142 = arith.cmpi ne, %rem3A_1140, %ne3A_1141 : i32
          %and3A_1143 = arith.andi %ne3A_1139, %ne3A_1142 : i1
          %sub3A_1144 = arith.constant 1 : i32
          %sub3A_1145 = arith.subi %div3A_1124, %sub3A_1144 : i32
          %select_n3A_1146 = arith.select %and3A_1143, %sub3A_1145, %div3A_1124 : i32
          %jit3A_1147 = arith.constant 8 : i32
          %eq3A_1148 = arith.constant 0 : i32
          %eq3A_1149 = arith.cmpi eq, %jit3A_1147, %eq3A_1148 : i32
          %jit3A_1150 = arith.constant 1 : i32
          %select_n3A_1151 = arith.select %eq3A_1149, %jit3A_1150, %jit3A_1147 : i32
          %rem3A_1152 = arith.remsi %scan3A_969, %select_n3A_1151 : i32
          %ne3A_1153 = arith.constant 0 : i32
          %ne3A_1154 = arith.cmpi ne, %rem3A_1152, %ne3A_1153 : i32
          %lt3A_1155 = arith.constant 0 : i32
          %lt3A_1156 = arith.cmpi slt, %rem3A_1152, %lt3A_1155 : i32
          %lt3A_1157 = arith.constant 0 : i32
          %lt3A_1158 = arith.cmpi slt, %select_n3A_1151, %lt3A_1157 : i32
          %ne3A_1159 = arith.xori %lt3A_1156, %lt3A_1158 : i1
          %and3A_1160 = arith.andi %ne3A_1159, %ne3A_1154 : i1
          %add3A_1161 = arith.addi %rem3A_1152, %select_n3A_1151 : i32
          %select_n3A_1162 = arith.select %and3A_1160, %add3A_1161, %rem3A_1152 : i32
          %mul3A_1163 = arith.constant 16 : i32
          %mul3A_1164 = arith.muli %select_n3A_1162, %mul3A_1163 : i32
          %swap3A_1165 = arith.index_cast %select_n3A_1146 : i32 to index
          %swap3A_1166 = arith.index_cast %mul3A_1164 : i32 to index
          %swap3A_1167 = tpu.vector_load %arg4[%swap3A_1165, %swap3A_1166] {strides = array<i32>} : memref<4x128xi32, #tpu.memory_space<vmem>>, vector<16xi32>,
          tpu.vector_store %arg4[%swap3A_1165, %swap3A_1166], %select_n3A_999 {strides = array<i32>} : memref<4x128xi32, #tpu.memory_space<vmem>>, vector<16xi32>,
          %mul3A_1168 = arith.constant 16 : i32
          %mul3A_1169 = arith.muli %scan3A_969, %mul3A_1168 : i32
          %swap3A_1170 = arith.constant 0 : i32
          %swap3A_1171 = arith.index_cast %swap3A_1170 : i32 to index
          %swap3A_1172 = arith.index_cast %mul3A_1169 : i32 to index
          %swap3A_1173 = tpu.vector_load %arg6[%swap3A_1171, %swap3A_1172] {strides = array<i32>} : memref<3x512xf32, #tpu.memory_space<vmem>>, vector<16xf32>,
          tpu.vector_store %arg6[%swap3A_1171, %swap3A_1172], %mul3A_1120 {strides = array<i32>} : memref<3x512xf32, #tpu.memory_space<vmem>>, vector<16xf32>,
          %mul3A_1174 = arith.constant 16 : i32
          %mul3A_1175 = arith.muli %scan3A_969, %mul3A_1174 : i32
          %swap3A_1176 = arith.constant 1 : i32
          %swap3A_1177 = arith.index_cast %swap3A_1176 : i32 to index
          %swap3A_1178 = arith.index_cast %mul3A_1175 : i32 to index
          %swap3A_1179 = tpu.vector_load %arg6[%swap3A_1177, %swap3A_1178] {strides = array<i32>} : memref<3x512xf32, #tpu.memory_space<vmem>>, vector<16xf32>,
          tpu.vector_store %arg6[%swap3A_1177, %swap3A_1178], %mul3A_1121 {strides = array<i32>} : memref<3x512xf32, #tpu.memory_space<vmem>>, vector<16xf32>,
          %mul3A_1180 = arith.constant 16 : i32
          %mul3A_1181 = arith.muli %scan3A_969, %mul3A_1180 : i32
          %swap3A_1182 = arith.constant 2 : i32
          %swap3A_1183 = arith.index_cast %swap3A_1182 : i32 to index
          %swap3A_1184 = arith.index_cast %mul3A_1181 : i32 to index
          %swap3A_1185 = tpu.vector_load %arg6[%swap3A_1183, %swap3A_1184] {strides = array<i32>} : memref<3x512xf32, #tpu.memory_space<vmem>>, vector<16xf32>,
          tpu.vector_store %arg6[%swap3A_1183, %swap3A_1184], %mul3A_1122 {strides = array<i32>} : memref<3x512xf32, #tpu.memory_space<vmem>>, vector<16xf32>,
          %scan3A_1186 = arith.constant 0 : i32
          %scan3A_1187 = arith.constant 3 : i32
          %scan3A_1188 = arith.addi %scan3A_533, %scan3A_1187 : i32
          %mul3A_1189 = arith.constant 16 : i32
          %mul3A_1190 = arith.muli %scan3A_1188, %mul3A_1189 : i32
          %add3A_1191 = arith.addi %add3A_485, %mul3A_1190 : i32
          %add3A_1192 = vector.broadcast %add3A_1191 : i32 to vector<16xi32>
          %add3A_1193 = arith.addi %add3A_1192, %iota3A : vector<16xi32>
          %mul3A_1194 = arith.constant -1640531535 : i32
          %mul3A_1195 = vector.broadcast %mul3A_1194 : i32 to vector<16xi32>
          %mul3A_1196 = arith.muli %add3A_1193, %mul3A_1195 : vector<16xi32>
          %jit3A_1197 = arith.constant 400000 : i32
          %eq3A_1198 = arith.constant 0 : i32
          %eq3A_1199 = arith.cmpi eq, %jit3A_1197, %eq3A_1198 : i32
          %jit3A_1200 = arith.constant 1 : i32
          %select_n3A_1201 = arith.select %eq3A_1199, %jit3A_1200, %jit3A_1197 : i32
          %rem3A_1202 = vector.broadcast %select_n3A_1201 : i32 to vector<16xi32>
          %rem3A_1203 = arith.remui %mul3A_1196, %rem3A_1202 : vector<16xi32>
          %ne3A_1204 = arith.constant 0 : i32
          %ne3A_1205 = vector.broadcast %ne3A_1204 : i32 to vector<16xi32>
          %ne3A_1206 = arith.cmpi ne, %rem3A_1203, %ne3A_1205 : vector<16xi32>
          %lt3A_1207 = arith.constant 0 : i32
          %lt3A_1208 = vector.broadcast %lt3A_1207 : i32 to vector<16xi32>
          %lt3A_1209 = arith.cmpi ult, %rem3A_1203, %lt3A_1208 : vector<16xi32>
          %lt3A_1210 = arith.constant 0 : i32
          %lt3A_1211 = arith.cmpi ult, %select_n3A_1201, %lt3A_1210 : i32
          %ne3A_1212 = vector.broadcast %lt3A_1211 : i1 to vector<16xi1>
          %ne3A_1213 = vector.broadcast %ne3A_1212 : vector<16xi1> to vector<16xi1>
          %ne3A_1214 = arith.xori %lt3A_1209, %ne3A_1213 : vector<16xi1>
          %and3A_1215 = arith.andi %ne3A_1214, %ne3A_1206 : vector<16xi1>
          %add3A_1216 = vector.broadcast %select_n3A_1201 : i32 to vector<16xi32>
          %add3A_1217 = arith.addi %rem3A_1203, %add3A_1216 : vector<16xi32>
          %select_n3A_1218 = arith.select %and3A_1215, %add3A_1217, %rem3A_1203 : vector<16xi1>, vector<16xi32>
          %jit3A_1219 = arith.constant 7 : i32
          %eq3A_1220 = arith.constant 0 : i32
          %eq3A_1221 = arith.cmpi eq, %jit3A_1219, %eq3A_1220 : i32
          %jit3A_1222 = arith.constant 1 : i32
          %select_n3A_1223 = arith.select %eq3A_1221, %jit3A_1222, %jit3A_1219 : i32
          %rem3A_1224 = vector.broadcast %select_n3A_1223 : i32 to vector<16xi32>
          %rem3A_1225 = arith.remui %mul3A_1196, %rem3A_1224 : vector<16xi32>
          %ne3A_1226 = arith.constant 0 : i32
          %ne3A_1227 = vector.broadcast %ne3A_1226 : i32 to vector<16xi32>
          %ne3A_1228 = arith.cmpi ne, %rem3A_1225, %ne3A_1227 : vector<16xi32>
          %lt3A_1229 = arith.constant 0 : i32
          %lt3A_1230 = vector.broadcast %lt3A_1229 : i32 to vector<16xi32>
          %lt3A_1231 = arith.cmpi ult, %rem3A_1225, %lt3A_1230 : vector<16xi32>
          %lt3A_1232 = arith.constant 0 : i32
          %lt3A_1233 = arith.cmpi ult, %select_n3A_1223, %lt3A_1232 : i32
          %ne3A_1234 = vector.broadcast %lt3A_1233 : i1 to vector<16xi1>
          %ne3A_1235 = vector.broadcast %ne3A_1234 : vector<16xi1> to vector<16xi1>
          %ne3A_1236 = arith.xori %lt3A_1231, %ne3A_1235 : vector<16xi1>
          %and3A_1237 = arith.andi %ne3A_1236, %ne3A_1228 : vector<16xi1>
          %add3A_1238 = vector.broadcast %select_n3A_1223 : i32 to vector<16xi32>
          %add3A_1239 = arith.addi %rem3A_1225, %add3A_1238 : vector<16xi32>
          %select_n3A_1240 = arith.select %and3A_1237, %add3A_1239, %rem3A_1225 : vector<16xi1>, vector<16xi32>
          %ne3A_1241 = arith.constant 0 : i32
          %ne3A_1242 = vector.broadcast %ne3A_1241 : i32 to vector<16xi32>
          %ne3A_1243 = arith.cmpi ne, %select_n3A_1240, %ne3A_1242 : vector<16xi32>
          %jit3A_1244 = arith.constant 1.000000e+00 : f32
          %jit3A_1245 = arith.constant 0.000000e+00 : f32
          %broadcast_in_dim3A_1246 = vector.broadcast %jit3A_1244 : f32 to vector<16xf32>
          %broadcast_in_dim3A_1247 = vector.broadcast %jit3A_1245 : f32 to vector<16xf32>
          %select_n3A_1248 = arith.select %ne3A_1243, %broadcast_in_dim3A_1246, %broadcast_in_dim3A_1247 : vector<16xi1>, vector<16xf32>
          %shift_right_logical3A_1249 = arith.constant 3 : i32
          %shift_right_logical3A_1250 = vector.broadcast %shift_right_logical3A_1249 : i32 to vector<16xi32>
          %shift_right_logical3A_1251 = arith.shrui %mul3A_1196, %shift_right_logical3A_1250 : vector<16xi32>
          %jit3A_1252 = arith.constant 1024 : i32
          %eq3A_1253 = arith.constant 0 : i32
          %eq3A_1254 = arith.cmpi eq, %jit3A_1252, %eq3A_1253 : i32
          %jit3A_1255 = arith.constant 1 : i32
          %select_n3A_1256 = arith.select %eq3A_1254, %jit3A_1255, %jit3A_1252 : i32
          %rem3A_1257 = vector.broadcast %select_n3A_1256 : i32 to vector<16xi32>
          %rem3A_1258 = arith.remui %shift_right_logical3A_1251, %rem3A_1257 : vector<16xi32>
          %ne3A_1259 = arith.constant 0 : i32
          %ne3A_1260 = vector.broadcast %ne3A_1259 : i32 to vector<16xi32>
          %ne3A_1261 = arith.cmpi ne, %rem3A_1258, %ne3A_1260 : vector<16xi32>
          %lt3A_1262 = arith.constant 0 : i32
          %lt3A_1263 = vector.broadcast %lt3A_1262 : i32 to vector<16xi32>
          %lt3A_1264 = arith.cmpi ult, %rem3A_1258, %lt3A_1263 : vector<16xi32>
          %lt3A_1265 = arith.constant 0 : i32
          %lt3A_1266 = arith.cmpi ult, %select_n3A_1256, %lt3A_1265 : i32
          %ne3A_1267 = vector.broadcast %lt3A_1266 : i1 to vector<16xi1>
          %ne3A_1268 = vector.broadcast %ne3A_1267 : vector<16xi1> to vector<16xi1>
          %ne3A_1269 = arith.xori %lt3A_1264, %ne3A_1268 : vector<16xi1>
          %and3A_1270 = arith.andi %ne3A_1269, %ne3A_1261 : vector<16xi1>
          %add3A_1271 = vector.broadcast %select_n3A_1256 : i32 to vector<16xi32>
          %add3A_1272 = arith.addi %rem3A_1258, %add3A_1271 : vector<16xi32>
          %select_n3A_1273 = arith.select %and3A_1270, %add3A_1272, %rem3A_1258 : vector<16xi1>, vector<16xi32>
          %convert_element_type3A_1274 = arith.uitofp %select_n3A_1273 : vector<16xi32> to vector<16xf32>
          %add3A_1275 = arith.constant 1.000000e+00 : f32
          %add3A_1276 = vector.broadcast %add3A_1275 : f32 to vector<16xf32>
          %add3A_1277 = arith.addf %convert_element_type3A_1274, %add3A_1276 : vector<16xf32>
          %shift_right_logical3A_1278 = arith.constant 13 : i32
          %shift_right_logical3A_1279 = vector.broadcast %shift_right_logical3A_1278 : i32 to vector<16xi32>
          %shift_right_logical3A_1280 = arith.shrui %mul3A_1196, %shift_right_logical3A_1279 : vector<16xi32>
          %jit3A_1281 = arith.constant 1024 : i32
          %eq3A_1282 = arith.constant 0 : i32
          %eq3A_1283 = arith.cmpi eq, %jit3A_1281, %eq3A_1282 : i32
          %jit3A_1284 = arith.constant 1 : i32
          %select_n3A_1285 = arith.select %eq3A_1283, %jit3A_1284, %jit3A_1281 : i32
          %rem3A_1286 = vector.broadcast %select_n3A_1285 : i32 to vector<16xi32>
          %rem3A_1287 = arith.remui %shift_right_logical3A_1280, %rem3A_1286 : vector<16xi32>
          %ne3A_1288 = arith.constant 0 : i32
          %ne3A_1289 = vector.broadcast %ne3A_1288 : i32 to vector<16xi32>
          %ne3A_1290 = arith.cmpi ne, %rem3A_1287, %ne3A_1289 : vector<16xi32>
          %lt3A_1291 = arith.constant 0 : i32
          %lt3A_1292 = vector.broadcast %lt3A_1291 : i32 to vector<16xi32>
          %lt3A_1293 = arith.cmpi ult, %rem3A_1287, %lt3A_1292 : vector<16xi32>
          %lt3A_1294 = arith.constant 0 : i32
          %lt3A_1295 = arith.cmpi ult, %select_n3A_1285, %lt3A_1294 : i32
          %ne3A_1296 = vector.broadcast %lt3A_1295 : i1 to vector<16xi1>
          %ne3A_1297 = vector.broadcast %ne3A_1296 : vector<16xi1> to vector<16xi1>
          %ne3A_1298 = arith.xori %lt3A_1293, %ne3A_1297 : vector<16xi1>
          %and3A_1299 = arith.andi %ne3A_1298, %ne3A_1290 : vector<16xi1>
          %add3A_1300 = vector.broadcast %select_n3A_1285 : i32 to vector<16xi32>
          %add3A_1301 = arith.addi %rem3A_1287, %add3A_1300 : vector<16xi32>
          %select_n3A_1302 = arith.select %and3A_1299, %add3A_1301, %rem3A_1287 : vector<16xi1>, vector<16xi32>
          %convert_element_type3A_1303 = arith.uitofp %select_n3A_1302 : vector<16xi32> to vector<16xf32>
          %add3A_1304 = arith.constant 1.000000e+00 : f32
          %add3A_1305 = vector.broadcast %add3A_1304 : f32 to vector<16xf32>
          %add3A_1306 = arith.addf %convert_element_type3A_1303, %add3A_1305 : vector<16xf32>
          %shift_right_logical3A_1307 = arith.constant 23 : i32
          %shift_right_logical3A_1308 = vector.broadcast %shift_right_logical3A_1307 : i32 to vector<16xi32>
          %shift_right_logical3A_1309 = arith.shrui %mul3A_1196, %shift_right_logical3A_1308 : vector<16xi32>
          %jit3A_1310 = arith.constant 512 : i32
          %eq3A_1311 = arith.constant 0 : i32
          %eq3A_1312 = arith.cmpi eq, %jit3A_1310, %eq3A_1311 : i32
          %jit3A_1313 = arith.constant 1 : i32
          %select_n3A_1314 = arith.select %eq3A_1312, %jit3A_1313, %jit3A_1310 : i32
          %rem3A_1315 = vector.broadcast %select_n3A_1314 : i32 to vector<16xi32>
          %rem3A_1316 = arith.remui %shift_right_logical3A_1309, %rem3A_1315 : vector<16xi32>
          %ne3A_1317 = arith.constant 0 : i32
          %ne3A_1318 = vector.broadcast %ne3A_1317 : i32 to vector<16xi32>
          %ne3A_1319 = arith.cmpi ne, %rem3A_1316, %ne3A_1318 : vector<16xi32>
          %lt3A_1320 = arith.constant 0 : i32
          %lt3A_1321 = vector.broadcast %lt3A_1320 : i32 to vector<16xi32>
          %lt3A_1322 = arith.cmpi ult, %rem3A_1316, %lt3A_1321 : vector<16xi32>
          %lt3A_1323 = arith.constant 0 : i32
          %lt3A_1324 = arith.cmpi ult, %select_n3A_1314, %lt3A_1323 : i32
          %ne3A_1325 = vector.broadcast %lt3A_1324 : i1 to vector<16xi1>
          %ne3A_1326 = vector.broadcast %ne3A_1325 : vector<16xi1> to vector<16xi1>
          %ne3A_1327 = arith.xori %lt3A_1322, %ne3A_1326 : vector<16xi1>
          %and3A_1328 = arith.andi %ne3A_1327, %ne3A_1319 : vector<16xi1>
          %add3A_1329 = vector.broadcast %select_n3A_1314 : i32 to vector<16xi32>
          %add3A_1330 = arith.addi %rem3A_1316, %add3A_1329 : vector<16xi32>
          %select_n3A_1331 = arith.select %and3A_1328, %add3A_1330, %rem3A_1316 : vector<16xi1>, vector<16xi32>
          %convert_element_type3A_1332 = arith.uitofp %select_n3A_1331 : vector<16xi32> to vector<16xf32>
          %add3A_1333 = arith.constant 1.000000e+00 : f32
          %add3A_1334 = vector.broadcast %add3A_1333 : f32 to vector<16xf32>
          %add3A_1335 = arith.addf %convert_element_type3A_1332, %add3A_1334 : vector<16xf32>
          %add3A_1336 = arith.addf %add3A_1277, %add3A_1306 : vector<16xf32>
          %add3A_1337 = arith.addf %add3A_1336, %add3A_1335 : vector<16xf32>
          %div3A_1338 = arith.divf %select_n3A_1248, %add3A_1337 : vector<16xf32>
          %mul3A_1339 = arith.mulf %add3A_1277, %div3A_1338 : vector<16xf32>
          %mul3A_1340 = arith.mulf %add3A_1306, %div3A_1338 : vector<16xf32>
          %mul3A_1341 = arith.mulf %add3A_1335, %div3A_1338 : vector<16xf32>
          %jit3A_1342 = arith.constant 8 : i32
          %div3A_1343 = arith.divsi %scan3A_1188, %jit3A_1342 : i32
          %sign3A_1344 = arith.constant 0 : i32
          %sign3A_1345 = arith.cmpi sgt, %scan3A_1188, %sign3A_1344 : i32
          %sign3A_1346 = arith.extui %sign3A_1345 : i1 to i32
          %sign3A_1347 = arith.constant 0 : i32
          %sign3A_1348 = arith.cmpi slt, %scan3A_1188, %sign3A_1347 : i32
          %sign3A_1349 = arith.extui %sign3A_1348 : i1 to i32
          %sign3A_1350 = arith.subi %sign3A_1346, %sign3A_1349 : i32
          %sign3A_1351 = arith.constant 0 : i32
          %sign3A_1352 = arith.cmpi sgt, %jit3A_1342, %sign3A_1351 : i32
          %sign3A_1353 = arith.extui %sign3A_1352 : i1 to i32
          %sign3A_1354 = arith.constant 0 : i32
          %sign3A_1355 = arith.cmpi slt, %jit3A_1342, %sign3A_1354 : i32
          %sign3A_1356 = arith.extui %sign3A_1355 : i1 to i32
          %sign3A_1357 = arith.subi %sign3A_1353, %sign3A_1356 : i32
          %ne3A_1358 = arith.cmpi ne, %sign3A_1350, %sign3A_1357 : i32
          %rem3A_1359 = arith.remsi %scan3A_1188, %jit3A_1342 : i32
          %ne3A_1360 = arith.constant 0 : i32
          %ne3A_1361 = arith.cmpi ne, %rem3A_1359, %ne3A_1360 : i32
          %and3A_1362 = arith.andi %ne3A_1358, %ne3A_1361 : i1
          %sub3A_1363 = arith.constant 1 : i32
          %sub3A_1364 = arith.subi %div3A_1343, %sub3A_1363 : i32
          %select_n3A_1365 = arith.select %and3A_1362, %sub3A_1364, %div3A_1343 : i32
          %jit3A_1366 = arith.constant 8 : i32
          %eq3A_1367 = arith.constant 0 : i32
          %eq3A_1368 = arith.cmpi eq, %jit3A_1366, %eq3A_1367 : i32
          %jit3A_1369 = arith.constant 1 : i32
          %select_n3A_1370 = arith.select %eq3A_1368, %jit3A_1369, %jit3A_1366 : i32
          %rem3A_1371 = arith.remsi %scan3A_1188, %select_n3A_1370 : i32
          %ne3A_1372 = arith.constant 0 : i32
          %ne3A_1373 = arith.cmpi ne, %rem3A_1371, %ne3A_1372 : i32
          %lt3A_1374 = arith.constant 0 : i32
          %lt3A_1375 = arith.cmpi slt, %rem3A_1371, %lt3A_1374 : i32
          %lt3A_1376 = arith.constant 0 : i32
          %lt3A_1377 = arith.cmpi slt, %select_n3A_1370, %lt3A_1376 : i32
          %ne3A_1378 = arith.xori %lt3A_1375, %lt3A_1377 : i1
          %and3A_1379 = arith.andi %ne3A_1378, %ne3A_1373 : i1
          %add3A_1380 = arith.addi %rem3A_1371, %select_n3A_1370 : i32
          %select_n3A_1381 = arith.select %and3A_1379, %add3A_1380, %rem3A_1371 : i32
          %mul3A_1382 = arith.constant 16 : i32
          %mul3A_1383 = arith.muli %select_n3A_1381, %mul3A_1382 : i32
          %swap3A_1384 = arith.index_cast %select_n3A_1365 : i32 to index
          %swap3A_1385 = arith.index_cast %mul3A_1383 : i32 to index
          %swap3A_1386 = tpu.vector_load %arg4[%swap3A_1384, %swap3A_1385] {strides = array<i32>} : memref<4x128xi32, #tpu.memory_space<vmem>>, vector<16xi32>,
          tpu.vector_store %arg4[%swap3A_1384, %swap3A_1385], %select_n3A_1218 {strides = array<i32>} : memref<4x128xi32, #tpu.memory_space<vmem>>, vector<16xi32>,
          %mul3A_1387 = arith.constant 16 : i32
          %mul3A_1388 = arith.muli %scan3A_1188, %mul3A_1387 : i32
          %swap3A_1389 = arith.constant 0 : i32
          %swap3A_1390 = arith.index_cast %swap3A_1389 : i32 to index
          %swap3A_1391 = arith.index_cast %mul3A_1388 : i32 to index
          %swap3A_1392 = tpu.vector_load %arg6[%swap3A_1390, %swap3A_1391] {strides = array<i32>} : memref<3x512xf32, #tpu.memory_space<vmem>>, vector<16xf32>,
          tpu.vector_store %arg6[%swap3A_1390, %swap3A_1391], %mul3A_1339 {strides = array<i32>} : memref<3x512xf32, #tpu.memory_space<vmem>>, vector<16xf32>,
          %mul3A_1393 = arith.constant 16 : i32
          %mul3A_1394 = arith.muli %scan3A_1188, %mul3A_1393 : i32
          %swap3A_1395 = arith.constant 1 : i32
          %swap3A_1396 = arith.index_cast %swap3A_1395 : i32 to index
          %swap3A_1397 = arith.index_cast %mul3A_1394 : i32 to index
          %swap3A_1398 = tpu.vector_load %arg6[%swap3A_1396, %swap3A_1397] {strides = array<i32>} : memref<3x512xf32, #tpu.memory_space<vmem>>, vector<16xf32>,
          tpu.vector_store %arg6[%swap3A_1396, %swap3A_1397], %mul3A_1340 {strides = array<i32>} : memref<3x512xf32, #tpu.memory_space<vmem>>, vector<16xf32>,
          %mul3A_1399 = arith.constant 16 : i32
          %mul3A_1400 = arith.muli %scan3A_1188, %mul3A_1399 : i32
          %swap3A_1401 = arith.constant 2 : i32
          %swap3A_1402 = arith.index_cast %swap3A_1401 : i32 to index
          %swap3A_1403 = arith.index_cast %mul3A_1400 : i32 to index
          %swap3A_1404 = tpu.vector_load %arg6[%swap3A_1402, %swap3A_1403] {strides = array<i32>} : memref<3x512xf32, #tpu.memory_space<vmem>>, vector<16xf32>,
          tpu.vector_store %arg6[%swap3A_1402, %swap3A_1403], %mul3A_1341 {strides = array<i32>} : memref<3x512xf32, #tpu.memory_space<vmem>>, vector<16xf32>,
          %scan3A_1405 = arith.constant 0 : i32
          scf.yield %scan3A_1405 : i32
        }
        %scan3A_492 = arith.constant 32 : i32
        %dma_start3A_493 = arith.constant 0 : i32
        %dma_start3A_494 = arith.constant 0 : i32
        %dma_start3A_495 = arith.constant 0 : i32
        %dma_start3A_496 = tpu.memref_slice %arg8[%dma_start3A_494, %dma_start3A_495] : memref<512x48xf32, #tpu.memory_space<vmem>> -> memref<128x48xf32, #tpu.memory_space<vmem>>
        %dma_start3A_497 = arith.constant 0 : i32
        %dma_start3A_498 = tpu.memref_slice %arg4[%dma_start3A_493, %dma_start3A_497] : memref<4x128xi32, #tpu.memory_space<vmem>> -> memref<1x128xi32, #tpu.memory_space<vmem>>
        %dma_start3A_499 = tpu.memref_squeeze %dma_start3A_498 : memref<1x128xi32, #tpu.memory_space<vmem>> -> memref<128xi32, #tpu.memory_space<vmem>>
        %dma_start3A_500 = arith.constant 0 : i32
        %dma_start3A_501 = arith.constant 0 : i32
        %dma_start3A_502 = tpu.memref_slice %arg2[%dma_start3A_500, %dma_start3A_501] : memref<400000x48xf32, #tpu.memory_space<hbm>> -> memref<400000x48xf32, #tpu.memory_space<hbm>>
        tpu.enqueue_indirect_dma source(%dma_start3A_502 : memref<400000x48xf32, #tpu.memory_space<hbm>>) target(%dma_start3A_496 : memref<128x48xf32, #tpu.memory_space<vmem>>) offsets(%dma_start3A_499 : memref<128xi32, #tpu.memory_space<vmem>>) semaphore(%arg12 : memref<!tpu.dma_semaphore, #tpu.memory_space<semaphore_mem>>)
        %dma_start3A_503 = arith.constant 1 : i32
        %dma_start3A_504 = arith.constant 128 : i32
        %dma_start3A_505 = arith.constant 0 : i32
        %dma_start3A_506 = tpu.memref_slice %arg8[%dma_start3A_504, %dma_start3A_505] : memref<512x48xf32, #tpu.memory_space<vmem>> -> memref<128x48xf32, #tpu.memory_space<vmem>>
        %dma_start3A_507 = arith.constant 0 : i32
        %dma_start3A_508 = tpu.memref_slice %arg4[%dma_start3A_503, %dma_start3A_507] : memref<4x128xi32, #tpu.memory_space<vmem>> -> memref<1x128xi32, #tpu.memory_space<vmem>>
        %dma_start3A_509 = tpu.memref_squeeze %dma_start3A_508 : memref<1x128xi32, #tpu.memory_space<vmem>> -> memref<128xi32, #tpu.memory_space<vmem>>
        %dma_start3A_510 = arith.constant 0 : i32
        %dma_start3A_511 = arith.constant 0 : i32
        %dma_start3A_512 = tpu.memref_slice %arg2[%dma_start3A_510, %dma_start3A_511] : memref<400000x48xf32, #tpu.memory_space<hbm>> -> memref<400000x48xf32, #tpu.memory_space<hbm>>
        tpu.enqueue_indirect_dma source(%dma_start3A_512 : memref<400000x48xf32, #tpu.memory_space<hbm>>) target(%dma_start3A_506 : memref<128x48xf32, #tpu.memory_space<vmem>>) offsets(%dma_start3A_509 : memref<128xi32, #tpu.memory_space<vmem>>) semaphore(%arg12 : memref<!tpu.dma_semaphore, #tpu.memory_space<semaphore_mem>>)
        %dma_start3A_513 = arith.constant 2 : i32
        %dma_start3A_514 = arith.constant 256 : i32
        %dma_start3A_515 = arith.constant 0 : i32
        %dma_start3A_516 = tpu.memref_slice %arg8[%dma_start3A_514, %dma_start3A_515] : memref<512x48xf32, #tpu.memory_space<vmem>> -> memref<128x48xf32, #tpu.memory_space<vmem>>
        %dma_start3A_517 = arith.constant 0 : i32
        %dma_start3A_518 = tpu.memref_slice %arg4[%dma_start3A_513, %dma_start3A_517] : memref<4x128xi32, #tpu.memory_space<vmem>> -> memref<1x128xi32, #tpu.memory_space<vmem>>
        %dma_start3A_519 = tpu.memref_squeeze %dma_start3A_518 : memref<1x128xi32, #tpu.memory_space<vmem>> -> memref<128xi32, #tpu.memory_space<vmem>>
        %dma_start3A_520 = arith.constant 0 : i32
        %dma_start3A_521 = arith.constant 0 : i32
        %dma_start3A_522 = tpu.memref_slice %arg2[%dma_start3A_520, %dma_start3A_521] : memref<400000x48xf32, #tpu.memory_space<hbm>> -> memref<400000x48xf32, #tpu.memory_space<hbm>>
        tpu.enqueue_indirect_dma source(%dma_start3A_522 : memref<400000x48xf32, #tpu.memory_space<hbm>>) target(%dma_start3A_516 : memref<128x48xf32, #tpu.memory_space<vmem>>) offsets(%dma_start3A_519 : memref<128xi32, #tpu.memory_space<vmem>>) semaphore(%arg12 : memref<!tpu.dma_semaphore, #tpu.memory_space<semaphore_mem>>)
        %dma_start3A_523 = arith.constant 3 : i32
        %dma_start3A_524 = arith.constant 384 : i32
        %dma_start3A_525 = arith.constant 0 : i32
        %dma_start3A_526 = tpu.memref_slice %arg8[%dma_start3A_524, %dma_start3A_525] : memref<512x48xf32, #tpu.memory_space<vmem>> -> memref<128x48xf32, #tpu.memory_space<vmem>>
        %dma_start3A_527 = arith.constant 0 : i32
        %dma_start3A_528 = tpu.memref_slice %arg4[%dma_start3A_523, %dma_start3A_527] : memref<4x128xi32, #tpu.memory_space<vmem>> -> memref<1x128xi32, #tpu.memory_space<vmem>>
        %dma_start3A_529 = tpu.memref_squeeze %dma_start3A_528 : memref<1x128xi32, #tpu.memory_space<vmem>> -> memref<128xi32, #tpu.memory_space<vmem>>
        %dma_start3A_530 = arith.constant 0 : i32
        %dma_start3A_531 = arith.constant 0 : i32
        %dma_start3A_532 = tpu.memref_slice %arg2[%dma_start3A_530, %dma_start3A_531] : memref<400000x48xf32, #tpu.memory_space<hbm>> -> memref<400000x48xf32, #tpu.memory_space<hbm>>
        tpu.enqueue_indirect_dma source(%dma_start3A_532 : memref<400000x48xf32, #tpu.memory_space<hbm>>) target(%dma_start3A_526 : memref<128x48xf32, #tpu.memory_space<vmem>>) offsets(%dma_start3A_529 : memref<128xi32, #tpu.memory_space<vmem>>) semaphore(%arg12 : memref<!tpu.dma_semaphore, #tpu.memory_space<semaphore_mem>>)
      } else {
      }
      %gt3A_377 = arith.constant 0 : i32
      %gt3A_378 = arith.cmpi sgt, %scan3A_214, %gt3A_377 : i32
      %convert_element_type3A_379 = arith.extui %gt3A_378 : i1 to i32
      %cond3A_380 = arith.constant 0 : i32
      %cond3A_381 = arith.cmpi ne, %convert_element_type3A_379, %cond3A_380 : i32
      scf.if %cond3A_381 {
        %add3A_481 = arith.constant 0 : i32
        %add3A_482 = arith.addi %select_n3A_56, %add3A_481 : i32
        %jit3A_483 = arith.constant 8 : i32
        %div3A_484 = arith.divsi %add3A_482, %jit3A_483 : i32
        %sign3A_485 = arith.constant 0 : i32
        %sign3A_486 = arith.cmpi sgt, %add3A_482, %sign3A_485 : i32
        %sign3A_487 = arith.extui %sign3A_486 : i1 to i32
        %sign3A_488 = arith.constant 0 : i32
        %sign3A_489 = arith.cmpi slt, %add3A_482, %sign3A_488 : i32
        %sign3A_490 = arith.extui %sign3A_489 : i1 to i32
        %sign3A_491 = arith.subi %sign3A_487, %sign3A_490 : i32
        %sign3A_492 = arith.constant 0 : i32
        %sign3A_493 = arith.cmpi sgt, %jit3A_483, %sign3A_492 : i32
        %sign3A_494 = arith.extui %sign3A_493 : i1 to i32
        %sign3A_495 = arith.constant 0 : i32
        %sign3A_496 = arith.cmpi slt, %jit3A_483, %sign3A_495 : i32
        %sign3A_497 = arith.extui %sign3A_496 : i1 to i32
        %sign3A_498 = arith.subi %sign3A_494, %sign3A_497 : i32
        %ne3A_499 = arith.cmpi ne, %sign3A_491, %sign3A_498 : i32
        %rem3A_500 = arith.remsi %add3A_482, %jit3A_483 : i32
        %ne3A_501 = arith.constant 0 : i32
        %ne3A_502 = arith.cmpi ne, %rem3A_500, %ne3A_501 : i32
        %and3A_503 = arith.andi %ne3A_499, %ne3A_502 : i1
        %sub3A_504 = arith.constant 1 : i32
        %sub3A_505 = arith.subi %div3A_484, %sub3A_504 : i32
        %select_n3A_506 = arith.select %and3A_503, %sub3A_505, %div3A_484 : i32
        %jit3A_507 = arith.constant 8 : i32
        %eq3A_508 = arith.constant 0 : i32
        %eq3A_509 = arith.cmpi eq, %jit3A_507, %eq3A_508 : i32
        %jit3A_510 = arith.constant 1 : i32
        %select_n3A_511 = arith.select %eq3A_509, %jit3A_510, %jit3A_507 : i32
        %rem3A_512 = arith.remsi %add3A_482, %select_n3A_511 : i32
        %ne3A_513 = arith.constant 0 : i32
        %ne3A_514 = arith.cmpi ne, %rem3A_512, %ne3A_513 : i32
        %lt3A_515 = arith.constant 0 : i32
        %lt3A_516 = arith.cmpi slt, %rem3A_512, %lt3A_515 : i32
        %lt3A_517 = arith.constant 0 : i32
        %lt3A_518 = arith.cmpi slt, %select_n3A_511, %lt3A_517 : i32
        %ne3A_519 = arith.xori %lt3A_516, %lt3A_518 : i1
        %and3A_520 = arith.andi %ne3A_519, %ne3A_514 : i1
        %add3A_521 = arith.addi %rem3A_512, %select_n3A_511 : i32
        %select_n3A_522 = arith.select %and3A_520, %add3A_521, %rem3A_512 : i32
        %dma_wait3A_523 = arith.constant 0 : i32
        %dma_wait3A_524 = arith.constant 0 : i32
        %dma_wait3A_525 = arith.constant 0 : i32
        %dma_wait3A_526 = tpu.memref_slice %arg3[%select_n3A, %dma_wait3A_523, %select_n3A_506, %dma_wait3A_524, %select_n3A_522, %dma_wait3A_525] : memref<4x17x64x4x8x128xf32, #tpu.memory_space<hbm>> -> memref<1x17x1x4x1x128xf32, #tpu.memory_space<hbm>>
        %dma_wait3A_527 = tpu.memref_squeeze %dma_wait3A_526 : memref<1x17x1x4x1x128xf32, #tpu.memory_space<hbm>> -> memref<17x4x128xf32, #tpu.memory_space<hbm>>
        %dma_wait3A_528 = arith.constant 0 : i32
        %dma_wait3A_529 = arith.constant 0 : i32
        %dma_wait3A_530 = arith.constant 0 : i32
        %dma_wait3A_531 = tpu.memref_slice %arg3[%select_n3A, %dma_wait3A_528, %select_n3A_506, %dma_wait3A_529, %select_n3A_522, %dma_wait3A_530] : memref<4x17x64x4x8x128xf32, #tpu.memory_space<hbm>> -> memref<1x17x1x4x1x128xf32, #tpu.memory_space<hbm>>
        %dma_wait3A_532 = tpu.memref_squeeze %dma_wait3A_531 : memref<1x17x1x4x1x128xf32, #tpu.memory_space<hbm>> -> memref<17x4x128xf32, #tpu.memory_space<hbm>>
        tpu.wait_dma2 semaphore(%arg15 : memref<!tpu.dma_semaphore, #tpu.memory_space<semaphore_mem>>) src(%arg11 : memref<17x4x128xf32, #tpu.memory_space<vmem>>) dst(%dma_wait3A_532 : memref<17x4x128xf32, #tpu.memory_space<hbm>>)
      } else {
      }
      %dma_wait3A_382 = arith.constant 0 : i32
      %dma_wait3A_383 = arith.constant 0 : i32
      %dma_wait3A_384 = arith.constant 0 : i32
      %dma_wait3A_385 = tpu.memref_slice %arg9[%dma_wait3A_383, %dma_wait3A_384] : memref<512x48xf32, #tpu.memory_space<vmem>> -> memref<128x48xf32, #tpu.memory_space<vmem>>
      %dma_wait3A_386 = arith.constant 0 : i32
      %dma_wait3A_387 = tpu.memref_slice %arg5[%dma_wait3A_382, %dma_wait3A_386] : memref<4x128xi32, #tpu.memory_space<vmem>> -> memref<1x128xi32, #tpu.memory_space<vmem>>
      %dma_wait3A_388 = tpu.memref_squeeze %dma_wait3A_387 : memref<1x128xi32, #tpu.memory_space<vmem>> -> memref<128xi32, #tpu.memory_space<vmem>>
      %dma_wait3A_389 = arith.constant 0 : i32
      %dma_wait3A_390 = arith.constant 0 : i32
      %dma_wait3A_391 = tpu.memref_slice %arg2[%dma_wait3A_389, %dma_wait3A_390] : memref<400000x48xf32, #tpu.memory_space<hbm>> -> memref<400000x48xf32, #tpu.memory_space<hbm>>
      tpu.wait_indirect_dma semaphore(%arg13 : memref<!tpu.dma_semaphore, #tpu.memory_space<semaphore_mem>>) src(%dma_wait3A_391 : memref<400000x48xf32, #tpu.memory_space<hbm>>) dst(%dma_wait3A_385 : memref<128x48xf32, #tpu.memory_space<vmem>>)
      %dma_wait3A_392 = arith.constant 1 : i32
      %dma_wait3A_393 = arith.constant 128 : i32
      %dma_wait3A_394 = arith.constant 0 : i32
      %dma_wait3A_395 = tpu.memref_slice %arg9[%dma_wait3A_393, %dma_wait3A_394] : memref<512x48xf32, #tpu.memory_space<vmem>> -> memref<128x48xf32, #tpu.memory_space<vmem>>
      %dma_wait3A_396 = arith.constant 0 : i32
      %dma_wait3A_397 = tpu.memref_slice %arg5[%dma_wait3A_392, %dma_wait3A_396] : memref<4x128xi32, #tpu.memory_space<vmem>> -> memref<1x128xi32, #tpu.memory_space<vmem>>
      %dma_wait3A_398 = tpu.memref_squeeze %dma_wait3A_397 : memref<1x128xi32, #tpu.memory_space<vmem>> -> memref<128xi32, #tpu.memory_space<vmem>>
      %dma_wait3A_399 = arith.constant 0 : i32
      %dma_wait3A_400 = arith.constant 0 : i32
      %dma_wait3A_401 = tpu.memref_slice %arg2[%dma_wait3A_399, %dma_wait3A_400] : memref<400000x48xf32, #tpu.memory_space<hbm>> -> memref<400000x48xf32, #tpu.memory_space<hbm>>
      tpu.wait_indirect_dma semaphore(%arg13 : memref<!tpu.dma_semaphore, #tpu.memory_space<semaphore_mem>>) src(%dma_wait3A_401 : memref<400000x48xf32, #tpu.memory_space<hbm>>) dst(%dma_wait3A_395 : memref<128x48xf32, #tpu.memory_space<vmem>>)
      %dma_wait3A_402 = arith.constant 2 : i32
      %dma_wait3A_403 = arith.constant 256 : i32
      %dma_wait3A_404 = arith.constant 0 : i32
      %dma_wait3A_405 = tpu.memref_slice %arg9[%dma_wait3A_403, %dma_wait3A_404] : memref<512x48xf32, #tpu.memory_space<vmem>> -> memref<128x48xf32, #tpu.memory_space<vmem>>
      %dma_wait3A_406 = arith.constant 0 : i32
      %dma_wait3A_407 = tpu.memref_slice %arg5[%dma_wait3A_402, %dma_wait3A_406] : memref<4x128xi32, #tpu.memory_space<vmem>> -> memref<1x128xi32, #tpu.memory_space<vmem>>
      %dma_wait3A_408 = tpu.memref_squeeze %dma_wait3A_407 : memref<1x128xi32, #tpu.memory_space<vmem>> -> memref<128xi32, #tpu.memory_space<vmem>>
      %dma_wait3A_409 = arith.constant 0 : i32
      %dma_wait3A_410 = arith.constant 0 : i32
      %dma_wait3A_411 = tpu.memref_slice %arg2[%dma_wait3A_409, %dma_wait3A_410] : memref<400000x48xf32, #tpu.memory_space<hbm>> -> memref<400000x48xf32, #tpu.memory_space<hbm>>
      tpu.wait_indirect_dma semaphore(%arg13 : memref<!tpu.dma_semaphore, #tpu.memory_space<semaphore_mem>>) src(%dma_wait3A_411 : memref<400000x48xf32, #tpu.memory_space<hbm>>) dst(%dma_wait3A_405 : memref<128x48xf32, #tpu.memory_space<vmem>>)
      %dma_wait3A_412 = arith.constant 3 : i32
      %dma_wait3A_413 = arith.constant 384 : i32
      %dma_wait3A_414 = arith.constant 0 : i32
      %dma_wait3A_415 = tpu.memref_slice %arg9[%dma_wait3A_413, %dma_wait3A_414] : memref<512x48xf32, #tpu.memory_space<vmem>> -> memref<128x48xf32, #tpu.memory_space<vmem>>
      %dma_wait3A_416 = arith.constant 0 : i32
      %dma_wait3A_417 = tpu.memref_slice %arg5[%dma_wait3A_412, %dma_wait3A_416] : memref<4x128xi32, #tpu.memory_space<vmem>> -> memref<1x128xi32, #tpu.memory_space<vmem>>
      %dma_wait3A_418 = tpu.memref_squeeze %dma_wait3A_417 : memref<1x128xi32, #tpu.memory_space<vmem>> -> memref<128xi32, #tpu.memory_space<vmem>>
      %dma_wait3A_419 = arith.constant 0 : i32
      %dma_wait3A_420 = arith.constant 0 : i32
      %dma_wait3A_421 = tpu.memref_slice %arg2[%dma_wait3A_419, %dma_wait3A_420] : memref<400000x48xf32, #tpu.memory_space<hbm>> -> memref<400000x48xf32, #tpu.memory_space<hbm>>
      tpu.wait_indirect_dma semaphore(%arg13 : memref<!tpu.dma_semaphore, #tpu.memory_space<semaphore_mem>>) src(%dma_wait3A_421 : memref<400000x48xf32, #tpu.memory_space<hbm>>) dst(%dma_wait3A_415 : memref<128x48xf32, #tpu.memory_space<vmem>>)
      %scan3A_422 = arith.constant 0 : i32
      %scan3A_423 = arith.constant 0 : i32
      %scan3A_424 = arith.constant 32 : i32
      %scan3A_425 = arith.addi %scan3A_423, %scan3A_424 : i32
      %scan3A_426 = arith.constant 1 : i32
      %scan3A_427 = scf.for %scan3A_481 = %scan3A_423 to %scan3A_425 step %scan3A_426 iter_args(%scan3A_482 = %scan3A_422) -> (i32)  : i32 {
        %mul3A_483 = arith.constant 16 : i32
        %mul3A_484 = arith.muli %scan3A_481, %mul3A_483 : i32
        %add3A_485 = vector.broadcast %mul3A_484 : i32 to vector<16xi32>
        %add3A_486 = arith.addi %add3A_485, %iota3A : vector<16xi32>
        %mul3A_487 = arith.constant 16 : i32
        %mul3A_488 = arith.muli %scan3A_481, %mul3A_487 : i32
        %get3A = arith.constant 0 : i32
        %get3A_489 = arith.index_cast %get3A : i32 to index
        %get3A_490 = arith.index_cast %mul3A_488 : i32 to index
        %get3A_491 = tpu.vector_load %arg7[%get3A_489, %get3A_490] {strides = array<i32>} : memref<3x512xf32, #tpu.memory_space<vmem>>, vector<16xf32>,
        %mul3A_492 = arith.constant 16 : i32
        %mul3A_493 = arith.muli %scan3A_481, %mul3A_492 : i32
        %get3A_494 = arith.constant 1 : i32
        %get3A_495 = arith.index_cast %get3A_494 : i32 to index
        %get3A_496 = arith.index_cast %mul3A_493 : i32 to index
        %get3A_497 = tpu.vector_load %arg7[%get3A_495, %get3A_496] {strides = array<i32>} : memref<3x512xf32, #tpu.memory_space<vmem>>, vector<16xf32>,
        %mul3A_498 = arith.constant 16 : i32
        %mul3A_499 = arith.muli %scan3A_481, %mul3A_498 : i32
        %get3A_500 = arith.constant 2 : i32
        %get3A_501 = arith.index_cast %get3A_500 : i32 to index
        %get3A_502 = arith.index_cast %mul3A_499 : i32 to index
        %get3A_503 = tpu.vector_load %arg7[%get3A_501, %get3A_502] {strides = array<i32>} : memref<3x512xf32, #tpu.memory_space<vmem>>, vector<16xf32>,
        %mul3A_504 = arith.constant 0 : i32
        %mul3A_505 = vector.broadcast %mul3A_504 : i32 to vector<16xi32>
        %mul3A_506 = arith.muli %iota3A, %mul3A_505 : vector<16xi32>
        %add3A_507 = arith.constant 0 : i32
        %add3A_508 = vector.broadcast %add3A_507 : i32 to vector<16xi32>
        %add3A_509 = arith.addi %mul3A_506, %add3A_508 : vector<16xi32>
        %gather3A = tpu.vector_load_idx %arg9[%add3A_486, %add3A_509] : memref<512x48xf32, #tpu.memory_space<vmem>>[vector<16xi32>, vector<16xi32>], vector<16xf32>,
        %mul3A_510 = arith.constant 0 : i32
        %mul3A_511 = vector.broadcast %mul3A_510 : i32 to vector<16xi32>
        %mul3A_512 = arith.muli %iota3A, %mul3A_511 : vector<16xi32>
        %add3A_513 = arith.constant 16 : i32
        %add3A_514 = vector.broadcast %add3A_513 : i32 to vector<16xi32>
        %add3A_515 = arith.addi %mul3A_512, %add3A_514 : vector<16xi32>
        %gather3A_516 = tpu.vector_load_idx %arg9[%add3A_486, %add3A_515] : memref<512x48xf32, #tpu.memory_space<vmem>>[vector<16xi32>, vector<16xi32>], vector<16xf32>,
        %mul3A_517 = arith.constant 0 : i32
        %mul3A_518 = vector.broadcast %mul3A_517 : i32 to vector<16xi32>
        %mul3A_519 = arith.muli %iota3A, %mul3A_518 : vector<16xi32>
        %add3A_520 = arith.constant 32 : i32
        %add3A_521 = vector.broadcast %add3A_520 : i32 to vector<16xi32>
        %add3A_522 = arith.addi %mul3A_519, %add3A_521 : vector<16xi32>
        %gather3A_523 = tpu.vector_load_idx %arg9[%add3A_486, %add3A_522] : memref<512x48xf32, #tpu.memory_space<vmem>>[vector<16xi32>, vector<16xi32>], vector<16xf32>,
        %mul3A_524 = arith.mulf %get3A_491, %gather3A : vector<16xf32>
        %mul3A_525 = arith.mulf %get3A_497, %gather3A_516 : vector<16xf32>
        %add3A_526 = arith.addf %mul3A_524, %mul3A_525 : vector<16xf32>
        %mul3A_527 = arith.mulf %get3A_503, %gather3A_523 : vector<16xf32>
        %add3A_528 = arith.addf %add3A_526, %mul3A_527 : vector<16xf32>
        %mul3A_529 = arith.constant 0 : i32
        %mul3A_530 = vector.broadcast %mul3A_529 : i32 to vector<16xi32>
        %mul3A_531 = arith.muli %iota3A, %mul3A_530 : vector<16xi32>
        %add3A_532 = arith.constant 1 : i32
        %add3A_533 = vector.broadcast %add3A_532 : i32 to vector<16xi32>
        %add3A_534 = arith.addi %mul3A_531, %add3A_533 : vector<16xi32>
        %gather3A_535 = tpu.vector_load_idx %arg9[%add3A_486, %add3A_534] : memref<512x48xf32, #tpu.memory_space<vmem>>[vector<16xi32>, vector<16xi32>], vector<16xf32>,
        %mul3A_536 = arith.constant 0 : i32
        %mul3A_537 = vector.broadcast %mul3A_536 : i32 to vector<16xi32>
        %mul3A_538 = arith.muli %iota3A, %mul3A_537 : vector<16xi32>
        %add3A_539 = arith.constant 17 : i32
        %add3A_540 = vector.broadcast %add3A_539 : i32 to vector<16xi32>
        %add3A_541 = arith.addi %mul3A_538, %add3A_540 : vector<16xi32>
        %gather3A_542 = tpu.vector_load_idx %arg9[%add3A_486, %add3A_541] : memref<512x48xf32, #tpu.memory_space<vmem>>[vector<16xi32>, vector<16xi32>], vector<16xf32>,
        %mul3A_543 = arith.constant 0 : i32
        %mul3A_544 = vector.broadcast %mul3A_543 : i32 to vector<16xi32>
        %mul3A_545 = arith.muli %iota3A, %mul3A_544 : vector<16xi32>
        %add3A_546 = arith.constant 33 : i32
        %add3A_547 = vector.broadcast %add3A_546 : i32 to vector<16xi32>
        %add3A_548 = arith.addi %mul3A_545, %add3A_547 : vector<16xi32>
        %gather3A_549 = tpu.vector_load_idx %arg9[%add3A_486, %add3A_548] : memref<512x48xf32, #tpu.memory_space<vmem>>[vector<16xi32>, vector<16xi32>], vector<16xf32>,
        %mul3A_550 = arith.mulf %get3A_491, %gather3A_535 : vector<16xf32>
        %mul3A_551 = arith.mulf %get3A_497, %gather3A_542 : vector<16xf32>
        %add3A_552 = arith.addf %mul3A_550, %mul3A_551 : vector<16xf32>
        %mul3A_553 = arith.mulf %get3A_503, %gather3A_549 : vector<16xf32>
        %add3A_554 = arith.addf %add3A_552, %mul3A_553 : vector<16xf32>
        %mul3A_555 = arith.constant 0 : i32
        %mul3A_556 = vector.broadcast %mul3A_555 : i32 to vector<16xi32>
        %mul3A_557 = arith.muli %iota3A, %mul3A_556 : vector<16xi32>
        %add3A_558 = arith.constant 2 : i32
        %add3A_559 = vector.broadcast %add3A_558 : i32 to vector<16xi32>
        %add3A_560 = arith.addi %mul3A_557, %add3A_559 : vector<16xi32>
        %gather3A_561 = tpu.vector_load_idx %arg9[%add3A_486, %add3A_560] : memref<512x48xf32, #tpu.memory_space<vmem>>[vector<16xi32>, vector<16xi32>], vector<16xf32>,
        %mul3A_562 = arith.constant 0 : i32
        %mul3A_563 = vector.broadcast %mul3A_562 : i32 to vector<16xi32>
        %mul3A_564 = arith.muli %iota3A, %mul3A_563 : vector<16xi32>
        %add3A_565 = arith.constant 18 : i32
        %add3A_566 = vector.broadcast %add3A_565 : i32 to vector<16xi32>
        %add3A_567 = arith.addi %mul3A_564, %add3A_566 : vector<16xi32>
        %gather3A_568 = tpu.vector_load_idx %arg9[%add3A_486, %add3A_567] : memref<512x48xf32, #tpu.memory_space<vmem>>[vector<16xi32>, vector<16xi32>], vector<16xf32>,
        %mul3A_569 = arith.constant 0 : i32
        %mul3A_570 = vector.broadcast %mul3A_569 : i32 to vector<16xi32>
        %mul3A_571 = arith.muli %iota3A, %mul3A_570 : vector<16xi32>
        %add3A_572 = arith.constant 34 : i32
        %add3A_573 = vector.broadcast %add3A_572 : i32 to vector<16xi32>
        %add3A_574 = arith.addi %mul3A_571, %add3A_573 : vector<16xi32>
        %gather3A_575 = tpu.vector_load_idx %arg9[%add3A_486, %add3A_574] : memref<512x48xf32, #tpu.memory_space<vmem>>[vector<16xi32>, vector<16xi32>], vector<16xf32>,
        %mul3A_576 = arith.mulf %get3A_491, %gather3A_561 : vector<16xf32>
        %mul3A_577 = arith.mulf %get3A_497, %gather3A_568 : vector<16xf32>
        %add3A_578 = arith.addf %mul3A_576, %mul3A_577 : vector<16xf32>
        %mul3A_579 = arith.mulf %get3A_503, %gather3A_575 : vector<16xf32>
        %add3A_580 = arith.addf %add3A_578, %mul3A_579 : vector<16xf32>
        %mul3A_581 = arith.constant 0 : i32
        %mul3A_582 = vector.broadcast %mul3A_581 : i32 to vector<16xi32>
        %mul3A_583 = arith.muli %iota3A, %mul3A_582 : vector<16xi32>
        %add3A_584 = arith.constant 3 : i32
        %add3A_585 = vector.broadcast %add3A_584 : i32 to vector<16xi32>
        %add3A_586 = arith.addi %mul3A_583, %add3A_585 : vector<16xi32>
        %gather3A_587 = tpu.vector_load_idx %arg9[%add3A_486, %add3A_586] : memref<512x48xf32, #tpu.memory_space<vmem>>[vector<16xi32>, vector<16xi32>], vector<16xf32>,
        %mul3A_588 = arith.constant 0 : i32
        %mul3A_589 = vector.broadcast %mul3A_588 : i32 to vector<16xi32>
        %mul3A_590 = arith.muli %iota3A, %mul3A_589 : vector<16xi32>
        %add3A_591 = arith.constant 19 : i32
        %add3A_592 = vector.broadcast %add3A_591 : i32 to vector<16xi32>
        %add3A_593 = arith.addi %mul3A_590, %add3A_592 : vector<16xi32>
        %gather3A_594 = tpu.vector_load_idx %arg9[%add3A_486, %add3A_593] : memref<512x48xf32, #tpu.memory_space<vmem>>[vector<16xi32>, vector<16xi32>], vector<16xf32>,
        %mul3A_595 = arith.constant 0 : i32
        %mul3A_596 = vector.broadcast %mul3A_595 : i32 to vector<16xi32>
        %mul3A_597 = arith.muli %iota3A, %mul3A_596 : vector<16xi32>
        %add3A_598 = arith.constant 35 : i32
        %add3A_599 = vector.broadcast %add3A_598 : i32 to vector<16xi32>
        %add3A_600 = arith.addi %mul3A_597, %add3A_599 : vector<16xi32>
        %gather3A_601 = tpu.vector_load_idx %arg9[%add3A_486, %add3A_600] : memref<512x48xf32, #tpu.memory_space<vmem>>[vector<16xi32>, vector<16xi32>], vector<16xf32>,
        %mul3A_602 = arith.mulf %get3A_491, %gather3A_587 : vector<16xf32>
        %mul3A_603 = arith.mulf %get3A_497, %gather3A_594 : vector<16xf32>
        %add3A_604 = arith.addf %mul3A_602, %mul3A_603 : vector<16xf32>
        %mul3A_605 = arith.mulf %get3A_503, %gather3A_601 : vector<16xf32>
        %add3A_606 = arith.addf %add3A_604, %mul3A_605 : vector<16xf32>
        %mul3A_607 = arith.constant 0 : i32
        %mul3A_608 = vector.broadcast %mul3A_607 : i32 to vector<16xi32>
        %mul3A_609 = arith.muli %iota3A, %mul3A_608 : vector<16xi32>
        %add3A_610 = arith.constant 4 : i32
        %add3A_611 = vector.broadcast %add3A_610 : i32 to vector<16xi32>
        %add3A_612 = arith.addi %mul3A_609, %add3A_611 : vector<16xi32>
        %gather3A_613 = tpu.vector_load_idx %arg9[%add3A_486, %add3A_612] : memref<512x48xf32, #tpu.memory_space<vmem>>[vector<16xi32>, vector<16xi32>], vector<16xf32>,
        %mul3A_614 = arith.constant 0 : i32
        %mul3A_615 = vector.broadcast %mul3A_614 : i32 to vector<16xi32>
        %mul3A_616 = arith.muli %iota3A, %mul3A_615 : vector<16xi32>
        %add3A_617 = arith.constant 20 : i32
        %add3A_618 = vector.broadcast %add3A_617 : i32 to vector<16xi32>
        %add3A_619 = arith.addi %mul3A_616, %add3A_618 : vector<16xi32>
        %gather3A_620 = tpu.vector_load_idx %arg9[%add3A_486, %add3A_619] : memref<512x48xf32, #tpu.memory_space<vmem>>[vector<16xi32>, vector<16xi32>], vector<16xf32>,
        %mul3A_621 = arith.constant 0 : i32
        %mul3A_622 = vector.broadcast %mul3A_621 : i32 to vector<16xi32>
        %mul3A_623 = arith.muli %iota3A, %mul3A_622 : vector<16xi32>
        %add3A_624 = arith.constant 36 : i32
        %add3A_625 = vector.broadcast %add3A_624 : i32 to vector<16xi32>
        %add3A_626 = arith.addi %mul3A_623, %add3A_625 : vector<16xi32>
        %gather3A_627 = tpu.vector_load_idx %arg9[%add3A_486, %add3A_626] : memref<512x48xf32, #tpu.memory_space<vmem>>[vector<16xi32>, vector<16xi32>], vector<16xf32>,
        %mul3A_628 = arith.mulf %get3A_491, %gather3A_613 : vector<16xf32>
        %mul3A_629 = arith.mulf %get3A_497, %gather3A_620 : vector<16xf32>
        %add3A_630 = arith.addf %mul3A_628, %mul3A_629 : vector<16xf32>
        %mul3A_631 = arith.mulf %get3A_503, %gather3A_627 : vector<16xf32>
        %add3A_632 = arith.addf %add3A_630, %mul3A_631 : vector<16xf32>
        %mul3A_633 = arith.constant 0 : i32
        %mul3A_634 = vector.broadcast %mul3A_633 : i32 to vector<16xi32>
        %mul3A_635 = arith.muli %iota3A, %mul3A_634 : vector<16xi32>
        %add3A_636 = arith.constant 5 : i32
        %add3A_637 = vector.broadcast %add3A_636 : i32 to vector<16xi32>
        %add3A_638 = arith.addi %mul3A_635, %add3A_637 : vector<16xi32>
        %gather3A_639 = tpu.vector_load_idx %arg9[%add3A_486, %add3A_638] : memref<512x48xf32, #tpu.memory_space<vmem>>[vector<16xi32>, vector<16xi32>], vector<16xf32>,
        %mul3A_640 = arith.constant 0 : i32
        %mul3A_641 = vector.broadcast %mul3A_640 : i32 to vector<16xi32>
        %mul3A_642 = arith.muli %iota3A, %mul3A_641 : vector<16xi32>
        %add3A_643 = arith.constant 21 : i32
        %add3A_644 = vector.broadcast %add3A_643 : i32 to vector<16xi32>
        %add3A_645 = arith.addi %mul3A_642, %add3A_644 : vector<16xi32>
        %gather3A_646 = tpu.vector_load_idx %arg9[%add3A_486, %add3A_645] : memref<512x48xf32, #tpu.memory_space<vmem>>[vector<16xi32>, vector<16xi32>], vector<16xf32>,
        %mul3A_647 = arith.constant 0 : i32
        %mul3A_648 = vector.broadcast %mul3A_647 : i32 to vector<16xi32>
        %mul3A_649 = arith.muli %iota3A, %mul3A_648 : vector<16xi32>
        %add3A_650 = arith.constant 37 : i32
        %add3A_651 = vector.broadcast %add3A_650 : i32 to vector<16xi32>
        %add3A_652 = arith.addi %mul3A_649, %add3A_651 : vector<16xi32>
        %gather3A_653 = tpu.vector_load_idx %arg9[%add3A_486, %add3A_652] : memref<512x48xf32, #tpu.memory_space<vmem>>[vector<16xi32>, vector<16xi32>], vector<16xf32>,
        %mul3A_654 = arith.mulf %get3A_491, %gather3A_639 : vector<16xf32>
        %mul3A_655 = arith.mulf %get3A_497, %gather3A_646 : vector<16xf32>
        %add3A_656 = arith.addf %mul3A_654, %mul3A_655 : vector<16xf32>
        %mul3A_657 = arith.mulf %get3A_503, %gather3A_653 : vector<16xf32>
        %add3A_658 = arith.addf %add3A_656, %mul3A_657 : vector<16xf32>
        %mul3A_659 = arith.constant 0 : i32
        %mul3A_660 = vector.broadcast %mul3A_659 : i32 to vector<16xi32>
        %mul3A_661 = arith.muli %iota3A, %mul3A_660 : vector<16xi32>
        %add3A_662 = arith.constant 6 : i32
        %add3A_663 = vector.broadcast %add3A_662 : i32 to vector<16xi32>
        %add3A_664 = arith.addi %mul3A_661, %add3A_663 : vector<16xi32>
        %gather3A_665 = tpu.vector_load_idx %arg9[%add3A_486, %add3A_664] : memref<512x48xf32, #tpu.memory_space<vmem>>[vector<16xi32>, vector<16xi32>], vector<16xf32>,
        %mul3A_666 = arith.constant 0 : i32
        %mul3A_667 = vector.broadcast %mul3A_666 : i32 to vector<16xi32>
        %mul3A_668 = arith.muli %iota3A, %mul3A_667 : vector<16xi32>
        %add3A_669 = arith.constant 22 : i32
        %add3A_670 = vector.broadcast %add3A_669 : i32 to vector<16xi32>
        %add3A_671 = arith.addi %mul3A_668, %add3A_670 : vector<16xi32>
        %gather3A_672 = tpu.vector_load_idx %arg9[%add3A_486, %add3A_671] : memref<512x48xf32, #tpu.memory_space<vmem>>[vector<16xi32>, vector<16xi32>], vector<16xf32>,
        %mul3A_673 = arith.constant 0 : i32
        %mul3A_674 = vector.broadcast %mul3A_673 : i32 to vector<16xi32>
        %mul3A_675 = arith.muli %iota3A, %mul3A_674 : vector<16xi32>
        %add3A_676 = arith.constant 38 : i32
        %add3A_677 = vector.broadcast %add3A_676 : i32 to vector<16xi32>
        %add3A_678 = arith.addi %mul3A_675, %add3A_677 : vector<16xi32>
        %gather3A_679 = tpu.vector_load_idx %arg9[%add3A_486, %add3A_678] : memref<512x48xf32, #tpu.memory_space<vmem>>[vector<16xi32>, vector<16xi32>], vector<16xf32>,
        %mul3A_680 = arith.mulf %get3A_491, %gather3A_665 : vector<16xf32>
        %mul3A_681 = arith.mulf %get3A_497, %gather3A_672 : vector<16xf32>
        %add3A_682 = arith.addf %mul3A_680, %mul3A_681 : vector<16xf32>
        %mul3A_683 = arith.mulf %get3A_503, %gather3A_679 : vector<16xf32>
        %add3A_684 = arith.addf %add3A_682, %mul3A_683 : vector<16xf32>
        %mul3A_685 = arith.constant 0 : i32
        %mul3A_686 = vector.broadcast %mul3A_685 : i32 to vector<16xi32>
        %mul3A_687 = arith.muli %iota3A, %mul3A_686 : vector<16xi32>
        %add3A_688 = arith.constant 7 : i32
        %add3A_689 = vector.broadcast %add3A_688 : i32 to vector<16xi32>
        %add3A_690 = arith.addi %mul3A_687, %add3A_689 : vector<16xi32>
        %gather3A_691 = tpu.vector_load_idx %arg9[%add3A_486, %add3A_690] : memref<512x48xf32, #tpu.memory_space<vmem>>[vector<16xi32>, vector<16xi32>], vector<16xf32>,
        %mul3A_692 = arith.constant 0 : i32
        %mul3A_693 = vector.broadcast %mul3A_692 : i32 to vector<16xi32>
        %mul3A_694 = arith.muli %iota3A, %mul3A_693 : vector<16xi32>
        %add3A_695 = arith.constant 23 : i32
        %add3A_696 = vector.broadcast %add3A_695 : i32 to vector<16xi32>
        %add3A_697 = arith.addi %mul3A_694, %add3A_696 : vector<16xi32>
        %gather3A_698 = tpu.vector_load_idx %arg9[%add3A_486, %add3A_697] : memref<512x48xf32, #tpu.memory_space<vmem>>[vector<16xi32>, vector<16xi32>], vector<16xf32>,
        %mul3A_699 = arith.constant 0 : i32
        %mul3A_700 = vector.broadcast %mul3A_699 : i32 to vector<16xi32>
        %mul3A_701 = arith.muli %iota3A, %mul3A_700 : vector<16xi32>
        %add3A_702 = arith.constant 39 : i32
        %add3A_703 = vector.broadcast %add3A_702 : i32 to vector<16xi32>
        %add3A_704 = arith.addi %mul3A_701, %add3A_703 : vector<16xi32>
        %gather3A_705 = tpu.vector_load_idx %arg9[%add3A_486, %add3A_704] : memref<512x48xf32, #tpu.memory_space<vmem>>[vector<16xi32>, vector<16xi32>], vector<16xf32>,
        %mul3A_706 = arith.mulf %get3A_491, %gather3A_691 : vector<16xf32>
        %mul3A_707 = arith.mulf %get3A_497, %gather3A_698 : vector<16xf32>
        %add3A_708 = arith.addf %mul3A_706, %mul3A_707 : vector<16xf32>
        %mul3A_709 = arith.mulf %get3A_503, %gather3A_705 : vector<16xf32>
        %add3A_710 = arith.addf %add3A_708, %mul3A_709 : vector<16xf32>
        %mul3A_711 = arith.constant 0 : i32
        %mul3A_712 = vector.broadcast %mul3A_711 : i32 to vector<16xi32>
        %mul3A_713 = arith.muli %iota3A, %mul3A_712 : vector<16xi32>
        %add3A_714 = arith.constant 8 : i32
        %add3A_715 = vector.broadcast %add3A_714 : i32 to vector<16xi32>
        %add3A_716 = arith.addi %mul3A_713, %add3A_715 : vector<16xi32>
        %gather3A_717 = tpu.vector_load_idx %arg9[%add3A_486, %add3A_716] : memref<512x48xf32, #tpu.memory_space<vmem>>[vector<16xi32>, vector<16xi32>], vector<16xf32>,
        %mul3A_718 = arith.constant 0 : i32
        %mul3A_719 = vector.broadcast %mul3A_718 : i32 to vector<16xi32>
        %mul3A_720 = arith.muli %iota3A, %mul3A_719 : vector<16xi32>
        %add3A_721 = arith.constant 24 : i32
        %add3A_722 = vector.broadcast %add3A_721 : i32 to vector<16xi32>
        %add3A_723 = arith.addi %mul3A_720, %add3A_722 : vector<16xi32>
        %gather3A_724 = tpu.vector_load_idx %arg9[%add3A_486, %add3A_723] : memref<512x48xf32, #tpu.memory_space<vmem>>[vector<16xi32>, vector<16xi32>], vector<16xf32>,
        %mul3A_725 = arith.constant 0 : i32
        %mul3A_726 = vector.broadcast %mul3A_725 : i32 to vector<16xi32>
        %mul3A_727 = arith.muli %iota3A, %mul3A_726 : vector<16xi32>
        %add3A_728 = arith.constant 40 : i32
        %add3A_729 = vector.broadcast %add3A_728 : i32 to vector<16xi32>
        %add3A_730 = arith.addi %mul3A_727, %add3A_729 : vector<16xi32>
        %gather3A_731 = tpu.vector_load_idx %arg9[%add3A_486, %add3A_730] : memref<512x48xf32, #tpu.memory_space<vmem>>[vector<16xi32>, vector<16xi32>], vector<16xf32>,
        %mul3A_732 = arith.mulf %get3A_491, %gather3A_717 : vector<16xf32>
        %mul3A_733 = arith.mulf %get3A_497, %gather3A_724 : vector<16xf32>
        %add3A_734 = arith.addf %mul3A_732, %mul3A_733 : vector<16xf32>
        %mul3A_735 = arith.mulf %get3A_503, %gather3A_731 : vector<16xf32>
        %add3A_736 = arith.addf %add3A_734, %mul3A_735 : vector<16xf32>
        %mul3A_737 = arith.constant 0 : i32
        %mul3A_738 = vector.broadcast %mul3A_737 : i32 to vector<16xi32>
        %mul3A_739 = arith.muli %iota3A, %mul3A_738 : vector<16xi32>
        %add3A_740 = arith.constant 9 : i32
        %add3A_741 = vector.broadcast %add3A_740 : i32 to vector<16xi32>
        %add3A_742 = arith.addi %mul3A_739, %add3A_741 : vector<16xi32>
        %gather3A_743 = tpu.vector_load_idx %arg9[%add3A_486, %add3A_742] : memref<512x48xf32, #tpu.memory_space<vmem>>[vector<16xi32>, vector<16xi32>], vector<16xf32>,
        %mul3A_744 = arith.constant 0 : i32
        %mul3A_745 = vector.broadcast %mul3A_744 : i32 to vector<16xi32>
        %mul3A_746 = arith.muli %iota3A, %mul3A_745 : vector<16xi32>
        %add3A_747 = arith.constant 25 : i32
        %add3A_748 = vector.broadcast %add3A_747 : i32 to vector<16xi32>
        %add3A_749 = arith.addi %mul3A_746, %add3A_748 : vector<16xi32>
        %gather3A_750 = tpu.vector_load_idx %arg9[%add3A_486, %add3A_749] : memref<512x48xf32, #tpu.memory_space<vmem>>[vector<16xi32>, vector<16xi32>], vector<16xf32>,
        %mul3A_751 = arith.constant 0 : i32
        %mul3A_752 = vector.broadcast %mul3A_751 : i32 to vector<16xi32>
        %mul3A_753 = arith.muli %iota3A, %mul3A_752 : vector<16xi32>
        %add3A_754 = arith.constant 41 : i32
        %add3A_755 = vector.broadcast %add3A_754 : i32 to vector<16xi32>
        %add3A_756 = arith.addi %mul3A_753, %add3A_755 : vector<16xi32>
        %gather3A_757 = tpu.vector_load_idx %arg9[%add3A_486, %add3A_756] : memref<512x48xf32, #tpu.memory_space<vmem>>[vector<16xi32>, vector<16xi32>], vector<16xf32>,
        %mul3A_758 = arith.mulf %get3A_491, %gather3A_743 : vector<16xf32>
        %mul3A_759 = arith.mulf %get3A_497, %gather3A_750 : vector<16xf32>
        %add3A_760 = arith.addf %mul3A_758, %mul3A_759 : vector<16xf32>
        %mul3A_761 = arith.mulf %get3A_503, %gather3A_757 : vector<16xf32>
        %add3A_762 = arith.addf %add3A_760, %mul3A_761 : vector<16xf32>
        %mul3A_763 = arith.constant 0 : i32
        %mul3A_764 = vector.broadcast %mul3A_763 : i32 to vector<16xi32>
        %mul3A_765 = arith.muli %iota3A, %mul3A_764 : vector<16xi32>
        %add3A_766 = arith.constant 10 : i32
        %add3A_767 = vector.broadcast %add3A_766 : i32 to vector<16xi32>
        %add3A_768 = arith.addi %mul3A_765, %add3A_767 : vector<16xi32>
        %gather3A_769 = tpu.vector_load_idx %arg9[%add3A_486, %add3A_768] : memref<512x48xf32, #tpu.memory_space<vmem>>[vector<16xi32>, vector<16xi32>], vector<16xf32>,
        %mul3A_770 = arith.constant 0 : i32
        %mul3A_771 = vector.broadcast %mul3A_770 : i32 to vector<16xi32>
        %mul3A_772 = arith.muli %iota3A, %mul3A_771 : vector<16xi32>
        %add3A_773 = arith.constant 26 : i32
        %add3A_774 = vector.broadcast %add3A_773 : i32 to vector<16xi32>
        %add3A_775 = arith.addi %mul3A_772, %add3A_774 : vector<16xi32>
        %gather3A_776 = tpu.vector_load_idx %arg9[%add3A_486, %add3A_775] : memref<512x48xf32, #tpu.memory_space<vmem>>[vector<16xi32>, vector<16xi32>], vector<16xf32>,
        %mul3A_777 = arith.constant 0 : i32
        %mul3A_778 = vector.broadcast %mul3A_777 : i32 to vector<16xi32>
        %mul3A_779 = arith.muli %iota3A, %mul3A_778 : vector<16xi32>
        %add3A_780 = arith.constant 42 : i32
        %add3A_781 = vector.broadcast %add3A_780 : i32 to vector<16xi32>
        %add3A_782 = arith.addi %mul3A_779, %add3A_781 : vector<16xi32>
        %gather3A_783 = tpu.vector_load_idx %arg9[%add3A_486, %add3A_782] : memref<512x48xf32, #tpu.memory_space<vmem>>[vector<16xi32>, vector<16xi32>], vector<16xf32>,
        %mul3A_784 = arith.mulf %get3A_491, %gather3A_769 : vector<16xf32>
        %mul3A_785 = arith.mulf %get3A_497, %gather3A_776 : vector<16xf32>
        %add3A_786 = arith.addf %mul3A_784, %mul3A_785 : vector<16xf32>
        %mul3A_787 = arith.mulf %get3A_503, %gather3A_783 : vector<16xf32>
        %add3A_788 = arith.addf %add3A_786, %mul3A_787 : vector<16xf32>
        %mul3A_789 = arith.constant 0 : i32
        %mul3A_790 = vector.broadcast %mul3A_789 : i32 to vector<16xi32>
        %mul3A_791 = arith.muli %iota3A, %mul3A_790 : vector<16xi32>
        %add3A_792 = arith.constant 11 : i32
        %add3A_793 = vector.broadcast %add3A_792 : i32 to vector<16xi32>
        %add3A_794 = arith.addi %mul3A_791, %add3A_793 : vector<16xi32>
        %gather3A_795 = tpu.vector_load_idx %arg9[%add3A_486, %add3A_794] : memref<512x48xf32, #tpu.memory_space<vmem>>[vector<16xi32>, vector<16xi32>], vector<16xf32>,
        %mul3A_796 = arith.constant 0 : i32
        %mul3A_797 = vector.broadcast %mul3A_796 : i32 to vector<16xi32>
        %mul3A_798 = arith.muli %iota3A, %mul3A_797 : vector<16xi32>
        %add3A_799 = arith.constant 27 : i32
        %add3A_800 = vector.broadcast %add3A_799 : i32 to vector<16xi32>
        %add3A_801 = arith.addi %mul3A_798, %add3A_800 : vector<16xi32>
        %gather3A_802 = tpu.vector_load_idx %arg9[%add3A_486, %add3A_801] : memref<512x48xf32, #tpu.memory_space<vmem>>[vector<16xi32>, vector<16xi32>], vector<16xf32>,
        %mul3A_803 = arith.constant 0 : i32
        %mul3A_804 = vector.broadcast %mul3A_803 : i32 to vector<16xi32>
        %mul3A_805 = arith.muli %iota3A, %mul3A_804 : vector<16xi32>
        %add3A_806 = arith.constant 43 : i32
        %add3A_807 = vector.broadcast %add3A_806 : i32 to vector<16xi32>
        %add3A_808 = arith.addi %mul3A_805, %add3A_807 : vector<16xi32>
        %gather3A_809 = tpu.vector_load_idx %arg9[%add3A_486, %add3A_808] : memref<512x48xf32, #tpu.memory_space<vmem>>[vector<16xi32>, vector<16xi32>], vector<16xf32>,
        %mul3A_810 = arith.mulf %get3A_491, %gather3A_795 : vector<16xf32>
        %mul3A_811 = arith.mulf %get3A_497, %gather3A_802 : vector<16xf32>
        %add3A_812 = arith.addf %mul3A_810, %mul3A_811 : vector<16xf32>
        %mul3A_813 = arith.mulf %get3A_503, %gather3A_809 : vector<16xf32>
        %add3A_814 = arith.addf %add3A_812, %mul3A_813 : vector<16xf32>
        %mul3A_815 = arith.constant 0 : i32
        %mul3A_816 = vector.broadcast %mul3A_815 : i32 to vector<16xi32>
        %mul3A_817 = arith.muli %iota3A, %mul3A_816 : vector<16xi32>
        %add3A_818 = arith.constant 12 : i32
        %add3A_819 = vector.broadcast %add3A_818 : i32 to vector<16xi32>
        %add3A_820 = arith.addi %mul3A_817, %add3A_819 : vector<16xi32>
        %gather3A_821 = tpu.vector_load_idx %arg9[%add3A_486, %add3A_820] : memref<512x48xf32, #tpu.memory_space<vmem>>[vector<16xi32>, vector<16xi32>], vector<16xf32>,
        %mul3A_822 = arith.constant 0 : i32
        %mul3A_823 = vector.broadcast %mul3A_822 : i32 to vector<16xi32>
        %mul3A_824 = arith.muli %iota3A, %mul3A_823 : vector<16xi32>
        %add3A_825 = arith.constant 28 : i32
        %add3A_826 = vector.broadcast %add3A_825 : i32 to vector<16xi32>
        %add3A_827 = arith.addi %mul3A_824, %add3A_826 : vector<16xi32>
        %gather3A_828 = tpu.vector_load_idx %arg9[%add3A_486, %add3A_827] : memref<512x48xf32, #tpu.memory_space<vmem>>[vector<16xi32>, vector<16xi32>], vector<16xf32>,
        %mul3A_829 = arith.constant 0 : i32
        %mul3A_830 = vector.broadcast %mul3A_829 : i32 to vector<16xi32>
        %mul3A_831 = arith.muli %iota3A, %mul3A_830 : vector<16xi32>
        %add3A_832 = arith.constant 44 : i32
        %add3A_833 = vector.broadcast %add3A_832 : i32 to vector<16xi32>
        %add3A_834 = arith.addi %mul3A_831, %add3A_833 : vector<16xi32>
        %gather3A_835 = tpu.vector_load_idx %arg9[%add3A_486, %add3A_834] : memref<512x48xf32, #tpu.memory_space<vmem>>[vector<16xi32>, vector<16xi32>], vector<16xf32>,
        %mul3A_836 = arith.mulf %get3A_491, %gather3A_821 : vector<16xf32>
        %mul3A_837 = arith.mulf %get3A_497, %gather3A_828 : vector<16xf32>
        %add3A_838 = arith.addf %mul3A_836, %mul3A_837 : vector<16xf32>
        %mul3A_839 = arith.mulf %get3A_503, %gather3A_835 : vector<16xf32>
        %add3A_840 = arith.addf %add3A_838, %mul3A_839 : vector<16xf32>
        %mul3A_841 = arith.constant 0 : i32
        %mul3A_842 = vector.broadcast %mul3A_841 : i32 to vector<16xi32>
        %mul3A_843 = arith.muli %iota3A, %mul3A_842 : vector<16xi32>
        %add3A_844 = arith.constant 13 : i32
        %add3A_845 = vector.broadcast %add3A_844 : i32 to vector<16xi32>
        %add3A_846 = arith.addi %mul3A_843, %add3A_845 : vector<16xi32>
        %gather3A_847 = tpu.vector_load_idx %arg9[%add3A_486, %add3A_846] : memref<512x48xf32, #tpu.memory_space<vmem>>[vector<16xi32>, vector<16xi32>], vector<16xf32>,
        %mul3A_848 = arith.constant 0 : i32
        %mul3A_849 = vector.broadcast %mul3A_848 : i32 to vector<16xi32>
        %mul3A_850 = arith.muli %iota3A, %mul3A_849 : vector<16xi32>
        %add3A_851 = arith.constant 29 : i32
        %add3A_852 = vector.broadcast %add3A_851 : i32 to vector<16xi32>
        %add3A_853 = arith.addi %mul3A_850, %add3A_852 : vector<16xi32>
        %gather3A_854 = tpu.vector_load_idx %arg9[%add3A_486, %add3A_853] : memref<512x48xf32, #tpu.memory_space<vmem>>[vector<16xi32>, vector<16xi32>], vector<16xf32>,
        %mul3A_855 = arith.constant 0 : i32
        %mul3A_856 = vector.broadcast %mul3A_855 : i32 to vector<16xi32>
        %mul3A_857 = arith.muli %iota3A, %mul3A_856 : vector<16xi32>
        %add3A_858 = arith.constant 45 : i32
        %add3A_859 = vector.broadcast %add3A_858 : i32 to vector<16xi32>
        %add3A_860 = arith.addi %mul3A_857, %add3A_859 : vector<16xi32>
        %gather3A_861 = tpu.vector_load_idx %arg9[%add3A_486, %add3A_860] : memref<512x48xf32, #tpu.memory_space<vmem>>[vector<16xi32>, vector<16xi32>], vector<16xf32>,
        %mul3A_862 = arith.mulf %get3A_491, %gather3A_847 : vector<16xf32>
        %mul3A_863 = arith.mulf %get3A_497, %gather3A_854 : vector<16xf32>
        %add3A_864 = arith.addf %mul3A_862, %mul3A_863 : vector<16xf32>
        %mul3A_865 = arith.mulf %get3A_503, %gather3A_861 : vector<16xf32>
        %add3A_866 = arith.addf %add3A_864, %mul3A_865 : vector<16xf32>
        %mul3A_867 = arith.constant 0 : i32
        %mul3A_868 = vector.broadcast %mul3A_867 : i32 to vector<16xi32>
        %mul3A_869 = arith.muli %iota3A, %mul3A_868 : vector<16xi32>
        %add3A_870 = arith.constant 14 : i32
        %add3A_871 = vector.broadcast %add3A_870 : i32 to vector<16xi32>
        %add3A_872 = arith.addi %mul3A_869, %add3A_871 : vector<16xi32>
        %gather3A_873 = tpu.vector_load_idx %arg9[%add3A_486, %add3A_872] : memref<512x48xf32, #tpu.memory_space<vmem>>[vector<16xi32>, vector<16xi32>], vector<16xf32>,
        %mul3A_874 = arith.constant 0 : i32
        %mul3A_875 = vector.broadcast %mul3A_874 : i32 to vector<16xi32>
        %mul3A_876 = arith.muli %iota3A, %mul3A_875 : vector<16xi32>
        %add3A_877 = arith.constant 30 : i32
        %add3A_878 = vector.broadcast %add3A_877 : i32 to vector<16xi32>
        %add3A_879 = arith.addi %mul3A_876, %add3A_878 : vector<16xi32>
        %gather3A_880 = tpu.vector_load_idx %arg9[%add3A_486, %add3A_879] : memref<512x48xf32, #tpu.memory_space<vmem>>[vector<16xi32>, vector<16xi32>], vector<16xf32>,
        %mul3A_881 = arith.constant 0 : i32
        %mul3A_882 = vector.broadcast %mul3A_881 : i32 to vector<16xi32>
        %mul3A_883 = arith.muli %iota3A, %mul3A_882 : vector<16xi32>
        %add3A_884 = arith.constant 46 : i32
        %add3A_885 = vector.broadcast %add3A_884 : i32 to vector<16xi32>
        %add3A_886 = arith.addi %mul3A_883, %add3A_885 : vector<16xi32>
        %gather3A_887 = tpu.vector_load_idx %arg9[%add3A_486, %add3A_886] : memref<512x48xf32, #tpu.memory_space<vmem>>[vector<16xi32>, vector<16xi32>], vector<16xf32>,
        %mul3A_888 = arith.mulf %get3A_491, %gather3A_873 : vector<16xf32>
        %mul3A_889 = arith.mulf %get3A_497, %gather3A_880 : vector<16xf32>
        %add3A_890 = arith.addf %mul3A_888, %mul3A_889 : vector<16xf32>
        %mul3A_891 = arith.mulf %get3A_503, %gather3A_887 : vector<16xf32>
        %add3A_892 = arith.addf %add3A_890, %mul3A_891 : vector<16xf32>
        %mul3A_893 = arith.constant 0 : i32
        %mul3A_894 = vector.broadcast %mul3A_893 : i32 to vector<16xi32>
        %mul3A_895 = arith.muli %iota3A, %mul3A_894 : vector<16xi32>
        %add3A_896 = arith.constant 15 : i32
        %add3A_897 = vector.broadcast %add3A_896 : i32 to vector<16xi32>
        %add3A_898 = arith.addi %mul3A_895, %add3A_897 : vector<16xi32>
        %gather3A_899 = tpu.vector_load_idx %arg9[%add3A_486, %add3A_898] : memref<512x48xf32, #tpu.memory_space<vmem>>[vector<16xi32>, vector<16xi32>], vector<16xf32>,
        %mul3A_900 = arith.constant 0 : i32
        %mul3A_901 = vector.broadcast %mul3A_900 : i32 to vector<16xi32>
        %mul3A_902 = arith.muli %iota3A, %mul3A_901 : vector<16xi32>
        %add3A_903 = arith.constant 31 : i32
        %add3A_904 = vector.broadcast %add3A_903 : i32 to vector<16xi32>
        %add3A_905 = arith.addi %mul3A_902, %add3A_904 : vector<16xi32>
        %gather3A_906 = tpu.vector_load_idx %arg9[%add3A_486, %add3A_905] : memref<512x48xf32, #tpu.memory_space<vmem>>[vector<16xi32>, vector<16xi32>], vector<16xf32>,
        %mul3A_907 = arith.constant 0 : i32
        %mul3A_908 = vector.broadcast %mul3A_907 : i32 to vector<16xi32>
        %mul3A_909 = arith.muli %iota3A, %mul3A_908 : vector<16xi32>
        %add3A_910 = arith.constant 47 : i32
        %add3A_911 = vector.broadcast %add3A_910 : i32 to vector<16xi32>
        %add3A_912 = arith.addi %mul3A_909, %add3A_911 : vector<16xi32>
        %gather3A_913 = tpu.vector_load_idx %arg9[%add3A_486, %add3A_912] : memref<512x48xf32, #tpu.memory_space<vmem>>[vector<16xi32>, vector<16xi32>], vector<16xf32>,
        %mul3A_914 = arith.mulf %get3A_491, %gather3A_899 : vector<16xf32>
        %mul3A_915 = arith.mulf %get3A_497, %gather3A_906 : vector<16xf32>
        %add3A_916 = arith.addf %mul3A_914, %mul3A_915 : vector<16xf32>
        %mul3A_917 = arith.mulf %get3A_503, %gather3A_913 : vector<16xf32>
        %add3A_918 = arith.addf %add3A_916, %mul3A_917 : vector<16xf32>
        %jit3A_919 = arith.constant 8 : i32
        %div3A_920 = arith.divsi %scan3A_481, %jit3A_919 : i32
        %sign3A_921 = arith.constant 0 : i32
        %sign3A_922 = arith.cmpi sgt, %scan3A_481, %sign3A_921 : i32
        %sign3A_923 = arith.extui %sign3A_922 : i1 to i32
        %sign3A_924 = arith.constant 0 : i32
        %sign3A_925 = arith.cmpi slt, %scan3A_481, %sign3A_924 : i32
        %sign3A_926 = arith.extui %sign3A_925 : i1 to i32
        %sign3A_927 = arith.subi %sign3A_923, %sign3A_926 : i32
        %sign3A_928 = arith.constant 0 : i32
        %sign3A_929 = arith.cmpi sgt, %jit3A_919, %sign3A_928 : i32
        %sign3A_930 = arith.extui %sign3A_929 : i1 to i32
        %sign3A_931 = arith.constant 0 : i32
        %sign3A_932 = arith.cmpi slt, %jit3A_919, %sign3A_931 : i32
        %sign3A_933 = arith.extui %sign3A_932 : i1 to i32
        %sign3A_934 = arith.subi %sign3A_930, %sign3A_933 : i32
        %ne3A_935 = arith.cmpi ne, %sign3A_927, %sign3A_934 : i32
        %rem3A_936 = arith.remsi %scan3A_481, %jit3A_919 : i32
        %ne3A_937 = arith.constant 0 : i32
        %ne3A_938 = arith.cmpi ne, %rem3A_936, %ne3A_937 : i32
        %and3A_939 = arith.andi %ne3A_935, %ne3A_938 : i1
        %sub3A_940 = arith.constant 1 : i32
        %sub3A_941 = arith.subi %div3A_920, %sub3A_940 : i32
        %select_n3A_942 = arith.select %and3A_939, %sub3A_941, %div3A_920 : i32
        %jit3A_943 = arith.constant 8 : i32
        %eq3A_944 = arith.constant 0 : i32
        %eq3A_945 = arith.cmpi eq, %jit3A_943, %eq3A_944 : i32
        %jit3A_946 = arith.constant 1 : i32
        %select_n3A_947 = arith.select %eq3A_945, %jit3A_946, %jit3A_943 : i32
        %rem3A_948 = arith.remsi %scan3A_481, %select_n3A_947 : i32
        %ne3A_949 = arith.constant 0 : i32
        %ne3A_950 = arith.cmpi ne, %rem3A_948, %ne3A_949 : i32
        %lt3A_951 = arith.constant 0 : i32
        %lt3A_952 = arith.cmpi slt, %rem3A_948, %lt3A_951 : i32
        %lt3A_953 = arith.constant 0 : i32
        %lt3A_954 = arith.cmpi slt, %select_n3A_947, %lt3A_953 : i32
        %ne3A_955 = arith.xori %lt3A_952, %lt3A_954 : i1
        %and3A_956 = arith.andi %ne3A_955, %ne3A_950 : i1
        %add3A_957 = arith.addi %rem3A_948, %select_n3A_947 : i32
        %select_n3A_958 = arith.select %and3A_956, %add3A_957, %rem3A_948 : i32
        %mul3A_959 = arith.constant 16 : i32
        %mul3A_960 = arith.muli %select_n3A_958, %mul3A_959 : i32
        %swap3A = arith.constant 0 : i32
        %swap3A_961 = arith.index_cast %swap3A : i32 to index
        %swap3A_962 = arith.index_cast %select_n3A_942 : i32 to index
        %swap3A_963 = arith.index_cast %mul3A_960 : i32 to index
        %swap3A_964 = tpu.vector_load %arg11[%swap3A_961, %swap3A_962, %swap3A_963] {strides = array<i32>} : memref<17x4x128xf32, #tpu.memory_space<vmem>>, vector<16xf32>,
        tpu.vector_store %arg11[%swap3A_961, %swap3A_962, %swap3A_963], %add3A_528 {strides = array<i32>} : memref<17x4x128xf32, #tpu.memory_space<vmem>>, vector<16xf32>,
        %jit3A_965 = arith.constant 8 : i32
        %div3A_966 = arith.divsi %scan3A_481, %jit3A_965 : i32
        %sign3A_967 = arith.constant 0 : i32
        %sign3A_968 = arith.cmpi sgt, %scan3A_481, %sign3A_967 : i32
        %sign3A_969 = arith.extui %sign3A_968 : i1 to i32
        %sign3A_970 = arith.constant 0 : i32
        %sign3A_971 = arith.cmpi slt, %scan3A_481, %sign3A_970 : i32
        %sign3A_972 = arith.extui %sign3A_971 : i1 to i32
        %sign3A_973 = arith.subi %sign3A_969, %sign3A_972 : i32
        %sign3A_974 = arith.constant 0 : i32
        %sign3A_975 = arith.cmpi sgt, %jit3A_965, %sign3A_974 : i32
        %sign3A_976 = arith.extui %sign3A_975 : i1 to i32
        %sign3A_977 = arith.constant 0 : i32
        %sign3A_978 = arith.cmpi slt, %jit3A_965, %sign3A_977 : i32
        %sign3A_979 = arith.extui %sign3A_978 : i1 to i32
        %sign3A_980 = arith.subi %sign3A_976, %sign3A_979 : i32
        %ne3A_981 = arith.cmpi ne, %sign3A_973, %sign3A_980 : i32
        %rem3A_982 = arith.remsi %scan3A_481, %jit3A_965 : i32
        %ne3A_983 = arith.constant 0 : i32
        %ne3A_984 = arith.cmpi ne, %rem3A_982, %ne3A_983 : i32
        %and3A_985 = arith.andi %ne3A_981, %ne3A_984 : i1
        %sub3A_986 = arith.constant 1 : i32
        %sub3A_987 = arith.subi %div3A_966, %sub3A_986 : i32
        %select_n3A_988 = arith.select %and3A_985, %sub3A_987, %div3A_966 : i32
        %jit3A_989 = arith.constant 8 : i32
        %eq3A_990 = arith.constant 0 : i32
        %eq3A_991 = arith.cmpi eq, %jit3A_989, %eq3A_990 : i32
        %jit3A_992 = arith.constant 1 : i32
        %select_n3A_993 = arith.select %eq3A_991, %jit3A_992, %jit3A_989 : i32
        %rem3A_994 = arith.remsi %scan3A_481, %select_n3A_993 : i32
        %ne3A_995 = arith.constant 0 : i32
        %ne3A_996 = arith.cmpi ne, %rem3A_994, %ne3A_995 : i32
        %lt3A_997 = arith.constant 0 : i32
        %lt3A_998 = arith.cmpi slt, %rem3A_994, %lt3A_997 : i32
        %lt3A_999 = arith.constant 0 : i32
        %lt3A_1000 = arith.cmpi slt, %select_n3A_993, %lt3A_999 : i32
        %ne3A_1001 = arith.xori %lt3A_998, %lt3A_1000 : i1
        %and3A_1002 = arith.andi %ne3A_1001, %ne3A_996 : i1
        %add3A_1003 = arith.addi %rem3A_994, %select_n3A_993 : i32
        %select_n3A_1004 = arith.select %and3A_1002, %add3A_1003, %rem3A_994 : i32
        %mul3A_1005 = arith.constant 16 : i32
        %mul3A_1006 = arith.muli %select_n3A_1004, %mul3A_1005 : i32
        %swap3A_1007 = arith.constant 1 : i32
        %swap3A_1008 = arith.index_cast %swap3A_1007 : i32 to index
        %swap3A_1009 = arith.index_cast %select_n3A_988 : i32 to index
        %swap3A_1010 = arith.index_cast %mul3A_1006 : i32 to index
        %swap3A_1011 = tpu.vector_load %arg11[%swap3A_1008, %swap3A_1009, %swap3A_1010] {strides = array<i32>} : memref<17x4x128xf32, #tpu.memory_space<vmem>>, vector<16xf32>,
        tpu.vector_store %arg11[%swap3A_1008, %swap3A_1009, %swap3A_1010], %add3A_554 {strides = array<i32>} : memref<17x4x128xf32, #tpu.memory_space<vmem>>, vector<16xf32>,
        %jit3A_1012 = arith.constant 8 : i32
        %div3A_1013 = arith.divsi %scan3A_481, %jit3A_1012 : i32
        %sign3A_1014 = arith.constant 0 : i32
        %sign3A_1015 = arith.cmpi sgt, %scan3A_481, %sign3A_1014 : i32
        %sign3A_1016 = arith.extui %sign3A_1015 : i1 to i32
        %sign3A_1017 = arith.constant 0 : i32
        %sign3A_1018 = arith.cmpi slt, %scan3A_481, %sign3A_1017 : i32
        %sign3A_1019 = arith.extui %sign3A_1018 : i1 to i32
        %sign3A_1020 = arith.subi %sign3A_1016, %sign3A_1019 : i32
        %sign3A_1021 = arith.constant 0 : i32
        %sign3A_1022 = arith.cmpi sgt, %jit3A_1012, %sign3A_1021 : i32
        %sign3A_1023 = arith.extui %sign3A_1022 : i1 to i32
        %sign3A_1024 = arith.constant 0 : i32
        %sign3A_1025 = arith.cmpi slt, %jit3A_1012, %sign3A_1024 : i32
        %sign3A_1026 = arith.extui %sign3A_1025 : i1 to i32
        %sign3A_1027 = arith.subi %sign3A_1023, %sign3A_1026 : i32
        %ne3A_1028 = arith.cmpi ne, %sign3A_1020, %sign3A_1027 : i32
        %rem3A_1029 = arith.remsi %scan3A_481, %jit3A_1012 : i32
        %ne3A_1030 = arith.constant 0 : i32
        %ne3A_1031 = arith.cmpi ne, %rem3A_1029, %ne3A_1030 : i32
        %and3A_1032 = arith.andi %ne3A_1028, %ne3A_1031 : i1
        %sub3A_1033 = arith.constant 1 : i32
        %sub3A_1034 = arith.subi %div3A_1013, %sub3A_1033 : i32
        %select_n3A_1035 = arith.select %and3A_1032, %sub3A_1034, %div3A_1013 : i32
        %jit3A_1036 = arith.constant 8 : i32
        %eq3A_1037 = arith.constant 0 : i32
        %eq3A_1038 = arith.cmpi eq, %jit3A_1036, %eq3A_1037 : i32
        %jit3A_1039 = arith.constant 1 : i32
        %select_n3A_1040 = arith.select %eq3A_1038, %jit3A_1039, %jit3A_1036 : i32
        %rem3A_1041 = arith.remsi %scan3A_481, %select_n3A_1040 : i32
        %ne3A_1042 = arith.constant 0 : i32
        %ne3A_1043 = arith.cmpi ne, %rem3A_1041, %ne3A_1042 : i32
        %lt3A_1044 = arith.constant 0 : i32
        %lt3A_1045 = arith.cmpi slt, %rem3A_1041, %lt3A_1044 : i32
        %lt3A_1046 = arith.constant 0 : i32
        %lt3A_1047 = arith.cmpi slt, %select_n3A_1040, %lt3A_1046 : i32
        %ne3A_1048 = arith.xori %lt3A_1045, %lt3A_1047 : i1
        %and3A_1049 = arith.andi %ne3A_1048, %ne3A_1043 : i1
        %add3A_1050 = arith.addi %rem3A_1041, %select_n3A_1040 : i32
        %select_n3A_1051 = arith.select %and3A_1049, %add3A_1050, %rem3A_1041 : i32
        %mul3A_1052 = arith.constant 16 : i32
        %mul3A_1053 = arith.muli %select_n3A_1051, %mul3A_1052 : i32
        %swap3A_1054 = arith.constant 2 : i32
        %swap3A_1055 = arith.index_cast %swap3A_1054 : i32 to index
        %swap3A_1056 = arith.index_cast %select_n3A_1035 : i32 to index
        %swap3A_1057 = arith.index_cast %mul3A_1053 : i32 to index
        %swap3A_1058 = tpu.vector_load %arg11[%swap3A_1055, %swap3A_1056, %swap3A_1057] {strides = array<i32>} : memref<17x4x128xf32, #tpu.memory_space<vmem>>, vector<16xf32>,
        tpu.vector_store %arg11[%swap3A_1055, %swap3A_1056, %swap3A_1057], %add3A_580 {strides = array<i32>} : memref<17x4x128xf32, #tpu.memory_space<vmem>>, vector<16xf32>,
        %jit3A_1059 = arith.constant 8 : i32
        %div3A_1060 = arith.divsi %scan3A_481, %jit3A_1059 : i32
        %sign3A_1061 = arith.constant 0 : i32
        %sign3A_1062 = arith.cmpi sgt, %scan3A_481, %sign3A_1061 : i32
        %sign3A_1063 = arith.extui %sign3A_1062 : i1 to i32
        %sign3A_1064 = arith.constant 0 : i32
        %sign3A_1065 = arith.cmpi slt, %scan3A_481, %sign3A_1064 : i32
        %sign3A_1066 = arith.extui %sign3A_1065 : i1 to i32
        %sign3A_1067 = arith.subi %sign3A_1063, %sign3A_1066 : i32
        %sign3A_1068 = arith.constant 0 : i32
        %sign3A_1069 = arith.cmpi sgt, %jit3A_1059, %sign3A_1068 : i32
        %sign3A_1070 = arith.extui %sign3A_1069 : i1 to i32
        %sign3A_1071 = arith.constant 0 : i32
        %sign3A_1072 = arith.cmpi slt, %jit3A_1059, %sign3A_1071 : i32
        %sign3A_1073 = arith.extui %sign3A_1072 : i1 to i32
        %sign3A_1074 = arith.subi %sign3A_1070, %sign3A_1073 : i32
        %ne3A_1075 = arith.cmpi ne, %sign3A_1067, %sign3A_1074 : i32
        %rem3A_1076 = arith.remsi %scan3A_481, %jit3A_1059 : i32
        %ne3A_1077 = arith.constant 0 : i32
        %ne3A_1078 = arith.cmpi ne, %rem3A_1076, %ne3A_1077 : i32
        %and3A_1079 = arith.andi %ne3A_1075, %ne3A_1078 : i1
        %sub3A_1080 = arith.constant 1 : i32
        %sub3A_1081 = arith.subi %div3A_1060, %sub3A_1080 : i32
        %select_n3A_1082 = arith.select %and3A_1079, %sub3A_1081, %div3A_1060 : i32
        %jit3A_1083 = arith.constant 8 : i32
        %eq3A_1084 = arith.constant 0 : i32
        %eq3A_1085 = arith.cmpi eq, %jit3A_1083, %eq3A_1084 : i32
        %jit3A_1086 = arith.constant 1 : i32
        %select_n3A_1087 = arith.select %eq3A_1085, %jit3A_1086, %jit3A_1083 : i32
        %rem3A_1088 = arith.remsi %scan3A_481, %select_n3A_1087 : i32
        %ne3A_1089 = arith.constant 0 : i32
        %ne3A_1090 = arith.cmpi ne, %rem3A_1088, %ne3A_1089 : i32
        %lt3A_1091 = arith.constant 0 : i32
        %lt3A_1092 = arith.cmpi slt, %rem3A_1088, %lt3A_1091 : i32
        %lt3A_1093 = arith.constant 0 : i32
        %lt3A_1094 = arith.cmpi slt, %select_n3A_1087, %lt3A_1093 : i32
        %ne3A_1095 = arith.xori %lt3A_1092, %lt3A_1094 : i1
        %and3A_1096 = arith.andi %ne3A_1095, %ne3A_1090 : i1
        %add3A_1097 = arith.addi %rem3A_1088, %select_n3A_1087 : i32
        %select_n3A_1098 = arith.select %and3A_1096, %add3A_1097, %rem3A_1088 : i32
        %mul3A_1099 = arith.constant 16 : i32
        %mul3A_1100 = arith.muli %select_n3A_1098, %mul3A_1099 : i32
        %swap3A_1101 = arith.constant 3 : i32
        %swap3A_1102 = arith.index_cast %swap3A_1101 : i32 to index
        %swap3A_1103 = arith.index_cast %select_n3A_1082 : i32 to index
        %swap3A_1104 = arith.index_cast %mul3A_1100 : i32 to index
        %swap3A_1105 = tpu.vector_load %arg11[%swap3A_1102, %swap3A_1103, %swap3A_1104] {strides = array<i32>} : memref<17x4x128xf32, #tpu.memory_space<vmem>>, vector<16xf32>,
        tpu.vector_store %arg11[%swap3A_1102, %swap3A_1103, %swap3A_1104], %add3A_606 {strides = array<i32>} : memref<17x4x128xf32, #tpu.memory_space<vmem>>, vector<16xf32>,
        %jit3A_1106 = arith.constant 8 : i32
        %div3A_1107 = arith.divsi %scan3A_481, %jit3A_1106 : i32
        %sign3A_1108 = arith.constant 0 : i32
        %sign3A_1109 = arith.cmpi sgt, %scan3A_481, %sign3A_1108 : i32
        %sign3A_1110 = arith.extui %sign3A_1109 : i1 to i32
        %sign3A_1111 = arith.constant 0 : i32
        %sign3A_1112 = arith.cmpi slt, %scan3A_481, %sign3A_1111 : i32
        %sign3A_1113 = arith.extui %sign3A_1112 : i1 to i32
        %sign3A_1114 = arith.subi %sign3A_1110, %sign3A_1113 : i32
        %sign3A_1115 = arith.constant 0 : i32
        %sign3A_1116 = arith.cmpi sgt, %jit3A_1106, %sign3A_1115 : i32
        %sign3A_1117 = arith.extui %sign3A_1116 : i1 to i32
        %sign3A_1118 = arith.constant 0 : i32
        %sign3A_1119 = arith.cmpi slt, %jit3A_1106, %sign3A_1118 : i32
        %sign3A_1120 = arith.extui %sign3A_1119 : i1 to i32
        %sign3A_1121 = arith.subi %sign3A_1117, %sign3A_1120 : i32
        %ne3A_1122 = arith.cmpi ne, %sign3A_1114, %sign3A_1121 : i32
        %rem3A_1123 = arith.remsi %scan3A_481, %jit3A_1106 : i32
        %ne3A_1124 = arith.constant 0 : i32
        %ne3A_1125 = arith.cmpi ne, %rem3A_1123, %ne3A_1124 : i32
        %and3A_1126 = arith.andi %ne3A_1122, %ne3A_1125 : i1
        %sub3A_1127 = arith.constant 1 : i32
        %sub3A_1128 = arith.subi %div3A_1107, %sub3A_1127 : i32
        %select_n3A_1129 = arith.select %and3A_1126, %sub3A_1128, %div3A_1107 : i32
        %jit3A_1130 = arith.constant 8 : i32
        %eq3A_1131 = arith.constant 0 : i32
        %eq3A_1132 = arith.cmpi eq, %jit3A_1130, %eq3A_1131 : i32
        %jit3A_1133 = arith.constant 1 : i32
        %select_n3A_1134 = arith.select %eq3A_1132, %jit3A_1133, %jit3A_1130 : i32
        %rem3A_1135 = arith.remsi %scan3A_481, %select_n3A_1134 : i32
        %ne3A_1136 = arith.constant 0 : i32
        %ne3A_1137 = arith.cmpi ne, %rem3A_1135, %ne3A_1136 : i32
        %lt3A_1138 = arith.constant 0 : i32
        %lt3A_1139 = arith.cmpi slt, %rem3A_1135, %lt3A_1138 : i32
        %lt3A_1140 = arith.constant 0 : i32
        %lt3A_1141 = arith.cmpi slt, %select_n3A_1134, %lt3A_1140 : i32
        %ne3A_1142 = arith.xori %lt3A_1139, %lt3A_1141 : i1
        %and3A_1143 = arith.andi %ne3A_1142, %ne3A_1137 : i1
        %add3A_1144 = arith.addi %rem3A_1135, %select_n3A_1134 : i32
        %select_n3A_1145 = arith.select %and3A_1143, %add3A_1144, %rem3A_1135 : i32
        %mul3A_1146 = arith.constant 16 : i32
        %mul3A_1147 = arith.muli %select_n3A_1145, %mul3A_1146 : i32
        %swap3A_1148 = arith.constant 4 : i32
        %swap3A_1149 = arith.index_cast %swap3A_1148 : i32 to index
        %swap3A_1150 = arith.index_cast %select_n3A_1129 : i32 to index
        %swap3A_1151 = arith.index_cast %mul3A_1147 : i32 to index
        %swap3A_1152 = tpu.vector_load %arg11[%swap3A_1149, %swap3A_1150, %swap3A_1151] {strides = array<i32>} : memref<17x4x128xf32, #tpu.memory_space<vmem>>, vector<16xf32>,
        tpu.vector_store %arg11[%swap3A_1149, %swap3A_1150, %swap3A_1151], %add3A_632 {strides = array<i32>} : memref<17x4x128xf32, #tpu.memory_space<vmem>>, vector<16xf32>,
        %jit3A_1153 = arith.constant 8 : i32
        %div3A_1154 = arith.divsi %scan3A_481, %jit3A_1153 : i32
        %sign3A_1155 = arith.constant 0 : i32
        %sign3A_1156 = arith.cmpi sgt, %scan3A_481, %sign3A_1155 : i32
        %sign3A_1157 = arith.extui %sign3A_1156 : i1 to i32
        %sign3A_1158 = arith.constant 0 : i32
        %sign3A_1159 = arith.cmpi slt, %scan3A_481, %sign3A_1158 : i32
        %sign3A_1160 = arith.extui %sign3A_1159 : i1 to i32
        %sign3A_1161 = arith.subi %sign3A_1157, %sign3A_1160 : i32
        %sign3A_1162 = arith.constant 0 : i32
        %sign3A_1163 = arith.cmpi sgt, %jit3A_1153, %sign3A_1162 : i32
        %sign3A_1164 = arith.extui %sign3A_1163 : i1 to i32
        %sign3A_1165 = arith.constant 0 : i32
        %sign3A_1166 = arith.cmpi slt, %jit3A_1153, %sign3A_1165 : i32
        %sign3A_1167 = arith.extui %sign3A_1166 : i1 to i32
        %sign3A_1168 = arith.subi %sign3A_1164, %sign3A_1167 : i32
        %ne3A_1169 = arith.cmpi ne, %sign3A_1161, %sign3A_1168 : i32
        %rem3A_1170 = arith.remsi %scan3A_481, %jit3A_1153 : i32
        %ne3A_1171 = arith.constant 0 : i32
        %ne3A_1172 = arith.cmpi ne, %rem3A_1170, %ne3A_1171 : i32
        %and3A_1173 = arith.andi %ne3A_1169, %ne3A_1172 : i1
        %sub3A_1174 = arith.constant 1 : i32
        %sub3A_1175 = arith.subi %div3A_1154, %sub3A_1174 : i32
        %select_n3A_1176 = arith.select %and3A_1173, %sub3A_1175, %div3A_1154 : i32
        %jit3A_1177 = arith.constant 8 : i32
        %eq3A_1178 = arith.constant 0 : i32
        %eq3A_1179 = arith.cmpi eq, %jit3A_1177, %eq3A_1178 : i32
        %jit3A_1180 = arith.constant 1 : i32
        %select_n3A_1181 = arith.select %eq3A_1179, %jit3A_1180, %jit3A_1177 : i32
        %rem3A_1182 = arith.remsi %scan3A_481, %select_n3A_1181 : i32
        %ne3A_1183 = arith.constant 0 : i32
        %ne3A_1184 = arith.cmpi ne, %rem3A_1182, %ne3A_1183 : i32
        %lt3A_1185 = arith.constant 0 : i32
        %lt3A_1186 = arith.cmpi slt, %rem3A_1182, %lt3A_1185 : i32
        %lt3A_1187 = arith.constant 0 : i32
        %lt3A_1188 = arith.cmpi slt, %select_n3A_1181, %lt3A_1187 : i32
        %ne3A_1189 = arith.xori %lt3A_1186, %lt3A_1188 : i1
        %and3A_1190 = arith.andi %ne3A_1189, %ne3A_1184 : i1
        %add3A_1191 = arith.addi %rem3A_1182, %select_n3A_1181 : i32
        %select_n3A_1192 = arith.select %and3A_1190, %add3A_1191, %rem3A_1182 : i32
        %mul3A_1193 = arith.constant 16 : i32
        %mul3A_1194 = arith.muli %select_n3A_1192, %mul3A_1193 : i32
        %swap3A_1195 = arith.constant 5 : i32
        %swap3A_1196 = arith.index_cast %swap3A_1195 : i32 to index
        %swap3A_1197 = arith.index_cast %select_n3A_1176 : i32 to index
        %swap3A_1198 = arith.index_cast %mul3A_1194 : i32 to index
        %swap3A_1199 = tpu.vector_load %arg11[%swap3A_1196, %swap3A_1197, %swap3A_1198] {strides = array<i32>} : memref<17x4x128xf32, #tpu.memory_space<vmem>>, vector<16xf32>,
        tpu.vector_store %arg11[%swap3A_1196, %swap3A_1197, %swap3A_1198], %add3A_658 {strides = array<i32>} : memref<17x4x128xf32, #tpu.memory_space<vmem>>, vector<16xf32>,
        %jit3A_1200 = arith.constant 8 : i32
        %div3A_1201 = arith.divsi %scan3A_481, %jit3A_1200 : i32
        %sign3A_1202 = arith.constant 0 : i32
        %sign3A_1203 = arith.cmpi sgt, %scan3A_481, %sign3A_1202 : i32
        %sign3A_1204 = arith.extui %sign3A_1203 : i1 to i32
        %sign3A_1205 = arith.constant 0 : i32
        %sign3A_1206 = arith.cmpi slt, %scan3A_481, %sign3A_1205 : i32
        %sign3A_1207 = arith.extui %sign3A_1206 : i1 to i32
        %sign3A_1208 = arith.subi %sign3A_1204, %sign3A_1207 : i32
        %sign3A_1209 = arith.constant 0 : i32
        %sign3A_1210 = arith.cmpi sgt, %jit3A_1200, %sign3A_1209 : i32
        %sign3A_1211 = arith.extui %sign3A_1210 : i1 to i32
        %sign3A_1212 = arith.constant 0 : i32
        %sign3A_1213 = arith.cmpi slt, %jit3A_1200, %sign3A_1212 : i32
        %sign3A_1214 = arith.extui %sign3A_1213 : i1 to i32
        %sign3A_1215 = arith.subi %sign3A_1211, %sign3A_1214 : i32
        %ne3A_1216 = arith.cmpi ne, %sign3A_1208, %sign3A_1215 : i32
        %rem3A_1217 = arith.remsi %scan3A_481, %jit3A_1200 : i32
        %ne3A_1218 = arith.constant 0 : i32
        %ne3A_1219 = arith.cmpi ne, %rem3A_1217, %ne3A_1218 : i32
        %and3A_1220 = arith.andi %ne3A_1216, %ne3A_1219 : i1
        %sub3A_1221 = arith.constant 1 : i32
        %sub3A_1222 = arith.subi %div3A_1201, %sub3A_1221 : i32
        %select_n3A_1223 = arith.select %and3A_1220, %sub3A_1222, %div3A_1201 : i32
        %jit3A_1224 = arith.constant 8 : i32
        %eq3A_1225 = arith.constant 0 : i32
        %eq3A_1226 = arith.cmpi eq, %jit3A_1224, %eq3A_1225 : i32
        %jit3A_1227 = arith.constant 1 : i32
        %select_n3A_1228 = arith.select %eq3A_1226, %jit3A_1227, %jit3A_1224 : i32
        %rem3A_1229 = arith.remsi %scan3A_481, %select_n3A_1228 : i32
        %ne3A_1230 = arith.constant 0 : i32
        %ne3A_1231 = arith.cmpi ne, %rem3A_1229, %ne3A_1230 : i32
        %lt3A_1232 = arith.constant 0 : i32
        %lt3A_1233 = arith.cmpi slt, %rem3A_1229, %lt3A_1232 : i32
        %lt3A_1234 = arith.constant 0 : i32
        %lt3A_1235 = arith.cmpi slt, %select_n3A_1228, %lt3A_1234 : i32
        %ne3A_1236 = arith.xori %lt3A_1233, %lt3A_1235 : i1
        %and3A_1237 = arith.andi %ne3A_1236, %ne3A_1231 : i1
        %add3A_1238 = arith.addi %rem3A_1229, %select_n3A_1228 : i32
        %select_n3A_1239 = arith.select %and3A_1237, %add3A_1238, %rem3A_1229 : i32
        %mul3A_1240 = arith.constant 16 : i32
        %mul3A_1241 = arith.muli %select_n3A_1239, %mul3A_1240 : i32
        %swap3A_1242 = arith.constant 6 : i32
        %swap3A_1243 = arith.index_cast %swap3A_1242 : i32 to index
        %swap3A_1244 = arith.index_cast %select_n3A_1223 : i32 to index
        %swap3A_1245 = arith.index_cast %mul3A_1241 : i32 to index
        %swap3A_1246 = tpu.vector_load %arg11[%swap3A_1243, %swap3A_1244, %swap3A_1245] {strides = array<i32>} : memref<17x4x128xf32, #tpu.memory_space<vmem>>, vector<16xf32>,
        tpu.vector_store %arg11[%swap3A_1243, %swap3A_1244, %swap3A_1245], %add3A_684 {strides = array<i32>} : memref<17x4x128xf32, #tpu.memory_space<vmem>>, vector<16xf32>,
        %jit3A_1247 = arith.constant 8 : i32
        %div3A_1248 = arith.divsi %scan3A_481, %jit3A_1247 : i32
        %sign3A_1249 = arith.constant 0 : i32
        %sign3A_1250 = arith.cmpi sgt, %scan3A_481, %sign3A_1249 : i32
        %sign3A_1251 = arith.extui %sign3A_1250 : i1 to i32
        %sign3A_1252 = arith.constant 0 : i32
        %sign3A_1253 = arith.cmpi slt, %scan3A_481, %sign3A_1252 : i32
        %sign3A_1254 = arith.extui %sign3A_1253 : i1 to i32
        %sign3A_1255 = arith.subi %sign3A_1251, %sign3A_1254 : i32
        %sign3A_1256 = arith.constant 0 : i32
        %sign3A_1257 = arith.cmpi sgt, %jit3A_1247, %sign3A_1256 : i32
        %sign3A_1258 = arith.extui %sign3A_1257 : i1 to i32
        %sign3A_1259 = arith.constant 0 : i32
        %sign3A_1260 = arith.cmpi slt, %jit3A_1247, %sign3A_1259 : i32
        %sign3A_1261 = arith.extui %sign3A_1260 : i1 to i32
        %sign3A_1262 = arith.subi %sign3A_1258, %sign3A_1261 : i32
        %ne3A_1263 = arith.cmpi ne, %sign3A_1255, %sign3A_1262 : i32
        %rem3A_1264 = arith.remsi %scan3A_481, %jit3A_1247 : i32
        %ne3A_1265 = arith.constant 0 : i32
        %ne3A_1266 = arith.cmpi ne, %rem3A_1264, %ne3A_1265 : i32
        %and3A_1267 = arith.andi %ne3A_1263, %ne3A_1266 : i1
        %sub3A_1268 = arith.constant 1 : i32
        %sub3A_1269 = arith.subi %div3A_1248, %sub3A_1268 : i32
        %select_n3A_1270 = arith.select %and3A_1267, %sub3A_1269, %div3A_1248 : i32
        %jit3A_1271 = arith.constant 8 : i32
        %eq3A_1272 = arith.constant 0 : i32
        %eq3A_1273 = arith.cmpi eq, %jit3A_1271, %eq3A_1272 : i32
        %jit3A_1274 = arith.constant 1 : i32
        %select_n3A_1275 = arith.select %eq3A_1273, %jit3A_1274, %jit3A_1271 : i32
        %rem3A_1276 = arith.remsi %scan3A_481, %select_n3A_1275 : i32
        %ne3A_1277 = arith.constant 0 : i32
        %ne3A_1278 = arith.cmpi ne, %rem3A_1276, %ne3A_1277 : i32
        %lt3A_1279 = arith.constant 0 : i32
        %lt3A_1280 = arith.cmpi slt, %rem3A_1276, %lt3A_1279 : i32
        %lt3A_1281 = arith.constant 0 : i32
        %lt3A_1282 = arith.cmpi slt, %select_n3A_1275, %lt3A_1281 : i32
        %ne3A_1283 = arith.xori %lt3A_1280, %lt3A_1282 : i1
        %and3A_1284 = arith.andi %ne3A_1283, %ne3A_1278 : i1
        %add3A_1285 = arith.addi %rem3A_1276, %select_n3A_1275 : i32
        %select_n3A_1286 = arith.select %and3A_1284, %add3A_1285, %rem3A_1276 : i32
        %mul3A_1287 = arith.constant 16 : i32
        %mul3A_1288 = arith.muli %select_n3A_1286, %mul3A_1287 : i32
        %swap3A_1289 = arith.constant 7 : i32
        %swap3A_1290 = arith.index_cast %swap3A_1289 : i32 to index
        %swap3A_1291 = arith.index_cast %select_n3A_1270 : i32 to index
        %swap3A_1292 = arith.index_cast %mul3A_1288 : i32 to index
        %swap3A_1293 = tpu.vector_load %arg11[%swap3A_1290, %swap3A_1291, %swap3A_1292] {strides = array<i32>} : memref<17x4x128xf32, #tpu.memory_space<vmem>>, vector<16xf32>,
        tpu.vector_store %arg11[%swap3A_1290, %swap3A_1291, %swap3A_1292], %add3A_710 {strides = array<i32>} : memref<17x4x128xf32, #tpu.memory_space<vmem>>, vector<16xf32>,
        %jit3A_1294 = arith.constant 8 : i32
        %div3A_1295 = arith.divsi %scan3A_481, %jit3A_1294 : i32
        %sign3A_1296 = arith.constant 0 : i32
        %sign3A_1297 = arith.cmpi sgt, %scan3A_481, %sign3A_1296 : i32
        %sign3A_1298 = arith.extui %sign3A_1297 : i1 to i32
        %sign3A_1299 = arith.constant 0 : i32
        %sign3A_1300 = arith.cmpi slt, %scan3A_481, %sign3A_1299 : i32
        %sign3A_1301 = arith.extui %sign3A_1300 : i1 to i32
        %sign3A_1302 = arith.subi %sign3A_1298, %sign3A_1301 : i32
        %sign3A_1303 = arith.constant 0 : i32
        %sign3A_1304 = arith.cmpi sgt, %jit3A_1294, %sign3A_1303 : i32
        %sign3A_1305 = arith.extui %sign3A_1304 : i1 to i32
        %sign3A_1306 = arith.constant 0 : i32
        %sign3A_1307 = arith.cmpi slt, %jit3A_1294, %sign3A_1306 : i32
        %sign3A_1308 = arith.extui %sign3A_1307 : i1 to i32
        %sign3A_1309 = arith.subi %sign3A_1305, %sign3A_1308 : i32
        %ne3A_1310 = arith.cmpi ne, %sign3A_1302, %sign3A_1309 : i32
        %rem3A_1311 = arith.remsi %scan3A_481, %jit3A_1294 : i32
        %ne3A_1312 = arith.constant 0 : i32
        %ne3A_1313 = arith.cmpi ne, %rem3A_1311, %ne3A_1312 : i32
        %and3A_1314 = arith.andi %ne3A_1310, %ne3A_1313 : i1
        %sub3A_1315 = arith.constant 1 : i32
        %sub3A_1316 = arith.subi %div3A_1295, %sub3A_1315 : i32
        %select_n3A_1317 = arith.select %and3A_1314, %sub3A_1316, %div3A_1295 : i32
        %jit3A_1318 = arith.constant 8 : i32
        %eq3A_1319 = arith.constant 0 : i32
        %eq3A_1320 = arith.cmpi eq, %jit3A_1318, %eq3A_1319 : i32
        %jit3A_1321 = arith.constant 1 : i32
        %select_n3A_1322 = arith.select %eq3A_1320, %jit3A_1321, %jit3A_1318 : i32
        %rem3A_1323 = arith.remsi %scan3A_481, %select_n3A_1322 : i32
        %ne3A_1324 = arith.constant 0 : i32
        %ne3A_1325 = arith.cmpi ne, %rem3A_1323, %ne3A_1324 : i32
        %lt3A_1326 = arith.constant 0 : i32
        %lt3A_1327 = arith.cmpi slt, %rem3A_1323, %lt3A_1326 : i32
        %lt3A_1328 = arith.constant 0 : i32
        %lt3A_1329 = arith.cmpi slt, %select_n3A_1322, %lt3A_1328 : i32
        %ne3A_1330 = arith.xori %lt3A_1327, %lt3A_1329 : i1
        %and3A_1331 = arith.andi %ne3A_1330, %ne3A_1325 : i1
        %add3A_1332 = arith.addi %rem3A_1323, %select_n3A_1322 : i32
        %select_n3A_1333 = arith.select %and3A_1331, %add3A_1332, %rem3A_1323 : i32
        %mul3A_1334 = arith.constant 16 : i32
        %mul3A_1335 = arith.muli %select_n3A_1333, %mul3A_1334 : i32
        %swap3A_1336 = arith.constant 8 : i32
        %swap3A_1337 = arith.index_cast %swap3A_1336 : i32 to index
        %swap3A_1338 = arith.index_cast %select_n3A_1317 : i32 to index
        %swap3A_1339 = arith.index_cast %mul3A_1335 : i32 to index
        %swap3A_1340 = tpu.vector_load %arg11[%swap3A_1337, %swap3A_1338, %swap3A_1339] {strides = array<i32>} : memref<17x4x128xf32, #tpu.memory_space<vmem>>, vector<16xf32>,
        tpu.vector_store %arg11[%swap3A_1337, %swap3A_1338, %swap3A_1339], %add3A_736 {strides = array<i32>} : memref<17x4x128xf32, #tpu.memory_space<vmem>>, vector<16xf32>,
        %jit3A_1341 = arith.constant 8 : i32
        %div3A_1342 = arith.divsi %scan3A_481, %jit3A_1341 : i32
        %sign3A_1343 = arith.constant 0 : i32
        %sign3A_1344 = arith.cmpi sgt, %scan3A_481, %sign3A_1343 : i32
        %sign3A_1345 = arith.extui %sign3A_1344 : i1 to i32
        %sign3A_1346 = arith.constant 0 : i32
        %sign3A_1347 = arith.cmpi slt, %scan3A_481, %sign3A_1346 : i32
        %sign3A_1348 = arith.extui %sign3A_1347 : i1 to i32
        %sign3A_1349 = arith.subi %sign3A_1345, %sign3A_1348 : i32
        %sign3A_1350 = arith.constant 0 : i32
        %sign3A_1351 = arith.cmpi sgt, %jit3A_1341, %sign3A_1350 : i32
        %sign3A_1352 = arith.extui %sign3A_1351 : i1 to i32
        %sign3A_1353 = arith.constant 0 : i32
        %sign3A_1354 = arith.cmpi slt, %jit3A_1341, %sign3A_1353 : i32
        %sign3A_1355 = arith.extui %sign3A_1354 : i1 to i32
        %sign3A_1356 = arith.subi %sign3A_1352, %sign3A_1355 : i32
        %ne3A_1357 = arith.cmpi ne, %sign3A_1349, %sign3A_1356 : i32
        %rem3A_1358 = arith.remsi %scan3A_481, %jit3A_1341 : i32
        %ne3A_1359 = arith.constant 0 : i32
        %ne3A_1360 = arith.cmpi ne, %rem3A_1358, %ne3A_1359 : i32
        %and3A_1361 = arith.andi %ne3A_1357, %ne3A_1360 : i1
        %sub3A_1362 = arith.constant 1 : i32
        %sub3A_1363 = arith.subi %div3A_1342, %sub3A_1362 : i32
        %select_n3A_1364 = arith.select %and3A_1361, %sub3A_1363, %div3A_1342 : i32
        %jit3A_1365 = arith.constant 8 : i32
        %eq3A_1366 = arith.constant 0 : i32
        %eq3A_1367 = arith.cmpi eq, %jit3A_1365, %eq3A_1366 : i32
        %jit3A_1368 = arith.constant 1 : i32
        %select_n3A_1369 = arith.select %eq3A_1367, %jit3A_1368, %jit3A_1365 : i32
        %rem3A_1370 = arith.remsi %scan3A_481, %select_n3A_1369 : i32
        %ne3A_1371 = arith.constant 0 : i32
        %ne3A_1372 = arith.cmpi ne, %rem3A_1370, %ne3A_1371 : i32
        %lt3A_1373 = arith.constant 0 : i32
        %lt3A_1374 = arith.cmpi slt, %rem3A_1370, %lt3A_1373 : i32
        %lt3A_1375 = arith.constant 0 : i32
        %lt3A_1376 = arith.cmpi slt, %select_n3A_1369, %lt3A_1375 : i32
        %ne3A_1377 = arith.xori %lt3A_1374, %lt3A_1376 : i1
        %and3A_1378 = arith.andi %ne3A_1377, %ne3A_1372 : i1
        %add3A_1379 = arith.addi %rem3A_1370, %select_n3A_1369 : i32
        %select_n3A_1380 = arith.select %and3A_1378, %add3A_1379, %rem3A_1370 : i32
        %mul3A_1381 = arith.constant 16 : i32
        %mul3A_1382 = arith.muli %select_n3A_1380, %mul3A_1381 : i32
        %swap3A_1383 = arith.constant 9 : i32
        %swap3A_1384 = arith.index_cast %swap3A_1383 : i32 to index
        %swap3A_1385 = arith.index_cast %select_n3A_1364 : i32 to index
        %swap3A_1386 = arith.index_cast %mul3A_1382 : i32 to index
        %swap3A_1387 = tpu.vector_load %arg11[%swap3A_1384, %swap3A_1385, %swap3A_1386] {strides = array<i32>} : memref<17x4x128xf32, #tpu.memory_space<vmem>>, vector<16xf32>,
        tpu.vector_store %arg11[%swap3A_1384, %swap3A_1385, %swap3A_1386], %add3A_762 {strides = array<i32>} : memref<17x4x128xf32, #tpu.memory_space<vmem>>, vector<16xf32>,
        %jit3A_1388 = arith.constant 8 : i32
        %div3A_1389 = arith.divsi %scan3A_481, %jit3A_1388 : i32
        %sign3A_1390 = arith.constant 0 : i32
        %sign3A_1391 = arith.cmpi sgt, %scan3A_481, %sign3A_1390 : i32
        %sign3A_1392 = arith.extui %sign3A_1391 : i1 to i32
        %sign3A_1393 = arith.constant 0 : i32
        %sign3A_1394 = arith.cmpi slt, %scan3A_481, %sign3A_1393 : i32
        %sign3A_1395 = arith.extui %sign3A_1394 : i1 to i32
        %sign3A_1396 = arith.subi %sign3A_1392, %sign3A_1395 : i32
        %sign3A_1397 = arith.constant 0 : i32
        %sign3A_1398 = arith.cmpi sgt, %jit3A_1388, %sign3A_1397 : i32
        %sign3A_1399 = arith.extui %sign3A_1398 : i1 to i32
        %sign3A_1400 = arith.constant 0 : i32
        %sign3A_1401 = arith.cmpi slt, %jit3A_1388, %sign3A_1400 : i32
        %sign3A_1402 = arith.extui %sign3A_1401 : i1 to i32
        %sign3A_1403 = arith.subi %sign3A_1399, %sign3A_1402 : i32
        %ne3A_1404 = arith.cmpi ne, %sign3A_1396, %sign3A_1403 : i32
        %rem3A_1405 = arith.remsi %scan3A_481, %jit3A_1388 : i32
        %ne3A_1406 = arith.constant 0 : i32
        %ne3A_1407 = arith.cmpi ne, %rem3A_1405, %ne3A_1406 : i32
        %and3A_1408 = arith.andi %ne3A_1404, %ne3A_1407 : i1
        %sub3A_1409 = arith.constant 1 : i32
        %sub3A_1410 = arith.subi %div3A_1389, %sub3A_1409 : i32
        %select_n3A_1411 = arith.select %and3A_1408, %sub3A_1410, %div3A_1389 : i32
        %jit3A_1412 = arith.constant 8 : i32
        %eq3A_1413 = arith.constant 0 : i32
        %eq3A_1414 = arith.cmpi eq, %jit3A_1412, %eq3A_1413 : i32
        %jit3A_1415 = arith.constant 1 : i32
        %select_n3A_1416 = arith.select %eq3A_1414, %jit3A_1415, %jit3A_1412 : i32
        %rem3A_1417 = arith.remsi %scan3A_481, %select_n3A_1416 : i32
        %ne3A_1418 = arith.constant 0 : i32
        %ne3A_1419 = arith.cmpi ne, %rem3A_1417, %ne3A_1418 : i32
        %lt3A_1420 = arith.constant 0 : i32
        %lt3A_1421 = arith.cmpi slt, %rem3A_1417, %lt3A_1420 : i32
        %lt3A_1422 = arith.constant 0 : i32
        %lt3A_1423 = arith.cmpi slt, %select_n3A_1416, %lt3A_1422 : i32
        %ne3A_1424 = arith.xori %lt3A_1421, %lt3A_1423 : i1
        %and3A_1425 = arith.andi %ne3A_1424, %ne3A_1419 : i1
        %add3A_1426 = arith.addi %rem3A_1417, %select_n3A_1416 : i32
        %select_n3A_1427 = arith.select %and3A_1425, %add3A_1426, %rem3A_1417 : i32
        %mul3A_1428 = arith.constant 16 : i32
        %mul3A_1429 = arith.muli %select_n3A_1427, %mul3A_1428 : i32
        %swap3A_1430 = arith.constant 10 : i32
        %swap3A_1431 = arith.index_cast %swap3A_1430 : i32 to index
        %swap3A_1432 = arith.index_cast %select_n3A_1411 : i32 to index
        %swap3A_1433 = arith.index_cast %mul3A_1429 : i32 to index
        %swap3A_1434 = tpu.vector_load %arg11[%swap3A_1431, %swap3A_1432, %swap3A_1433] {strides = array<i32>} : memref<17x4x128xf32, #tpu.memory_space<vmem>>, vector<16xf32>,
        tpu.vector_store %arg11[%swap3A_1431, %swap3A_1432, %swap3A_1433], %add3A_788 {strides = array<i32>} : memref<17x4x128xf32, #tpu.memory_space<vmem>>, vector<16xf32>,
        %jit3A_1435 = arith.constant 8 : i32
        %div3A_1436 = arith.divsi %scan3A_481, %jit3A_1435 : i32
        %sign3A_1437 = arith.constant 0 : i32
        %sign3A_1438 = arith.cmpi sgt, %scan3A_481, %sign3A_1437 : i32
        %sign3A_1439 = arith.extui %sign3A_1438 : i1 to i32
        %sign3A_1440 = arith.constant 0 : i32
        %sign3A_1441 = arith.cmpi slt, %scan3A_481, %sign3A_1440 : i32
        %sign3A_1442 = arith.extui %sign3A_1441 : i1 to i32
        %sign3A_1443 = arith.subi %sign3A_1439, %sign3A_1442 : i32
        %sign3A_1444 = arith.constant 0 : i32
        %sign3A_1445 = arith.cmpi sgt, %jit3A_1435, %sign3A_1444 : i32
        %sign3A_1446 = arith.extui %sign3A_1445 : i1 to i32
        %sign3A_1447 = arith.constant 0 : i32
        %sign3A_1448 = arith.cmpi slt, %jit3A_1435, %sign3A_1447 : i32
        %sign3A_1449 = arith.extui %sign3A_1448 : i1 to i32
        %sign3A_1450 = arith.subi %sign3A_1446, %sign3A_1449 : i32
        %ne3A_1451 = arith.cmpi ne, %sign3A_1443, %sign3A_1450 : i32
        %rem3A_1452 = arith.remsi %scan3A_481, %jit3A_1435 : i32
        %ne3A_1453 = arith.constant 0 : i32
        %ne3A_1454 = arith.cmpi ne, %rem3A_1452, %ne3A_1453 : i32
        %and3A_1455 = arith.andi %ne3A_1451, %ne3A_1454 : i1
        %sub3A_1456 = arith.constant 1 : i32
        %sub3A_1457 = arith.subi %div3A_1436, %sub3A_1456 : i32
        %select_n3A_1458 = arith.select %and3A_1455, %sub3A_1457, %div3A_1436 : i32
        %jit3A_1459 = arith.constant 8 : i32
        %eq3A_1460 = arith.constant 0 : i32
        %eq3A_1461 = arith.cmpi eq, %jit3A_1459, %eq3A_1460 : i32
        %jit3A_1462 = arith.constant 1 : i32
        %select_n3A_1463 = arith.select %eq3A_1461, %jit3A_1462, %jit3A_1459 : i32
        %rem3A_1464 = arith.remsi %scan3A_481, %select_n3A_1463 : i32
        %ne3A_1465 = arith.constant 0 : i32
        %ne3A_1466 = arith.cmpi ne, %rem3A_1464, %ne3A_1465 : i32
        %lt3A_1467 = arith.constant 0 : i32
        %lt3A_1468 = arith.cmpi slt, %rem3A_1464, %lt3A_1467 : i32
        %lt3A_1469 = arith.constant 0 : i32
        %lt3A_1470 = arith.cmpi slt, %select_n3A_1463, %lt3A_1469 : i32
        %ne3A_1471 = arith.xori %lt3A_1468, %lt3A_1470 : i1
        %and3A_1472 = arith.andi %ne3A_1471, %ne3A_1466 : i1
        %add3A_1473 = arith.addi %rem3A_1464, %select_n3A_1463 : i32
        %select_n3A_1474 = arith.select %and3A_1472, %add3A_1473, %rem3A_1464 : i32
        %mul3A_1475 = arith.constant 16 : i32
        %mul3A_1476 = arith.muli %select_n3A_1474, %mul3A_1475 : i32
        %swap3A_1477 = arith.constant 11 : i32
        %swap3A_1478 = arith.index_cast %swap3A_1477 : i32 to index
        %swap3A_1479 = arith.index_cast %select_n3A_1458 : i32 to index
        %swap3A_1480 = arith.index_cast %mul3A_1476 : i32 to index
        %swap3A_1481 = tpu.vector_load %arg11[%swap3A_1478, %swap3A_1479, %swap3A_1480] {strides = array<i32>} : memref<17x4x128xf32, #tpu.memory_space<vmem>>, vector<16xf32>,
        tpu.vector_store %arg11[%swap3A_1478, %swap3A_1479, %swap3A_1480], %add3A_814 {strides = array<i32>} : memref<17x4x128xf32, #tpu.memory_space<vmem>>, vector<16xf32>,
        %jit3A_1482 = arith.constant 8 : i32
        %div3A_1483 = arith.divsi %scan3A_481, %jit3A_1482 : i32
        %sign3A_1484 = arith.constant 0 : i32
        %sign3A_1485 = arith.cmpi sgt, %scan3A_481, %sign3A_1484 : i32
        %sign3A_1486 = arith.extui %sign3A_1485 : i1 to i32
        %sign3A_1487 = arith.constant 0 : i32
        %sign3A_1488 = arith.cmpi slt, %scan3A_481, %sign3A_1487 : i32
        %sign3A_1489 = arith.extui %sign3A_1488 : i1 to i32
        %sign3A_1490 = arith.subi %sign3A_1486, %sign3A_1489 : i32
        %sign3A_1491 = arith.constant 0 : i32
        %sign3A_1492 = arith.cmpi sgt, %jit3A_1482, %sign3A_1491 : i32
        %sign3A_1493 = arith.extui %sign3A_1492 : i1 to i32
        %sign3A_1494 = arith.constant 0 : i32
        %sign3A_1495 = arith.cmpi slt, %jit3A_1482, %sign3A_1494 : i32
        %sign3A_1496 = arith.extui %sign3A_1495 : i1 to i32
        %sign3A_1497 = arith.subi %sign3A_1493, %sign3A_1496 : i32
        %ne3A_1498 = arith.cmpi ne, %sign3A_1490, %sign3A_1497 : i32
        %rem3A_1499 = arith.remsi %scan3A_481, %jit3A_1482 : i32
        %ne3A_1500 = arith.constant 0 : i32
        %ne3A_1501 = arith.cmpi ne, %rem3A_1499, %ne3A_1500 : i32
        %and3A_1502 = arith.andi %ne3A_1498, %ne3A_1501 : i1
        %sub3A_1503 = arith.constant 1 : i32
        %sub3A_1504 = arith.subi %div3A_1483, %sub3A_1503 : i32
        %select_n3A_1505 = arith.select %and3A_1502, %sub3A_1504, %div3A_1483 : i32
        %jit3A_1506 = arith.constant 8 : i32
        %eq3A_1507 = arith.constant 0 : i32
        %eq3A_1508 = arith.cmpi eq, %jit3A_1506, %eq3A_1507 : i32
        %jit3A_1509 = arith.constant 1 : i32
        %select_n3A_1510 = arith.select %eq3A_1508, %jit3A_1509, %jit3A_1506 : i32
        %rem3A_1511 = arith.remsi %scan3A_481, %select_n3A_1510 : i32
        %ne3A_1512 = arith.constant 0 : i32
        %ne3A_1513 = arith.cmpi ne, %rem3A_1511, %ne3A_1512 : i32
        %lt3A_1514 = arith.constant 0 : i32
        %lt3A_1515 = arith.cmpi slt, %rem3A_1511, %lt3A_1514 : i32
        %lt3A_1516 = arith.constant 0 : i32
        %lt3A_1517 = arith.cmpi slt, %select_n3A_1510, %lt3A_1516 : i32
        %ne3A_1518 = arith.xori %lt3A_1515, %lt3A_1517 : i1
        %and3A_1519 = arith.andi %ne3A_1518, %ne3A_1513 : i1
        %add3A_1520 = arith.addi %rem3A_1511, %select_n3A_1510 : i32
        %select_n3A_1521 = arith.select %and3A_1519, %add3A_1520, %rem3A_1511 : i32
        %mul3A_1522 = arith.constant 16 : i32
        %mul3A_1523 = arith.muli %select_n3A_1521, %mul3A_1522 : i32
        %swap3A_1524 = arith.constant 12 : i32
        %swap3A_1525 = arith.index_cast %swap3A_1524 : i32 to index
        %swap3A_1526 = arith.index_cast %select_n3A_1505 : i32 to index
        %swap3A_1527 = arith.index_cast %mul3A_1523 : i32 to index
        %swap3A_1528 = tpu.vector_load %arg11[%swap3A_1525, %swap3A_1526, %swap3A_1527] {strides = array<i32>} : memref<17x4x128xf32, #tpu.memory_space<vmem>>, vector<16xf32>,
        tpu.vector_store %arg11[%swap3A_1525, %swap3A_1526, %swap3A_1527], %add3A_840 {strides = array<i32>} : memref<17x4x128xf32, #tpu.memory_space<vmem>>, vector<16xf32>,
        %jit3A_1529 = arith.constant 8 : i32
        %div3A_1530 = arith.divsi %scan3A_481, %jit3A_1529 : i32
        %sign3A_1531 = arith.constant 0 : i32
        %sign3A_1532 = arith.cmpi sgt, %scan3A_481, %sign3A_1531 : i32
        %sign3A_1533 = arith.extui %sign3A_1532 : i1 to i32
        %sign3A_1534 = arith.constant 0 : i32
        %sign3A_1535 = arith.cmpi slt, %scan3A_481, %sign3A_1534 : i32
        %sign3A_1536 = arith.extui %sign3A_1535 : i1 to i32
        %sign3A_1537 = arith.subi %sign3A_1533, %sign3A_1536 : i32
        %sign3A_1538 = arith.constant 0 : i32
        %sign3A_1539 = arith.cmpi sgt, %jit3A_1529, %sign3A_1538 : i32
        %sign3A_1540 = arith.extui %sign3A_1539 : i1 to i32
        %sign3A_1541 = arith.constant 0 : i32
        %sign3A_1542 = arith.cmpi slt, %jit3A_1529, %sign3A_1541 : i32
        %sign3A_1543 = arith.extui %sign3A_1542 : i1 to i32
        %sign3A_1544 = arith.subi %sign3A_1540, %sign3A_1543 : i32
        %ne3A_1545 = arith.cmpi ne, %sign3A_1537, %sign3A_1544 : i32
        %rem3A_1546 = arith.remsi %scan3A_481, %jit3A_1529 : i32
        %ne3A_1547 = arith.constant 0 : i32
        %ne3A_1548 = arith.cmpi ne, %rem3A_1546, %ne3A_1547 : i32
        %and3A_1549 = arith.andi %ne3A_1545, %ne3A_1548 : i1
        %sub3A_1550 = arith.constant 1 : i32
        %sub3A_1551 = arith.subi %div3A_1530, %sub3A_1550 : i32
        %select_n3A_1552 = arith.select %and3A_1549, %sub3A_1551, %div3A_1530 : i32
        %jit3A_1553 = arith.constant 8 : i32
        %eq3A_1554 = arith.constant 0 : i32
        %eq3A_1555 = arith.cmpi eq, %jit3A_1553, %eq3A_1554 : i32
        %jit3A_1556 = arith.constant 1 : i32
        %select_n3A_1557 = arith.select %eq3A_1555, %jit3A_1556, %jit3A_1553 : i32
        %rem3A_1558 = arith.remsi %scan3A_481, %select_n3A_1557 : i32
        %ne3A_1559 = arith.constant 0 : i32
        %ne3A_1560 = arith.cmpi ne, %rem3A_1558, %ne3A_1559 : i32
        %lt3A_1561 = arith.constant 0 : i32
        %lt3A_1562 = arith.cmpi slt, %rem3A_1558, %lt3A_1561 : i32
        %lt3A_1563 = arith.constant 0 : i32
        %lt3A_1564 = arith.cmpi slt, %select_n3A_1557, %lt3A_1563 : i32
        %ne3A_1565 = arith.xori %lt3A_1562, %lt3A_1564 : i1
        %and3A_1566 = arith.andi %ne3A_1565, %ne3A_1560 : i1
        %add3A_1567 = arith.addi %rem3A_1558, %select_n3A_1557 : i32
        %select_n3A_1568 = arith.select %and3A_1566, %add3A_1567, %rem3A_1558 : i32
        %mul3A_1569 = arith.constant 16 : i32
        %mul3A_1570 = arith.muli %select_n3A_1568, %mul3A_1569 : i32
        %swap3A_1571 = arith.constant 13 : i32
        %swap3A_1572 = arith.index_cast %swap3A_1571 : i32 to index
        %swap3A_1573 = arith.index_cast %select_n3A_1552 : i32 to index
        %swap3A_1574 = arith.index_cast %mul3A_1570 : i32 to index
        %swap3A_1575 = tpu.vector_load %arg11[%swap3A_1572, %swap3A_1573, %swap3A_1574] {strides = array<i32>} : memref<17x4x128xf32, #tpu.memory_space<vmem>>, vector<16xf32>,
        tpu.vector_store %arg11[%swap3A_1572, %swap3A_1573, %swap3A_1574], %add3A_866 {strides = array<i32>} : memref<17x4x128xf32, #tpu.memory_space<vmem>>, vector<16xf32>,
        %jit3A_1576 = arith.constant 8 : i32
        %div3A_1577 = arith.divsi %scan3A_481, %jit3A_1576 : i32
        %sign3A_1578 = arith.constant 0 : i32
        %sign3A_1579 = arith.cmpi sgt, %scan3A_481, %sign3A_1578 : i32
        %sign3A_1580 = arith.extui %sign3A_1579 : i1 to i32
        %sign3A_1581 = arith.constant 0 : i32
        %sign3A_1582 = arith.cmpi slt, %scan3A_481, %sign3A_1581 : i32
        %sign3A_1583 = arith.extui %sign3A_1582 : i1 to i32
        %sign3A_1584 = arith.subi %sign3A_1580, %sign3A_1583 : i32
        %sign3A_1585 = arith.constant 0 : i32
        %sign3A_1586 = arith.cmpi sgt, %jit3A_1576, %sign3A_1585 : i32
        %sign3A_1587 = arith.extui %sign3A_1586 : i1 to i32
        %sign3A_1588 = arith.constant 0 : i32
        %sign3A_1589 = arith.cmpi slt, %jit3A_1576, %sign3A_1588 : i32
        %sign3A_1590 = arith.extui %sign3A_1589 : i1 to i32
        %sign3A_1591 = arith.subi %sign3A_1587, %sign3A_1590 : i32
        %ne3A_1592 = arith.cmpi ne, %sign3A_1584, %sign3A_1591 : i32
        %rem3A_1593 = arith.remsi %scan3A_481, %jit3A_1576 : i32
        %ne3A_1594 = arith.constant 0 : i32
        %ne3A_1595 = arith.cmpi ne, %rem3A_1593, %ne3A_1594 : i32
        %and3A_1596 = arith.andi %ne3A_1592, %ne3A_1595 : i1
        %sub3A_1597 = arith.constant 1 : i32
        %sub3A_1598 = arith.subi %div3A_1577, %sub3A_1597 : i32
        %select_n3A_1599 = arith.select %and3A_1596, %sub3A_1598, %div3A_1577 : i32
        %jit3A_1600 = arith.constant 8 : i32
        %eq3A_1601 = arith.constant 0 : i32
        %eq3A_1602 = arith.cmpi eq, %jit3A_1600, %eq3A_1601 : i32
        %jit3A_1603 = arith.constant 1 : i32
        %select_n3A_1604 = arith.select %eq3A_1602, %jit3A_1603, %jit3A_1600 : i32
        %rem3A_1605 = arith.remsi %scan3A_481, %select_n3A_1604 : i32
        %ne3A_1606 = arith.constant 0 : i32
        %ne3A_1607 = arith.cmpi ne, %rem3A_1605, %ne3A_1606 : i32
        %lt3A_1608 = arith.constant 0 : i32
        %lt3A_1609 = arith.cmpi slt, %rem3A_1605, %lt3A_1608 : i32
        %lt3A_1610 = arith.constant 0 : i32
        %lt3A_1611 = arith.cmpi slt, %select_n3A_1604, %lt3A_1610 : i32
        %ne3A_1612 = arith.xori %lt3A_1609, %lt3A_1611 : i1
        %and3A_1613 = arith.andi %ne3A_1612, %ne3A_1607 : i1
        %add3A_1614 = arith.addi %rem3A_1605, %select_n3A_1604 : i32
        %select_n3A_1615 = arith.select %and3A_1613, %add3A_1614, %rem3A_1605 : i32
        %mul3A_1616 = arith.constant 16 : i32
        %mul3A_1617 = arith.muli %select_n3A_1615, %mul3A_1616 : i32
        %swap3A_1618 = arith.constant 14 : i32
        %swap3A_1619 = arith.index_cast %swap3A_1618 : i32 to index
        %swap3A_1620 = arith.index_cast %select_n3A_1599 : i32 to index
        %swap3A_1621 = arith.index_cast %mul3A_1617 : i32 to index
        %swap3A_1622 = tpu.vector_load %arg11[%swap3A_1619, %swap3A_1620, %swap3A_1621] {strides = array<i32>} : memref<17x4x128xf32, #tpu.memory_space<vmem>>, vector<16xf32>,
        tpu.vector_store %arg11[%swap3A_1619, %swap3A_1620, %swap3A_1621], %add3A_892 {strides = array<i32>} : memref<17x4x128xf32, #tpu.memory_space<vmem>>, vector<16xf32>,
        %jit3A_1623 = arith.constant 8 : i32
        %div3A_1624 = arith.divsi %scan3A_481, %jit3A_1623 : i32
        %sign3A_1625 = arith.constant 0 : i32
        %sign3A_1626 = arith.cmpi sgt, %scan3A_481, %sign3A_1625 : i32
        %sign3A_1627 = arith.extui %sign3A_1626 : i1 to i32
        %sign3A_1628 = arith.constant 0 : i32
        %sign3A_1629 = arith.cmpi slt, %scan3A_481, %sign3A_1628 : i32
        %sign3A_1630 = arith.extui %sign3A_1629 : i1 to i32
        %sign3A_1631 = arith.subi %sign3A_1627, %sign3A_1630 : i32
        %sign3A_1632 = arith.constant 0 : i32
        %sign3A_1633 = arith.cmpi sgt, %jit3A_1623, %sign3A_1632 : i32
        %sign3A_1634 = arith.extui %sign3A_1633 : i1 to i32
        %sign3A_1635 = arith.constant 0 : i32
        %sign3A_1636 = arith.cmpi slt, %jit3A_1623, %sign3A_1635 : i32
        %sign3A_1637 = arith.extui %sign3A_1636 : i1 to i32
        %sign3A_1638 = arith.subi %sign3A_1634, %sign3A_1637 : i32
        %ne3A_1639 = arith.cmpi ne, %sign3A_1631, %sign3A_1638 : i32
        %rem3A_1640 = arith.remsi %scan3A_481, %jit3A_1623 : i32
        %ne3A_1641 = arith.constant 0 : i32
        %ne3A_1642 = arith.cmpi ne, %rem3A_1640, %ne3A_1641 : i32
        %and3A_1643 = arith.andi %ne3A_1639, %ne3A_1642 : i1
        %sub3A_1644 = arith.constant 1 : i32
        %sub3A_1645 = arith.subi %div3A_1624, %sub3A_1644 : i32
        %select_n3A_1646 = arith.select %and3A_1643, %sub3A_1645, %div3A_1624 : i32
        %jit3A_1647 = arith.constant 8 : i32
        %eq3A_1648 = arith.constant 0 : i32
        %eq3A_1649 = arith.cmpi eq, %jit3A_1647, %eq3A_1648 : i32
        %jit3A_1650 = arith.constant 1 : i32
        %select_n3A_1651 = arith.select %eq3A_1649, %jit3A_1650, %jit3A_1647 : i32
        %rem3A_1652 = arith.remsi %scan3A_481, %select_n3A_1651 : i32
        %ne3A_1653 = arith.constant 0 : i32
        %ne3A_1654 = arith.cmpi ne, %rem3A_1652, %ne3A_1653 : i32
        %lt3A_1655 = arith.constant 0 : i32
        %lt3A_1656 = arith.cmpi slt, %rem3A_1652, %lt3A_1655 : i32
        %lt3A_1657 = arith.constant 0 : i32
        %lt3A_1658 = arith.cmpi slt, %select_n3A_1651, %lt3A_1657 : i32
        %ne3A_1659 = arith.xori %lt3A_1656, %lt3A_1658 : i1
        %and3A_1660 = arith.andi %ne3A_1659, %ne3A_1654 : i1
        %add3A_1661 = arith.addi %rem3A_1652, %select_n3A_1651 : i32
        %select_n3A_1662 = arith.select %and3A_1660, %add3A_1661, %rem3A_1652 : i32
        %mul3A_1663 = arith.constant 16 : i32
        %mul3A_1664 = arith.muli %select_n3A_1662, %mul3A_1663 : i32
        %swap3A_1665 = arith.constant 15 : i32
        %swap3A_1666 = arith.index_cast %swap3A_1665 : i32 to index
        %swap3A_1667 = arith.index_cast %select_n3A_1646 : i32 to index
        %swap3A_1668 = arith.index_cast %mul3A_1664 : i32 to index
        %swap3A_1669 = tpu.vector_load %arg11[%swap3A_1666, %swap3A_1667, %swap3A_1668] {strides = array<i32>} : memref<17x4x128xf32, #tpu.memory_space<vmem>>, vector<16xf32>,
        tpu.vector_store %arg11[%swap3A_1666, %swap3A_1667, %swap3A_1668], %add3A_918 {strides = array<i32>} : memref<17x4x128xf32, #tpu.memory_space<vmem>>, vector<16xf32>,
        %add3A_1670 = arith.addf %get3A_491, %get3A_497 : vector<16xf32>
        %add3A_1671 = arith.addf %add3A_1670, %get3A_503 : vector<16xf32>
        %jit3A_1672 = arith.constant 8 : i32
        %div3A_1673 = arith.divsi %scan3A_481, %jit3A_1672 : i32
        %sign3A_1674 = arith.constant 0 : i32
        %sign3A_1675 = arith.cmpi sgt, %scan3A_481, %sign3A_1674 : i32
        %sign3A_1676 = arith.extui %sign3A_1675 : i1 to i32
        %sign3A_1677 = arith.constant 0 : i32
        %sign3A_1678 = arith.cmpi slt, %scan3A_481, %sign3A_1677 : i32
        %sign3A_1679 = arith.extui %sign3A_1678 : i1 to i32
        %sign3A_1680 = arith.subi %sign3A_1676, %sign3A_1679 : i32
        %sign3A_1681 = arith.constant 0 : i32
        %sign3A_1682 = arith.cmpi sgt, %jit3A_1672, %sign3A_1681 : i32
        %sign3A_1683 = arith.extui %sign3A_1682 : i1 to i32
        %sign3A_1684 = arith.constant 0 : i32
        %sign3A_1685 = arith.cmpi slt, %jit3A_1672, %sign3A_1684 : i32
        %sign3A_1686 = arith.extui %sign3A_1685 : i1 to i32
        %sign3A_1687 = arith.subi %sign3A_1683, %sign3A_1686 : i32
        %ne3A_1688 = arith.cmpi ne, %sign3A_1680, %sign3A_1687 : i32
        %rem3A_1689 = arith.remsi %scan3A_481, %jit3A_1672 : i32
        %ne3A_1690 = arith.constant 0 : i32
        %ne3A_1691 = arith.cmpi ne, %rem3A_1689, %ne3A_1690 : i32
        %and3A_1692 = arith.andi %ne3A_1688, %ne3A_1691 : i1
        %sub3A_1693 = arith.constant 1 : i32
        %sub3A_1694 = arith.subi %div3A_1673, %sub3A_1693 : i32
        %select_n3A_1695 = arith.select %and3A_1692, %sub3A_1694, %div3A_1673 : i32
        %jit3A_1696 = arith.constant 8 : i32
        %eq3A_1697 = arith.constant 0 : i32
        %eq3A_1698 = arith.cmpi eq, %jit3A_1696, %eq3A_1697 : i32
        %jit3A_1699 = arith.constant 1 : i32
        %select_n3A_1700 = arith.select %eq3A_1698, %jit3A_1699, %jit3A_1696 : i32
        %rem3A_1701 = arith.remsi %scan3A_481, %select_n3A_1700 : i32
        %ne3A_1702 = arith.constant 0 : i32
        %ne3A_1703 = arith.cmpi ne, %rem3A_1701, %ne3A_1702 : i32
        %lt3A_1704 = arith.constant 0 : i32
        %lt3A_1705 = arith.cmpi slt, %rem3A_1701, %lt3A_1704 : i32
        %lt3A_1706 = arith.constant 0 : i32
        %lt3A_1707 = arith.cmpi slt, %select_n3A_1700, %lt3A_1706 : i32
        %ne3A_1708 = arith.xori %lt3A_1705, %lt3A_1707 : i1
        %and3A_1709 = arith.andi %ne3A_1708, %ne3A_1703 : i1
        %add3A_1710 = arith.addi %rem3A_1701, %select_n3A_1700 : i32
        %select_n3A_1711 = arith.select %and3A_1709, %add3A_1710, %rem3A_1701 : i32
        %mul3A_1712 = arith.constant 16 : i32
        %mul3A_1713 = arith.muli %select_n3A_1711, %mul3A_1712 : i32
        %swap3A_1714 = arith.constant 16 : i32
        %swap3A_1715 = arith.index_cast %swap3A_1714 : i32 to index
        %swap3A_1716 = arith.index_cast %select_n3A_1695 : i32 to index
        %swap3A_1717 = arith.index_cast %mul3A_1713 : i32 to index
        %swap3A_1718 = tpu.vector_load %arg11[%swap3A_1715, %swap3A_1716, %swap3A_1717] {strides = array<i32>} : memref<17x4x128xf32, #tpu.memory_space<vmem>>, vector<16xf32>,
        tpu.vector_store %arg11[%swap3A_1715, %swap3A_1716, %swap3A_1717], %add3A_1671 {strides = array<i32>} : memref<17x4x128xf32, #tpu.memory_space<vmem>>, vector<16xf32>,
        %scan3A_1719 = arith.constant 0 : i32
        scf.yield %scan3A_1719 : i32
      }
      %scan3A_428 = arith.constant 32 : i32
      %add3A_429 = arith.addi %select_n3A_56, %add3A_219 : i32
      %jit3A_430 = arith.constant 8 : i32
      %div3A_431 = arith.divsi %add3A_429, %jit3A_430 : i32
      %sign3A_432 = arith.constant 0 : i32
      %sign3A_433 = arith.cmpi sgt, %add3A_429, %sign3A_432 : i32
      %sign3A_434 = arith.extui %sign3A_433 : i1 to i32
      %sign3A_435 = arith.constant 0 : i32
      %sign3A_436 = arith.cmpi slt, %add3A_429, %sign3A_435 : i32
      %sign3A_437 = arith.extui %sign3A_436 : i1 to i32
      %sign3A_438 = arith.subi %sign3A_434, %sign3A_437 : i32
      %sign3A_439 = arith.constant 0 : i32
      %sign3A_440 = arith.cmpi sgt, %jit3A_430, %sign3A_439 : i32
      %sign3A_441 = arith.extui %sign3A_440 : i1 to i32
      %sign3A_442 = arith.constant 0 : i32
      %sign3A_443 = arith.cmpi slt, %jit3A_430, %sign3A_442 : i32
      %sign3A_444 = arith.extui %sign3A_443 : i1 to i32
      %sign3A_445 = arith.subi %sign3A_441, %sign3A_444 : i32
      %ne3A_446 = arith.cmpi ne, %sign3A_438, %sign3A_445 : i32
      %rem3A_447 = arith.remsi %add3A_429, %jit3A_430 : i32
      %ne3A_448 = arith.constant 0 : i32
      %ne3A_449 = arith.cmpi ne, %rem3A_447, %ne3A_448 : i32
      %and3A_450 = arith.andi %ne3A_446, %ne3A_449 : i1
      %sub3A_451 = arith.constant 1 : i32
      %sub3A_452 = arith.subi %div3A_431, %sub3A_451 : i32
      %select_n3A_453 = arith.select %and3A_450, %sub3A_452, %div3A_431 : i32
      %jit3A_454 = arith.constant 8 : i32
      %eq3A_455 = arith.constant 0 : i32
      %eq3A_456 = arith.cmpi eq, %jit3A_454, %eq3A_455 : i32
      %jit3A_457 = arith.constant 1 : i32
      %select_n3A_458 = arith.select %eq3A_456, %jit3A_457, %jit3A_454 : i32
      %rem3A_459 = arith.remsi %add3A_429, %select_n3A_458 : i32
      %ne3A_460 = arith.constant 0 : i32
      %ne3A_461 = arith.cmpi ne, %rem3A_459, %ne3A_460 : i32
      %lt3A_462 = arith.constant 0 : i32
      %lt3A_463 = arith.cmpi slt, %rem3A_459, %lt3A_462 : i32
      %lt3A_464 = arith.constant 0 : i32
      %lt3A_465 = arith.cmpi slt, %select_n3A_458, %lt3A_464 : i32
      %ne3A_466 = arith.xori %lt3A_463, %lt3A_465 : i1
      %and3A_467 = arith.andi %ne3A_466, %ne3A_461 : i1
      %add3A_468 = arith.addi %rem3A_459, %select_n3A_458 : i32
      %select_n3A_469 = arith.select %and3A_467, %add3A_468, %rem3A_459 : i32
      %dma_start3A_470 = arith.constant 0 : i32
      %dma_start3A_471 = arith.constant 0 : i32
      %dma_start3A_472 = arith.constant 0 : i32
      %dma_start3A_473 = tpu.memref_slice %arg3[%select_n3A, %dma_start3A_470, %select_n3A_453, %dma_start3A_471, %select_n3A_469, %dma_start3A_472] : memref<4x17x64x4x8x128xf32, #tpu.memory_space<hbm>> -> memref<1x17x1x4x1x128xf32, #tpu.memory_space<hbm>>
      %dma_start3A_474 = tpu.memref_squeeze %dma_start3A_473 : memref<1x17x1x4x1x128xf32, #tpu.memory_space<hbm>> -> memref<17x4x128xf32, #tpu.memory_space<hbm>>
      %dma_start3A_475 = arith.constant 0 : i32
      %dma_start3A_476 = arith.constant 0 : i32
      %dma_start3A_477 = arith.constant 0 : i32
      %dma_start3A_478 = tpu.memref_slice %arg3[%select_n3A, %dma_start3A_475, %select_n3A_453, %dma_start3A_476, %select_n3A_469, %dma_start3A_477] : memref<4x17x64x4x8x128xf32, #tpu.memory_space<hbm>> -> memref<1x17x1x4x1x128xf32, #tpu.memory_space<hbm>>
      %dma_start3A_479 = tpu.memref_squeeze %dma_start3A_478 : memref<1x17x1x4x1x128xf32, #tpu.memory_space<hbm>> -> memref<17x4x128xf32, #tpu.memory_space<hbm>>
      tpu.enqueue_dma source(%arg11 : memref<17x4x128xf32, #tpu.memory_space<vmem>>) target(%dma_start3A_479 : memref<17x4x128xf32, #tpu.memory_space<hbm>>) target_semaphore(%arg15 : memref<!tpu.dma_semaphore, #tpu.memory_space<semaphore_mem>>)
      %scan3A_480 = arith.constant 0 : i32
      scf.yield %scan3A_480 : i32
    }
    %scan3A_110 = arith.constant 32 : i32
    %add3A_111 = arith.constant 0 : i32
    %add3A_112 = arith.addi %select_n3A_56, %add3A_111 : i32
    %jit3A_113 = arith.constant 8 : i32
    %div3A_114 = arith.divsi %add3A_112, %jit3A_113 : i32
    %sign3A_115 = arith.constant 0 : i32
    %sign3A_116 = arith.cmpi sgt, %add3A_112, %sign3A_115 : i32
    %sign3A_117 = arith.extui %sign3A_116 : i1 to i32
    %sign3A_118 = arith.constant 0 : i32
    %sign3A_119 = arith.cmpi slt, %add3A_112, %sign3A_118 : i32
    %sign3A_120 = arith.extui %sign3A_119 : i1 to i32
    %sign3A_121 = arith.subi %sign3A_117, %sign3A_120 : i32
    %sign3A_122 = arith.constant 0 : i32
    %sign3A_123 = arith.cmpi sgt, %jit3A_113, %sign3A_122 : i32
    %sign3A_124 = arith.extui %sign3A_123 : i1 to i32
    %sign3A_125 = arith.constant 0 : i32
    %sign3A_126 = arith.cmpi slt, %jit3A_113, %sign3A_125 : i32
    %sign3A_127 = arith.extui %sign3A_126 : i1 to i32
    %sign3A_128 = arith.subi %sign3A_124, %sign3A_127 : i32
    %ne3A_129 = arith.cmpi ne, %sign3A_121, %sign3A_128 : i32
    %rem3A_130 = arith.remsi %add3A_112, %jit3A_113 : i32
    %ne3A_131 = arith.constant 0 : i32
    %ne3A_132 = arith.cmpi ne, %rem3A_130, %ne3A_131 : i32
    %and3A_133 = arith.andi %ne3A_129, %ne3A_132 : i1
    %sub3A_134 = arith.constant 1 : i32
    %sub3A_135 = arith.subi %div3A_114, %sub3A_134 : i32
    %select_n3A_136 = arith.select %and3A_133, %sub3A_135, %div3A_114 : i32
    %jit3A_137 = arith.constant 8 : i32
    %eq3A_138 = arith.constant 0 : i32
    %eq3A_139 = arith.cmpi eq, %jit3A_137, %eq3A_138 : i32
    %jit3A_140 = arith.constant 1 : i32
    %select_n3A_141 = arith.select %eq3A_139, %jit3A_140, %jit3A_137 : i32
    %rem3A_142 = arith.remsi %add3A_112, %select_n3A_141 : i32
    %ne3A_143 = arith.constant 0 : i32
    %ne3A_144 = arith.cmpi ne, %rem3A_142, %ne3A_143 : i32
    %lt3A_145 = arith.constant 0 : i32
    %lt3A_146 = arith.cmpi slt, %rem3A_142, %lt3A_145 : i32
    %lt3A_147 = arith.constant 0 : i32
    %lt3A_148 = arith.cmpi slt, %select_n3A_141, %lt3A_147 : i32
    %ne3A_149 = arith.xori %lt3A_146, %lt3A_148 : i1
    %and3A_150 = arith.andi %ne3A_149, %ne3A_144 : i1
    %add3A_151 = arith.addi %rem3A_142, %select_n3A_141 : i32
    %select_n3A_152 = arith.select %and3A_150, %add3A_151, %rem3A_142 : i32
    %dma_wait3A = arith.constant 0 : i32
    %dma_wait3A_153 = arith.constant 0 : i32
    %dma_wait3A_154 = arith.constant 0 : i32
    %dma_wait3A_155 = tpu.memref_slice %arg3[%select_n3A, %dma_wait3A, %select_n3A_136, %dma_wait3A_153, %select_n3A_152, %dma_wait3A_154] : memref<4x17x64x4x8x128xf32, #tpu.memory_space<hbm>> -> memref<1x17x1x4x1x128xf32, #tpu.memory_space<hbm>>
    %dma_wait3A_156 = tpu.memref_squeeze %dma_wait3A_155 : memref<1x17x1x4x1x128xf32, #tpu.memory_space<hbm>> -> memref<17x4x128xf32, #tpu.memory_space<hbm>>
    %dma_wait3A_157 = arith.constant 0 : i32
    %dma_wait3A_158 = arith.constant 0 : i32
    %dma_wait3A_159 = arith.constant 0 : i32
    %dma_wait3A_160 = tpu.memref_slice %arg3[%select_n3A, %dma_wait3A_157, %select_n3A_136, %dma_wait3A_158, %select_n3A_152, %dma_wait3A_159] : memref<4x17x64x4x8x128xf32, #tpu.memory_space<hbm>> -> memref<1x17x1x4x1x128xf32, #tpu.memory_space<hbm>>
    %dma_wait3A_161 = tpu.memref_squeeze %dma_wait3A_160 : memref<1x17x1x4x1x128xf32, #tpu.memory_space<hbm>> -> memref<17x4x128xf32, #tpu.memory_space<hbm>>
    tpu.wait_dma2 semaphore(%arg14 : memref<!tpu.dma_semaphore, #tpu.memory_space<semaphore_mem>>) src(%arg10 : memref<17x4x128xf32, #tpu.memory_space<vmem>>) dst(%dma_wait3A_161 : memref<17x4x128xf32, #tpu.memory_space<hbm>>)
    %add3A_162 = arith.constant 0 : i32
    %add3A_163 = arith.addi %select_n3A_56, %add3A_162 : i32
    %jit3A_164 = arith.constant 8 : i32
    %div3A_165 = arith.divsi %add3A_163, %jit3A_164 : i32
    %sign3A_166 = arith.constant 0 : i32
    %sign3A_167 = arith.cmpi sgt, %add3A_163, %sign3A_166 : i32
    %sign3A_168 = arith.extui %sign3A_167 : i1 to i32
    %sign3A_169 = arith.constant 0 : i32
    %sign3A_170 = arith.cmpi slt, %add3A_163, %sign3A_169 : i32
    %sign3A_171 = arith.extui %sign3A_170 : i1 to i32
    %sign3A_172 = arith.subi %sign3A_168, %sign3A_171 : i32
    %sign3A_173 = arith.constant 0 : i32
    %sign3A_174 = arith.cmpi sgt, %jit3A_164, %sign3A_173 : i32
    %sign3A_175 = arith.extui %sign3A_174 : i1 to i32
    %sign3A_176 = arith.constant 0 : i32
    %sign3A_177 = arith.cmpi slt, %jit3A_164, %sign3A_176 : i32
    %sign3A_178 = arith.extui %sign3A_177 : i1 to i32
    %sign3A_179 = arith.subi %sign3A_175, %sign3A_178 : i32
    %ne3A_180 = arith.cmpi ne, %sign3A_172, %sign3A_179 : i32
    %rem3A_181 = arith.remsi %add3A_163, %jit3A_164 : i32
    %ne3A_182 = arith.constant 0 : i32
    %ne3A_183 = arith.cmpi ne, %rem3A_181, %ne3A_182 : i32
    %and3A_184 = arith.andi %ne3A_180, %ne3A_183 : i1
    %sub3A_185 = arith.constant 1 : i32
    %sub3A_186 = arith.subi %div3A_165, %sub3A_185 : i32
    %select_n3A_187 = arith.select %and3A_184, %sub3A_186, %div3A_165 : i32
    %jit3A_188 = arith.constant 8 : i32
    %eq3A_189 = arith.constant 0 : i32
    %eq3A_190 = arith.cmpi eq, %jit3A_188, %eq3A_189 : i32
    %jit3A_191 = arith.constant 1 : i32
    %select_n3A_192 = arith.select %eq3A_190, %jit3A_191, %jit3A_188 : i32
    %rem3A_193 = arith.remsi %add3A_163, %select_n3A_192 : i32
    %ne3A_194 = arith.constant 0 : i32
    %ne3A_195 = arith.cmpi ne, %rem3A_193, %ne3A_194 : i32
    %lt3A_196 = arith.constant 0 : i32
    %lt3A_197 = arith.cmpi slt, %rem3A_193, %lt3A_196 : i32
    %lt3A_198 = arith.constant 0 : i32
    %lt3A_199 = arith.cmpi slt, %select_n3A_192, %lt3A_198 : i32
    %ne3A_200 = arith.xori %lt3A_197, %lt3A_199 : i1
    %and3A_201 = arith.andi %ne3A_200, %ne3A_195 : i1
    %add3A_202 = arith.addi %rem3A_193, %select_n3A_192 : i32
    %select_n3A_203 = arith.select %and3A_201, %add3A_202, %rem3A_193 : i32
    %dma_wait3A_204 = arith.constant 0 : i32
    %dma_wait3A_205 = arith.constant 0 : i32
    %dma_wait3A_206 = arith.constant 0 : i32
    %dma_wait3A_207 = tpu.memref_slice %arg3[%select_n3A, %dma_wait3A_204, %select_n3A_187, %dma_wait3A_205, %select_n3A_203, %dma_wait3A_206] : memref<4x17x64x4x8x128xf32, #tpu.memory_space<hbm>> -> memref<1x17x1x4x1x128xf32, #tpu.memory_space<hbm>>
    %dma_wait3A_208 = tpu.memref_squeeze %dma_wait3A_207 : memref<1x17x1x4x1x128xf32, #tpu.memory_space<hbm>> -> memref<17x4x128xf32, #tpu.memory_space<hbm>>
    %dma_wait3A_209 = arith.constant 0 : i32
    %dma_wait3A_210 = arith.constant 0 : i32
    %dma_wait3A_211 = arith.constant 0 : i32
    %dma_wait3A_212 = tpu.memref_slice %arg3[%select_n3A, %dma_wait3A_209, %select_n3A_187, %dma_wait3A_210, %select_n3A_203, %dma_wait3A_211] : memref<4x17x64x4x8x128xf32, #tpu.memory_space<hbm>> -> memref<1x17x1x4x1x128xf32, #tpu.memory_space<hbm>>
    %dma_wait3A_213 = tpu.memref_squeeze %dma_wait3A_212 : memref<1x17x1x4x1x128xf32, #tpu.memory_space<hbm>> -> memref<17x4x128xf32, #tpu.memory_space<hbm>>
    tpu.wait_dma2 semaphore(%arg15 : memref<!tpu.dma_semaphore, #tpu.memory_space<semaphore_mem>>) src(%arg11 : memref<17x4x128xf32, #tpu.memory_space<vmem>>) dst(%dma_wait3A_213 : memref<17x4x128xf32, #tpu.memory_space<hbm>>)
    return
  }
}

</mosaic_0001>

<sc_bundles>
// kernel: _sc_render.3.cloned.1.call-start
scs
__scs_entry_jumppad:
0x0: {  	(pc) =	sbr.rel $0x88, $3  }
0x1: {  	(tag) =	ssettag $0x0;
	lr =	simm.s32 $0x1  }
0x2: {  	[smem:$0x3FA0] =	sst lr;
	_ =	strace $0xD0000000  }
0x3: {  	_ = 	snop  }
0x4: {  	_ = 	snop  }
0x5: {  	_ = 	snop  }
0x6: {  	_ = 	snop  }
0x7: {  	_ = 	snop  }
__scs_overlays_trampoline_lowered:
0x8: {  	[smem:$0x3FAF] =	sst s0  }
0x9: {  	[smem:$0x3FB0] =	sst s1  }
0xa: {  	[smem:$0x3FB1] =	sst s2  }
0xb: {  	[smem:$0x3FB2] =	sst s3  }
0xc: {  	[smem:$0x3FB3] =	sst s4  }
0xd: {  	[smem:$0x3FB4] =	sst s5  }
0xe: {  	[smem:$0x3FB5] =	sst s6  }
0xf: {  	[smem:$0x3FB6] =	sst s7  }
0x10: {  	[smem:$0x3FB7] =	sst s8  }
0x11: {  	[smem:$0x3FB8] =	sst s9;
	s0 =	simm.s32 @!p0 $0x0  }
0x12: {  	s1 =	sld [smem:$0x3F9E];
	s0 =	simm.s32 @p0 $0x1  }
0x13: {  	[smem:$0x3FB9] =	sst s0;
	s0 =	simm.s32 @!p1 $0x0  }
0x14: {  	s2 =	sld [smem:$0x3F9D];
	s0 =	simm.s32 @p1 $0x1  }
0x15: {  	[smem:$0x3FBA] =	sst s0;
	s0 =	simm.s32 @!p2 $0x0  }
0x16: {  	s3 =	sld [smem:$0x3FDB];
	s0 =	simm.s32 @p2 $0x1  }
0x17: {  	s4 =	simm.s32 $0x1BF5;
	[smem:$0x3FBC] =	sst s0  }
0x18: {  	s0 =	sld [smem:$0x3F9F];
	_ =	swait.ge [sflag:s4], $0x0  }
0x19: {  	s7 =	sld [smem:$0x3FA0]  }
0x1a: {  	s8 =	sadd.s32 $0xFFFFE003, lr  }
0x1b: {  	s9 =	sadd.s32 $0xFFFFFEF7, lr;
	s5 =	simm.s32 $0xFFFFFFFF;
	p2 =	slt.u32 s8, $0xFFFFF086  }
0x1c: {  	p1 =	slt.u32 s9, $0xF7A;
	s5 =	simm.s32 @!p2 $0x0  }
0x1d: {  	s5 =	simm.s32 @p1 $0x1;
	p0 =	seq.s32 s7, s2  }
0x1e: {  	s7 =	smul.u32 @!p0 $0xF7A, s2;
	p2 =	seq.s32 @!p0 s5, $0x0  }
0x1f: {  	s9 =	smul.u32 $0xF7A, s1;
	s8 =	simm.s32 @!p0 $0x1BF5;
	p2 =	por !p2, p0  }
0x20: {  	[sflag:s8] =	ssyncset.s32 @!p0 $0xFFFFF086;
	s6 =	sadd.s32 @!p0 s3, s7;
	s7 =	simm.s32 @!p0 $0x108  }
0x21: {  	s3 =	sadd.s32 s3, s9;
	s6 =	sadd.s32 @!p0 $0x88, s6;
	s7 =	simm.s32 @p2 $0x1082  }
0x22: {  	[simem:s7], [sflag:s8] =	dma.local @!p0 [hbm:s6], $0xF7A  }
0x23: {  	s9 =	sor.u32 $0xD0000000, s2;
	s6 =	simm.s32 $0x108;
	_ =	swait.ge @!p0 [sflag:s8], $0x0  }
0x24: {  	s3 =	sadd.s32 $0x88, s3;
	s6 =	simm.s32 @!p1 $0x1082;
	[sflag:s4] =	ssyncset.s32 $0xFFFFF086  }
0x25: {  	[simem:s6], [sflag:s4] =	dma.local [hbm:s3], $0xF7A  }
0x26: {  	[smem:$0x3FA0] =	sst s1;
	(tag) =	ssettag s2;
	_ =	strace s9  }
0x27: {  	s1 =	sld [smem:$0x3FB0]  }
0x28: {  	s2 =	sld [smem:$0x3FB1]  }
0x29: {  	s4 =	sld [smem:$0x3FB3]  }
0x2a: {  	p0 =	seq.s32 s5, $0x0;
	s5 =	sld [smem:$0x3FB4]  }
0x2b: {  	s6 =	sld [smem:$0x3FB5]  }
0x2c: {  	s7 =	sld [smem:$0x3FB6]  }
0x2d: {  	s3 =	simm.s32 $0x108;
	s8 =	sld [smem:$0x3FB7]  }
0x2e: {  	s3 =	simm.s32 @!p0 $0x1082;
	s9 =	sld [smem:$0x3FB8]  }
0x2f: {  	lr =	sadd.s32 s0, s3;
	s0 =	sld [smem:$0x3FAF]  }
0x30: {  	s3 =	sld [smem:$0x3FB2]  }
0x31: {  	[smem:$0x3FBB] =	sst s10  }
0x32: {  	s10 =	sld [smem:$0x3FB9];
	_ =	sdelay $0x3  }
0x33: {  	p0 =	seq.s32 s10, $0x1;
	s10 =	sld [smem:$0x3FBB];
	_ =	sdelay $0x3  }
0x34: {  	[smem:$0x3FBB] =	sst s10  }
0x35: {  	s10 =	sld [smem:$0x3FBA];
	_ =	sdelay $0x3  }
0x36: {  	p1 =	seq.s32 s10, $0x1;
	s10 =	sld [smem:$0x3FBB];
	_ =	sdelay $0x3  }
0x37: {  	[smem:$0x3FBB] =	sst s10  }
0x38: {  	s10 =	sld [smem:$0x3FBC]  }
0x39: {  	_ = 	snop;
	(pc) =	sbr.ind lr, $3  }
0x3a: {  	_ = 	snop  }
0x3b: {  	_ = 	snop  }
0x3c: {  	p2 =	seq.s32 s10, $0x1;
	s10 =	sld [smem:$0x3FBB]  }
0x3d: {  	_ =	shalt  }
0x3e: {  	_ =	shalt  }
0x3f: {  	_ =	shalt  }
0x40: {  	_ =	shalt  }
0x41: {  	_ =	shalt  }
0x42: {  	_ =	shalt  }
0x43: {  	_ =	shalt  }
0x44: {  	_ =	shalt  }
0x45: {  	_ =	shalt  }
0x46: {  	_ =	shalt  }
0x47: {  	_ =	shalt  }
0x48: {  	_ =	shalt  }
0x49: {  	_ =	shalt  }
0x4a: {  	_ =	shalt  }
0x4b: {  	_ =	shalt  }
0x4c: {  	_ =	shalt  }
0x4d: {  	_ =	shalt  }
0x4e: {  	_ =	shalt  }
0x4f: {  	_ =	shalt  }
0x50: {  	_ =	shalt  }
0x51: {  	_ =	shalt  }
0x52: {  	_ =	shalt  }
0x53: {  	_ =	shalt  }
0x54: {  	_ =	shalt  }
0x55: {  	_ =	shalt  }
0x56: {  	_ =	shalt  }
0x57: {  	_ =	shalt  }
0x58: {  	_ =	shalt  }
0x59: {  	_ =	shalt  }
0x5a: {  	_ =	shalt  }
0x5b: {  	_ =	shalt  }
0x5c: {  	_ =	shalt  }
0x5d: {  	_ =	shalt  }
0x5e: {  	_ =	shalt  }
0x5f: {  	_ =	shalt  }
0x60: {  	_ =	shalt  }
0x61: {  	_ =	shalt  }
0x62: {  	_ =	shalt  }
0x63: {  	_ =	shalt  }
0x64: {  	_ =	shalt  }
0x65: {  	_ =	shalt  }
0x66: {  	_ =	shalt  }
0x67: {  	_ =	shalt  }
0x68: {  	_ =	shalt  }
0x69: {  	_ =	shalt  }
0x6a: {  	_ =	shalt  }
0x6b: {  	_ =	shalt  }
0x6c: {  	_ =	shalt  }
0x6d: {  	_ =	shalt  }
0x6e: {  	_ =	shalt  }
0x6f: {  	_ =	shalt  }
0x70: {  	_ =	shalt  }
0x71: {  	_ =	shalt  }
0x72: {  	_ =	shalt  }
0x73: {  	_ =	shalt  }
0x74: {  	_ =	shalt  }
0x75: {  	_ =	shalt  }
0x76: {  	_ =	shalt  }
0x77: {  	_ =	shalt  }
0x78: {  	_ =	shalt  }
0x79: {  	_ =	shalt  }
0x7a: {  	_ =	shalt  }
0x7b: {  	_ =	shalt  }
0x7c: {  	_ =	shalt  }
0x7d: {  	_ =	shalt  }
0x7e: {  	_ =	shalt  }
0x7f: {  	_ =	shalt  }
0x80: {  	_ =	shalt  }
0x81: {  	_ =	shalt  }
0x82: {  	_ =	shalt  }
0x83: {  	_ =	shalt  }
0x84: {  	_ =	shalt  }
0x85: {  	_ =	shalt  }
0x86: {  	_ =	shalt  }
0x87: {  	_ =	shalt  }
.Lfunc_end0:
.L_simem_size_0:
called_computation_lowered:
.L_overlay_start_0:
0x88: {  	s2 =	sld [smem:$0x3FD9]  }
0x89: {  	s3 =	sld [smem:$0x3FFE];
	_ =	sdelay $0x1  }
0x8a: {  	s1 =	srdreg.scid  }
0x8b: {  	s0 =	sand.u32 $0x1, s1  }
0x8c: {  	s17 =	sshll.u32 s0, $0xA;
	s2 =	sadd.s32 s3, s2  }
0x8d: {  	s2 =	sadd.s32 s2, s17  }
0x8e: {  	[smem:$0x3FC7] =	sst s2  }
0x8f: {  	_ = 	snop  }
0x90: {  	s2 =	sld [smem:$0x3FD0];
	(tm) =	ssettm $0x1  }
0x91: {  	s18 =	sld [smem:$0x3FFB];
	_ =	sdelay $0x3  }
0x92: {  	_ =	strace s18  }
0x93: {  	s3 =	sld [smem:$0x3FFC];
	_ =	sdelay $0x3  }
0x94: {  	_ =	strace s3  }
0x95: {  	s3 =	sld [smem:$0x3FFD];
	_ =	sdelay $0x3  }
0x96: {  	_ =	strace s3  }
0x97: {  	_ =	strace $0x8FFFFFFF  }
0x98: {  	s19 =	sld [smem:$0x3FDB];
	_ =	sdelay $0x1  }
0x99: {  	s4 =	simm.s32 $_scs_section_size  }
0x9a: {  	s5 =	simm.s32 $_size__tile_overlayer_lowered;
	s6 =	simm.s32 $_tile_overlayer_lowered  }
0x9b: {  	s22 =	simm.s32 $0x1BFF;
	s21 =	sshll.u32 s6, $0x1;
	s3 =	sadd.s32 s4, s19  }
0x9c: {  	s7 =	simm.s32 $0x0;
	s20 =	sshll.u32 s5, $0x1;
	s5 =	sadd.s32 s21, s3  }
0x9d: {  	[timem:s7], [sflag:s22] =	dma.local [hbm:s5], s20  }
0x9e: {  	_ =	swait.ge [sflag:s22], s20  }
0x9f: {  	s4 =	ssub.s32 $0x0, s20;
	[sflag:s22] =	ssyncset.done $0x0  }
0xa0: {  	[sflag:s22] =	ssyncadd.s32 s4;
	_ =	sdelay $0x1  }
0xa1: {  	s23 =	simm.s32 $0x1B8B  }
0xa2: {  	_ =	swait.ge [sflag:s23], $0x1  }
0xa3: {  	[sflag:s23] =	ssyncset.done $0x0  }
0xa4: {  	s25 =	simm.s32 $0x1B8E;
	s24 =	sld [smem:$0x3FFE];
	[sflag:s23] =	ssyncadd.s32 $0xFFFFFFFF  }
0xa5: {  	s26 =	simm.s32 $execute0_lowered;
	[smem:$0x3FD2] =	sst s25  }
0xa6: {  	s5 =	sshll.u32 s26, $0x1;
	_ =	strace $0x80000046;
	[dreg:$0x1] =	wrdreg $0xFFFFFFFF  }
0xa7: {  	s28 =	simm.s32 $_size_execute0_lowered;
	s3 =	sadd.s32 s3, s5;
	[dreg:$0x0] =	wrdreg $0x0  }
0xa8: {  	s5 =	sshll.u32 s28, $0x1;
	[dreg:$0x2] =	wrdreg s3  }
0xa9: {  	[dreg:$0x3] =	wrdreg s5  }
0xaa: {  	[dreg:$0x4] =	wrdreg $0xC0  }
0xab: {  	_ =	task [dreg:s7], $0x5FFFF  }
0xac: {  	[dreg:$0x1] =	wrdreg $0xFFFFFFFF  }
0xad: {  	[dreg:$0x0] =	wrdreg $0x60  }
0xae: {  	[dreg:$0x2] =	wrdreg s24  }
0xaf: {  	[dreg:$0x3] =	wrdreg s2  }
0xb0: {  	[dreg:$0x4] =	wrdreg $0x9  }
0xb1: {  	_ =	task.clear_ibuf [dreg:s7], $0x5FFFF;
	_ =	strace $0x90000046  }
0xb2: {  	s29 =	simm.s32 $0x9;
	_ =	strace $0x80000048  }
0xb3: {  	_ =	swait.ge [sflag:s29], $0x1  }
0xb4: {  	[sflag:s29] =	ssyncadd.s32 $0xFFFFFFFF  }
0xb5: {  	_ =	strace $0x90000048  }
0xb6: {  	_ =	sfence  }
0xb7: {  	s30 =	sld [smem:$0x0];
	_ =	sdelay $0x2  }
0xb8: {  	s31 =	sshll.u32 s1, $0xD;
	s1 =	sshrl.u32 s1, $0x2  }
0xb9: {  	s3 =	sand.u32 $0x4000, s31;
	s1 =	sadd.s32 s1, s30  }
0xba: {  	s0 =	sor.u32 s3, s0;
	s1 =	sshll.u32 s1, $0x11  }
0xbb: {  	s0 =	sor.u32 s1, s0  }
0xbc: {  	s0 =	sadd.s32 $0x8F2B, s0  }
0xbd: {  	[sflag:s0] =	ssyncadd.remote.s32 $0x1  }
0xbe: {  	_ =	sfence.sel $0xFFFF  }
0xbf: {  	[dreg:$0x0] =	wrdreg $0xFFFFFFFF;
	(pc) =	sbr.abs _section_cstart, $3  }
0xc0: {  	[dreg:$0x1] =	wrdreg $0xFFFFFFFF  }
0xc1: {  	_ =	task.clear_ibuf [dreg:s7], $0x2FFFF;
	_ =	strace $0x9FFFFFFF  }
0xc2: {  	(tm) =	ssettm $0x7FFFFFFF  }
0xc3: {  	_ =	shalt  }
tec
execute0_lowered:
.L_overlay_start_1:
0x0: {  	(tag) =	ssettag $0x1  }
0x1: {  	v1 =	vlaneseq.u32  }
0x2: {  	v53 =	vmul.u32 $0x30, v1  }
0x3: {  	s0 =	rddreg [dreg:$0x0];
	s3 =	simm.s32 $0x0  }
0x4: {  	[smem:$0x7FF] =	sst s3;
	v56 =	vadd.s32 $0x23, v53  }
0x5: {  	s2 =	rddreg [dreg:$0x1];
	_ =	strace $0x80000047;
	v57 =	vor.u32 $0x4, v53;
	[tilespmem:$0x1FEB0] =	vst v56  }
0x6: {  	v58 =	vadd.s32 $0x14, v53;
	[tilespmem:$0x1FEC0] =	vst v57  }
0x7: {  	v59 =	vadd.s32 $0x24, v53;
	[tilespmem:$0x1FED0] =	vst v58  }
0x8: {  	v60 =	vor.u32 $0x5, v53;
	[tilespmem:$0x1FEE0] =	vst v59  }
0x9: {  	v61 =	vadd.s32 $0x15, v53;
	[tilespmem:$0x1FEF0] =	vst v60  }
0xa: {  	v62 =	vadd.s32 $0x25, v53;
	[tilespmem:$0x1FF00] =	vst v61  }
0xb: {  	v63 =	vor.u32 $0x6, v53;
	[tilespmem:$0x1FF10] =	vst v62  }
0xc: {  	v50 =	vadd.s32 $0x16, v53;
	[tilespmem:$0x1FF20] =	vst v63  }
0xd: {  	v51 =	vadd.s32 $0x26, v53;
	[tilespmem:$0x1FF30] =	vst v50  }
0xe: {  	v52 =	vor.u32 $0x7, v53;
	[tilespmem:$0x1FF40] =	vst v51  }
0xf: {  	v14 =	vadd.s32 $0x10, v53;
	[tilespmem:$0x1FF50] =	vst v52  }
0x10: {  	v15 =	vadd.s32 $0x20, v53;
	[tilespmem:$0x1FF60] =	vst v14  }
0x11: {  	s1 =	srdreg.scid;
	v16 =	vor.u32 $0x1, v53;
	[tilespmem:$0x1FF70] =	vst v15  }
0x12: {  	s6 =	stileid.u32;
	s9 =	simm.s32 $0x80;
	s10 =	simm.s32 $0x1000;
	v17 =	vadd.s32 $0x11, v53;
	[tilespmem:$0x1FF80] =	vst v16  }
0x13: {  	s17 =	simm.s32 $0x7000;
	s24 =	simm.s32 $0x1;
	s25 =	simm.s32 $0x400;
	v18 =	vadd.s32 $0x21, v53;
	[tilespmem:$0x1FF90] =	vst v17  }
0x14: {  	s20 =	simm.s32 $0x4;
	s21 =	simm.s32 $0x2;
	s1 =	sand.u32 $0x1, s1;
	v19 =	vor.u32 $0x2, v53;
	[tilespmem:$0x1FFA0] =	vst v18  }
0x15: {  	s16 =	simm.s32 $0x11200;
	s4 =	sshll.u32 s1, $0xF;
	s1 =	ssub.s32 $0x2, s1;
	v20 =	vadd.s32 $0x12, v53;
	[tilespmem:$0x1FFB0] =	vst v19  }
0x16: {  	s29 =	sshll.u32 s6, $0x10;
	s5 =	sadd.s32 $0x61AC00, s0;
	s30 =	sshrl.u32 s1, $0x1;
	v21 =	vadd.s32 $0x22, v53;
	[tilespmem:$0x1FFC0] =	vst v20  }
0x17: {  	s31 =	sshrl.u32 s6, $0x2;
	s19 =	sor.u32 s4, s29;
	v22 =	vor.u32 $0x3, v53;
	s0 =	ssub.s32 s1, s30;
	[tilespmem:$0x1FFD0] =	vst v21  }
0x18: {  	s7 =	smul.u32 $0x440000, s31;
	v23 =	vadd.s32 $0x13, v53;
	s3 =	sshrl.u32 s19, $0x9;
	[tilespmem:$0x1FFE0] =	vst v22;
	s0 =	smax.u32 s0, $0x1  }
0x19: {  	v2 =	vimm.f32 $1.000000000e+00;
	v1 =	vmul.u32 $0x9E3779B1, v1;
	s1 =	simm.s32 $0x0;
	[tilespmem:$0x1FFF0] =	vst v23;
	s6 =	sand.u32 $0x1C0, s3;
	[dreg:$0x3] =	wrdreg s0  }
.LBB2_1:
0x1a: {  	s0 =	sadd.s32 $0x0, s19  }
0x1b: {  	v3 =	vmov s0  }
0x1c: {  	s29 =	sadd.s32 $0x10, s0;
	s30 =	sadd.s32 $0x20, s0;
	v3 =	vmul.u32 $0x9E3779B1, v3  }
0x1d: {  	v4 =	vmov s29;
	v5 =	vmov s30  }
0x1e: {  	s0 =	sadd.s32 $0x30, s0;
	v4 =	vmul.u32 $0x9E3779B1, v4;
	v5 =	vmul.u32 $0x9E3779B1, v5;
	v3 =	vbroadcast v3, $0x0  }
0x1f: {  	v6 =	vmov s0  }
0x20: {  	v5 =	vbroadcast v5, $0x0;
	v7 =	vadd.s32 v1, v3;
	v3 =	vbroadcast v4, $0x0  }
0x21: {  	v4 =	vmul.u32 $0x9E3779B1, v6;
	v6 =	vshrl.u32 v7, $0x3;
	v8 =	vshrl.u32 v7, $0xD  }
0x22: {  	v28 =	vadd.s32 v1, v5;
	v35 =	vmul.u32 $0xB6DB6DB7, v7;
	v6 =	vand.u32 $0x3FF, v6  }
0x23: {  	v8 =	vand.u32 $0x3FF, v8;
	v30 =	vadd.s32 v1, v3;
	v4 =	vbroadcast v4, $0x0  }
0x24: {  	v5 =	vshrl.u32 v28, $0x3;
	v32 =	vmul.u32 $0xB6DB6DB7, v28;
	v34 =	vshrl.u32 v28, $0x17  }
0x25: {  	v40 =	vshrl.u32 v28, $0x7;
	v6 =	vcvt.s32.f32 v6;
	v3 =	vcvt.s32.f32 v8  }
0x26: {  	v8 =	vshrl.u32 v7, $0x17;
	v9 =	vshrl.u32 v30, $0x7;
	v12 =	vshrl.u32 v30, $0xD  }
0x27: {  	v10 =	vshrl.u32 v30, $0x17;
	v5 =	vand.u32 $0x3FF, v5;
	v34 =	vcvt.s32.f32 v34  }
0x28: {  	vm2 =	vle.u32 v35, $0x24924924;
	v5 =	vcvt.s32.f32 v5;
	v33 =	vadd.s32 v1, v4  }
0x29: {  	v11 =	vadd.f32 $1.000000000e+00, v6;
	v6 =	vcvt.s32.f32 v8;
	v3 =	vadd.f32 $1.000000000e+00, v3  }
0x2a: {  	v38 =	vcvt.s32.f32 v10;
	v51 =	vsel vm2, $0x0, v2;
	v8 =	vshrl.u32 v30, $0x3  }
0x2b: {  	v4 =	vshrl.u32 v33, $0x3;
	v13 =	vadd.f32 $1.000000000e+00, v6;
	v24 =	vadd.f32 v3, v11  }
0x2c: {  	v39 =	vmulhi.u32 $0x14F8B59, v9;
	v31 =	vand.u32 $0x3FF, v8;
	v4 =	vand.u32 $0x3FF, v4  }
0x2d: {  	v8 =	vadd.f32 v24, v13;
	v24 =	vadd.f32 $1.000000000e+00, v5;
	v5 =	vshrl.u32 v33, $0xD  }
0x2e: {  	v6 =	vshrl.u32 v28, $0xD;
	v4 =	vcvt.s32.f32 v4;
	v5 =	vand.u32 $0x3FF, v5  }
0x2f: {  	v55 =	vshrl.u32 v39, $0x4;
	v6 =	vand.u32 $0x3FF, v6;
	v5 =	vcvt.s32.f32 v5  }
0x30: {  	v6 =	vcvt.s32.f32 v6;
	v26 =	vadd.f32 $1.000000000e+00, v4;
	(erf) = vrcp.f32 v8  }
0x31: {  	v4 =	vshrl.u32 v7, $0x7;
	v27 =	vadd.f32 $1.000000000e+00, v5;
	v5 =	vmul.u32 $0xB6DB6DB7, v30  }
0x32: {  	v31 =	vcvt.s32.f32 v31;
	v37 =	vmulhi.u32 $0x14F8B59, v4;
	v25 =	vadd.f32 $1.000000000e+00, v6  }
0x33: {  	v6 =	vmul.u32 $0xB6DB6DB7, v33;
	vm1 =	vle.u32 v5, $0x24924924;
	v5 =	vshrl.u32 v33, $0x7  }
0x34: {  	v4 =	vadd.f32 $1.000000000e+00, v34;
	v50 =	vshrl.u32 v37, $0x4;
	v5 =	vmulhi.u32 $0x14F8B59, v5  }
0x35: {  	v36 =	vadd.f32 v25, v24;
	vm0 =	vle.u32 v6, $0x24924924;
	v6 =	vshrl.u32 v33, $0x17  }
0x36: {  	v29 =	vsel vm0, $0x0, v2;
	vm0 =	vle.u32 v32, $0x24924924;
	v5 =	vshrl.u32 v5, $0x4  }
0x37: {  	v10 =	vcvt.s32.f32 v6;
	v6 =	vand.u32 $0x3FF, v12;
	v12 =	vmul.u32 $0x61A80, v50  }
0x38: {  	v32 =	vmulhi.u32 $0x14F8B59, v40;
	v8 =	vadd.f32 v27, v26;
	v52 =	vcvt.s32.f32 v6  }
0x39: {  	[dreg:$0x4] =	wrdreg s1;
	v6 =	vadd.f32 $1.000000000e+00, v31;
	v36 =	vadd.f32 v36, v4;
	v54 =	vmul.u32 $0x61A80, v5;
	v5 =	vpop (erf)  }
0x3a: {  	s1 =	simm.s32 $0x0;
	s31 =	simm.s32 $0x0;
	s4 =	simm.s32 $0x0;
	v34 =	vsub.s32 v7, v12;
	v9 =	vsel vm1, $0x0, v2;
	v35 =	vmul.f32 v5, v51  }
0x3b: {  	s3 =	simm.s32 $0x100;
	s8 =	simm.s32 $0x0;
	s18 =	simm.s32 $0x0;
	v7 =	vadd.f32 $1.000000000e+00, v52;
	v31 =	vsub.s32 v33, v54;
	v33 =	vmul.u32 $0x61A80, v55  }
0x3c: {  	s11 =	sand.u32 $0x40, s8;
	s8 =	simm.s32 $0x40;
	s0 =	sand.u32 $0x180, s31;
	v5 =	vadd.f32 $1.000000000e+00, v38;
	v11 =	vmul.f32 v35, v11;
	v12 =	vmul.f32 v35, v13  }
.LBB2_2:
0x3d: {  	s12 =	sadd.s32 s8, s19;
	s1 =	sadd.s32 $0x4, s1;
	v3 =	vmul.f32 v35, v3;
	s11 =	sor.u32 s11, s0;
	v13 =	vadd.f32 v7, v6;
	v35 =	vsel vm0, $0x0, v2  }
0x3e: {  	v37 =	vmov s12;
	s22 =	sadd.s32 $0x10, s12;
	s23 =	sadd.s32 $0x20, s12;
	s12 =	sadd.s32 $0x30, s12;
	[tilespmem:s11+$0x0] =	vst v34;
	v33 =	vsub.s32 v30, v33;
	(erf) = vrcp.f32 v36  }
0x3f: {  	p0 =	slt.u32 s1, $0x1C;
	v30 =	vmul.u32 $0x9E3779B1, v37;
	v34 =	vmov s22;
	[tilespmem:s4+$0x600] =	vst v3;
	v3 =	vadd.f32 v13, v5  }
0x40: {  	v13 =	vmul.u32 $0x9E3779B1, v34;
	v34 =	vmov s23;
	[tilespmem:s4+$0x800] =	vst v12;
	v12 =	vshrl.u32 v32, $0x4  }
0x41: {  	v32 =	vmov s12;
	v30 =	vbroadcast v30, $0x0;
	(erf) = vrcp.f32 v3  }
0x42: {  	v10 =	vadd.f32 $1.000000000e+00, v10;
	v3 =	vbroadcast v13, $0x0;
	v13 =	vmul.u32 $0x9E3779B1, v32  }
0x43: {  	v34 =	vmul.u32 $0x9E3779B1, v34;
	v12 =	vmul.u32 $0x61A80, v12;
	v32 =	vadd.s32 v1, v30  }
0x44: {  	s11 =	sadd.s32 $0x10, s18;
	v8 =	vadd.f32 v8, v10;
	v30 =	vshrl.u32 v32, $0x3;
	v36 =	vshrl.u32 v32, $0xD  }
0x45: {  	s11 =	sand.u32 $0x50, s11;
	v12 =	vsub.s32 v28, v12;
	v30 =	vand.u32 $0x3FF, v30;
	v0 =	vand.u32 $0x3FF, v36  }
0x46: {  	s11 =	sor.u32 s11, s0;
	v28 =	vcvt.s32.f32 v30;
	v30 =	vadd.s32 v1, v3;
	[tilespmem:s4+$0x400] =	vst v11;
	(erf) = vrcp.f32 v8  }
0x47: {  	v3 =	vcvt.s32.f32 v0;
	v8 =	vshrl.u32 v32, $0x17;
	v11 =	vshrl.u32 v30, $0x7;
	[tilespmem:s11+$0x0] =	vst v33;
	v36 =	vpop (erf)  }
0x48: {  	v37 =	vshrl.u32 v30, $0xD;
	v33 =	vadd.f32 $1.000000000e+00, v28;
	v28 =	vbroadcast v34, $0x0  }
0x49: {  	v8 =	vcvt.s32.f32 v8;
	v34 =	vshrl.u32 v30, $0x3;
	v35 =	vmul.f32 v36, v35  }
0x4a: {  	v3 =	vadd.f32 $1.000000000e+00, v3;
	v36 =	vshrl.u32 v30, $0x17;
	v28 =	vadd.s32 v1, v28;
	v38 =	vpop (erf)  }
0x4b: {  	v39 =	vadd.f32 $1.000000000e+00, v8;
	v34 =	vand.u32 $0x3FF, v34;
	v8 =	vbroadcast v13, $0x0  }
0x4c: {  	v13 =	vadd.f32 v3, v33;
	v40 =	vmul.u32 $0xB6DB6DB7, v28;
	v41 =	vshrl.u32 v28, $0x3  }
0x4d: {  	v42 =	vshrl.u32 v28, $0xD;
	v9 =	vmul.f32 v38, v9;
	v43 =	vand.u32 $0x3FF, v41  }
0x4e: {  	v0 =	vand.u32 $0x3FF, v42;
	v42 =	vmul.f32 v35, v4;
	v38 =	vcvt.s32.f32 v43  }
0x4f: {  	v4 =	vadd.f32 v13, v39;
	v13 =	vcvt.s32.f32 v0;
	v6 =	vmul.f32 v9, v6;
	v41 =	vpop (erf)  }
0x50: {  	v43 =	vadd.s32 v1, v8;
	v7 =	vmul.f32 v9, v7;
	v38 =	vadd.f32 $1.000000000e+00, v38  }
0x51: {  	v44 =	vshrl.u32 v43, $0x3;
	v8 =	vadd.f32 $1.000000000e+00, v13;
	v13 =	vshrl.u32 v28, $0x17;
	[tilespmem:s4+$0x410] =	vst v6  }
0x52: {  	v6 =	vand.u32 $0x3FF, v44;
	v44 =	vshrl.u32 v43, $0xD;
	[tilespmem:s4+$0x610] =	vst v7;
	v7 =	vmul.f32 v35, v25  }
0x53: {  	v41 =	vmul.f32 v41, v29;
	v45 =	vadd.f32 v8, v38;
	v6 =	vcvt.s32.f32 v6;
	v25 =	vmovc v8  }
0x54: {  	v5 =	vmul.f32 v9, v5;
	v8 =	vmul.u32 $0xB6DB6DB7, v43;
	v29 =	vand.u32 $0x3FF, v44  }
0x55: {  	s11 =	sadd.s32 $0x20, s18;
	v44 =	vshrl.u32 v43, $0x17;
	v46 =	vmul.f32 v41, v10;
	v9 =	vcvt.s32.f32 v29  }
0x56: {  	s11 =	sand.u32 $0x60, s11;
	v47 =	vmul.f32 v41, v27;
	vm0 =	vle.u32 v8, $0x24924924;
	v6 =	vadd.f32 $1.000000000e+00, v6  }
0x57: {  	s11 =	sor.u32 s11, s0;
	v29 =	vsel vm0, $0x0, v2;
	(erf) = vrcp.f32 v4;
	[tilespmem:s4+$0x810] =	vst v5;
	v4 =	vmul.f32 v35, v24;
	v24 =	vmovc v38  }
0x58: {  	v27 =	vadd.f32 $1.000000000e+00, v9;
	v5 =	vmul.u32 $0xB6DB6DB7, v32;
	[tilespmem:s11+$0x0] =	vst v12;
	v12 =	vmul.f32 v41, v26;
	v26 =	vmovc v6  }
0x59: {  	v10 =	vcvt.s32.f32 v13;
	v9 =	vmul.u32 $0xB6DB6DB7, v30;
	v6 =	vshrl.u32 v32, $0x7;
	[tilespmem:s4+$0x420] =	vst v4  }
0x5a: {  	v13 =	vcvt.s32.f32 v36;
	v6 =	vmulhi.u32 $0x14F8B59, v6;
	v8 =	vadd.f32 v27, v26;
	[tilespmem:s4+$0x620] =	vst v7  }
0x5b: {  	vm1 =	vle.u32 v9, $0x24924924;
	v4 =	vadd.f32 $1.000000000e+00, v10;
	v7 =	vshrl.u32 v43, $0x7  }
0x5c: {  	v9 =	vcvt.s32.f32 v34;
	v6 =	vshrl.u32 v6, $0x4;
	v7 =	vmulhi.u32 $0x14F8B59, v7  }
0x5d: {  	vm0 =	vle.u32 v40, $0x24924924;
	s11 =	sadd.s32 $0x30, s18;
	s18 =	smov.u32 s8;
	vm2 =	vle.u32 v5, $0x24924924;
	v10 =	vcvt.s32.f32 v44  }
0x5e: {  	v34 =	vand.u32 $0x3FF, v37;
	s11 =	sand.u32 $0x70, s11;
	v5 =	vsel vm2, $0x0, v2;
	v7 =	vshrl.u32 v7, $0x4  }
0x5f: {  	v36 =	vcvt.s32.f32 v34;
	s0 =	sor.u32 s11, s0;
	v35 =	vmul.u32 $0x61A80, v6;
	v37 =	vmul.u32 $0x61A80, v7;
	[tilespmem:s4+$0x820] =	vst v42  }
.Ltmp0:
0x60: {  	v11 =	vmulhi.u32 $0x14F8B59, v11;
	v38 =	vshrl.u32 v28, $0x7;
	v6 =	vadd.f32 $1.000000000e+00, v9;
	v40 =	vpop (erf);
	[tilespmem:s0+$0x0] =	vst v31;
	(pc) =	sbr.rel @p0 .LBB2_2-.Ltmp0, $4  }
0x61: {  	v9 =	vsel vm1, $0x0, v2;
	v34 =	vsub.s32 v32, v35;
	v7 =	vadd.f32 $1.000000000e+00, v36;
	[tilespmem:s4+$0x430] =	vst v12  }
0x62: {  	v31 =	vsub.s32 v43, v37;
	v35 =	vmul.f32 v40, v5;
	v5 =	vadd.f32 $1.000000000e+00, v13;
	[tilespmem:s4+$0x830] =	vst v46  }
0x63: {  	v32 =	vmulhi.u32 $0x14F8B59, v38;
	v36 =	vadd.f32 v45, v4;
	s0 =	sshrl.u32 s3, $0x2;
	v13 =	vshrl.u32 v11, $0x4;
	[tilespmem:s4+$0x630] =	vst v47;
	s4 =	sshra.s32 s3, $0x2;
	s3 =	sadd.s32 $0x100, s3  }
0x64: {  	s8 =	sadd.s32 $0x40, s8;
	s11 =	sand.u32 $0x40, s18;
	s0 =	sand.u32 $0x180, s0;
	v11 =	vmul.f32 v35, v33;
	v12 =	vmul.f32 v35, v39;
	v33 =	vmul.u32 $0x61A80, v13  }
0x65: {  	v13 =	vadd.f32 v7, v6;
	_ =	sdelay $0x1  }
0x66: {  	v13 =	vadd.f32 v13, v5  }
0x67: {  	(erf) = vrcp.f32 v36  }
0x68: {  	(erf) = vrcp.f32 v13;
	_ =	sdelay $0x3  }
0x69: {  	v10 =	vadd.f32 $1.000000000e+00, v10;
	_ =	sdelay $0x1  }
0x6a: {  	v8 =	vadd.f32 v8, v10;
	_ =	sdelay $0x1  }
0x6b: {  	v3 =	vmul.f32 v35, v3;
	s1 =	sor.u32 s11, s0;
	(erf) = vrcp.f32 v8;
	v44 =	vpop (erf)  }
0x6c: {  	[tilespmem:s1+$0x0] =	vst v34;
	v13 =	vpop (erf)  }
0x6d: {  	s14 =	sadd.s32 $0x10, s18;
	[tilespmem:s4+$0x600] =	vst v3;
	v3 =	vmul.f32 v13, v9  }
0x6e: {  	s1 =	sand.u32 $0x50, s14;
	[tilespmem:s4+$0x800] =	vst v12  }
0x6f: {  	v45 =	vsub.s32 v30, v33;
	[tilespmem:s4+$0x400] =	vst v11;
	s1 =	sor.u32 s1, s0;
	v46 =	vmul.f32 v3, v6  }
0x70: {  	v47 =	vsel vm0, $0x0, v2;
	v12 =	vshrl.u32 v32, $0x4;
	[tilespmem:s1+$0x0] =	vst v45;
	v48 =	vmul.f32 v3, v7  }
0x71: {  	s15 =	sadd.s32 $0x20, s18;
	v49 =	vmul.u32 $0x61A80, v12;
	v8 =	vmul.f32 v44, v47;
	v3 =	vmul.f32 v3, v5;
	[tilespmem:s4+$0x410] =	vst v46  }
0x72: {  	s1 =	sand.u32 $0x60, s15;
	[tilespmem:s4+$0x610] =	vst v48  }
0x73: {  	s1 =	sor.u32 s1, s0;
	v50 =	vsub.s32 v28, v49;
	[tilespmem:s4+$0x810] =	vst v3;
	v3 =	vmul.f32 v8, v24  }
0x74: {  	v52 =	vmul.f32 v8, v25;
	v51 =	vpop (erf);
	[tilespmem:s1+$0x0] =	vst v50  }
0x75: {  	s22 =	sadd.s32 $0x30, s18;
	v4 =	vmul.f32 v8, v4;
	v54 =	vmul.f32 v51, v29;
	[tilespmem:s4+$0x420] =	vst v3  }
0x76: {  	s1 =	sand.u32 $0x70, s22;
	[tilespmem:s4+$0x620] =	vst v52  }
0x77: {  	v3 =	vmul.f32 v54, v26;
	[tilespmem:s4+$0x820] =	vst v4;
	s23 =	sor.u32 s1, s0  }
0x78: {  	v55 =	vmul.f32 v54, v10;
	[tilespmem:s23+$0x0] =	vst v31  }
0x79: {  	v5 =	vmul.f32 v54, v27;
	[tilespmem:s4+$0x430] =	vst v3  }
0x7a: {  	[tilespmem:s4+$0x830] =	vst v55  }
0x7b: {  	s18 =	simm.s32 $0x0;
	[tilespmem:s4+$0x630] =	vst v5  }
0x7c: {  	[tilespmem:s10], [sflag:$0x1] =	stream.indirect.gather [hbm4b:s5+s9], $0x30, s18, s9, $0xb8;
	[tilespmem:$0x11400] =	vst v63  }
0x7d: {  	s26 =	simm.s32 $0x2800  }
0x7e: {  	[tilespmem:s26], [sflag:$0x1] =	stream.indirect.gather [hbm4b:s5+s9], $0x30, s9, s9, $0xb8;
	[tilespmem:$0x11400] =	vst v63  }
0x7f: {  	s28 =	simm.s32 $0x100;
	s29 =	simm.s32 $0x4000;
	s30 =	simm.s32 $0x180  }
0x80: {  	[tilespmem:s29], [sflag:$0x1] =	stream.indirect.gather [hbm4b:s5+s9], $0x30, s28, s9, $0xb8;
	[tilespmem:$0x11400] =	vst v63  }
0x81: {  	s31 =	simm.s32 $0x5800;
	s22 =	simm.s32 $0x0;
	s4 =	smov.u32 s19  }
0x82: {  	[tilespmem:s31], [sflag:$0x1] =	stream.indirect.gather [hbm4b:s5+s9], $0x30, s30, s9, $0xb8;
	[tilespmem:$0x11400] =	vst v63  }
.LBB2_4:
0x83: {  	s0 =	sadd.s32 $0x0, s4  }
0x84: {  	s1 =	sadd.s32 $0x200, s0;
	s11 =	sadd.s32 $0x210, s0  }
0x85: {  	s12 =	sadd.s32 $0x40, s4;
	s3 =	sadd.s32 $0x220, s0;
	s0 =	sadd.s32 $0x230, s0;
	v3 =	vmov s1;
	v4 =	vmov s11  }
0x86: {  	s13 =	sadd.s32 $0x200, s12;
	v5 =	vmov s3;
	v6 =	vmov s0;
	v3 =	vmul.u32 $0x9E3779B1, v3  }
0x87: {  	s14 =	sadd.s32 $0x210, s12;
	s8 =	sadd.s32 $0x220, s12;
	v52 =	vmov s13;
	v5 =	vmul.u32 $0x9E3779B1, v5;
	v6 =	vmul.u32 $0x9E3779B1, v6  }
0x88: {  	v37 =	vmov s14;
	v38 =	vmov s8;
	s0 =	sadd.s32 $0x230, s12;
	v3 =	vbroadcast v3, $0x0  }
0x89: {  	v0 =	vmovc v53;
	v53 =	vmov s0;
	v5 =	vbroadcast v5, $0x0;
	v6 =	vbroadcast v6, $0x0  }
0x8a: {  	v37 =	vmul.u32 $0x9E3779B1, v37;
	v54 =	vmul.u32 $0x9E3779B1, v53;
	v7 =	vadd.s32 v1, v3  }
0x8b: {  	v3 =	vmul.u32 $0x9E3779B1, v4;
	v5 =	vadd.s32 v1, v5;
	v30 =	vadd.s32 v1, v6  }
0x8c: {  	v4 =	vshrl.u32 v7, $0x3;
	v8 =	vshrl.u32 v7, $0xD;
	v9 =	vmul.u32 $0xB6DB6DB7, v7  }
0x8d: {  	v10 =	vshrl.u32 v7, $0x7;
	v25 =	vshrl.u32 v5, $0x7;
	v24 =	vshrl.u32 v5, $0x3  }
0x8e: {  	v6 =	vshrl.u32 v30, $0xD;
	v31 =	vshrl.u32 v30, $0x7;
	v32 =	vshrl.u32 v30, $0x17  }
0x8f: {  	v33 =	vmul.u32 $0xB6DB6DB7, v5;
	v35 =	vmul.u32 $0xB6DB6DB7, v30;
	v4 =	vand.u32 $0x3FF, v4  }
0x90: {  	v3 =	vbroadcast v3, $0x0;
	v8 =	vand.u32 $0x3FF, v8;
	v31 =	vmulhi.u32 $0x14F8B59, v31  }
0x91: {  	v24 =	vand.u32 $0x3FF, v24;
	v32 =	vcvt.s32.f32 v32;
	v51 =	vmulhi.u32 $0x14F8B59, v25  }
0x92: {  	v6 =	vand.u32 $0x3FF, v6;
	v4 =	vcvt.s32.f32 v4;
	v8 =	vcvt.s32.f32 v8  }
0x93: {  	v27 =	vshrl.u32 v5, $0xD;
	v24 =	vcvt.s32.f32 v24;
	v6 =	vcvt.s32.f32 v6  }
0x94: {  	vm0 =	vle.u32 v33, $0x24924924;
	vm1 =	vle.u32 v9, $0x24924924;
	vm2 =	vle.u32 v35, $0x24924924  }
0x95: {  	v9 =	vmulhi.u32 $0x14F8B59, v10;
	v33 =	vmul.u32 $0x9E3779B1, v52;
	v11 =	vadd.s32 v1, v3  }
0x96: {  	v3 =	vshrl.u32 v7, $0x17;
	v40 =	vsel vm0, $0x0, v2;
	v31 =	vshrl.u32 v31, $0x4  }
0x97: {  	v35 =	vshrl.u32 v51, $0x4;
	v4 =	vadd.f32 $1.000000000e+00, v4;
	v12 =	vshrl.u32 v11, $0x3  }
0x98: {  	v13 =	vshrl.u32 v11, $0x17;
	v26 =	vshrl.u32 v11, $0xD;
	v28 =	vcvt.s32.f32 v3  }
0x99: {  	v3 =	vand.u32 $0x3FF, v27;
	v27 =	vshrl.u32 v5, $0x17;
	v8 =	vadd.f32 $1.000000000e+00, v8  }
0x9a: {  	v34 =	vadd.f32 $1.000000000e+00, v6;
	v6 =	vshrl.u32 v11, $0x7;
	v48 =	vmul.u32 $0xB6DB6DB7, v11  }
0x9b: {  	v9 =	vshrl.u32 v9, $0x4;
	v31 =	vmul.u32 $0x61A80, v31;
	v51 =	vmul.u32 $0x61A80, v35  }
0x9c: {  	v12 =	vand.u32 $0x3FF, v12;
	v29 =	vcvt.s32.f32 v3;
	v26 =	vand.u32 $0x3FF, v26  }
0x9d: {  	v3 =	vadd.f32 $1.000000000e+00, v24;
	v24 =	vshrl.u32 v30, $0x3;
	v13 =	vcvt.s32.f32 v13  }
0x9e: {  	v6 =	vmulhi.u32 $0x14F8B59, v6;
	v9 =	vmul.u32 $0x61A80, v9;
	v27 =	vcvt.s32.f32 v27  }
0x9f: {  	v26 =	vcvt.s32.f32 v26;
	v24 =	vand.u32 $0x3FF, v24;
	v12 =	vcvt.s32.f32 v12  }
0xa0: {  	vm3 =	vle.u32 v48, $0x24924924;
	v25 =	vsub.s32 v30, v31;
	v31 =	vsel vm2, $0x0, v2  }
0xa1: {  	v46 =	vsub.s32 v5, v51;
	v5 =	vbroadcast v37, $0x0;
	v44 =	vadd.f32 $1.000000000e+00, v29  }
0xa2: {  	v29 =	vadd.f32 $1.000000000e+00, v28;
	v24 =	vcvt.s32.f32 v24;
	v6 =	vshrl.u32 v6, $0x4  }
0xa3: {  	v13 =	vadd.f32 $1.000000000e+00, v13;
	v36 =	vsel vm3, $0x0, v2;
	v10 =	vmul.u32 $0x61A80, v6  }
0xa4: {  	v7 =	vsub.s32 v7, v9;
	v47 =	vadd.f32 $1.000000000e+00, v27;
	v42 =	vadd.f32 $1.000000000e+00, v24  }
0xa5: {  	v6 =	vadd.f32 $1.000000000e+00, v12;
	v10 =	vsub.s32 v11, v10;
	v11 =	vadd.f32 $1.000000000e+00, v26  }
0xa6: {  	v9 =	vbroadcast v33, $0x0;
	v24 =	vadd.f32 $1.000000000e+00, v32;
	v50 =	vadd.f32 v34, v42  }
0xa7: {  	v12 =	vsel vm1, $0x0, v2;
	v26 =	vadd.f32 v8, v4;
	v49 =	vadd.f32 v11, v6  }
0xa8: {  	v48 =	vadd.s32 v1, v5;
	v28 =	vadd.f32 v44, v3;
	v30 =	vadd.f32 v50, v24  }
0xa9: {  	v53 =	vshrl.u32 v48, $0x3;
	v26 =	vadd.f32 v26, v29;
	v32 =	vadd.f32 v49, v13  }
0xaa: {  	v49 =	vshrl.u32 v48, $0x17;
	(erf) = vrcp.f32 v30;
	v30 =	vmul.u32 $0x9E3779B1, v38  }
0xab: {  	v5 =	vadd.f32 v28, v47;
	v49 =	vcvt.s32.f32 v49;
	(erf) = vrcp.f32 v26  }
0xac: {  	v55 =	vbroadcast v30, $0x0;
	v30 =	vadd.s32 v1, v9;
	v9 =	vbroadcast v54, $0x0  }
0xad: {  	(erf) = vrcp.f32 v32;
	v54 =	vshrl.u32 v48, $0xD;
	v26 =	vshrl.u32 v30, $0x3  }
0xae: {  	s15 =	sand.u32 $0x600, s18;
	v50 =	vshrl.u32 v30, $0xD;
	v43 =	vmul.u32 $0xB6DB6DB7, v30;
	v45 =	vshrl.u32 v30, $0x7  }
0xaf: {  	s0 =	sshrl.u32 s15, $0x2;
	v52 =	vshrl.u32 v30, $0x17;
	v26 =	vand.u32 $0x3FF, v26;
	v32 =	vand.u32 $0x3FF, v50  }
0xb0: {  	s23 =	sand.u32 $0x40, s18;
	s0 =	sor.u32 $0x200, s0;
	v33 =	vcvt.s32.f32 v52;
	v50 =	vand.u32 $0x3FF, v53;
	v38 =	vadd.s32 v1, v9  }
0xb1: {  	s1 =	sor.u32 s23, s0;
	v26 =	vcvt.s32.f32 v26;
	v32 =	vcvt.s32.f32 v32;
	v51 =	vshrl.u32 v38, $0x3  }
0xb2: {  	[tilespmem:s1+$0x0] =	vst v7;
	v52 =	vshrl.u32 v38, $0x7;
	v53 =	vshrl.u32 v38, $0x17;
	v7 =	vcvt.s32.f32 v50  }
0xb3: {  	vm2 =	vle.u32 v43, $0x24924924;
	v33 =	vadd.f32 $1.000000000e+00, v33;
	v51 =	vand.u32 $0x3FF, v51  }
0xb4: {  	v27 =	vadd.f32 $1.000000000e+00, v26;
	v26 =	vadd.s32 v1, v55;
	v32 =	vadd.f32 $1.000000000e+00, v32  }
0xb5: {  	v37 =	vshrl.u32 v26, $0x7;
	v39 =	vshrl.u32 v26, $0x3;
	v35 =	vshrl.u32 v26, $0x17;
	v28 =	vpop (erf)  }
0xb6: {  	(erf) = vrcp.f32 v5;
	v41 =	vmul.f32 v28, v31;
	v31 =	vshrl.u32 v26, $0xD;
	v5 =	vpop (erf)  }
0xb7: {  	v28 =	vand.u32 $0x3FF, v39;
	v31 =	vand.u32 $0x3FF, v31;
	v5 =	vmul.f32 v5, v12  }
0xb8: {  	v28 =	vcvt.s32.f32 v28;
	v12 =	vand.u32 $0x3FF, v54;
	v31 =	vcvt.s32.f32 v31  }
0xb9: {  	v54 =	vmul.u32 $0xB6DB6DB7, v26;
	v12 =	vcvt.s32.f32 v12;
	v9 =	vmul.f32 v5, v29  }
0xba: {  	v28 =	vadd.f32 $1.000000000e+00, v28;
	v8 =	vmul.f32 v5, v8;
	v4 =	vmul.f32 v5, v4  }
0xbb: {  	s11 =	simm.s32 $0x0;
	vm1 =	vle.u32 v54, $0x24924924;
	v29 =	vadd.f32 $1.000000000e+00, v31;
	v31 =	vshrl.u32 v38, $0xD  }
0xbc: {  	v54 =	vcvt.s32.f32 v53;
	v43 =	vsel vm1, $0x0, v2;
	v31 =	vand.u32 $0x3FF, v31;
	[tilespmem:s11+$0xE00] =	vst v9  }
0xbd: {  	v5 =	vpop (erf);
	v9 =	vmul.u32 $0xB6DB6DB7, v38;
	[tilespmem:s11+$0xC00] =	vst v8;
	v8 =	vshrl.u32 v48, $0x7;
	v31 =	vcvt.s32.f32 v31  }
0xbe: {  	v39 =	vadd.f32 v29, v28;
	v36 =	vmul.f32 v5, v36;
	v5 =	vmul.f32 v41, v34  }
0xbf: {  	s26 =	simm.s32 $0x10;
	[tilespmem:s11+$0xA00] =	vst v4;
	v34 =	vadd.f32 $1.000000000e+00, v49;
	v49 =	vcvt.s32.f32 v51;
	v4 =	vmulhi.u32 $0x14F8B59, v8  }
0xc0: {  	s1 =	sand.u32 $0x50, s26;
	vm0 =	vle.u32 v9, $0x24924924;
	v9 =	vmulhi.u32 $0x14F8B59, v45;
	v45 =	vsel vm2, $0x0, v2  }
0xc1: {  	s1 =	sor.u32 s1, s0;
	v31 =	vadd.f32 $1.000000000e+00, v31;
	v13 =	vmul.f32 v36, v13;
	v11 =	vmul.f32 v36, v11  }
0xc2: {  	[tilespmem:s1+$0x0] =	vst v10;
	v55 =	vpop (erf);
	v8 =	vmul.f32 v36, v6;
	v6 =	vmul.f32 v41, v42;
	v4 =	vshrl.u32 v4, $0x4  }
0xc3: {  	s31 =	simm.s32 $0x100;
	s3 =	simm.s32 $0x20;
	v36 =	vadd.f32 $1.000000000e+00, v7;
	v51 =	vmul.f32 v55, v40;
	v55 =	vmul.u32 $0xB6DB6DB7, v48;
	[tilespmem:s11+$0xE10] =	vst v13  }
0xc4: {  	s12 =	sand.u32 $0x600, s31;
	s1 =	sand.u32 $0x60, s3;
	v4 =	vmul.u32 $0x61A80, v4;
	v40 =	vadd.f32 $1.000000000e+00, v49;
	[tilespmem:s11+$0xA10] =	vst v8;
	v8 =	vshrl.u32 v9, $0x4  }
0xc5: {  	s14 =	simm.s32 $0x70;
	s13 =	sshrl.u32 s12, $0x2;
	s1 =	sor.u32 s1, s0;
	[tilespmem:s11+$0xC10] =	vst v11;
	v9 =	vmulhi.u32 $0x14F8B59, v52;
	v11 =	vadd.f32 v32, v27;
	v7 =	vmul.f32 v51, v47  }
0xc6: {  	s28 =	simm.s32 $0x40;
	s15 =	sand.u32 $0x70, s14;
	s29 =	sor.u32 $0x200, s13;
	vm3 =	vle.u32 v55, $0x24924924;
	v10 =	vmul.f32 v51, v3;
	[tilespmem:s1+$0x0] =	vst v46;
	v3 =	vsub.s32 v48, v4  }
0xc7: {  	s8 =	simm.s32 $0x30;
	s23 =	sshllo.u32 s22, $0x1;
	s30 =	sor.u32 s15, s29;
	v4 =	vadd.f32 $1.000000000e+00, v12;
	v13 =	vmul.f32 v51, v44;
	v42 =	vsel vm3, $0x0, v2;
	[tilespmem:s11+$0xE20] =	vst v7  }
0xc8: {  	s26 =	sshll.u32 s22, $0x1;
	s3 =	sand.u32 $0x70, s8;
	s8 =	simm.s32 $0x4;
	v12 =	vshrl.u32 v9, $0x4;
	v9 =	vmul.u32 $0x61A80, v8;
	v7 =	vadd.f32 $1.000000000e+00, v54;
	[tilespmem:s11+$0xA20] =	vst v10  }
0xc9: {  	s0 =	sor.u32 s3, s0;
	s3 =	simm.s32 $0x80;
	s1 =	simm.s32 $0x100;
	v10 =	vadd.f32 v4, v36;
	v8 =	vmul.u32 $0x61A80, v12;
	v12 =	vadd.f32 v31, v40;
	[tilespmem:s11+$0xC20] =	vst v13  }
.LBB2_5:
0xca: {  	s12 =	sadd.s32 s3, s4;
	s8 =	sadd.s32 $0x4, s8;
	v11 =	vadd.f32 v11, v33;
	v13 =	vmulhi.u32 $0x14F8B59, v37;
	s31 =	sadd.s32 $0x100, s31;
	v37 =	vmul.f32 v41, v24;
	v24 =	vmovc v7  }
0xcb: {  	v7 =	vsel vm0, $0x0, v2;
	s13 =	sadd.s32 $0x200, s12;
	s14 =	sadd.s32 $0x210, s12;
	s15 =	sadd.s32 $0x220, s12;
	v12 =	vadd.f32 v12, v24;
	[tilespmem:s0+$0x0] =	vst v25;
	v25 =	vsub.s32 v38, v8  }
0xcc: {  	p0 =	slt.u32 s8, $0x1C;
	s0 =	smov.u32 s30;
	v8 =	vmov s13;
	s13 =	sand.u32 $0x600, s31;
	v38 =	vmov s14;
	v41 =	vmov s15;
	[tilespmem:s11+$0xE30] =	vst v37  }
0xcd: {  	s14 =	sadd.s32 $0x30, s3;
	s15 =	sadd.s32 $0x230, s12;
	v8 =	vmul.u32 $0x9E3779B1, v8;
	s13 =	sshrl.u32 s13, $0x2;
	v37 =	vmul.u32 $0x9E3779B1, v38;
	(erf) = vrcp.f32 v12;
	[tilespmem:s11+$0xA30] =	vst v6  }
0xce: {  	v9 =	vsub.s32 v30, v9;
	v6 =	vmul.u32 $0x9E3779B1, v41;
	v12 =	vmov s15;
	s12 =	sor.u32 $0x200, s13;
	s13 =	sand.u32 $0x70, s14;
	[tilespmem:s11+$0xC30] =	vst v5  }
0xcf: {  	v10 =	vadd.f32 v10, v34;
	v5 =	vbroadcast v8, $0x0;
	v8 =	vmul.u32 $0x9E3779B1, v12;
	s30 =	sor.u32 s13, s12  }
0xd0: {  	v6 =	vbroadcast v6, $0x0;
	v12 =	vshrl.u32 v13, $0x4;
	(erf) = vrcp.f32 v11  }
0xd1: {  	v30 =	vadd.s32 v1, v5;
	v5 =	vbroadcast v8, $0x0;
	(erf) = vrcp.f32 v10  }
0xd2: {  	v11 =	vmul.u32 $0x61A80, v12;
	v8 =	vshrl.u32 v30, $0x3;
	v10 =	vshrl.u32 v30, $0xD  }
0xd3: {  	v12 =	vcvt.s32.f32 v35;
	v8 =	vand.u32 $0x3FF, v8;
	v10 =	vand.u32 $0x3FF, v10  }
0xd4: {  	v13 =	vmul.u32 $0xB6DB6DB7, v30;
	v11 =	vsub.s32 v26, v11;
	v8 =	vcvt.s32.f32 v8  }
0xd5: {  	v44 =	vshrl.u32 v30, $0x7;
	v26 =	vbroadcast v37, $0x0;
	v12 =	vadd.f32 $1.000000000e+00, v12  }
0xd6: {  	v35 =	vshrl.u32 v30, $0x17;
	v10 =	vcvt.s32.f32 v10;
	v8 =	vadd.f32 $1.000000000e+00, v8;
	v38 =	vpop (erf)  }
0xd7: {  	v46 =	vadd.s32 v1, v26;
	v26 =	vadd.s32 v1, v6;
	v6 =	vadd.f32 v39, v12  }
0xd8: {  	v39 =	vshrl.u32 v46, $0x3;
	v47 =	vshrl.u32 v46, $0x17;
	v37 =	vshrl.u32 v26, $0x7  }
0xd9: {  	v48 =	vshrl.u32 v46, $0xD;
	v49 =	vshrl.u32 v26, $0x3;
	v41 =	vmul.f32 v38, v7;
	v7 =	vpop (erf)  }
0xda: {  	v38 =	vand.u32 $0x3FF, v49;
	v49 =	vshrl.u32 v26, $0xD;
	v50 =	vpop (erf);
	(erf) = vrcp.f32 v6  }
0xdb: {  	v51 =	vand.u32 $0x3FF, v39;
	v39 =	vand.u32 $0x3FF, v49;
	v6 =	vcvt.s32.f32 v35  }
0xdc: {  	v38 =	vcvt.s32.f32 v38;
	v35 =	vshrl.u32 v26, $0x17;
	v7 =	vmul.f32 v7, v45  }
0xdd: {  	v10 =	vadd.f32 $1.000000000e+00, v10;
	v39 =	vcvt.s32.f32 v39;
	v45 =	vand.u32 $0x3FF, v48  }
0xde: {  	v48 =	vadd.f32 $1.000000000e+00, v38;
	v38 =	vadd.s32 v1, v5;
	v49 =	vmul.f32 v7, v33  }
0xdf: {  	v52 =	vadd.f32 $1.000000000e+00, v39;
	v5 =	vshrl.u32 v38, $0xD;
	v33 =	vadd.f32 $1.000000000e+00, v6  }
0xe0: {  	v6 =	vshrl.u32 v38, $0x3;
	v5 =	vand.u32 $0x3FF, v5;
	v53 =	vmul.f32 v7, v32;
	v32 =	vmovc v10  }
0xe1: {  	v7 =	vmul.f32 v7, v27;
	v27 =	vmovc v8;
	v39 =	vadd.f32 v52, v48;
	v10 =	vcvt.s32.f32 v5  }
0xe2: {  	s11 =	sand.u32 $0x40, s28;
	v54 =	vshrl.u32 v38, $0x7;
	v8 =	vcvt.s32.f32 v45;
	v6 =	vand.u32 $0x3FF, v6  }
0xe3: {  	s11 =	sor.u32 s11, s29;
	v42 =	vmul.f32 v50, v42;
	v45 =	vcvt.s32.f32 v47;
	v47 =	vshrl.u32 v38, $0x17;
	v50 =	vpop (erf)  }
0xe4: {  	v55 =	vmul.u32 $0xB6DB6DB7, v26;
	v5 =	vmul.f32 v41, v31;
	v31 =	vadd.f32 $1.000000000e+00, v10;
	[tilespmem:s11+$0x0] =	vst v9;
	s11 =	sshra.s32 s1, $0x2;
	s1 =	smov.u32 s31  }
0xe5: {  	s13 =	sadd.s32 $0x10, s28;
	v9 =	vcvt.s32.f32 v6;
	v6 =	vmul.f32 v42, v34;
	v34 =	vadd.f32 $1.000000000e+00, v45;
	[tilespmem:s11+$0xE00] =	vst v49  }
0xe6: {  	s13 =	sand.u32 $0x50, s13;
	vm1 =	vle.u32 v55, $0x24924924;
	v47 =	vcvt.s32.f32 v47;
	v10 =	vcvt.s32.f32 v51;
	[tilespmem:s11+$0xC00] =	vst v53  }
0xe7: {  	s13 =	sor.u32 s13, s29;
	vm2 =	vle.u32 v13, $0x24924924;
	v13 =	vmul.u32 $0xB6DB6DB7, v38;
	v49 =	vmul.f32 v50, v43;
	[tilespmem:s11+$0xA00] =	vst v7  }
0xe8: {  	v4 =	vmul.f32 v42, v4;
	v43 =	vmul.u32 $0xB6DB6DB7, v46;
	v7 =	vshrl.u32 v46, $0x7;
	[tilespmem:s13+$0x0] =	vst v3  }
0xe9: {  	vm0 =	vle.u32 v13, $0x24924924;
	v3 =	vmulhi.u32 $0x14F8B59, v7;
	v7 =	vmul.f32 v42, v36  }
0xea: {  	v13 =	vmulhi.u32 $0x14F8B59, v44;
	vm3 =	vle.u32 v43, $0x24924924;
	s13 =	sadd.s32 $0x20, s28;
	s28 =	smov.u32 s3;
	[tilespmem:s11+$0xE10] =	vst v6;
	v6 =	vmul.f32 v41, v40  }
0xeb: {  	v42 =	vsel vm3, $0x0, v2;
	v36 =	vadd.f32 $1.000000000e+00, v10;
	s13 =	sand.u32 $0x60, s13;
	v3 =	vshrl.u32 v3, $0x4;
	[tilespmem:s11+$0xC10] =	vst v4  }
0xec: {  	v45 =	vsel vm2, $0x0, v2;
	s13 =	sor.u32 s13, s29;
	s29 =	smov.u32 s12;
	v3 =	vmul.u32 $0x61A80, v3;
	[tilespmem:s11+$0xA10] =	vst v7;
	v7 =	vmul.f32 v49, v12  }
.Ltmp1:
0xed: {  	v10 =	vmul.f32 v49, v28;
	v28 =	vmovc v48;
	v12 =	vshrl.u32 v13, $0x4;
	v13 =	vmulhi.u32 $0x14F8B59, v54;
	[tilespmem:s13+$0x0] =	vst v11;
	(pc) =	sbr.rel @p0 .LBB2_5-.Ltmp1, $4  }
0xee: {  	v43 =	vsel vm1, $0x0, v2;
	v4 =	vadd.f32 $1.000000000e+00, v8;
	v3 =	vsub.s32 v46, v3;
	[tilespmem:s11+$0xE20] =	vst v7  }
0xef: {  	v44 =	vmul.f32 v49, v29;
	v29 =	vmovc v52;
	v40 =	vadd.f32 $1.000000000e+00, v9;
	v7 =	vadd.f32 $1.000000000e+00, v47;
	[tilespmem:s11+$0xA20] =	vst v10  }
0xf0: {  	v11 =	vadd.f32 v32, v27;
	v8 =	vshrl.u32 v13, $0x4;
	v10 =	vadd.f32 v4, v36  }
0xf1: {  	s3 =	sadd.s32 $0x40, s3;
	v9 =	vmul.u32 $0x61A80, v12;
	v12 =	vadd.f32 v31, v40;
	v8 =	vmul.u32 $0x61A80, v8;
	[tilespmem:s11+$0xC20] =	vst v44  }
0xf2: {  	_ = 	snop  }
0xf3: {  	v12 =	vadd.f32 v12, v7  }
0xf4: {  	v11 =	vadd.f32 v11, v33  }
0xf5: {  	(erf) = vrcp.f32 v12  }
0xf6: {  	(erf) = vrcp.f32 v11;
	_ =	sdelay $0x1  }
0xf7: {  	v10 =	vadd.f32 v10, v34;
	v54 =	vcvt.s32.f32 v35;
	_ =	sdelay $0x1  }
0xf8: {  	v55 =	vadd.f32 $1.000000000e+00, v54;
	(erf) = vrcp.f32 v10;
	_ =	sdelay $0x1  }
0xf9: {  	v11 =	vadd.f32 v39, v55;
	_ =	sdelay $0x1  }
0xfa: {  	v13 =	vpop (erf);
	(erf) = vrcp.f32 v11  }
0xfb: {  	[tilespmem:s0+$0x0] =	vst v25;
	v25 =	vpop (erf)  }
0xfc: {  	[tilespmem:s11+$0xA30] =	vst v6;
	v12 =	vmul.f32 v41, v24;
	v11 =	vmul.f32 v25, v45  }
0xfd: {  	s3 =	sand.u32 $0x40, s28;
	[tilespmem:s11+$0xC30] =	vst v5  }
0xfe: {  	v35 =	vsub.s32 v30, v9;
	s0 =	sor.u32 s3, s29;
	[tilespmem:s11+$0xE30] =	vst v12;
	v39 =	vmul.f32 v11, v33  }
0xff: {  	s8 =	sshra.s32 s1, $0x2;
	[tilespmem:s0+$0x0] =	vst v35;
	v41 =	vpop (erf);
	v12 =	vmul.f32 v11, v32  }
0x100: {  	s11 =	sadd.s32 $0x10, s28;
	v9 =	vmul.f32 v41, v42;
	v44 =	vmul.f32 v11, v27;
	[tilespmem:s8+$0xE00] =	vst v39  }
0x101: {  	s1 =	sand.u32 $0x50, s11;
	v45 =	vmulhi.u32 $0x14F8B59, v37;
	[tilespmem:s8+$0xC00] =	vst v12  }
0x102: {  	s1 =	sor.u32 s1, s29;
	v46 =	vmul.f32 v9, v34;
	[tilespmem:s8+$0xA00] =	vst v44  }
0x103: {  	v5 =	vshrl.u32 v45, $0x4;
	v4 =	vmul.f32 v9, v4;
	[tilespmem:s1+$0x0] =	vst v3;
	v47 =	vpop (erf)  }
0x104: {  	s12 =	sadd.s32 $0x20, s28;
	v49 =	vmul.f32 v9, v36;
	v3 =	vmul.u32 $0x61A80, v5;
	[tilespmem:s8+$0xE10] =	vst v46;
	v48 =	vmul.f32 v47, v43  }
0x105: {  	s1 =	sand.u32 $0x60, s12;
	[tilespmem:s8+$0xC10] =	vst v4  }
0x106: {  	[tilespmem:s8+$0xA10] =	vst v49;
	s1 =	sor.u32 s1, s29;
	v3 =	vsub.s32 v26, v3;
	v50 =	vmul.f32 v48, v55  }
0x107: {  	v51 =	vsel vm0, $0x0, v2;
	[tilespmem:s1+$0x0] =	vst v3;
	v52 =	vmul.f32 v48, v28  }
0x108: {  	v3 =	vmul.f32 v13, v51;
	v53 =	vmul.f32 v48, v29;
	[tilespmem:s8+$0xE20] =	vst v50  }
0x109: {  	[tilespmem:s8+$0xA20] =	vst v52  }
0x10a: {  	v54 =	vsub.s32 v38, v8;
	v55 =	vmul.f32 v3, v7;
	[tilespmem:s8+$0xC20] =	vst v53  }
0x10b: {  	v6 =	vmul.f32 v3, v40;
	[tilespmem:s30+$0x0] =	vst v54  }
0x10c: {  	v3 =	vmul.f32 v3, v31;
	[tilespmem:s8+$0xE30] =	vst v55  }
0x10d: {  	[tilespmem:s8+$0xA30] =	vst v6  }
0x10e: {  	s13 =	simm.s32 $0x200;
	[tilespmem:s8+$0xC30] =	vst v3  }
0x10f: {  	[tilespmem:s17], [sflag:$0x2] =	stream.indirect.gather [hbm4b:s5+s9], $0x30, s13, s9, $0xb8;
	[tilespmem:$0x11400] =	vst v63  }
0x110: {  	s14 =	simm.s32 $0x280;
	s15 =	simm.s32 $0x8800  }
0x111: {  	[tilespmem:s15], [sflag:$0x2] =	stream.indirect.gather [hbm4b:s5+s9], $0x30, s14, s9, $0xb8;
	[tilespmem:$0x11400] =	vst v63  }
0x112: {  	p0 =	seq.s32 s22, $0x0;
	s28 =	simm.s32 $0x300;
	s29 =	simm.s32 $0xA000  }
0x113: {  	[tilespmem:s29], [sflag:$0x2] =	stream.indirect.gather [hbm4b:s5+s9], $0x30, s28, s9, $0xb8;
	[tilespmem:$0x11400] =	vst v63  }
0x114: {  	s31 =	simm.s32 $0xB800;
	s0 =	simm.s32 @!p0 $0x3;
	s30 =	simm.s32 $0x380  }
0x115: {  	[tilespmem:s31], [sflag:$0x2] =	stream.indirect.gather [hbm4b:s5+s9], $0x30, s30, s9, $0xb8;
	[tilespmem:$0x11400] =	vst v63  }
0x116: {  	_ =	swait.ge @!p0 [sflag:s0], $0x2200  }
0x117: {  	[sflag:s0] =	ssyncset.done @!p0 $0x0  }
0x118: {  	[sflag:s0] =	ssyncadd.s32 @!p0 $0xFFFFDE00  }
0x119: {  	_ =	swait.ge [sflag:s24], $0x1800  }
0x11a: {  	[sflag:s24] =	ssyncset.done $0x0  }
0x11b: {  	[sflag:s24] =	ssyncadd.s32 $0xFFFFE800  }
0x11c: {  	_ =	swait.ge [sflag:s24], $0x1800  }
0x11d: {  	[sflag:s24] =	ssyncset.done $0x0  }
0x11e: {  	[sflag:s24] =	ssyncadd.s32 $0xFFFFE800  }
0x11f: {  	_ =	swait.ge [sflag:s24], $0x1800  }
0x120: {  	[sflag:s24] =	ssyncset.done $0x0  }
0x121: {  	[sflag:s24] =	ssyncadd.s32 $0xFFFFE800  }
0x122: {  	_ =	swait.ge [sflag:s24], $0x1800  }
0x123: {  	[sflag:s24] =	ssyncset.done $0x0  }
0x124: {  	s1 =	simm.s32 $0x800;
	v29 =	vmov v57;
	s0 =	simm.s32 $0x0;
	[sflag:s24] =	ssyncadd.s32 $0xFFFFE800  }
.LBB2_7:
0x125: {  	v3 =	vmov s0  }
0x126: {  	v3 =	vmul.u32 $0x30, v3;
	_ =	sdelay $0x1  }
0x127: {  	v6 =	vbroadcast v3, $0x0;
	_ =	sdelay $0x1  }
0x128: {  	v7 =	vadd.s32 v0, v6  }
0x129: {  	v8 =	vadd.s32 v14, v6  }
0x12a: {  	v5 =	vld [tilespmem:s1+$0xFFFFFE00];
	v9 =	vadd.s32 v15, v6  }
0x12b: {  	v4 =	vld [tilespmem:s1+$0x0];
	v10 =	vadd.s32 v16, v6  }
0x12c: {  	v3 =	vld [tilespmem:s1+$0xFFFFFC00];
	v11 =	vadd.s32 v17, v6  }
0x12d: {  	v12 =	vadd.s32 v18, v6;
	v7 =	vld.idx.msk [tilespmem:v7+s10+$0x0], $0xffff  }
0x12e: {  	v13 =	vadd.s32 v19, v6;
	v8 =	vld.idx.msk [tilespmem:v8+s10+$0x0], $0xffff  }
0x12f: {  	v24 =	vadd.s32 v20, v6;
	v9 =	vld.idx.msk [tilespmem:v9+s10+$0x0], $0xffff  }
0x130: {  	v25 =	vadd.s32 v21, v6;
	v10 =	vld.idx.msk [tilespmem:v10+s10+$0x0], $0xffff  }
0x131: {  	v59 =	vadd.s32 v59, v6;
	v11 =	vld.idx.msk [tilespmem:v11+s10+$0x0], $0xffff  }
0x132: {  	v26 =	vadd.s32 v22, v6;
	v12 =	vld.idx.msk [tilespmem:v12+s10+$0x0], $0xffff  }
0x133: {  	v27 =	vadd.s32 v23, v6;
	v13 =	vld.idx.msk [tilespmem:v13+s10+$0x0], $0xffff  }
0x134: {  	v28 =	vadd.s32 v56, v6;
	v35 =	vld.idx.msk [tilespmem:v24+s10+$0x0], $0xffff  }
0x135: {  	v57 =	vadd.s32 v29, v6;
	v38 =	vld.idx.msk [tilespmem:v25+s10+$0x0], $0xffff  }
0x136: {  	v14 =	vld.idx.msk [tilespmem:v59+s10+$0x0], $0xffff  }
0x137: {  	v58 =	vadd.s32 v58, v6;
	v39 =	vld.idx.msk [tilespmem:v26+s10+$0x0], $0xffff  }
0x138: {  	v29 =	vadd.s32 v62, v6;
	v40 =	vld.idx.msk [tilespmem:v27+s10+$0x0], $0xffff  }
0x139: {  	v49 =	vadd.s32 $0x17, v0;
	v30 =	vadd.s32 v63, v6;
	v43 =	vld.idx.msk [tilespmem:v28+s10+$0x0], $0xffff  }
0x13a: {  	v34 =	vadd.s32 v49, v6;
	v44 =	vld.idx.msk [tilespmem:v57+s10+$0x0], $0xffff  }
0x13b: {  	v48 =	vadd.s32 $0x18, v0;
	[tilespmem:$0x1FE70] =	vst v14;
	v14 =	vld [tilespmem:$0x1FF30]  }
0x13c: {  	v41 =	vadd.s32 v48, v6;
	v62 =	vadd.s32 $0x29, v0;
	v45 =	vld.idx.msk [tilespmem:v58+s10+$0x0], $0xffff  }
0x13d: {  	v63 =	vadd.s32 v62, v6;
	v51 =	vld.idx.msk [tilespmem:v29+s10+$0x0], $0xffff  }
0x13e: {  	v27 =	vadd.s32 v60, v6;
	v52 =	vld.idx.msk [tilespmem:v30+s10+$0x0], $0xffff  }
0x13f: {  	v28 =	vadd.s32 v61, v6;
	v15 =	vld.idx.msk [tilespmem:v34+s10+$0x0], $0xffff  }
0x140: {  	v55 =	vadd.s32 $0x2A, v0;
	v31 =	vadd.s32 v14, v6;
	v14 =	vld [tilespmem:$0x1FF40]  }
0x141: {  	v34 =	vor.u32 $0xA, v0;
	v56 =	vld.idx.msk [tilespmem:v41+s10+$0x0], $0xffff;
	v26 =	vadd.s32 v55, v6  }
0x142: {  	v41 =	vadd.s32 $0x1D, v0;
	v24 =	vadd.s32 v34, v6;
	v60 =	vld.idx.msk [tilespmem:v63+s10+$0x0], $0xffff  }
0x143: {  	v20 =	vadd.s32 v41, v6;
	v27 =	vld.idx.msk [tilespmem:v27+s10+$0x0], $0xffff  }
0x144: {  	v54 =	vadd.s32 $0x1B, v0;
	v50 =	vld.idx.msk [tilespmem:v28+s10+$0x0], $0xffff;
	v13 =	vmul.f32 v13, v3  }
0x145: {  	[tilespmem:$0x1FE60] =	vst v62;
	v47 =	vmul.f32 v35, v5;
	v35 =	vor.u32 $0xB, v0;
	v32 =	vadd.s32 v14, v6;
	v14 =	vld [tilespmem:$0x1FF50]  }
0x146: {  	v7 =	vmul.f32 v7, v3;
	v8 =	vmul.f32 v8, v5;
	v17 =	vld.idx.msk [tilespmem:v26+s10+$0x0], $0xffff;
	v59 =	vadd.s32 v35, v6  }
0x147: {  	v9 =	vmul.f32 v9, v4;
	v62 =	vld.idx.msk [tilespmem:v24+s10+$0x0], $0xffff;
	v13 =	vadd.f32 v47, v13;
	v47 =	vadd.s32 v54, v6  }
0x148: {  	v57 =	vadd.s32 $0x1C, v0;
	v10 =	vmul.f32 v10, v3;
	v11 =	vmul.f32 v11, v5;
	v20 =	vld.idx.msk [tilespmem:v20+s10+$0x0], $0xffff  }
0x149: {  	v12 =	vmul.f32 v12, v4;
	v7 =	vadd.f32 v8, v7;
	v29 =	vmul.f32 v50, v5;
	v50 =	vld [tilespmem:$0x1FE70]  }
0x14a: {  	[tilespmem:$0x1FE90] =	vst v15;
	v27 =	vmul.f32 v27, v3;
	v8 =	vld.idx.msk [tilespmem:v31+s10+$0x0], $0xffff;
	v33 =	vadd.s32 v14, v6;
	v14 =	vadd.s32 $0x27, v0  }
0x14b: {  	v26 =	vadd.s32 v57, v6;
	v21 =	vmul.f32 v44, v3;
	v59 =	vld.idx.msk [tilespmem:v59+s10+$0x0], $0xffff;
	v36 =	vadd.s32 v14, v6  }
0x14c: {  	v51 =	vmul.f32 v51, v4;
	v18 =	vld.idx.msk [tilespmem:v47+s10+$0x0], $0xffff;
	v27 =	vadd.f32 v29, v27;
	[tilespmem:$0x1FE30] =	vst v14;
	v14 =	vor.u32 $0x8, v0  }
0x14d: {  	v23 =	vmul.f32 v45, v5;
	v31 =	vmovc v14;
	v37 =	vadd.s32 v14, v6;
	v14 =	vld.idx.msk [tilespmem:v32+s10+$0x0], $0xffff;
	v32 =	vadd.s32 $0x1A, v0  }
0x14e: {  	v10 =	vadd.f32 v11, v10;
	v27 =	vadd.f32 v51, v27;
	v51 =	vld [tilespmem:$0x1FE90];
	v25 =	vadd.s32 v32, v6  }
0x14f: {  	v29 =	vmul.f32 v52, v3;
	v8 =	vmul.f32 v8, v5;
	v53 =	vld.idx.msk [tilespmem:v33+s10+$0x0], $0xffff;
	v33 =	vadd.s32 $0x19, v0  }
0x150: {  	v7 =	vadd.f32 v9, v7;
	v9 =	vld.idx.msk [tilespmem:v36+s10+$0x0], $0xffff;
	v61 =	vadd.s32 v33, v6;
	v36 =	vadd.s32 $0x2B, v0  }
0x151: {  	v8 =	vadd.f32 v8, v29;
	v29 =	vmul.f32 v56, v5;
	v56 =	vld [tilespmem:$0x1FEB0];
	v24 =	vadd.s32 v36, v6  }
0x152: {  	v21 =	vadd.f32 v23, v21;
	v50 =	vmul.f32 v50, v4;
	[tilespmem:$0x1FE80] =	vst v14;
	v14 =	vadd.s32 $0x28, v0;
	v11 =	vld.idx.msk [tilespmem:v37+s10+$0x0], $0xffff  }
0x153: {  	v10 =	vadd.f32 v12, v10;
	v37 =	vor.u32 $0xC, v0;
	v42 =	vadd.s32 v14, v6;
	v15 =	vld.idx.msk [tilespmem:v25+s10+$0x0], $0xffff  }
0x154: {  	v21 =	vadd.f32 v50, v21;
	[tilespmem:$0x1FE40] =	vst v14;
	v14 =	vor.u32 $0x9, v0;
	v16 =	vadd.s32 v37, v6;
	v50 =	vld [tilespmem:$0x1FE80]  }
0x155: {  	v25 =	vmul.f32 v40, v5;
	v40 =	vadd.s32 $0x2D, v0;
	v46 =	vadd.s32 v14, v6;
	v12 =	vld.idx.msk [tilespmem:v61+s10+$0x0], $0xffff  }
0x156: {  	v19 =	vmul.f32 v43, v4;
	v44 =	vor.u32 $0xE, v0;
	[tilespmem:$0x1FEA0] =	vst v7;
	v22 =	vadd.s32 v40, v6;
	v63 =	vld.idx.msk [tilespmem:v24+s10+$0x0], $0xffff  }
0x157: {  	v51 =	vmul.f32 v51, v5;
	[tilespmem:$0x1FE50] =	vst v14;
	v14 =	vmul.f32 v39, v3;
	v39 =	vor.u32 $0xD, v0;
	v24 =	vld.idx.msk [tilespmem:v26+s10+$0x0], $0xffff  }
0x158: {  	v47 =	vadd.s32 v39, v6;
	v53 =	vmul.f32 v53, v3;
	v61 =	vmul.f32 v38, v4;
	v7 =	vld.idx.msk [tilespmem:v42+s10+$0x0], $0xffff  }
0x159: {  	v38 =	vadd.s32 $0x2C, v0;
	v14 =	vadd.f32 v25, v14;
	v25 =	vadd.s32 v44, v6;
	v16 =	vld.idx.msk [tilespmem:v16+s10+$0x0], $0xffff  }
0x15a: {  	v11 =	vmul.f32 v11, v3;
	v13 =	vadd.f32 v61, v13;
	v61 =	vadd.s32 v38, v6;
	v58 =	vld.idx.msk [tilespmem:v46+s10+$0x0], $0xffff  }
0x15b: {  	v9 =	vmul.f32 v9, v4;
	v51 =	vadd.f32 v51, v53;
	v42 =	vadd.s32 $0x1F, v0;
	v22 =	vld.idx.msk [tilespmem:v22+s10+$0x0], $0xffff  }
0x15c: {  	v46 =	vadd.s32 $0x2E, v0;
	v30 =	vadd.s32 v42, v6;
	v11 =	vadd.f32 v29, v11;
	v29 =	vld [tilespmem:$0x1FEA0]  }
0x15d: {  	v45 =	vadd.s32 $0x1E, v0;
	v23 =	vld.idx.msk [tilespmem:v47+s10+$0x0], $0xffff;
	v26 =	vadd.s32 v46, v6;
	v47 =	vor.u32 $0xF, v0  }
0x15e: {  	v9 =	vadd.f32 v9, v51;
	v51 =	vmul.f32 v62, v3;
	v62 =	vld [tilespmem:$0x1FF10];
	v28 =	vadd.s32 v47, v6  }
0x15f: {  	v43 =	vadd.s32 $0x2F, v0;
	v14 =	vadd.f32 v19, v14;
	v19 =	vld.idx.msk [tilespmem:v61+s10+$0x0], $0xffff;
	v61 =	vadd.s32 v45, v6  }
0x160: {  	v25 =	vld.idx.msk [tilespmem:v25+s10+$0x0], $0xffff;
	v6 =	vadd.s32 v43, v6  }
0x161: {  	v30 =	vld.idx.msk [tilespmem:v30+s10+$0x0], $0xffff  }
0x162: {  	v26 =	vld.idx.msk [tilespmem:v26+s10+$0x0], $0xffff  }
0x163: {  	v50 =	vmul.f32 v50, v4;
	v28 =	vld.idx.msk [tilespmem:v28+s10+$0x0], $0xffff  }
0x164: {  	s3 =	sand.u32 $0x1F0, s0;
	v12 =	vmul.f32 v12, v5;
	v53 =	vmul.f32 v58, v3;
	v52 =	vld.idx.msk [tilespmem:v61+s10+$0x0], $0xffff  }
0x165: {  	v6 =	vld.idx.msk [tilespmem:v6+s10+$0x0], $0xffff;
	[tilespmem:s3+$0xD000] =	vst v29  }
0x166: {  	v8 =	vadd.f32 v50, v8;
	v50 =	vmul.f32 v60, v4;
	v60 =	vld [tilespmem:$0x1FEF0];
	v12 =	vadd.f32 v12, v53;
	[tilespmem:s3+$0xD200] =	vst v10  }
0x167: {  	v7 =	vmul.f32 v7, v4;
	v58 =	vld [tilespmem:$0x1FED0];
	[tilespmem:s3+$0xD400] =	vst v13;
	v13 =	vmul.f32 v15, v5  }
0x168: {  	v61 =	vld [tilespmem:$0x1FF00];
	v10 =	vadd.f32 v50, v12;
	[tilespmem:s3+$0xD600] =	vst v14;
	v12 =	vmul.f32 v59, v3;
	v14 =	vmul.f32 v18, v5  }
0x169: {  	v7 =	vadd.f32 v7, v11;
	v29 =	vld [tilespmem:$0x1FEC0];
	[tilespmem:s3+$0xD800] =	vst v21;
	v15 =	vmul.f32 v63, v4;
	v53 =	vmul.f32 v19, v4  }
0x16a: {  	v59 =	vld [tilespmem:$0x1FEE0];
	[tilespmem:s3+$0xDA00] =	vst v27;
	v50 =	vmul.f32 v25, v3;
	v11 =	vadd.f32 v13, v51;
	v13 =	vmul.f32 v17, v4  }
0x16b: {  	v18 =	vld [tilespmem:$0x1FFA0];
	[tilespmem:s3+$0xDC00] =	vst v8;
	v12 =	vadd.f32 v14, v12;
	v14 =	vmul.f32 v16, v3;
	v16 =	vmul.f32 v24, v5  }
0x16c: {  	v21 =	vld [tilespmem:$0x1FFD0];
	[tilespmem:s3+$0xDE00] =	vst v9;
	v24 =	vmul.f32 v20, v5;
	v51 =	vmul.f32 v28, v3;
	v11 =	vadd.f32 v13, v11  }
0x16d: {  	v63 =	vld [tilespmem:$0x1FF20];
	[tilespmem:s3+$0xE000] =	vst v7;
	v13 =	vmul.f32 v23, v3;
	v12 =	vadd.f32 v15, v12;
	v14 =	vadd.f32 v16, v14  }
0x16e: {  	v19 =	vld [tilespmem:$0x1FFB0];
	[tilespmem:s3+$0xE200] =	vst v10;
	v15 =	vmul.f32 v22, v4;
	v3 =	vadd.f32 v5, v3;
	v16 =	vmul.f32 v52, v5  }
0x16f: {  	v17 =	vld [tilespmem:$0x1FF90];
	v9 =	vadd.f32 v24, v13;
	v13 =	vmul.f32 v30, v5;
	v8 =	vadd.f32 v53, v14;
	[tilespmem:s3+$0xE400] =	vst v11  }
0x170: {  	p1 =	sne.s32 s0, $0x1F0;
	v20 =	vld [tilespmem:$0x1FFC0];
	v52 =	vmul.f32 v26, v4;
	[tilespmem:s3+$0xE600] =	vst v12;
	v3 =	vadd.f32 v4, v3;
	v7 =	vadd.f32 v16, v50  }
.Ltmp2:
0x171: {  	v23 =	vld [tilespmem:$0x1FFF0];
	v6 =	vmul.f32 v6, v4;
	v9 =	vadd.f32 v15, v9;
	v10 =	vadd.f32 v13, v51;
	[tilespmem:s3+$0xE800] =	vst v8;
	(pc) =	sbr.rel @p1 .LBB2_7-.Ltmp2, $4  }
0x172: {  	v22 =	vld [tilespmem:$0x1FFE0];
	[tilespmem:s3+$0xF000] =	vst v3;
	v7 =	vadd.f32 v52, v7  }
0x173: {  	v14 =	vld [tilespmem:$0x1FF60];
	v53 =	vadd.f32 v6, v10;
	[tilespmem:s3+$0xEA00] =	vst v9  }
0x174: {  	v16 =	vld [tilespmem:$0x1FF80];
	[tilespmem:s3+$0xEC00] =	vst v7  }
0x175: {  	s0 =	sadd.s32 $0x10, s0;
	s1 =	sadd.s32 $0x10, s1;
	v15 =	vld [tilespmem:$0x1FF70];
	[tilespmem:s3+$0xEE00] =	vst v53  }
0x176: {  	s26 =	sor.u32 s6, s26;
	s0 =	sand.u32 $0x3, s22  }
0x177: {  	p1 =	seq.s32 s26, $0x0;
	p2 =	sne.s32 s0, $0x0  }
0x178: {  	p1 =	por !p2, !p1  }
0x179: {  	s0 =	simm.s32 $0x1;
	p1 =	por !p1, !p1  }
0x17a: {  	s1 =	sshrl.u32 s26, $0x3;
	s0 =	simm.s32 @!p1 $0x0  }
0x17b: {  	s0 =	ssub.s32 s1, s0  }
0x17c: {  	s3 =	sshll.u32 s22, $0x8;
	s0 =	sshll.u32 s0, $0xC  }
0x17d: {  	s1 =	sand.u32 $0x300, s3;
	s0 =	sadd.s32 s7, s0  }
0x17e: {  	s0 =	sor.u32 s1, s0  }
0x17f: {  	s0 =	sshrl.u32 s0, $0x3  }
0x180: {  	s8 =	simm.s32 $0xD000;
	s0 =	sadd.s32 s2, s0  }
0x181: {  	[hbm4b:s0+s9] =	stream.strided.scatter [tilespmem:s8], [sflag:$0x3], $0x200, s25, s9, $0x38;
	[tilespmem:$0x11400] =	vst v63  }
0x182: {  	s3 =	simm.s32 $0xD200;
	s11 =	sadd.s32 $0x8000, s0  }
0x183: {  	[hbm4b:s11+s9] =	stream.strided.scatter [tilespmem:s3], [sflag:$0x3], $0x200, s25, s9, $0x38;
	[tilespmem:$0x11400] =	vst v63  }
0x184: {  	s13 =	simm.s32 $0xD400;
	s12 =	sadd.s32 $0x10000, s0  }
0x185: {  	[hbm4b:s12+s9] =	stream.strided.scatter [tilespmem:s13], [sflag:$0x3], $0x200, s25, s9, $0x38;
	[tilespmem:$0x11400] =	vst v63  }
0x186: {  	s15 =	simm.s32 $0xD600;
	s14 =	sadd.s32 $0x18000, s0  }
0x187: {  	[hbm4b:s14+s9] =	stream.strided.scatter [tilespmem:s15], [sflag:$0x3], $0x200, s25, s9, $0x38;
	[tilespmem:$0x11400] =	vst v63  }
0x188: {  	s29 =	simm.s32 $0xD800;
	s28 =	sadd.s32 $0x20000, s0  }
0x189: {  	[hbm4b:s28+s9] =	stream.strided.scatter [tilespmem:s29], [sflag:$0x3], $0x200, s25, s9, $0x38;
	[tilespmem:$0x11400] =	vst v63  }
0x18a: {  	s31 =	simm.s32 $0xDA00;
	s30 =	sadd.s32 $0x28000, s0  }
0x18b: {  	[hbm4b:s30+s9] =	stream.strided.scatter [tilespmem:s31], [sflag:$0x3], $0x200, s25, s9, $0x38;
	[tilespmem:$0x11400] =	vst v63  }
0x18c: {  	s8 =	sadd.s32 $0x30000, s0;
	s11 =	simm.s32 $0xDC00  }
0x18d: {  	[hbm4b:s8+s9] =	stream.strided.scatter [tilespmem:s11], [sflag:$0x3], $0x200, s25, s9, $0x38;
	[tilespmem:$0x11400] =	vst v63  }
0x18e: {  	s12 =	sadd.s32 $0x38000, s0;
	s13 =	simm.s32 $0xDE00  }
0x18f: {  	[hbm4b:s12+s9] =	stream.strided.scatter [tilespmem:s13], [sflag:$0x3], $0x200, s25, s9, $0x38;
	[tilespmem:$0x11400] =	vst v63  }
0x190: {  	s14 =	sadd.s32 $0x40000, s0;
	s15 =	simm.s32 $0xE000  }
0x191: {  	[hbm4b:s14+s9] =	stream.strided.scatter [tilespmem:s15], [sflag:$0x3], $0x200, s25, s9, $0x38;
	[tilespmem:$0x11400] =	vst v63  }
0x192: {  	s28 =	sadd.s32 $0x48000, s0;
	s29 =	simm.s32 $0xE200  }
0x193: {  	[hbm4b:s28+s9] =	stream.strided.scatter [tilespmem:s29], [sflag:$0x3], $0x200, s25, s9, $0x38;
	[tilespmem:$0x11400] =	vst v63  }
0x194: {  	[tilespmem:$0x1FDB0] =	vst v40;
	s30 =	sadd.s32 $0x50000, s0;
	s31 =	simm.s32 $0xE400  }
0x195: {  	[hbm4b:s30+s9] =	stream.strided.scatter [tilespmem:s31], [sflag:$0x3], $0x200, s25, s9, $0x38;
	[tilespmem:$0x11400] =	vst v63  }
0x196: {  	[tilespmem:$0x1FDC0] =	vst v37;
	s3 =	sadd.s32 $0x58000, s0;
	s8 =	simm.s32 $0xE600  }
0x197: {  	[hbm4b:s3+s9] =	stream.strided.scatter [tilespmem:s8], [sflag:$0x3], $0x200, s25, s9, $0x38;
	[tilespmem:$0x11400] =	vst v63  }
0x198: {  	[tilespmem:$0x1FDD0] =	vst v35;
	s11 =	sadd.s32 $0x60000, s0;
	s12 =	simm.s32 $0xE800  }
0x199: {  	[hbm4b:s11+s9] =	stream.strided.scatter [tilespmem:s12], [sflag:$0x3], $0x200, s25, s9, $0x38;
	[tilespmem:$0x11400] =	vst v63  }
0x19a: {  	[tilespmem:$0x1FDE0] =	vst v55;
	s13 =	sadd.s32 $0x68000, s0;
	s14 =	simm.s32 $0xEA00  }
0x19b: {  	[hbm4b:s13+s9] =	stream.strided.scatter [tilespmem:s14], [sflag:$0x3], $0x200, s25, s9, $0x38;
	[tilespmem:$0x11400] =	vst v63  }
0x19c: {  	[tilespmem:$0x1FDF0] =	vst v32;
	p1 =	seq.s32 s22, $0x1F;
	s15 =	sadd.s32 $0x70000, s0;
	s28 =	simm.s32 $0xEC00  }
0x19d: {  	[hbm4b:s15+s9] =	stream.strided.scatter [tilespmem:s28], [sflag:$0x3], $0x200, s25, s9, $0x38;
	[tilespmem:$0x11400] =	vst v63  }
.Ltmp3:
0x19e: {  	[tilespmem:$0x1FE00] =	vst v33;
	(pc) =	sbr.rel @p1 .LBB2_12-.Ltmp3, $4  }
0x19f: {  	[tilespmem:$0x1FE10] =	vst v48;
	s29 =	sadd.s32 $0x78000, s0;
	s30 =	simm.s32 $0xEE00  }
0x1a0: {  	v53 =	vmov v0;
	v0 =	vld [tilespmem:$0x1FE30];
	[hbm4b:s29+s9] =	stream.strided.scatter [tilespmem:s30], [sflag:$0x3], $0x200, s25, s9, $0x38  }
0x1a1: {  	[tilespmem:$0x1FE20] =	vst v31;
	v33 =	vld [tilespmem:$0x1FE50];
	s0 =	sadd.s32 $0x80000, s0;
	s31 =	simm.s32 $0xF000  }
0x1a2: {  	v31 =	vmov v49;
	v35 =	vld [tilespmem:$0x1FE60];
	v37 =	vmov v54;
	v40 =	vmov v57;
	[hbm4b:s0+s9] =	stream.strided.scatter [tilespmem:s31], [sflag:$0x3], $0x200, s25, s9, $0x38  }
0x1a3: {  	s0 =	sadd.s32 $0x0, s4  }
0x1a4: {  	s12 =	sadd.s32 $0x40, s4;
	s1 =	sadd.s32 $0x400, s0;
	s11 =	sadd.s32 $0x410, s0  }
0x1a5: {  	s3 =	sadd.s32 $0x430, s0;
	s0 =	sadd.s32 $0x420, s0;
	s13 =	sadd.s32 $0x400, s12;
	v3 =	vmov s1;
	v4 =	vmov s11  }
0x1a6: {  	s14 =	sadd.s32 $0x410, s12;
	v5 =	vmov s3;
	v6 =	vmov s0;
	v27 =	vmov s13  }
0x1a7: {  	v28 =	vmov s14;
	v3 =	vmul.u32 $0x9E3779B1, v3;
	v5 =	vmul.u32 $0x9E3779B1, v5  }
0x1a8: {  	s15 =	sadd.s32 $0x420, s12;
	s0 =	sadd.s32 $0x430, s12;
	v4 =	vmul.u32 $0x9E3779B1, v4;
	v6 =	vmul.u32 $0x9E3779B1, v6;
	v61 =	vmul.u32 $0x9E3779B1, v27  }
0x1a9: {  	v62 =	vmul.u32 $0x9E3779B1, v28;
	v28 =	vmov s15;
	v29 =	vmov s0  }
0x1aa: {  	v29 =	vmul.u32 $0x9E3779B1, v29;
	v3 =	vbroadcast v3, $0x0;
	v5 =	vbroadcast v5, $0x0  }
0x1ab: {  	v63 =	vmul.u32 $0x9E3779B1, v28;
	v4 =	vbroadcast v4, $0x0;
	v6 =	vbroadcast v6, $0x0  }
0x1ac: {  	v32 =	vbroadcast v29, $0x0;
	v3 =	vadd.s32 v1, v3;
	v5 =	vadd.s32 v1, v5  }
0x1ad: {  	v4 =	vadd.s32 v1, v4;
	v6 =	vadd.s32 v1, v6;
	v7 =	vshrl.u32 v3, $0x3  }
0x1ae: {  	v8 =	vshrl.u32 v3, $0xD;
	v9 =	vshrl.u32 v3, $0x17;
	v10 =	vshrl.u32 v3, $0x7  }
0x1af: {  	v13 =	vshrl.u32 v4, $0x3;
	v14 =	vshrl.u32 v5, $0xD;
	v16 =	vshrl.u32 v4, $0xD  }
0x1b0: {  	v17 =	vshrl.u32 v5, $0x3;
	v18 =	vmul.u32 $0xB6DB6DB7, v4;
	v19 =	vshrl.u32 v6, $0x3  }
0x1b1: {  	v20 =	vshrl.u32 v6, $0xD;
	v21 =	vmul.u32 $0xB6DB6DB7, v6;
	v22 =	vshrl.u32 v6, $0x17  }
0x1b2: {  	v24 =	vshrl.u32 v4, $0x17;
	v54 =	vmul.u32 $0xB6DB6DB7, v5;
	v55 =	vshrl.u32 v4, $0x7  }
0x1b3: {  	v56 =	vshrl.u32 v6, $0x7;
	v57 =	vshrl.u32 v5, $0x7;
	v7 =	vand.u32 $0x3FF, v7  }
0x1b4: {  	v8 =	vand.u32 $0x3FF, v8;
	v9 =	vcvt.s32.f32 v9;
	v14 =	vand.u32 $0x3FF, v14  }
0x1b5: {  	v10 =	vmulhi.u32 $0x14F8B59, v10;
	v17 =	vand.u32 $0x3FF, v17;
	v13 =	vand.u32 $0x3FF, v13  }
0x1b6: {  	v20 =	vand.u32 $0x3FF, v20;
	v58 =	vcvt.s32.f32 v22;
	v7 =	vcvt.s32.f32 v7  }
0x1b7: {  	v19 =	vand.u32 $0x3FF, v19;
	v14 =	vcvt.s32.f32 v14;
	v17 =	vcvt.s32.f32 v17  }
0x1b8: {  	v16 =	vand.u32 $0x3FF, v16;
	v20 =	vcvt.s32.f32 v20;
	v19 =	vcvt.s32.f32 v19  }
0x1b9: {  	vm0 =	vle.u32 v21, $0x24924924;
	v13 =	vcvt.s32.f32 v13;
	vm1 =	vle.u32 v54, $0x24924924  }
0x1ba: {  	vm3 =	vle.u32 v18, $0x24924924;
	v11 =	vadd.f32 $1.000000000e+00, v7;
	v7 =	vcvt.s32.f32 v8  }
0x1bb: {  	v18 =	vmulhi.u32 $0x14F8B59, v57;
	v54 =	vbroadcast v62, $0x0;
	v10 =	vshrl.u32 v10, $0x4  }
0x1bc: {  	v22 =	vsel vm3, $0x0, v2;
	v12 =	vadd.f32 $1.000000000e+00, v7;
	v7 =	vshrl.u32 v5, $0x17  }
0x1bd: {  	v14 =	vadd.f32 $1.000000000e+00, v14;
	v17 =	vadd.f32 $1.000000000e+00, v17;
	v7 =	vcvt.s32.f32 v7  }
0x1be: {  	v25 =	vsel vm1, $0x0, v2;
	v8 =	vadd.f32 $1.000000000e+00, v9;
	v15 =	vadd.f32 v12, v11  }
0x1bf: {  	v9 =	vmul.u32 $0xB6DB6DB7, v3;
	v23 =	vadd.f32 $1.000000000e+00, v7;
	v7 =	vadd.f32 v14, v17  }
0x1c0: {  	v48 =	vadd.f32 $1.000000000e+00, v20;
	v10 =	vmul.u32 $0x61A80, v10;
	v18 =	vshrl.u32 v18, $0x4  }
0x1c1: {  	v49 =	vmovc v53;
	v18 =	vmul.u32 $0x61A80, v18;
	v53 =	vadd.f32 v7, v23;
	v7 =	vadd.f32 v15, v8  }
0x1c2: {  	v10 =	vsub.s32 v3, v10;
	v3 =	vcvt.s32.f32 v16;
	v16 =	vmulhi.u32 $0x14F8B59, v56  }
0x1c3: {  	v13 =	vadd.f32 $1.000000000e+00, v13;
	vm2 =	vle.u32 v9, $0x24924924;
	(erf) = vrcp.f32 v7  }
0x1c4: {  	v52 =	vsub.s32 v5, v18;
	v18 =	vbroadcast v63, $0x0;
	v16 =	vshrl.u32 v16, $0x4  }
0x1c5: {  	v7 =	vadd.f32 $1.000000000e+00, v19;
	v19 =	vmulhi.u32 $0x14F8B59, v55;
	(erf) = vrcp.f32 v53  }
0x1c6: {  	v60 =	vsel vm2, $0x0, v2;
	v9 =	vadd.f32 $1.000000000e+00, v3;
	v16 =	vmul.u32 $0x61A80, v16  }
0x1c7: {  	v50 =	vadd.s32 v1, v18;
	v15 =	vcvt.s32.f32 v24;
	v3 =	vshrl.u32 v19, $0x4  }
0x1c8: {  	v30 =	vshrl.u32 v50, $0xD;
	v24 =	vsel vm0, $0x0, v2;
	v3 =	vmul.u32 $0x61A80, v3  }
0x1c9: {  	v30 =	vand.u32 $0x3FF, v30;
	v15 =	vadd.f32 $1.000000000e+00, v15;
	v59 =	vadd.f32 v48, v7  }
0x1ca: {  	v19 =	vadd.f32 $1.000000000e+00, v58;
	v4 =	vsub.s32 v4, v3;
	v3 =	vadd.f32 v9, v13  }
0x1cb: {  	v16 =	vsub.s32 v6, v16;
	v53 =	vadd.s32 v1, v32;
	v32 =	vcvt.s32.f32 v30  }
0x1cc: {  	v20 =	vadd.f32 v59, v19;
	v59 =	vshrl.u32 v53, $0x17;
	v3 =	vadd.f32 v3, v15;
	v26 =	vpop (erf)  }
0x1cd: {  	v6 =	vshrl.u32 v50, $0x3;
	v62 =	vcvt.s32.f32 v59;
	v21 =	vmul.f32 v26, v60  }
0x1ce: {  	v6 =	vand.u32 $0x3FF, v6;
	v26 =	vbroadcast v61, $0x0;
	v5 =	vpop (erf);
	(erf) = vrcp.f32 v3  }
0x1cf: {  	v62 =	vadd.f32 $1.000000000e+00, v62;
	v5 =	vmul.f32 v5, v25;
	(erf) = vrcp.f32 v20  }
0x1d0: {  	v8 =	vmul.f32 v21, v8;
	v12 =	vmul.f32 v21, v12;
	v25 =	vadd.s32 v1, v26  }
0x1d1: {  	v11 =	vmul.f32 v21, v11;
	v21 =	vadd.s32 v1, v54;
	v28 =	vshrl.u32 v25, $0x3  }
0x1d2: {  	v29 =	vshrl.u32 v25, $0xD;
	v55 =	vmul.f32 v5, v14;
	v14 =	vshrl.u32 v25, $0x7  }
0x1d3: {  	s8 =	simm.s32 $0x0;
	s3 =	simm.s32 $0x0;
	v58 =	vmul.f32 v5, v23;
	v27 =	vmul.u32 $0xB6DB6DB7, v25;
	v57 =	vshrl.u32 v21, $0x3  }
0x1d4: {  	s1 =	sand.u32 $0x180, s8;
	s0 =	sand.u32 $0x40, s3;
	v3 =	vmul.f32 v5, v17;
	v5 =	vshrl.u32 v53, $0xD;
	v63 =	vshrl.u32 v21, $0xD  }
0x1d5: {  	s0 =	sor.u32 s0, s1;
	v18 =	vmul.u32 $0xB6DB6DB7, v21;
	v28 =	vand.u32 $0x3FF, v28;
	v29 =	vand.u32 $0x3FF, v29  }
0x1d6: {  	s28 =	simm.s32 $0x0;
	[tilespmem:s0+$0x0] =	vst v10;
	v5 =	vand.u32 $0x3FF, v5;
	v14 =	vmulhi.u32 $0x14F8B59, v14;
	v20 =	vand.u32 $0x3FF, v57  }
0x1d7: {  	[tilespmem:s28+$0x800] =	vst v8;
	v8 =	vcvt.s32.f32 v6;
	v51 =	vcvt.s32.f32 v28;
	v28 =	vshrl.u32 v25, $0x17  }
0x1d8: {  	v56 =	vcvt.s32.f32 v29;
	v29 =	vmul.u32 $0xB6DB6DB7, v50;
	v5 =	vcvt.s32.f32 v5  }
0x1d9: {  	[tilespmem:s28+$0x600] =	vst v12;
	v12 =	vcvt.s32.f32 v20;
	vm3 =	vle.u32 v27, $0x24924924;
	vm2 =	vle.u32 v18, $0x24924924  }
0x1da: {  	s11 =	simm.s32 $0x10;
	v28 =	vcvt.s32.f32 v28;
	v14 =	vshrl.u32 v14, $0x4;
	v57 =	vadd.f32 $1.000000000e+00, v8  }
0x1db: {  	s0 =	sand.u32 $0x50, s11;
	v8 =	vmul.u32 $0xB6DB6DB7, v53;
	v51 =	vadd.f32 $1.000000000e+00, v51;
	v61 =	vadd.f32 $1.000000000e+00, v56  }
0x1dc: {  	s0 =	sor.u32 s0, s1;
	[tilespmem:s28+$0x400] =	vst v11;
	v59 =	vadd.f32 $1.000000000e+00, v5;
	vm0 =	vle.u32 v29, $0x24924924;
	v10 =	vmul.u32 $0x61A80, v14  }
0x1dd: {  	[tilespmem:s0+$0x0] =	vst v4;
	v4 =	vadd.f32 $1.000000000e+00, v12;
	v60 =	vadd.f32 $1.000000000e+00, v28;
	v28 =	vshrl.u32 v53, $0x3  }
0x1de: {  	vm1 =	vle.u32 v8, $0x24924924;
	v23 =	vadd.f32 v61, v51;
	v28 =	vand.u32 $0x3FF, v28;
	v54 =	vpop (erf)  }
0x1df: {  	v6 =	vsub.s32 v25, v10;
	v28 =	vcvt.s32.f32 v28;
	v5 =	vmul.f32 v54, v22  }
0x1e0: {  	v22 =	vand.u32 $0x3FF, v63;
	v54 =	vadd.f32 $1.000000000e+00, v32;
	v10 =	vadd.f32 v23, v60  }
0x1e1: {  	v32 =	vcvt.s32.f32 v22;
	v56 =	vadd.f32 $1.000000000e+00, v28;
	v9 =	vmul.f32 v5, v9  }
0x1e2: {  	v28 =	vshrl.u32 v50, $0x17;
	v13 =	vmul.f32 v5, v13;
	v5 =	vmul.f32 v5, v15  }
0x1e3: {  	v11 =	vpop (erf);
	v15 =	vshrl.u32 v21, $0x17;
	(erf) = vrcp.f32 v10;
	v63 =	vadd.f32 v59, v56  }
0x1e4: {  	s12 =	simm.s32 $0x20;
	v15 =	vcvt.s32.f32 v15;
	v10 =	vmul.f32 v11, v24;
	[tilespmem:s28+$0x610] =	vst v9;
	v9 =	vshrl.u32 v21, $0x7  }
0x1e5: {  	s0 =	sand.u32 $0x60, s12;
	v11 =	vadd.f32 v54, v57;
	[tilespmem:s28+$0x410] =	vst v13;
	v8 =	vmulhi.u32 $0x14F8B59, v9;
	v14 =	vadd.f32 v63, v62  }
0x1e6: {  	s13 =	simm.s32 $0x30;
	s0 =	sor.u32 s0, s1;
	[tilespmem:s28+$0x810] =	vst v5;
	v5 =	vadd.f32 $1.000000000e+00, v32;
	v13 =	vcvt.s32.f32 v28;
	v9 =	vmul.f32 v10, v19  }
0x1e7: {  	s30 =	simm.s32 $0x40;
	s14 =	simm.s32 $0x40;
	s3 =	sand.u32 $0x70, s13;
	[tilespmem:s0+$0x0] =	vst v16;
	v12 =	vmul.f32 v10, v7;
	v8 =	vshrl.u32 v8, $0x4;
	(erf) = vrcp.f32 v14  }
0x1e8: {  	s31 =	sand.u32 $0x180, s14;
	s8 =	sor.u32 s3, s1;
	s11 =	simm.s32 $0x70;
	v7 =	vshrl.u32 v53, $0x7;
	[tilespmem:s28+$0x820] =	vst v9;
	v8 =	vmul.u32 $0x61A80, v8;
	v14 =	vmul.f32 v10, v48  }
0x1e9: {  	s3 =	simm.s32 $0x100;
	s15 =	sand.u32 $0x70, s11;
	s11 =	simm.s32 $0x80;
	v63 =	vadd.f32 $1.000000000e+00, v15;
	v15 =	vshrl.u32 v50, $0x7;
	v7 =	vmulhi.u32 $0x14F8B59, v7;
	[tilespmem:s28+$0x420] =	vst v12  }
0x1ea: {  	s29 =	sor.u32 s15, s31;
	s1 =	simm.s32 $0x100;
	s0 =	simm.s32 $0x4;
	v12 =	vadd.f32 v5, v4;
	v10 =	vmulhi.u32 $0x14F8B59, v15;
	v9 =	vsub.s32 v21, v8;
	[tilespmem:s28+$0x620] =	vst v14  }
.LBB2_10:
0x1eb: {  	s13 =	sadd.s32 s11, s4;
	s0 =	sadd.s32 $0x4, s0;
	v14 =	vsel vm3, $0x0, v2;
	v15 =	vsel vm2, $0x0, v2;
	v16 =	vshrl.u32 v7, $0x4;
	s3 =	sadd.s32 $0x100, s3  }
0x1ec: {  	v8 =	vsel vm0, $0x0, v2;
	v7 =	vadd.f32 $1.000000000e+00, v13;
	v13 =	vsel vm1, $0x0, v2;
	s12 =	sadd.s32 $0x400, s13;
	s14 =	sadd.s32 $0x410, s13;
	s15 =	sadd.s32 $0x420, s13;
	v17 =	vpop (erf);
	[tilespmem:s8+$0x0] =	vst v52  }
0x1ed: {  	s8 =	sshrl.u32 s3, $0x2;
	p1 =	slt.u32 s0, $0x1C;
	v18 =	vmov s12;
	v19 =	vmov s14;
	s14 =	sadd.s32 $0x30, s11;
	v14 =	vmul.f32 v17, v14;
	[tilespmem:s28+$0x430] =	vst v3  }
0x1ee: {  	v21 =	vmul.u32 $0x61A80, v16;
	s12 =	sand.u32 $0x180, s8;
	s8 =	sadd.s32 $0x430, s13;
	v3 =	vmul.u32 $0x9E3779B1, v18;
	v17 =	vmul.u32 $0x9E3779B1, v19;
	s13 =	sand.u32 $0x70, s14  }
0x1ef: {  	v18 =	vmov s15;
	v19 =	vmov s8;
	s8 =	smov.u32 s29;
	v20 =	vmul.f32 v14, v60;
	[tilespmem:s28+$0x830] =	vst v58;
	s29 =	sor.u32 s13, s12  }
0x1f0: {  	v52 =	vsub.s32 v53, v21;
	v19 =	vmul.u32 $0x9E3779B1, v19;
	s13 =	sand.u32 $0x40, s30;
	v3 =	vbroadcast v3, $0x0;
	v16 =	vpop (erf);
	[tilespmem:s28+$0x630] =	vst v55  }
0x1f1: {  	v18 =	vmul.u32 $0x9E3779B1, v18;
	v21 =	vmul.f32 v14, v61;
	s13 =	sor.u32 s13, s31;
	v13 =	vmul.f32 v16, v13  }
0x1f2: {  	s28 =	sshra.s32 s1, $0x2;
	s1 =	smov.u32 s3;
	v16 =	vadd.s32 v1, v3;
	v3 =	vbroadcast v19, $0x0;
	[tilespmem:s13+$0x0] =	vst v6;
	v6 =	vadd.f32 v12, v63  }
0x1f3: {  	v11 =	vadd.f32 v11, v7;
	v12 =	vshrl.u32 v16, $0x3;
	v19 =	vshrl.u32 v16, $0xD;
	[tilespmem:s28+$0x800] =	vst v20  }
0x1f4: {  	v14 =	vmul.f32 v14, v51;
	v12 =	vand.u32 $0x3FF, v12;
	v19 =	vand.u32 $0x3FF, v19;
	[tilespmem:s28+$0x600] =	vst v21  }
0x1f5: {  	v20 =	vshrl.u32 v16, $0x17;
	v55 =	vmul.f32 v13, v59;
	v12 =	vcvt.s32.f32 v12  }
0x1f6: {  	v58 =	vmul.f32 v13, v62;
	v21 =	vshrl.u32 v16, $0x7;
	v20 =	vcvt.s32.f32 v20  }
0x1f7: {  	v51 =	vadd.f32 $1.000000000e+00, v12;
	v12 =	vbroadcast v17, $0x0;
	v17 =	vbroadcast v18, $0x0  }
0x1f8: {  	s13 =	sadd.s32 $0x10, s30;
	v60 =	vadd.f32 $1.000000000e+00, v20;
	v18 =	vcvt.s32.f32 v19;
	(erf) = vrcp.f32 v6  }
0x1f9: {  	s13 =	sand.u32 $0x50, s13;
	v19 =	vmul.u32 $0xB6DB6DB7, v16;
	v12 =	vadd.s32 v1, v12;
	(erf) = vrcp.f32 v11  }
0x1fa: {  	v10 =	vshrl.u32 v10, $0x4;
	v53 =	vadd.s32 v1, v3;
	s13 =	sor.u32 s13, s31;
	v6 =	vshrl.u32 v12, $0x3;
	[tilespmem:s28+$0x400] =	vst v14  }
0x1fb: {  	v3 =	vmul.f32 v13, v56;
	v61 =	vadd.f32 $1.000000000e+00, v18;
	v11 =	vshrl.u32 v53, $0x17;
	[tilespmem:s13+$0x0] =	vst v9  }
0x1fc: {  	v10 =	vmul.u32 $0x61A80, v10;
	v11 =	vcvt.s32.f32 v11;
	v9 =	vshrl.u32 v53, $0xD  }
0x1fd: {  	v14 =	vshrl.u32 v12, $0xD;
	v13 =	vadd.f32 v61, v51;
	v9 =	vand.u32 $0x3FF, v9  }
0x1fe: {  	v10 =	vsub.s32 v50, v10;
	v18 =	vmulhi.u32 $0x14F8B59, v21;
	v50 =	vadd.s32 v1, v17  }
0x1ff: {  	v21 =	vshrl.u32 v53, $0x3;
	v17 =	vmul.u32 $0xB6DB6DB7, v12;
	v20 =	vshrl.u32 v50, $0x3  }
0x200: {  	v22 =	vmul.u32 $0xB6DB6DB7, v50;
	v21 =	vand.u32 $0x3FF, v21;
	v9 =	vcvt.s32.f32 v9  }
0x201: {  	v23 =	vand.u32 $0x3FF, v6;
	v6 =	vshrl.u32 v50, $0xD;
	v21 =	vcvt.s32.f32 v21;
	v24 =	vpop (erf)  }
0x202: {  	v6 =	vand.u32 $0x3FF, v6;
	v59 =	vadd.f32 $1.000000000e+00, v9;
	v9 =	vmul.f32 v24, v15;
	v15 =	vpop (erf)  }
0x203: {  	v14 =	vand.u32 $0x3FF, v14;
	v6 =	vcvt.s32.f32 v6;
	v56 =	vadd.f32 $1.000000000e+00, v21  }
0x204: {  	v18 =	vshrl.u32 v18, $0x4;
	v21 =	vshrl.u32 v50, $0x17;
	v5 =	vmul.f32 v9, v5  }
0x205: {  	v62 =	vadd.f32 $1.000000000e+00, v11;
	v11 =	vadd.f32 v59, v56;
	v4 =	vmul.f32 v9, v4  }
0x206: {  	v20 =	vand.u32 $0x3FF, v20;
	v25 =	vadd.f32 $1.000000000e+00, v6;
	v24 =	vshrl.u32 v12, $0x17;
	[tilespmem:s28+$0x610] =	vst v5  }
0x207: {  	v11 =	vadd.f32 v11, v62;
	v5 =	vmul.u32 $0x61A80, v18;
	v18 =	vcvt.s32.f32 v20;
	[tilespmem:s28+$0x410] =	vst v4  }
0x208: {  	s13 =	sadd.s32 $0x20, s30;
	s30 =	smov.u32 s11;
	vm0 =	vle.u32 v22, $0x24924924;
	v9 =	vmul.f32 v9, v63;
	v4 =	vcvt.s32.f32 v24  }
0x209: {  	s13 =	sand.u32 $0x60, s13;
	v6 =	vsub.s32 v16, v5;
	v5 =	vadd.f32 v13, v60;
	v13 =	vcvt.s32.f32 v23  }
0x20a: {  	v14 =	vcvt.s32.f32 v14;
	s13 =	sor.u32 s13, s31;
	s31 =	smov.u32 s12;
	v16 =	vadd.f32 $1.000000000e+00, v18;
	v18 =	vmul.u32 $0xB6DB6DB7, v53;
	[tilespmem:s28+$0x810] =	vst v9  }
0x20b: {  	v8 =	vmul.f32 v15, v8;
	v63 =	vadd.f32 $1.000000000e+00, v4;
	(erf) = vrcp.f32 v5;
	[tilespmem:s13+$0x0] =	vst v10  }
0x20c: {  	v4 =	vadd.f32 $1.000000000e+00, v13;
	vm1 =	vle.u32 v18, $0x24924924;
	v5 =	vshrl.u32 v12, $0x7  }
0x20d: {  	vm3 =	vle.u32 v19, $0x24924924;
	v7 =	vmul.f32 v8, v7;
	v9 =	vmulhi.u32 $0x14F8B59, v5  }
.Ltmp4:
0x20e: {  	vm2 =	vle.u32 v17, $0x24924924;
	v10 =	vshrl.u32 v50, $0x7;
	v5 =	vadd.f32 $1.000000000e+00, v14;
	(pc) =	sbr.rel @p1 .LBB2_10-.Ltmp4, $4  }
0x20f: {  	v14 =	vmul.f32 v8, v57;
	v57 =	vmovc v16;
	v9 =	vshrl.u32 v9, $0x4;
	(erf) = vrcp.f32 v11;
	[tilespmem:s28+$0x820] =	vst v7  }
0x210: {  	v8 =	vmul.f32 v8, v54;
	v54 =	vmovc v25;
	v9 =	vmul.u32 $0x61A80, v9;
	v7 =	vshrl.u32 v53, $0x7  }
0x211: {  	v13 =	vcvt.s32.f32 v21;
	v11 =	vadd.f32 v54, v57;
	v7 =	vmulhi.u32 $0x14F8B59, v7;
	[tilespmem:s28+$0x420] =	vst v14  }
0x212: {  	s11 =	sadd.s32 $0x40, s11;
	v10 =	vmulhi.u32 $0x14F8B59, v10;
	v9 =	vsub.s32 v12, v9;
	v12 =	vadd.f32 v5, v4;
	[tilespmem:s28+$0x620] =	vst v8  }
0x213: {  	_ = 	snop  }
0x214: {  	v8 =	vadd.f32 v12, v63;
	_ =	sdelay $0x1  }
0x215: {  	v12 =	vadd.f32 $1.000000000e+00, v13;
	(erf) = vrcp.f32 v8;
	_ =	sdelay $0x1  }
0x216: {  	v26 =	vadd.f32 v11, v12;
	_ =	sdelay $0x1  }
0x217: {  	(erf) = vrcp.f32 v26  }
0x218: {  	v48 =	vsel vm3, $0x0, v2;
	[tilespmem:s8+$0x0] =	vst v52;
	v32 =	vpop (erf)  }
0x219: {  	[tilespmem:s28+$0x430] =	vst v3;
	v8 =	vmul.f32 v32, v48  }
0x21a: {  	s0 =	sand.u32 $0x40, s30;
	[tilespmem:s28+$0x830] =	vst v58  }
0x21b: {  	[tilespmem:s28+$0x630] =	vst v55;
	s0 =	sor.u32 s0, s31;
	v3 =	vpop (erf);
	v11 =	vmul.f32 v8, v60  }
0x21c: {  	s11 =	sshra.s32 s1, $0x2;
	v13 =	vsel vm2, $0x0, v2;
	[tilespmem:s0+$0x0] =	vst v6;
	v14 =	vmul.f32 v8, v61;
	v24 =	vpop (erf)  }
0x21d: {  	s12 =	sadd.s32 $0x10, s30;
	v8 =	vmul.f32 v8, v51;
	[tilespmem:s11+$0x800] =	vst v11;
	v6 =	vmul.f32 v24, v13  }
0x21e: {  	s1 =	sand.u32 $0x50, s12;
	[tilespmem:s11+$0x600] =	vst v14  }
0x21f: {  	s1 =	sor.u32 s1, s31;
	[tilespmem:s11+$0x400] =	vst v8;
	v5 =	vmul.f32 v6, v5  }
0x220: {  	v25 =	vsel vm0, $0x0, v2;
	v10 =	vshrl.u32 v10, $0x4;
	[tilespmem:s1+$0x0] =	vst v9;
	v26 =	vpop (erf);
	v4 =	vmul.f32 v6, v4  }
0x221: {  	s13 =	sadd.s32 $0x20, s30;
	v10 =	vmul.u32 $0x61A80, v10;
	v32 =	vmul.f32 v6, v63;
	v48 =	vmul.f32 v26, v25;
	[tilespmem:s11+$0x610] =	vst v5  }
0x222: {  	v15 =	vld [tilespmem:$0x1FF70];
	s1 =	sand.u32 $0x60, s13;
	[tilespmem:s11+$0x410] =	vst v4  }
0x223: {  	v16 =	vld [tilespmem:$0x1FF80];
	v51 =	vsub.s32 v50, v10;
	s1 =	sor.u32 s1, s31;
	[tilespmem:s11+$0x810] =	vst v32;
	v52 =	vmul.f32 v48, v12  }
0x224: {  	v7 =	vshrl.u32 v7, $0x4;
	v17 =	vld [tilespmem:$0x1FF90];
	v55 =	vsel vm1, $0x0, v2;
	v57 =	vmul.f32 v48, v57;
	[tilespmem:s1+$0x0] =	vst v51  }
0x225: {  	v18 =	vld [tilespmem:$0x1FFA0];
	v7 =	vmul.u32 $0x61A80, v7;
	v3 =	vmul.f32 v3, v55;
	v58 =	vmul.f32 v48, v54;
	[tilespmem:s11+$0x820] =	vst v52  }
0x226: {  	v19 =	vld [tilespmem:$0x1FFB0];
	[tilespmem:s11+$0x420] =	vst v57  }
0x227: {  	v20 =	vld [tilespmem:$0x1FFC0];
	v60 =	vsub.s32 v53, v7;
	v61 =	vmul.f32 v3, v56;
	[tilespmem:s11+$0x620] =	vst v58  }
0x228: {  	v21 =	vld [tilespmem:$0x1FFD0];
	v63 =	vmul.f32 v3, v62;
	[tilespmem:s29+$0x0] =	vst v60  }
0x229: {  	v22 =	vld [tilespmem:$0x1FFE0];
	v3 =	vmul.f32 v3, v59;
	[tilespmem:s11+$0x430] =	vst v61  }
0x22a: {  	v23 =	vld [tilespmem:$0x1FFF0];
	[tilespmem:s11+$0x830] =	vst v63  }
0x22b: {  	s14 =	simm.s32 $0x0;
	v29 =	vld [tilespmem:$0x1FEC0];
	[tilespmem:s11+$0x630] =	vst v3  }
0x22c: {  	v14 =	vld [tilespmem:$0x1FF60];
	[tilespmem:s10], [sflag:$0x1] =	stream.indirect.gather [hbm4b:s5+s9], $0x30, s14, s9, $0xb8  }
0x22d: {  	s15 =	simm.s32 $0x2800;
	v56 =	vld [tilespmem:$0x1FEB0]  }
0x22e: {  	v59 =	vld [tilespmem:$0x1FEE0];
	[tilespmem:s15], [sflag:$0x1] =	stream.indirect.gather [hbm4b:s5+s9], $0x30, s9, s9, $0xb8  }
.Ltmp5:
0x22f: {  	v62 =	vld [tilespmem:$0x1FF10];
	(pc) =	sbr.rel @p0 .LBB2_13-.Ltmp5, $4  }
0x230: {  	s28 =	simm.s32 $0x100;
	v58 =	vld [tilespmem:$0x1FED0];
	s29 =	simm.s32 $0x4000  }
0x231: {  	v60 =	vld [tilespmem:$0x1FEF0];
	[tilespmem:s29], [sflag:$0x1] =	stream.indirect.gather [hbm4b:s5+s9], $0x30, s28, s9, $0xb8  }
0x232: {  	s30 =	simm.s32 $0x180;
	s31 =	simm.s32 $0x5800;
	v61 =	vld [tilespmem:$0x1FF00]  }
0x233: {  	v53 =	vmov v49;
	v63 =	vld [tilespmem:$0x1FF20];
	[tilespmem:s31], [sflag:$0x1] =	stream.indirect.gather [hbm4b:s5+s9], $0x30, s30, s9, $0xb8  }
.LBB2_12:
0x234: {  	_ =	swait.ge [sflag:s20], $0x2200  }
0x235: {  	[sflag:s20] =	ssyncset.done $0x0  }
0x236: {  	[sflag:s20] =	ssyncadd.s32 $0xFFFFDE00  }
.LBB2_13:
0x237: {  	_ =	swait.ge [sflag:s21], $0x1800  }
0x238: {  	[sflag:s21] =	ssyncset.done $0x0  }
0x239: {  	[sflag:s21] =	ssyncadd.s32 $0xFFFFE800  }
0x23a: {  	_ =	swait.ge [sflag:s21], $0x1800  }
0x23b: {  	[sflag:s21] =	ssyncset.done $0x0  }
0x23c: {  	[sflag:s21] =	ssyncadd.s32 $0xFFFFE800  }
0x23d: {  	_ =	swait.ge [sflag:s21], $0x1800  }
0x23e: {  	[sflag:s21] =	ssyncset.done $0x0  }
0x23f: {  	[sflag:s21] =	ssyncadd.s32 $0xFFFFE800  }
0x240: {  	_ =	swait.ge [sflag:s21], $0x1800  }
0x241: {  	v50 =	vld [tilespmem:$0x1FF30]  }
0x242: {  	v51 =	vld [tilespmem:$0x1FF40]  }
0x243: {  	v52 =	vld [tilespmem:$0x1FF50]  }
0x244: {  	v49 =	vld [tilespmem:$0x1FDD0]  }
0x245: {  	[sflag:s21] =	ssyncset.done $0x0;
	[tilespmem:$0x1FDA0] =	vst v34;
	v34 =	vld [tilespmem:$0x1FDC0]  }
0x246: {  	s0 =	simm.s32 $0x0;
	s1 =	simm.s32 $0xE00;
	v32 =	vmov v0;
	[tilespmem:$0x1FD90] =	vst v31;
	v48 =	vld [tilespmem:$0x1FDB0];
	[sflag:s21] =	ssyncadd.s32 $0xFFFFE800  }
.LBB2_14:
0x247: {  	v3 =	vmov s0  }
0x248: {  	v3 =	vmul.u32 $0x30, v3;
	_ =	sdelay $0x1  }
0x249: {  	v0 =	vld [tilespmem:$0x1FD90];
	v6 =	vbroadcast v3, $0x0  }
0x24a: {  	v31 =	vld [tilespmem:$0x1FE00]  }
0x24b: {  	v5 =	vld [tilespmem:s1+$0xFFFFFE00];
	v7 =	vadd.s32 v53, v6  }
0x24c: {  	v4 =	vld [tilespmem:s1+$0x0];
	v8 =	vadd.s32 v14, v6  }
0x24d: {  	v3 =	vld [tilespmem:s1+$0xFFFFFC00];
	v9 =	vadd.s32 v15, v6;
	v10 =	vadd.s32 v16, v6  }
0x24e: {  	v13 =	vadd.s32 v19, v6;
	v19 =	vadd.s32 v29, v6;
	v29 =	vadd.s32 v0, v6;
	v0 =	vld [tilespmem:$0x1FE20]  }
0x24f: {  	v11 =	vadd.s32 v17, v6;
	v54 =	vadd.s32 v31, v6;
	v31 =	vld [tilespmem:$0x1FDA0]  }
0x250: {  	v12 =	vadd.s32 v18, v6;
	v7 =	vld.idx.msk [tilespmem:v7+s17+$0x0], $0xffff  }
0x251: {  	v8 =	vld.idx.msk [tilespmem:v8+s17+$0x0], $0xffff  }
0x252: {  	v14 =	vadd.s32 v20, v6;
	v9 =	vld.idx.msk [tilespmem:v9+s17+$0x0], $0xffff  }
0x253: {  	v15 =	vadd.s32 v21, v6;
	v10 =	vld.idx.msk [tilespmem:v10+s17+$0x0], $0xffff  }
0x254: {  	v16 =	vadd.s32 v22, v6;
	v11 =	vld.idx.msk [tilespmem:v11+s17+$0x0], $0xffff  }
0x255: {  	v17 =	vadd.s32 v23, v6;
	v12 =	vld.idx.msk [tilespmem:v12+s17+$0x0], $0xffff  }
0x256: {  	v18 =	vadd.s32 v56, v6;
	v13 =	vld.idx.msk [tilespmem:v13+s17+$0x0], $0xffff  }
0x257: {  	v14 =	vld.idx.msk [tilespmem:v14+s17+$0x0], $0xffff  }
0x258: {  	v20 =	vadd.s32 v58, v6;
	v15 =	vld.idx.msk [tilespmem:v15+s17+$0x0], $0xffff  }
0x259: {  	v21 =	vadd.s32 v59, v6;
	v16 =	vld.idx.msk [tilespmem:v16+s17+$0x0], $0xffff  }
0x25a: {  	v22 =	vadd.s32 v60, v6;
	v17 =	vld.idx.msk [tilespmem:v17+s17+$0x0], $0xffff  }
0x25b: {  	v23 =	vadd.s32 v61, v6;
	v18 =	vld.idx.msk [tilespmem:v18+s17+$0x0], $0xffff  }
0x25c: {  	v24 =	vadd.s32 v62, v6;
	v19 =	vld.idx.msk [tilespmem:v19+s17+$0x0], $0xffff  }
0x25d: {  	v25 =	vadd.s32 v63, v6;
	v20 =	vld.idx.msk [tilespmem:v20+s17+$0x0], $0xffff  }
0x25e: {  	v26 =	vadd.s32 v50, v6;
	v21 =	vld.idx.msk [tilespmem:v21+s17+$0x0], $0xffff  }
0x25f: {  	v27 =	vadd.s32 v51, v6;
	v22 =	vld.idx.msk [tilespmem:v22+s17+$0x0], $0xffff  }
0x260: {  	v23 =	vld.idx.msk [tilespmem:v23+s17+$0x0], $0xffff  }
0x261: {  	v28 =	vadd.s32 v52, v6;
	v24 =	vld.idx.msk [tilespmem:v24+s17+$0x0], $0xffff  }
0x262: {  	v25 =	vld.idx.msk [tilespmem:v25+s17+$0x0], $0xffff  }
0x263: {  	v26 =	vld.idx.msk [tilespmem:v26+s17+$0x0], $0xffff  }
0x264: {  	v30 =	vadd.s32 v32, v6;
	v27 =	vld.idx.msk [tilespmem:v27+s17+$0x0], $0xffff  }
0x265: {  	v60 =	vadd.s32 v0, v6;
	v0 =	vld [tilespmem:$0x1FE10]  }
0x266: {  	v55 =	vadd.s32 v35, v6;
	v28 =	vld.idx.msk [tilespmem:v28+s17+$0x0], $0xffff  }
0x267: {  	v56 =	vadd.s32 v31, v6;
	v31 =	vld [tilespmem:$0x1FDF0]  }
0x268: {  	v29 =	vld.idx.msk [tilespmem:v29+s17+$0x0], $0xffff;
	v7 =	vmul.f32 v7, v3;
	v8 =	vmul.f32 v8, v5  }
0x269: {  	v63 =	vadd.s32 v33, v6;
	v30 =	vld.idx.msk [tilespmem:v30+s17+$0x0], $0xffff;
	v10 =	vmul.f32 v10, v3;
	v11 =	vmul.f32 v11, v5  }
0x26a: {  	v59 =	vadd.s32 v49, v6;
	v54 =	vld.idx.msk [tilespmem:v54+s17+$0x0], $0xffff;
	v13 =	vmul.f32 v13, v3;
	v14 =	vmul.f32 v14, v5  }
0x26b: {  	v55 =	vld.idx.msk [tilespmem:v55+s17+$0x0], $0xffff;
	v61 =	vadd.s32 v0, v6;
	v16 =	vmul.f32 v16, v3;
	v17 =	vmul.f32 v17, v5  }
0x26c: {  	v0 =	vld [tilespmem:$0x1FE40];
	v57 =	vadd.s32 v31, v6;
	v19 =	vmul.f32 v19, v3;
	v20 =	vmul.f32 v20, v5  }
0x26d: {  	v50 =	vld.idx.msk [tilespmem:v60+s17+$0x0], $0xffff;
	v60 =	vadd.s32 v37, v6;
	v22 =	vmul.f32 v22, v3;
	v23 =	vmul.f32 v23, v5  }
0x26e: {  	v7 =	vadd.f32 v8, v7;
	v8 =	vmul.f32 v9, v4;
	v9 =	vld.idx.msk [tilespmem:v56+s17+$0x0], $0xffff;
	v56 =	vadd.s32 v36, v6  }
0x26f: {  	v10 =	vadd.f32 v11, v10;
	v11 =	vmul.f32 v12, v4;
	v12 =	vld.idx.msk [tilespmem:v59+s17+$0x0], $0xffff;
	v59 =	vadd.s32 v38, v6  }
0x270: {  	v31 =	vld [tilespmem:$0x1FDE0];
	v13 =	vadd.f32 v14, v13;
	v14 =	vmul.f32 v15, v4;
	v16 =	vadd.f32 v17, v16  }
0x271: {  	v17 =	vmul.f32 v18, v4;
	v22 =	vadd.f32 v23, v22;
	v23 =	vmul.f32 v25, v3;
	v51 =	vld.idx.msk [tilespmem:v61+s17+$0x0], $0xffff  }
0x272: {  	v25 =	vmul.f32 v26, v5;
	v62 =	vadd.s32 v0, v6;
	v0 =	vmov v53;
	v53 =	vld.idx.msk [tilespmem:v63+s17+$0x0], $0xffff  }
0x273: {  	v10 =	vadd.f32 v11, v10;
	v11 =	vadd.f32 v14, v13;
	v14 =	vadd.s32 v46, v6;
	v57 =	vld.idx.msk [tilespmem:v57+s17+$0x0], $0xffff  }
0x274: {  	v16 =	vadd.f32 v17, v16;
	v17 =	vadd.f32 v20, v19;
	v20 =	vadd.s32 v47, v6;
	v60 =	vld.idx.msk [tilespmem:v60+s17+$0x0], $0xffff  }
0x275: {  	v23 =	vadd.f32 v25, v23;
	v25 =	vmul.f32 v50, v3;
	v50 =	vld [tilespmem:$0x1FF30]  }
0x276: {  	v58 =	vadd.s32 v31, v6;
	v56 =	vld.idx.msk [tilespmem:v56+s17+$0x0], $0xffff  }
0x277: {  	v61 =	vadd.s32 v34, v6;
	v59 =	vld.idx.msk [tilespmem:v59+s17+$0x0], $0xffff  }
0x278: {  	v63 =	vadd.s32 v41, v6;
	v14 =	vld.idx.msk [tilespmem:v14+s17+$0x0], $0xffff  }
0x279: {  	v20 =	vld.idx.msk [tilespmem:v20+s17+$0x0], $0xffff  }
0x27a: {  	v31 =	vadd.s32 v45, v6;
	v52 =	vld.idx.msk [tilespmem:v62+s17+$0x0], $0xffff  }
0x27b: {  	v7 =	vadd.f32 v8, v7;
	v8 =	vld.idx.msk [tilespmem:v58+s17+$0x0], $0xffff  }
0x27c: {  	v58 =	vadd.s32 v40, v6;
	v15 =	vld.idx.msk [tilespmem:v61+s17+$0x0], $0xffff  }
0x27d: {  	v24 =	vmul.f32 v24, v4;
	v62 =	vadd.s32 v39, v6;
	v19 =	vld.idx.msk [tilespmem:v63+s17+$0x0], $0xffff  }
0x27e: {  	v63 =	vld [tilespmem:$0x1FF20]  }
0x27f: {  	v21 =	vmul.f32 v21, v4;
	v22 =	vadd.f32 v24, v22;
	v26 =	vld.idx.msk [tilespmem:v31+s17+$0x0], $0xffff  }
0x280: {  	v24 =	vmul.f32 v29, v5;
	v61 =	vadd.s32 v48, v6;
	v29 =	vmul.f32 v51, v5;
	v51 =	vld [tilespmem:$0x1FF40]  }
0x281: {  	v17 =	vadd.f32 v21, v17;
	v21 =	vmul.f32 v27, v4;
	v18 =	vld.idx.msk [tilespmem:v58+s17+$0x0], $0xffff;
	v58 =	vadd.s32 v44, v6  }
0x282: {  	v13 =	vld.idx.msk [tilespmem:v62+s17+$0x0], $0xffff;
	v62 =	vadd.s32 v42, v6  }
0x283: {  	v21 =	vadd.f32 v21, v23;
	v23 =	vadd.f32 v29, v25;
	v29 =	vld [tilespmem:$0x1FEC0];
	v6 =	vadd.s32 v43, v6  }
0x284: {  	v25 =	vmul.f32 v56, v4;
	v56 =	vld [tilespmem:$0x1FEB0]  }
0x285: {  	v27 =	vmul.f32 v28, v3;
	v61 =	vld.idx.msk [tilespmem:v61+s17+$0x0], $0xffff  }
0x286: {  	v58 =	vld.idx.msk [tilespmem:v58+s17+$0x0], $0xffff  }
0x287: {  	s3 =	sand.u32 $0x1F0, s0;
	v28 =	vmul.f32 v30, v4;
	v24 =	vadd.f32 v24, v27;
	v30 =	vld.idx.msk [tilespmem:v62+s17+$0x0], $0xffff  }
0x288: {  	v27 =	vmul.f32 v53, v3;
	v31 =	vmul.f32 v54, v5;
	v6 =	vld.idx.msk [tilespmem:v6+s17+$0x0], $0xffff;
	[tilespmem:s3+$0xF200] =	vst v7  }
0x289: {  	v9 =	vmul.f32 v9, v3;
	v57 =	vmul.f32 v57, v5;
	v62 =	vld [tilespmem:$0x1FF10];
	[tilespmem:s3+$0xF400] =	vst v10  }
0x28a: {  	v55 =	vmul.f32 v55, v4;
	v54 =	vadd.f32 v31, v27;
	v7 =	vmul.f32 v52, v4;
	v52 =	vld [tilespmem:$0x1FF50];
	[tilespmem:s3+$0xF600] =	vst v11  }
0x28b: {  	v9 =	vadd.f32 v57, v9;
	v8 =	vmul.f32 v8, v4;
	[tilespmem:s3+$0xF800] =	vst v16;
	v16 =	vmul.f32 v60, v5;
	v60 =	vld [tilespmem:$0x1FEF0]  }
0x28c: {  	v12 =	vmul.f32 v12, v3;
	v24 =	vadd.f32 v28, v24;
	v15 =	vmul.f32 v15, v3;
	[tilespmem:s3+$0xFC00] =	vst v22;
	v22 =	vld [tilespmem:$0x1FFE0]  }
0x28d: {  	v8 =	vadd.f32 v8, v9;
	v10 =	vadd.f32 v55, v54;
	[tilespmem:s3+$0xFE00] =	vst v21;
	v21 =	vld [tilespmem:$0x1FFD0];
	v55 =	vmul.f32 v59, v4  }
0x28e: {  	[tilespmem:s3+$0xFA00] =	vst v17;
	v59 =	vld [tilespmem:$0x1FEE0];
	v13 =	vmul.f32 v13, v3;
	v12 =	vadd.f32 v16, v12;
	v16 =	vmul.f32 v18, v5  }
0x28f: {  	[tilespmem:s3+$0x10000] =	vst v24;
	v17 =	vmul.f32 v61, v4;
	v61 =	vld [tilespmem:$0x1FF00];
	v54 =	vmul.f32 v20, v3;
	v7 =	vadd.f32 v7, v23  }
0x290: {  	v20 =	vld [tilespmem:$0x1FFC0];
	[tilespmem:s3+$0x10600] =	vst v8;
	v11 =	vadd.f32 v25, v12;
	v12 =	vmul.f32 v19, v5;
	v15 =	vadd.f32 v16, v15  }
0x291: {  	v23 =	vld [tilespmem:$0x1FFF0];
	[tilespmem:s3+$0x10400] =	vst v10;
	v16 =	vmul.f32 v26, v5;
	v25 =	vmul.f32 v58, v3;
	v3 =	vadd.f32 v5, v3  }
0x292: {  	v18 =	vld [tilespmem:$0x1FFA0];
	[tilespmem:s3+$0x10200] =	vst v7;
	v12 =	vadd.f32 v12, v13;
	v13 =	vmul.f32 v30, v5;
	v9 =	vadd.f32 v55, v15  }
0x293: {  	p0 =	sne.s32 s0, $0x1F0;
	v19 =	vld [tilespmem:$0x1FFB0];
	v55 =	vmul.f32 v14, v4;
	[tilespmem:s3+$0x10800] =	vst v11;
	v7 =	vadd.f32 v16, v25;
	v3 =	vadd.f32 v4, v3  }
.Ltmp6:
0x294: {  	v58 =	vld [tilespmem:$0x1FED0];
	v6 =	vmul.f32 v6, v4;
	v12 =	vadd.f32 v17, v12;
	v10 =	vadd.f32 v13, v54;
	[tilespmem:s3+$0x10A00] =	vst v9;
	(pc) =	sbr.rel @p0 .LBB2_14-.Ltmp6, $4  }
0x295: {  	v15 =	vld [tilespmem:$0x1FF70];
	v7 =	vadd.f32 v55, v7;
	[tilespmem:s3+$0x11200] =	vst v3  }
0x296: {  	v14 =	vld [tilespmem:$0x1FF60];
	v57 =	vadd.f32 v6, v10;
	[tilespmem:s3+$0x10C00] =	vst v12  }
0x297: {  	v16 =	vld [tilespmem:$0x1FF80];
	[tilespmem:s3+$0x10E00] =	vst v7  }
0x298: {  	s0 =	sadd.s32 $0x10, s0;
	s1 =	sadd.s32 $0x10, s1;
	v53 =	vmov v0;
	v17 =	vld [tilespmem:$0x1FF90];
	[tilespmem:s3+$0x11000] =	vst v57  }
0x299: {  	s0 =	sshll.u32 s23, $0x7;
	s1 =	sshll.u32 s26, $0x9  }
0x29a: {  	s0 =	sand.u32 $0x380, s0;
	s1 =	sand.u32 $0x3F000, s1  }
0x29b: {  	s0 =	sor.u32 s1, s0  }
0x29c: {  	s0 =	sor.u32 s7, s0  }
0x29d: {  	s0 =	sshrl.u32 s0, $0x3  }
0x29e: {  	s23 =	simm.s32 $0xF200;
	s0 =	sadd.s32 s2, s0  }
0x29f: {  	[hbm4b:s0+s9] =	stream.strided.scatter [tilespmem:s23], [sflag:$0x4], $0x200, s25, s9, $0x38;
	[tilespmem:$0x11400] =	vst v63  }
0x2a0: {  	s3 =	simm.s32 $0xF400;
	s26 =	sadd.s32 $0x8000, s0  }
0x2a1: {  	[hbm4b:s26+s9] =	stream.strided.scatter [tilespmem:s3], [sflag:$0x4], $0x200, s25, s9, $0x38;
	[tilespmem:$0x11400] =	vst v63  }
0x2a2: {  	s29 =	simm.s32 $0xF600;
	s28 =	sadd.s32 $0x10000, s0  }
0x2a3: {  	[hbm4b:s28+s9] =	stream.strided.scatter [tilespmem:s29], [sflag:$0x4], $0x200, s25, s9, $0x38;
	[tilespmem:$0x11400] =	vst v63  }
0x2a4: {  	s31 =	simm.s32 $0xF800;
	s30 =	sadd.s32 $0x18000, s0  }
0x2a5: {  	[hbm4b:s30+s9] =	stream.strided.scatter [tilespmem:s31], [sflag:$0x4], $0x200, s25, s9, $0x38;
	[tilespmem:$0x11400] =	vst v63  }
0x2a6: {  	s11 =	simm.s32 $0xFA00;
	s8 =	sadd.s32 $0x20000, s0  }
0x2a7: {  	[hbm4b:s8+s9] =	stream.strided.scatter [tilespmem:s11], [sflag:$0x4], $0x200, s25, s9, $0x38;
	[tilespmem:$0x11400] =	vst v63  }
0x2a8: {  	s13 =	simm.s32 $0xFC00;
	s12 =	sadd.s32 $0x28000, s0  }
0x2a9: {  	[hbm4b:s12+s9] =	stream.strided.scatter [tilespmem:s13], [sflag:$0x4], $0x200, s25, s9, $0x38;
	[tilespmem:$0x11400] =	vst v63  }
0x2aa: {  	s15 =	simm.s32 $0xFE00;
	s14 =	sadd.s32 $0x30000, s0  }
0x2ab: {  	[hbm4b:s14+s9] =	stream.strided.scatter [tilespmem:s15], [sflag:$0x4], $0x200, s25, s9, $0x38;
	[tilespmem:$0x11400] =	vst v63  }
0x2ac: {  	s23 =	sadd.s32 $0x38000, s0;
	s26 =	simm.s32 $0x10000  }
0x2ad: {  	[hbm4b:s23+s9] =	stream.strided.scatter [tilespmem:s26], [sflag:$0x4], $0x200, s25, s9, $0x38;
	[tilespmem:$0x11400] =	vst v63  }
0x2ae: {  	s28 =	sadd.s32 $0x40000, s0;
	s29 =	simm.s32 $0x10200  }
0x2af: {  	[hbm4b:s28+s9] =	stream.strided.scatter [tilespmem:s29], [sflag:$0x4], $0x200, s25, s9, $0x38;
	[tilespmem:$0x11400] =	vst v63  }
0x2b0: {  	s30 =	sadd.s32 $0x48000, s0;
	s31 =	simm.s32 $0x10400  }
0x2b1: {  	[hbm4b:s30+s9] =	stream.strided.scatter [tilespmem:s31], [sflag:$0x4], $0x200, s25, s9, $0x38;
	[tilespmem:$0x11400] =	vst v63  }
0x2b2: {  	s8 =	sadd.s32 $0x50000, s0;
	s11 =	simm.s32 $0x10600  }
0x2b3: {  	[hbm4b:s8+s9] =	stream.strided.scatter [tilespmem:s11], [sflag:$0x4], $0x200, s25, s9, $0x38;
	[tilespmem:$0x11400] =	vst v63  }
0x2b4: {  	s12 =	sadd.s32 $0x58000, s0;
	s13 =	simm.s32 $0x10800  }
0x2b5: {  	[hbm4b:s12+s9] =	stream.strided.scatter [tilespmem:s13], [sflag:$0x4], $0x200, s25, s9, $0x38;
	[tilespmem:$0x11400] =	vst v63  }
0x2b6: {  	s14 =	sadd.s32 $0x60000, s0;
	s15 =	simm.s32 $0x10A00  }
0x2b7: {  	[hbm4b:s14+s9] =	stream.strided.scatter [tilespmem:s15], [sflag:$0x4], $0x200, s25, s9, $0x38;
	[tilespmem:$0x11400] =	vst v63  }
0x2b8: {  	s22 =	sadd.s32 $0x1, s22;
	s23 =	sadd.s32 $0x68000, s0;
	s26 =	simm.s32 $0x10C00  }
0x2b9: {  	[hbm4b:s23+s9] =	stream.strided.scatter [tilespmem:s26], [sflag:$0x4], $0x200, s25, s9, $0x38;
	[tilespmem:$0x11400] =	vst v63  }
0x2ba: {  	p0 =	sne.s32 s22, $0x20;
	s28 =	sadd.s32 $0x70000, s0;
	s29 =	simm.s32 $0x10E00  }
0x2bb: {  	[hbm4b:s28+s9] =	stream.strided.scatter [tilespmem:s29], [sflag:$0x4], $0x200, s25, s9, $0x38;
	[tilespmem:$0x11400] =	vst v63  }
.Ltmp7:
0x2bc: {  	_ = 	snop;
	(pc) =	sbr.rel @p0 .LBB2_4-.Ltmp7, $4  }
0x2bd: {  	s30 =	sadd.s32 $0x78000, s0;
	s31 =	simm.s32 $0x11000  }
0x2be: {  	[hbm4b:s30+s9] =	stream.strided.scatter [tilespmem:s31], [sflag:$0x4], $0x200, s25, s9, $0x38;
	[tilespmem:$0x11400] =	vst v63  }
0x2bf: {  	s4 =	sadd.s32 $0x400, s4;
	s0 =	sadd.s32 $0x80000, s0  }
0x2c0: {  	v57 =	vmov v29;
	[hbm4b:s0+s9] =	stream.strided.scatter [tilespmem:s16], [sflag:$0x4], $0x200, s25, s9, $0x38;
	[tilespmem:$0x11400] =	vst v63  }
0x2c1: {  	s0 =	simm.s32 $0x3  }
0x2c2: {  	_ =	swait.ge [sflag:s0], $0x2200  }
0x2c3: {  	[sflag:s0] =	ssyncset.done $0x0  }
0x2c4: {  	[sflag:s0] =	ssyncadd.s32 $0xFFFFDE00  }
0x2c5: {  	_ =	swait.ge [sflag:s20], $0x2200  }
0x2c6: {  	s1 =	rddreg [dreg:$0x4]  }
0x2c7: {  	s31 =	rddreg [dreg:$0x3];
	s1 =	sadd.s32 $0x1, s1  }
0x2c8: {  	p0 =	sne.s32 s1, s31  }
.Ltmp8:
0x2c9: {  	_ = 	snop;
	(pc) =	sbr.rel @p0 .LBB2_1-.Ltmp8, $3  }
0x2ca: {  	_ =	sdelay $0x1  }
0x2cb: {  	[sflag:s20] =	ssyncset.done $0x0  }
0x2cc: {  	[sflag:s20] =	ssyncadd.s32 $0xFFFFDE00  }
0x2cd: {  	_ =	sfence.sel $0x180000  }
0x2ce: {  	[bflag:$0x0] =	sbarrier.arrive $0xFFFF  }
0x2cf: {  	_ =	strace $0x90000047  }
0x2d0: {  	s0 =	stileid.u32;
	[bflag:$0x2] =	sbarrier.arrive $0xFFFF  }
0x2d1: {  	p0 =	sne.s32 s0, $0x0;
	s0 =	rddreg [dreg:$0x2]  }
0x2d2: {  	s0 =	sadd.s32 @!p0 $0x100000, s0  }
0x2d3: {  	[sflag:s0] =	ssyncadd.tile.s32 @!p0 $0x1;
	_ =	shalt  }
.Lfunc_end2:
_tile_overlayer_lowered:
.L_overlay_start_2:
0x2d4: {  	(tag) =	ssettag $0x2  }
0x2d5: {  	s0 =	rddreg [dreg:$0x0];
	s2 =	stileid.u32  }
0x2d6: {  	s1 =	rddreg [dreg:$0x1];
	p0 =	sne.s32 s2, $0x0  }
0x2d7: {  	s3 =	rddreg [dreg:$0x2];
	[bflag:$0x3] =	sbarrier.arrive $0xFFFF;
	s2 =	simm.s32 @!p0 $0x1C05  }
0x2d8: {  	[timem:s3], [sflag:s2] =	dma.local @!p0 [hbm:s0], s1  }
0x2d9: {  	s0 =	simm.s32 @!p0 $0x5  }
0x2da: {  	_ =	swait.ge @!p0 [sflag:s0], s1  }
0x2db: {  	s1 =	ssub.s32 @!p0 $0x0, s1;
	[sflag:s0] =	ssyncset.done @!p0 $0x0  }
0x2dc: {  	[sflag:s0] =	ssyncadd.s32 @!p0 s1  }
0x2dd: {  	[bflag:$0x3] =	sbarrier.arrive $0xFFFF  }
0x2de: {  	_ =	shalt  }

</sc_bundles>
